<compile_context>
chip_gen: v7x
topology: tpu7x:2x2x1
jax: 0.10.2.dev20260603
libtpu: 0.0.44.dev20260713+nightly
codegen_flags: <defaults>
</compile_context>

<pallas_src>
import functools

import jax
import jax.numpy as jnp
import numpy as np
from jax import lax
from jax.experimental import pallas as pl
from jax.experimental.pallas import tpu as pltpu
from jax.experimental.pallas import tpu_sc as plsc

_MIN_COEF = 0.6
_B, _D = 16384, 2048
_NC, _NS, _L = 2, 16, 16
_NW = _NC * _NS
_ROWS_PER_W = _B // _NW
_CHUNK = 4
_N = _ROWS_PER_W // _CHUNK
_DEPTH = 4
_LOOK = 3


def _build(alpha: float, beta: float):
    mesh = plsc.VectorSubcoreMesh(core_axis_name="c", subcore_axis_name="s")

    @functools.partial(
        pl.kernel,
        mesh=mesh,
        out_type=jax.ShapeDtypeStruct((_B, _D), jnp.float32),
        scratch_types=[
            pltpu.VMEM((_N, _CHUNK), jnp.int32),
            pltpu.VMEM((_DEPTH, _CHUNK, _D), jnp.float32),
            pltpu.VMEM((_DEPTH, _CHUNK, _D), jnp.float32),
            pltpu.VMEM((_DEPTH, _CHUNK, _D), jnp.float32),
            pltpu.SemaphoreType.DMA,
            pltpu.SemaphoreType.DMA,
            pltpu.SemaphoreType.DMA,
        ],
    )
    def mix(x_hbm, perm_hbm, out_hbm, idx_v, seq_v, gat_v, o_v,
            gsem, ssem, osem):
        wid = lax.axis_index("s") * _NC + lax.axis_index("c")
        base = wid * _ROWS_PER_W
        pltpu.sync_copy(perm_hbm.at[pl.ds(wid * _N, _N)], idx_v)

        def start_in(k, s):
            pltpu.async_copy(
                x_hbm.at[idx_v.at[k]],
                gat_v.at[s], gsem)
            pltpu.async_copy(
                x_hbm.at[pl.ds(base + k * _CHUNK, _CHUNK)],
                seq_v.at[s], ssem)

        def wait_in(k, s):
            pltpu.make_async_copy(
                x_hbm.at[idx_v.at[k]],
                gat_v.at[s], gsem).wait()
            pltpu.make_async_copy(
                x_hbm.at[pl.ds(base + k * _CHUNK, _CHUNK)],
                seq_v.at[s], ssem).wait()

        def start_out(k, s):
            pltpu.async_copy(
                o_v.at[s], out_hbm.at[pl.ds(base + k * _CHUNK, _CHUNK)],
                osem)

        def wait_out(k, s):
            pltpu.make_async_copy(
                o_v.at[s], out_hbm.at[pl.ds(base + k * _CHUNK, _CHUNK)],
                osem).wait()

        def blend(s):
            def vec_body(j, _):
                col = j * _L
                for r in range(_CHUNK):
                    sq = seq_v[s, r, pl.ds(col, _L)]
                    g = gat_v[s, r, pl.ds(col, _L)]
                    o_v[s, r, pl.ds(col, _L)] = alpha * sq + beta * g
                return 0
            lax.fori_loop(0, _D // _L, vec_body, 0)

        def step(j, s, do_prefetch, do_waitout):
            if do_prefetch:
                start_in(j + _LOOK, (s + _LOOK) % _DEPTH)
            wait_in(j, s)
            if do_waitout:
                wait_out(j - _DEPTH, s)
            blend(s)
            start_out(j, s)

        for k in range(_LOOK):
            start_in(k, k)

        for j in range(_DEPTH):
            step(j, j, True, False)

        def body(m, _):
            j0 = _DEPTH * m
            for u in range(_DEPTH):
                step(j0 + u, u, True, True)
            return 0

        lax.fori_loop(1, (_N - _DEPTH) // _DEPTH, body, 0)

        step(_N - _DEPTH, 0, True, True)
        for j in range(_N - _DEPTH + 1, _N):
            step(j, j % _DEPTH, False, True)
        for j in range(_N - _DEPTH, _N):
            wait_out(j, j % _DEPTH)

    return mix


def _draws():
    try:
        dev = jax.devices("cpu")[0]
    except RuntimeError:
        dev = None
    import contextlib
    ctx = jax.default_device(dev) if dev is not None else contextlib.nullcontext()
    with ctx:
        ka, kp = jax.random.split(jax.random.key(42))
        alpha = jax.random.uniform(ka, (), dtype=jnp.float32,
                                   minval=_MIN_COEF, maxval=1.0)
        a = float(alpha)
        b = float(jnp.float32(1.0) - alpha)
        perm = np.asarray(jax.random.permutation(kp, _B)).astype(np.int32)
    return a, b, perm


_A, _BETA, _PERM = _draws()


def kernel(x):
    perm = jnp.asarray(_PERM.reshape(_B // _CHUNK, _CHUNK))
    return _build(_A, _BETA)(x, perm)

# --- scband reference (transcript-rebuilt; emitter-appended) ---
"""Pipeline reference for scband-mix-random-13941463843431 (READ-ONLY COPY).

The authoritative reference and input builder live on the scoring server;
editing this copy changes nothing except your own understanding.
"""

import jax, jax.numpy as jnp
import numpy as np

MIN_COEF = 0.6

def setup_inputs(seed: int = 0) -> dict:
    key = jax.random.key(seed)
    x = jax.random.normal(key, (16384, 2048), dtype=jnp.float32)
    return {"x": x}

def reference(x):
    # mix_random: alpha * x + (1-alpha) * x[randperm(B)]
    # Randomness made deterministic via fixed jax PRNG key (faithful math,
    # deterministic draw of alpha in [min_coef, 1) and a random permutation).
    k = jax.random.key(42)
    ka, kp = jax.random.split(k)
    alpha = jax.random.uniform(ka, (), dtype=jnp.float32, minval=MIN_COEF, maxval=1.0)
    perm = jax.random.permutation(kp, x.shape[0])
    x_perm = jnp.take(x, perm, axis=0)
    return alpha * x + (1.0 - alpha) * x_perm

if __name__ == "__main__":
    import jax
    _d = setup_inputs()
    print(jax.jit(kernel)(*tuple(_d.values())))

</pallas_src>

<mosaic_0001>
#map = affine_map<(d0, d1) -> (0, 0)>
module attributes {stable_mosaic.version = 14 : i64} {
  func.func @mix(%arg0: i32, %arg1: i32, %arg2: memref<16384x2048xf32, #tpu.memory_space<hbm>>, %arg3: memref<4096x4xi32, #tpu.memory_space<hbm>>, %arg4: memref<16384x2048xf32, #tpu.memory_space<hbm>>, %arg5: memref<128x4xi32, #tpu.memory_space<vmem>>, %arg6: memref<4x4x2048xf32, #tpu.memory_space<vmem>>, %arg7: memref<4x4x2048xf32, #tpu.memory_space<vmem>>, %arg8: memref<4x4x2048xf32, #tpu.memory_space<vmem>>, %arg9: memref<!tpu.dma_semaphore, #tpu.memory_space<semaphore_mem>>, %arg10: memref<!tpu.dma_semaphore, #tpu.memory_space<semaphore_mem>>, %arg11: memref<!tpu.dma_semaphore, #tpu.memory_space<semaphore_mem>>) attributes {dimension_semantics = [#tpu.dimension_semantics<core_parallel>, #tpu.dimension_semantics<subcore_parallel>], iteration_bounds = array<i64: 2, 16>, scalar_prefetch = 0 : i64, scratch_operands = 7 : i64, tpu.core_type = #tpu.core_type<sc_vector_subcore>, window_params = [{transform_indices = #map}, {transform_indices = #map}, {transform_indices = #map}]} {
    %mul3A = arith.constant 2 : i32
    %mul3A_0 = arith.muli %arg1, %mul3A : i32
    %add3A = arith.addi %mul3A_0, %arg0 : i32
    %mul3A_1 = arith.constant 512 : i32
    %mul3A_2 = arith.muli %add3A, %mul3A_1 : i32
    %mul3A_3 = arith.constant 128 : i32
    %mul3A_4 = arith.muli %add3A, %mul3A_3 : i32
    "tpu.region"() ({
      %run_scoped3A = tpu.sem_alloc : memref<!tpu.dma_semaphore, #tpu.memory_space<semaphore_mem>>
      %dma_start3A_737 = arith.constant 0 : i32
      %dma_start3A_738 = tpu.memref_slice %arg3[%mul3A_4, %dma_start3A_737] : memref<4096x4xi32, #tpu.memory_space<hbm>> -> memref<128x4xi32, #tpu.memory_space<hbm>>
      %dma_start3A_739 = arith.constant 0 : i32
      %dma_start3A_740 = tpu.memref_slice %arg3[%mul3A_4, %dma_start3A_739] : memref<4096x4xi32, #tpu.memory_space<hbm>> -> memref<128x4xi32, #tpu.memory_space<hbm>>
      tpu.enqueue_dma source(%dma_start3A_740 : memref<128x4xi32, #tpu.memory_space<hbm>>) target(%arg5 : memref<128x4xi32, #tpu.memory_space<vmem>>) target_semaphore(%run_scoped3A : memref<!tpu.dma_semaphore, #tpu.memory_space<semaphore_mem>>)
      %dma_wait3A_741 = arith.constant 0 : i32
      %dma_wait3A_742 = tpu.memref_slice %arg3[%mul3A_4, %dma_wait3A_741] : memref<4096x4xi32, #tpu.memory_space<hbm>> -> memref<128x4xi32, #tpu.memory_space<hbm>>
      %dma_wait3A_743 = arith.constant 0 : i32
      %dma_wait3A_744 = tpu.memref_slice %arg3[%mul3A_4, %dma_wait3A_743] : memref<4096x4xi32, #tpu.memory_space<hbm>> -> memref<128x4xi32, #tpu.memory_space<hbm>>
      tpu.wait_dma2 semaphore(%run_scoped3A : memref<!tpu.dma_semaphore, #tpu.memory_space<semaphore_mem>>) src(%dma_wait3A_744 : memref<128x4xi32, #tpu.memory_space<hbm>>) dst(%arg5 : memref<128x4xi32, #tpu.memory_space<vmem>>)
      tpu.yield
    }) : () -> ()
    %dma_start3A = arith.constant 0 : i32
    %dma_start3A_5 = arith.constant 0 : i32
    %dma_start3A_6 = arith.constant 0 : i32
    %dma_start3A_7 = arith.constant 0 : i32
    %dma_start3A_8 = tpu.memref_slice %arg7[%dma_start3A_5, %dma_start3A_6, %dma_start3A_7] : memref<4x4x2048xf32, #tpu.memory_space<vmem>> -> memref<1x4x2048xf32, #tpu.memory_space<vmem>>
    %dma_start3A_9 = tpu.memref_squeeze %dma_start3A_8 : memref<1x4x2048xf32, #tpu.memory_space<vmem>> -> memref<4x2048xf32, #tpu.memory_space<vmem>>
    %dma_start3A_10 = arith.constant 0 : i32
    %dma_start3A_11 = tpu.memref_slice %arg5[%dma_start3A, %dma_start3A_10] : memref<128x4xi32, #tpu.memory_space<vmem>> -> memref<1x4xi32, #tpu.memory_space<vmem>>
    %dma_start3A_12 = tpu.memref_squeeze %dma_start3A_11 : memref<1x4xi32, #tpu.memory_space<vmem>> -> memref<4xi32, #tpu.memory_space<vmem>>
    %dma_start3A_13 = arith.constant 0 : i32
    %dma_start3A_14 = arith.constant 0 : i32
    %dma_start3A_15 = tpu.memref_slice %arg2[%dma_start3A_13, %dma_start3A_14] : memref<16384x2048xf32, #tpu.memory_space<hbm>> -> memref<16384x2048xf32, #tpu.memory_space<hbm>>
    tpu.enqueue_indirect_dma source(%dma_start3A_15 : memref<16384x2048xf32, #tpu.memory_space<hbm>>) target(%dma_start3A_9 : memref<4x2048xf32, #tpu.memory_space<vmem>>) offsets(%dma_start3A_12 : memref<4xi32, #tpu.memory_space<vmem>>) semaphore(%arg9 : memref<!tpu.dma_semaphore, #tpu.memory_space<semaphore_mem>>)
    %add3A_16 = arith.constant 0 : i32
    %add3A_17 = arith.addi %mul3A_2, %add3A_16 : i32
    %dma_start3A_18 = arith.constant 0 : i32
    %dma_start3A_19 = arith.constant 0 : i32
    %dma_start3A_20 = arith.constant 0 : i32
    %dma_start3A_21 = tpu.memref_slice %arg6[%dma_start3A_18, %dma_start3A_19, %dma_start3A_20] : memref<4x4x2048xf32, #tpu.memory_space<vmem>> -> memref<1x4x2048xf32, #tpu.memory_space<vmem>>
    %dma_start3A_22 = tpu.memref_squeeze %dma_start3A_21 : memref<1x4x2048xf32, #tpu.memory_space<vmem>> -> memref<4x2048xf32, #tpu.memory_space<vmem>>
    %dma_start3A_23 = arith.constant 0 : i32
    %dma_start3A_24 = tpu.memref_slice %arg2[%add3A_17, %dma_start3A_23] : memref<16384x2048xf32, #tpu.memory_space<hbm>> -> memref<4x2048xf32, #tpu.memory_space<hbm>>
    %dma_start3A_25 = arith.constant 0 : i32
    %dma_start3A_26 = arith.constant 0 : i32
    %dma_start3A_27 = tpu.memref_slice %arg6[%dma_start3A_18, %dma_start3A_25, %dma_start3A_26] : memref<4x4x2048xf32, #tpu.memory_space<vmem>> -> memref<1x4x2048xf32, #tpu.memory_space<vmem>>
    %dma_start3A_28 = tpu.memref_squeeze %dma_start3A_27 : memref<1x4x2048xf32, #tpu.memory_space<vmem>> -> memref<4x2048xf32, #tpu.memory_space<vmem>>
    %dma_start3A_29 = arith.constant 0 : i32
    %dma_start3A_30 = tpu.memref_slice %arg2[%add3A_17, %dma_start3A_29] : memref<16384x2048xf32, #tpu.memory_space<hbm>> -> memref<4x2048xf32, #tpu.memory_space<hbm>>
    tpu.enqueue_dma source(%dma_start3A_30 : memref<4x2048xf32, #tpu.memory_space<hbm>>) target(%dma_start3A_28 : memref<4x2048xf32, #tpu.memory_space<vmem>>) target_semaphore(%arg10 : memref<!tpu.dma_semaphore, #tpu.memory_space<semaphore_mem>>)
    %dma_start3A_31 = arith.constant 1 : i32
    %dma_start3A_32 = arith.constant 1 : i32
    %dma_start3A_33 = arith.constant 0 : i32
    %dma_start3A_34 = arith.constant 0 : i32
    %dma_start3A_35 = tpu.memref_slice %arg7[%dma_start3A_32, %dma_start3A_33, %dma_start3A_34] : memref<4x4x2048xf32, #tpu.memory_space<vmem>> -> memref<1x4x2048xf32, #tpu.memory_space<vmem>>
    %dma_start3A_36 = tpu.memref_squeeze %dma_start3A_35 : memref<1x4x2048xf32, #tpu.memory_space<vmem>> -> memref<4x2048xf32, #tpu.memory_space<vmem>>
    %dma_start3A_37 = arith.constant 0 : i32
    %dma_start3A_38 = tpu.memref_slice %arg5[%dma_start3A_31, %dma_start3A_37] : memref<128x4xi32, #tpu.memory_space<vmem>> -> memref<1x4xi32, #tpu.memory_space<vmem>>
    %dma_start3A_39 = tpu.memref_squeeze %dma_start3A_38 : memref<1x4xi32, #tpu.memory_space<vmem>> -> memref<4xi32, #tpu.memory_space<vmem>>
    %dma_start3A_40 = arith.constant 0 : i32
    %dma_start3A_41 = arith.constant 0 : i32
    %dma_start3A_42 = tpu.memref_slice %arg2[%dma_start3A_40, %dma_start3A_41] : memref<16384x2048xf32, #tpu.memory_space<hbm>> -> memref<16384x2048xf32, #tpu.memory_space<hbm>>
    tpu.enqueue_indirect_dma source(%dma_start3A_42 : memref<16384x2048xf32, #tpu.memory_space<hbm>>) target(%dma_start3A_36 : memref<4x2048xf32, #tpu.memory_space<vmem>>) offsets(%dma_start3A_39 : memref<4xi32, #tpu.memory_space<vmem>>) semaphore(%arg9 : memref<!tpu.dma_semaphore, #tpu.memory_space<semaphore_mem>>)
    %add3A_43 = arith.constant 4 : i32
    %add3A_44 = arith.addi %mul3A_2, %add3A_43 : i32
    %dma_start3A_45 = arith.constant 1 : i32
    %dma_start3A_46 = arith.constant 0 : i32
    %dma_start3A_47 = arith.constant 0 : i32
    %dma_start3A_48 = tpu.memref_slice %arg6[%dma_start3A_45, %dma_start3A_46, %dma_start3A_47] : memref<4x4x2048xf32, #tpu.memory_space<vmem>> -> memref<1x4x2048xf32, #tpu.memory_space<vmem>>
    %dma_start3A_49 = tpu.memref_squeeze %dma_start3A_48 : memref<1x4x2048xf32, #tpu.memory_space<vmem>> -> memref<4x2048xf32, #tpu.memory_space<vmem>>
    %dma_start3A_50 = arith.constant 0 : i32
    %dma_start3A_51 = tpu.memref_slice %arg2[%add3A_44, %dma_start3A_50] : memref<16384x2048xf32, #tpu.memory_space<hbm>> -> memref<4x2048xf32, #tpu.memory_space<hbm>>
    %dma_start3A_52 = arith.constant 0 : i32
    %dma_start3A_53 = arith.constant 0 : i32
    %dma_start3A_54 = tpu.memref_slice %arg6[%dma_start3A_45, %dma_start3A_52, %dma_start3A_53] : memref<4x4x2048xf32, #tpu.memory_space<vmem>> -> memref<1x4x2048xf32, #tpu.memory_space<vmem>>
    %dma_start3A_55 = tpu.memref_squeeze %dma_start3A_54 : memref<1x4x2048xf32, #tpu.memory_space<vmem>> -> memref<4x2048xf32, #tpu.memory_space<vmem>>
    %dma_start3A_56 = arith.constant 0 : i32
    %dma_start3A_57 = tpu.memref_slice %arg2[%add3A_44, %dma_start3A_56] : memref<16384x2048xf32, #tpu.memory_space<hbm>> -> memref<4x2048xf32, #tpu.memory_space<hbm>>
    tpu.enqueue_dma source(%dma_start3A_57 : memref<4x2048xf32, #tpu.memory_space<hbm>>) target(%dma_start3A_55 : memref<4x2048xf32, #tpu.memory_space<vmem>>) target_semaphore(%arg10 : memref<!tpu.dma_semaphore, #tpu.memory_space<semaphore_mem>>)
    %dma_start3A_58 = arith.constant 2 : i32
    %dma_start3A_59 = arith.constant 2 : i32
    %dma_start3A_60 = arith.constant 0 : i32
    %dma_start3A_61 = arith.constant 0 : i32
    %dma_start3A_62 = tpu.memref_slice %arg7[%dma_start3A_59, %dma_start3A_60, %dma_start3A_61] : memref<4x4x2048xf32, #tpu.memory_space<vmem>> -> memref<1x4x2048xf32, #tpu.memory_space<vmem>>
    %dma_start3A_63 = tpu.memref_squeeze %dma_start3A_62 : memref<1x4x2048xf32, #tpu.memory_space<vmem>> -> memref<4x2048xf32, #tpu.memory_space<vmem>>
    %dma_start3A_64 = arith.constant 0 : i32
    %dma_start3A_65 = tpu.memref_slice %arg5[%dma_start3A_58, %dma_start3A_64] : memref<128x4xi32, #tpu.memory_space<vmem>> -> memref<1x4xi32, #tpu.memory_space<vmem>>
    %dma_start3A_66 = tpu.memref_squeeze %dma_start3A_65 : memref<1x4xi32, #tpu.memory_space<vmem>> -> memref<4xi32, #tpu.memory_space<vmem>>
    %dma_start3A_67 = arith.constant 0 : i32
    %dma_start3A_68 = arith.constant 0 : i32
    %dma_start3A_69 = tpu.memref_slice %arg2[%dma_start3A_67, %dma_start3A_68] : memref<16384x2048xf32, #tpu.memory_space<hbm>> -> memref<16384x2048xf32, #tpu.memory_space<hbm>>
    tpu.enqueue_indirect_dma source(%dma_start3A_69 : memref<16384x2048xf32, #tpu.memory_space<hbm>>) target(%dma_start3A_63 : memref<4x2048xf32, #tpu.memory_space<vmem>>) offsets(%dma_start3A_66 : memref<4xi32, #tpu.memory_space<vmem>>) semaphore(%arg9 : memref<!tpu.dma_semaphore, #tpu.memory_space<semaphore_mem>>)
    %add3A_70 = arith.constant 8 : i32
    %add3A_71 = arith.addi %mul3A_2, %add3A_70 : i32
    %dma_start3A_72 = arith.constant 2 : i32
    %dma_start3A_73 = arith.constant 0 : i32
    %dma_start3A_74 = arith.constant 0 : i32
    %dma_start3A_75 = tpu.memref_slice %arg6[%dma_start3A_72, %dma_start3A_73, %dma_start3A_74] : memref<4x4x2048xf32, #tpu.memory_space<vmem>> -> memref<1x4x2048xf32, #tpu.memory_space<vmem>>
    %dma_start3A_76 = tpu.memref_squeeze %dma_start3A_75 : memref<1x4x2048xf32, #tpu.memory_space<vmem>> -> memref<4x2048xf32, #tpu.memory_space<vmem>>
    %dma_start3A_77 = arith.constant 0 : i32
    %dma_start3A_78 = tpu.memref_slice %arg2[%add3A_71, %dma_start3A_77] : memref<16384x2048xf32, #tpu.memory_space<hbm>> -> memref<4x2048xf32, #tpu.memory_space<hbm>>
    %dma_start3A_79 = arith.constant 0 : i32
    %dma_start3A_80 = arith.constant 0 : i32
    %dma_start3A_81 = tpu.memref_slice %arg6[%dma_start3A_72, %dma_start3A_79, %dma_start3A_80] : memref<4x4x2048xf32, #tpu.memory_space<vmem>> -> memref<1x4x2048xf32, #tpu.memory_space<vmem>>
    %dma_start3A_82 = tpu.memref_squeeze %dma_start3A_81 : memref<1x4x2048xf32, #tpu.memory_space<vmem>> -> memref<4x2048xf32, #tpu.memory_space<vmem>>
    %dma_start3A_83 = arith.constant 0 : i32
    %dma_start3A_84 = tpu.memref_slice %arg2[%add3A_71, %dma_start3A_83] : memref<16384x2048xf32, #tpu.memory_space<hbm>> -> memref<4x2048xf32, #tpu.memory_space<hbm>>
    tpu.enqueue_dma source(%dma_start3A_84 : memref<4x2048xf32, #tpu.memory_space<hbm>>) target(%dma_start3A_82 : memref<4x2048xf32, #tpu.memory_space<vmem>>) target_semaphore(%arg10 : memref<!tpu.dma_semaphore, #tpu.memory_space<semaphore_mem>>)
    %dma_start3A_85 = arith.constant 3 : i32
    %dma_start3A_86 = arith.constant 3 : i32
    %dma_start3A_87 = arith.constant 0 : i32
    %dma_start3A_88 = arith.constant 0 : i32
    %dma_start3A_89 = tpu.memref_slice %arg7[%dma_start3A_86, %dma_start3A_87, %dma_start3A_88] : memref<4x4x2048xf32, #tpu.memory_space<vmem>> -> memref<1x4x2048xf32, #tpu.memory_space<vmem>>
    %dma_start3A_90 = tpu.memref_squeeze %dma_start3A_89 : memref<1x4x2048xf32, #tpu.memory_space<vmem>> -> memref<4x2048xf32, #tpu.memory_space<vmem>>
    %dma_start3A_91 = arith.constant 0 : i32
    %dma_start3A_92 = tpu.memref_slice %arg5[%dma_start3A_85, %dma_start3A_91] : memref<128x4xi32, #tpu.memory_space<vmem>> -> memref<1x4xi32, #tpu.memory_space<vmem>>
    %dma_start3A_93 = tpu.memref_squeeze %dma_start3A_92 : memref<1x4xi32, #tpu.memory_space<vmem>> -> memref<4xi32, #tpu.memory_space<vmem>>
    %dma_start3A_94 = arith.constant 0 : i32
    %dma_start3A_95 = arith.constant 0 : i32
    %dma_start3A_96 = tpu.memref_slice %arg2[%dma_start3A_94, %dma_start3A_95] : memref<16384x2048xf32, #tpu.memory_space<hbm>> -> memref<16384x2048xf32, #tpu.memory_space<hbm>>
    tpu.enqueue_indirect_dma source(%dma_start3A_96 : memref<16384x2048xf32, #tpu.memory_space<hbm>>) target(%dma_start3A_90 : memref<4x2048xf32, #tpu.memory_space<vmem>>) offsets(%dma_start3A_93 : memref<4xi32, #tpu.memory_space<vmem>>) semaphore(%arg9 : memref<!tpu.dma_semaphore, #tpu.memory_space<semaphore_mem>>)
    %add3A_97 = arith.constant 12 : i32
    %add3A_98 = arith.addi %mul3A_2, %add3A_97 : i32
    %dma_start3A_99 = arith.constant 3 : i32
    %dma_start3A_100 = arith.constant 0 : i32
    %dma_start3A_101 = arith.constant 0 : i32
    %dma_start3A_102 = tpu.memref_slice %arg6[%dma_start3A_99, %dma_start3A_100, %dma_start3A_101] : memref<4x4x2048xf32, #tpu.memory_space<vmem>> -> memref<1x4x2048xf32, #tpu.memory_space<vmem>>
    %dma_start3A_103 = tpu.memref_squeeze %dma_start3A_102 : memref<1x4x2048xf32, #tpu.memory_space<vmem>> -> memref<4x2048xf32, #tpu.memory_space<vmem>>
    %dma_start3A_104 = arith.constant 0 : i32
    %dma_start3A_105 = tpu.memref_slice %arg2[%add3A_98, %dma_start3A_104] : memref<16384x2048xf32, #tpu.memory_space<hbm>> -> memref<4x2048xf32, #tpu.memory_space<hbm>>
    %dma_start3A_106 = arith.constant 0 : i32
    %dma_start3A_107 = arith.constant 0 : i32
    %dma_start3A_108 = tpu.memref_slice %arg6[%dma_start3A_99, %dma_start3A_106, %dma_start3A_107] : memref<4x4x2048xf32, #tpu.memory_space<vmem>> -> memref<1x4x2048xf32, #tpu.memory_space<vmem>>
    %dma_start3A_109 = tpu.memref_squeeze %dma_start3A_108 : memref<1x4x2048xf32, #tpu.memory_space<vmem>> -> memref<4x2048xf32, #tpu.memory_space<vmem>>
    %dma_start3A_110 = arith.constant 0 : i32
    %dma_start3A_111 = tpu.memref_slice %arg2[%add3A_98, %dma_start3A_110] : memref<16384x2048xf32, #tpu.memory_space<hbm>> -> memref<4x2048xf32, #tpu.memory_space<hbm>>
    tpu.enqueue_dma source(%dma_start3A_111 : memref<4x2048xf32, #tpu.memory_space<hbm>>) target(%dma_start3A_109 : memref<4x2048xf32, #tpu.memory_space<vmem>>) target_semaphore(%arg10 : memref<!tpu.dma_semaphore, #tpu.memory_space<semaphore_mem>>)
    %dma_wait3A = arith.constant 0 : i32
    %dma_wait3A_112 = arith.constant 0 : i32
    %dma_wait3A_113 = arith.constant 0 : i32
    %dma_wait3A_114 = arith.constant 0 : i32
    %dma_wait3A_115 = tpu.memref_slice %arg7[%dma_wait3A_112, %dma_wait3A_113, %dma_wait3A_114] : memref<4x4x2048xf32, #tpu.memory_space<vmem>> -> memref<1x4x2048xf32, #tpu.memory_space<vmem>>
    %dma_wait3A_116 = tpu.memref_squeeze %dma_wait3A_115 : memref<1x4x2048xf32, #tpu.memory_space<vmem>> -> memref<4x2048xf32, #tpu.memory_space<vmem>>
    %dma_wait3A_117 = arith.constant 0 : i32
    %dma_wait3A_118 = tpu.memref_slice %arg5[%dma_wait3A, %dma_wait3A_117] : memref<128x4xi32, #tpu.memory_space<vmem>> -> memref<1x4xi32, #tpu.memory_space<vmem>>
    %dma_wait3A_119 = tpu.memref_squeeze %dma_wait3A_118 : memref<1x4xi32, #tpu.memory_space<vmem>> -> memref<4xi32, #tpu.memory_space<vmem>>
    %dma_wait3A_120 = arith.constant 0 : i32
    %dma_wait3A_121 = arith.constant 0 : i32
    %dma_wait3A_122 = tpu.memref_slice %arg2[%dma_wait3A_120, %dma_wait3A_121] : memref<16384x2048xf32, #tpu.memory_space<hbm>> -> memref<16384x2048xf32, #tpu.memory_space<hbm>>
    tpu.wait_indirect_dma semaphore(%arg9 : memref<!tpu.dma_semaphore, #tpu.memory_space<semaphore_mem>>) src(%dma_wait3A_122 : memref<16384x2048xf32, #tpu.memory_space<hbm>>) dst(%dma_wait3A_116 : memref<4x2048xf32, #tpu.memory_space<vmem>>)
    %add3A_123 = arith.constant 0 : i32
    %add3A_124 = arith.addi %mul3A_2, %add3A_123 : i32
    %dma_wait3A_125 = arith.constant 0 : i32
    %dma_wait3A_126 = arith.constant 0 : i32
    %dma_wait3A_127 = arith.constant 0 : i32
    %dma_wait3A_128 = tpu.memref_slice %arg6[%dma_wait3A_125, %dma_wait3A_126, %dma_wait3A_127] : memref<4x4x2048xf32, #tpu.memory_space<vmem>> -> memref<1x4x2048xf32, #tpu.memory_space<vmem>>
    %dma_wait3A_129 = tpu.memref_squeeze %dma_wait3A_128 : memref<1x4x2048xf32, #tpu.memory_space<vmem>> -> memref<4x2048xf32, #tpu.memory_space<vmem>>
    %dma_wait3A_130 = arith.constant 0 : i32
    %dma_wait3A_131 = tpu.memref_slice %arg2[%add3A_124, %dma_wait3A_130] : memref<16384x2048xf32, #tpu.memory_space<hbm>> -> memref<4x2048xf32, #tpu.memory_space<hbm>>
    %dma_wait3A_132 = arith.constant 0 : i32
    %dma_wait3A_133 = arith.constant 0 : i32
    %dma_wait3A_134 = tpu.memref_slice %arg6[%dma_wait3A_125, %dma_wait3A_132, %dma_wait3A_133] : memref<4x4x2048xf32, #tpu.memory_space<vmem>> -> memref<1x4x2048xf32, #tpu.memory_space<vmem>>
    %dma_wait3A_135 = tpu.memref_squeeze %dma_wait3A_134 : memref<1x4x2048xf32, #tpu.memory_space<vmem>> -> memref<4x2048xf32, #tpu.memory_space<vmem>>
    %dma_wait3A_136 = arith.constant 0 : i32
    %dma_wait3A_137 = tpu.memref_slice %arg2[%add3A_124, %dma_wait3A_136] : memref<16384x2048xf32, #tpu.memory_space<hbm>> -> memref<4x2048xf32, #tpu.memory_space<hbm>>
    tpu.wait_dma2 semaphore(%arg10 : memref<!tpu.dma_semaphore, #tpu.memory_space<semaphore_mem>>) src(%dma_wait3A_137 : memref<4x2048xf32, #tpu.memory_space<hbm>>) dst(%dma_wait3A_135 : memref<4x2048xf32, #tpu.memory_space<vmem>>)
    %scan3A = arith.constant 0 : i32
    %scan3A_138 = arith.constant 0 : i32
    %scan3A_139 = arith.constant 128 : i32
    %scan3A_140 = arith.addi %scan3A_138, %scan3A_139 : i32
    %scan3A_141 = arith.constant 1 : i32
    %scan3A_142 = scf.for %scan3A_737 = %scan3A_138 to %scan3A_140 step %scan3A_141 iter_args(%scan3A_738 = %scan3A) -> (i32)  : i32 {
      %mul3A_739 = arith.constant 16 : i32
      %mul3A_740 = arith.muli %scan3A_737, %mul3A_739 : i32
      %get3A = arith.constant 0 : i32
      %get3A_741 = arith.constant 0 : i32
      %get3A_742 = arith.index_cast %get3A : i32 to index
      %get3A_743 = arith.index_cast %get3A_741 : i32 to index
      %get3A_744 = arith.index_cast %mul3A_740 : i32 to index
      %get3A_745 = tpu.vector_load %arg6[%get3A_742, %get3A_743, %get3A_744] {strides = array<i32>} : memref<4x4x2048xf32, #tpu.memory_space<vmem>>, vector<1x1x16xf32>,
      %get3A_746 = vector.shape_cast %get3A_745 : vector<1x1x16xf32> to vector<16xf32>
      %get3A_747 = arith.constant 0 : i32
      %get3A_748 = arith.constant 0 : i32
      %get3A_749 = arith.index_cast %get3A_747 : i32 to index
      %get3A_750 = arith.index_cast %get3A_748 : i32 to index
      %get3A_751 = arith.index_cast %mul3A_740 : i32 to index
      %get3A_752 = tpu.vector_load %arg7[%get3A_749, %get3A_750, %get3A_751] {strides = array<i32>} : memref<4x4x2048xf32, #tpu.memory_space<vmem>>, vector<1x1x16xf32>,
      %get3A_753 = vector.shape_cast %get3A_752 : vector<1x1x16xf32> to vector<16xf32>
      %mul3A_754 = arith.constant 0.812104344 : f32
      %mul3A_755 = vector.broadcast %mul3A_754 : f32 to vector<16xf32>
      %mul3A_756 = arith.mulf %mul3A_755, %get3A_746 : vector<16xf32>
      %mul3A_757 = arith.constant 0.187895656 : f32
      %mul3A_758 = vector.broadcast %mul3A_757 : f32 to vector<16xf32>
      %mul3A_759 = arith.mulf %mul3A_758, %get3A_753 : vector<16xf32>
      %add3A_760 = arith.addf %mul3A_756, %mul3A_759 : vector<16xf32>
      %swap3A = arith.constant 0 : i32
      %swap3A_761 = arith.constant 0 : i32
      %swap3A_762 = arith.index_cast %swap3A : i32 to index
      %swap3A_763 = arith.index_cast %swap3A_761 : i32 to index
      %swap3A_764 = arith.index_cast %mul3A_740 : i32 to index
      %swap3A_765 = tpu.vector_load %arg8[%swap3A_762, %swap3A_763, %swap3A_764] {strides = array<i32>} : memref<4x4x2048xf32, #tpu.memory_space<vmem>>, vector<1x1x16xf32>,
      %swap3A_766 = vector.shape_cast %swap3A_765 : vector<1x1x16xf32> to vector<16xf32>
      %swap3A_767 = vector.shape_cast %add3A_760 : vector<16xf32> to vector<1x1x16xf32>
      tpu.vector_store %arg8[%swap3A_762, %swap3A_763, %swap3A_764], %swap3A_767 {strides = array<i32>} : memref<4x4x2048xf32, #tpu.memory_space<vmem>>, vector<1x1x16xf32>,
      %get3A_768 = arith.constant 0 : i32
      %get3A_769 = arith.constant 1 : i32
      %get3A_770 = arith.index_cast %get3A_768 : i32 to index
      %get3A_771 = arith.index_cast %get3A_769 : i32 to index
      %get3A_772 = arith.index_cast %mul3A_740 : i32 to index
      %get3A_773 = tpu.vector_load %arg6[%get3A_770, %get3A_771, %get3A_772] {strides = array<i32>} : memref<4x4x2048xf32, #tpu.memory_space<vmem>>, vector<1x1x16xf32>,
      %get3A_774 = vector.shape_cast %get3A_773 : vector<1x1x16xf32> to vector<16xf32>
      %get3A_775 = arith.constant 0 : i32
      %get3A_776 = arith.constant 1 : i32
      %get3A_777 = arith.index_cast %get3A_775 : i32 to index
      %get3A_778 = arith.index_cast %get3A_776 : i32 to index
      %get3A_779 = arith.index_cast %mul3A_740 : i32 to index
      %get3A_780 = tpu.vector_load %arg7[%get3A_777, %get3A_778, %get3A_779] {strides = array<i32>} : memref<4x4x2048xf32, #tpu.memory_space<vmem>>, vector<1x1x16xf32>,
      %get3A_781 = vector.shape_cast %get3A_780 : vector<1x1x16xf32> to vector<16xf32>
      %mul3A_782 = arith.constant 0.812104344 : f32
      %mul3A_783 = vector.broadcast %mul3A_782 : f32 to vector<16xf32>
      %mul3A_784 = arith.mulf %mul3A_783, %get3A_774 : vector<16xf32>
      %mul3A_785 = arith.constant 0.187895656 : f32
      %mul3A_786 = vector.broadcast %mul3A_785 : f32 to vector<16xf32>
      %mul3A_787 = arith.mulf %mul3A_786, %get3A_781 : vector<16xf32>
      %add3A_788 = arith.addf %mul3A_784, %mul3A_787 : vector<16xf32>
      %swap3A_789 = arith.constant 0 : i32
      %swap3A_790 = arith.constant 1 : i32
      %swap3A_791 = arith.index_cast %swap3A_789 : i32 to index
      %swap3A_792 = arith.index_cast %swap3A_790 : i32 to index
      %swap3A_793 = arith.index_cast %mul3A_740 : i32 to index
      %swap3A_794 = tpu.vector_load %arg8[%swap3A_791, %swap3A_792, %swap3A_793] {strides = array<i32>} : memref<4x4x2048xf32, #tpu.memory_space<vmem>>, vector<1x1x16xf32>,
      %swap3A_795 = vector.shape_cast %swap3A_794 : vector<1x1x16xf32> to vector<16xf32>
      %swap3A_796 = vector.shape_cast %add3A_788 : vector<16xf32> to vector<1x1x16xf32>
      tpu.vector_store %arg8[%swap3A_791, %swap3A_792, %swap3A_793], %swap3A_796 {strides = array<i32>} : memref<4x4x2048xf32, #tpu.memory_space<vmem>>, vector<1x1x16xf32>,
      %get3A_797 = arith.constant 0 : i32
      %get3A_798 = arith.constant 2 : i32
      %get3A_799 = arith.index_cast %get3A_797 : i32 to index
      %get3A_800 = arith.index_cast %get3A_798 : i32 to index
      %get3A_801 = arith.index_cast %mul3A_740 : i32 to index
      %get3A_802 = tpu.vector_load %arg6[%get3A_799, %get3A_800, %get3A_801] {strides = array<i32>} : memref<4x4x2048xf32, #tpu.memory_space<vmem>>, vector<1x1x16xf32>,
      %get3A_803 = vector.shape_cast %get3A_802 : vector<1x1x16xf32> to vector<16xf32>
      %get3A_804 = arith.constant 0 : i32
      %get3A_805 = arith.constant 2 : i32
      %get3A_806 = arith.index_cast %get3A_804 : i32 to index
      %get3A_807 = arith.index_cast %get3A_805 : i32 to index
      %get3A_808 = arith.index_cast %mul3A_740 : i32 to index
      %get3A_809 = tpu.vector_load %arg7[%get3A_806, %get3A_807, %get3A_808] {strides = array<i32>} : memref<4x4x2048xf32, #tpu.memory_space<vmem>>, vector<1x1x16xf32>,
      %get3A_810 = vector.shape_cast %get3A_809 : vector<1x1x16xf32> to vector<16xf32>
      %mul3A_811 = arith.constant 0.812104344 : f32
      %mul3A_812 = vector.broadcast %mul3A_811 : f32 to vector<16xf32>
      %mul3A_813 = arith.mulf %mul3A_812, %get3A_803 : vector<16xf32>
      %mul3A_814 = arith.constant 0.187895656 : f32
      %mul3A_815 = vector.broadcast %mul3A_814 : f32 to vector<16xf32>
      %mul3A_816 = arith.mulf %mul3A_815, %get3A_810 : vector<16xf32>
      %add3A_817 = arith.addf %mul3A_813, %mul3A_816 : vector<16xf32>
      %swap3A_818 = arith.constant 0 : i32
      %swap3A_819 = arith.constant 2 : i32
      %swap3A_820 = arith.index_cast %swap3A_818 : i32 to index
      %swap3A_821 = arith.index_cast %swap3A_819 : i32 to index
      %swap3A_822 = arith.index_cast %mul3A_740 : i32 to index
      %swap3A_823 = tpu.vector_load %arg8[%swap3A_820, %swap3A_821, %swap3A_822] {strides = array<i32>} : memref<4x4x2048xf32, #tpu.memory_space<vmem>>, vector<1x1x16xf32>,
      %swap3A_824 = vector.shape_cast %swap3A_823 : vector<1x1x16xf32> to vector<16xf32>
      %swap3A_825 = vector.shape_cast %add3A_817 : vector<16xf32> to vector<1x1x16xf32>
      tpu.vector_store %arg8[%swap3A_820, %swap3A_821, %swap3A_822], %swap3A_825 {strides = array<i32>} : memref<4x4x2048xf32, #tpu.memory_space<vmem>>, vector<1x1x16xf32>,
      %get3A_826 = arith.constant 0 : i32
      %get3A_827 = arith.constant 3 : i32
      %get3A_828 = arith.index_cast %get3A_826 : i32 to index
      %get3A_829 = arith.index_cast %get3A_827 : i32 to index
      %get3A_830 = arith.index_cast %mul3A_740 : i32 to index
      %get3A_831 = tpu.vector_load %arg6[%get3A_828, %get3A_829, %get3A_830] {strides = array<i32>} : memref<4x4x2048xf32, #tpu.memory_space<vmem>>, vector<1x1x16xf32>,
      %get3A_832 = vector.shape_cast %get3A_831 : vector<1x1x16xf32> to vector<16xf32>
      %get3A_833 = arith.constant 0 : i32
      %get3A_834 = arith.constant 3 : i32
      %get3A_835 = arith.index_cast %get3A_833 : i32 to index
      %get3A_836 = arith.index_cast %get3A_834 : i32 to index
      %get3A_837 = arith.index_cast %mul3A_740 : i32 to index
      %get3A_838 = tpu.vector_load %arg7[%get3A_835, %get3A_836, %get3A_837] {strides = array<i32>} : memref<4x4x2048xf32, #tpu.memory_space<vmem>>, vector<1x1x16xf32>,
      %get3A_839 = vector.shape_cast %get3A_838 : vector<1x1x16xf32> to vector<16xf32>
      %mul3A_840 = arith.constant 0.812104344 : f32
      %mul3A_841 = vector.broadcast %mul3A_840 : f32 to vector<16xf32>
      %mul3A_842 = arith.mulf %mul3A_841, %get3A_832 : vector<16xf32>
      %mul3A_843 = arith.constant 0.187895656 : f32
      %mul3A_844 = vector.broadcast %mul3A_843 : f32 to vector<16xf32>
      %mul3A_845 = arith.mulf %mul3A_844, %get3A_839 : vector<16xf32>
      %add3A_846 = arith.addf %mul3A_842, %mul3A_845 : vector<16xf32>
      %swap3A_847 = arith.constant 0 : i32
      %swap3A_848 = arith.constant 3 : i32
      %swap3A_849 = arith.index_cast %swap3A_847 : i32 to index
      %swap3A_850 = arith.index_cast %swap3A_848 : i32 to index
      %swap3A_851 = arith.index_cast %mul3A_740 : i32 to index
      %swap3A_852 = tpu.vector_load %arg8[%swap3A_849, %swap3A_850, %swap3A_851] {strides = array<i32>} : memref<4x4x2048xf32, #tpu.memory_space<vmem>>, vector<1x1x16xf32>,
      %swap3A_853 = vector.shape_cast %swap3A_852 : vector<1x1x16xf32> to vector<16xf32>
      %swap3A_854 = vector.shape_cast %add3A_846 : vector<16xf32> to vector<1x1x16xf32>
      tpu.vector_store %arg8[%swap3A_849, %swap3A_850, %swap3A_851], %swap3A_854 {strides = array<i32>} : memref<4x4x2048xf32, #tpu.memory_space<vmem>>, vector<1x1x16xf32>,
      %scan3A_855 = arith.constant 0 : i32
      scf.yield %scan3A_855 : i32
    }
    %scan3A_143 = arith.constant 128 : i32
    %add3A_144 = arith.constant 0 : i32
    %add3A_145 = arith.addi %mul3A_2, %add3A_144 : i32
    %dma_start3A_146 = arith.constant 0 : i32
    %dma_start3A_147 = arith.constant 0 : i32
    %dma_start3A_148 = arith.constant 0 : i32
    %dma_start3A_149 = tpu.memref_slice %arg8[%dma_start3A_146, %dma_start3A_147, %dma_start3A_148] : memref<4x4x2048xf32, #tpu.memory_space<vmem>> -> memref<1x4x2048xf32, #tpu.memory_space<vmem>>
    %dma_start3A_150 = tpu.memref_squeeze %dma_start3A_149 : memref<1x4x2048xf32, #tpu.memory_space<vmem>> -> memref<4x2048xf32, #tpu.memory_space<vmem>>
    %dma_start3A_151 = arith.constant 0 : i32
    %dma_start3A_152 = tpu.memref_slice %arg4[%add3A_145, %dma_start3A_151] : memref<16384x2048xf32, #tpu.memory_space<hbm>> -> memref<4x2048xf32, #tpu.memory_space<hbm>>
    %dma_start3A_153 = arith.constant 0 : i32
    %dma_start3A_154 = tpu.memref_slice %arg4[%add3A_145, %dma_start3A_153] : memref<16384x2048xf32, #tpu.memory_space<hbm>> -> memref<4x2048xf32, #tpu.memory_space<hbm>>
    %dma_start3A_155 = arith.constant 0 : i32
    %dma_start3A_156 = arith.constant 0 : i32
    %dma_start3A_157 = tpu.memref_slice %arg8[%dma_start3A_146, %dma_start3A_155, %dma_start3A_156] : memref<4x4x2048xf32, #tpu.memory_space<vmem>> -> memref<1x4x2048xf32, #tpu.memory_space<vmem>>
    %dma_start3A_158 = tpu.memref_squeeze %dma_start3A_157 : memref<1x4x2048xf32, #tpu.memory_space<vmem>> -> memref<4x2048xf32, #tpu.memory_space<vmem>>
    tpu.enqueue_dma source(%dma_start3A_158 : memref<4x2048xf32, #tpu.memory_space<vmem>>) target(%dma_start3A_154 : memref<4x2048xf32, #tpu.memory_space<hbm>>) target_semaphore(%arg11 : memref<!tpu.dma_semaphore, #tpu.memory_space<semaphore_mem>>)
    %dma_start3A_159 = arith.constant 4 : i32
    %dma_start3A_160 = arith.constant 0 : i32
    %dma_start3A_161 = arith.constant 0 : i32
    %dma_start3A_162 = arith.constant 0 : i32
    %dma_start3A_163 = tpu.memref_slice %arg7[%dma_start3A_160, %dma_start3A_161, %dma_start3A_162] : memref<4x4x2048xf32, #tpu.memory_space<vmem>> -> memref<1x4x2048xf32, #tpu.memory_space<vmem>>
    %dma_start3A_164 = tpu.memref_squeeze %dma_start3A_163 : memref<1x4x2048xf32, #tpu.memory_space<vmem>> -> memref<4x2048xf32, #tpu.memory_space<vmem>>
    %dma_start3A_165 = arith.constant 0 : i32
    %dma_start3A_166 = tpu.memref_slice %arg5[%dma_start3A_159, %dma_start3A_165] : memref<128x4xi32, #tpu.memory_space<vmem>> -> memref<1x4xi32, #tpu.memory_space<vmem>>
    %dma_start3A_167 = tpu.memref_squeeze %dma_start3A_166 : memref<1x4xi32, #tpu.memory_space<vmem>> -> memref<4xi32, #tpu.memory_space<vmem>>
    %dma_start3A_168 = arith.constant 0 : i32
    %dma_start3A_169 = arith.constant 0 : i32
    %dma_start3A_170 = tpu.memref_slice %arg2[%dma_start3A_168, %dma_start3A_169] : memref<16384x2048xf32, #tpu.memory_space<hbm>> -> memref<16384x2048xf32, #tpu.memory_space<hbm>>
    tpu.enqueue_indirect_dma source(%dma_start3A_170 : memref<16384x2048xf32, #tpu.memory_space<hbm>>) target(%dma_start3A_164 : memref<4x2048xf32, #tpu.memory_space<vmem>>) offsets(%dma_start3A_167 : memref<4xi32, #tpu.memory_space<vmem>>) semaphore(%arg9 : memref<!tpu.dma_semaphore, #tpu.memory_space<semaphore_mem>>)
    %add3A_171 = arith.constant 16 : i32
    %add3A_172 = arith.addi %mul3A_2, %add3A_171 : i32
    %dma_start3A_173 = arith.constant 0 : i32
    %dma_start3A_174 = arith.constant 0 : i32
    %dma_start3A_175 = arith.constant 0 : i32
    %dma_start3A_176 = tpu.memref_slice %arg6[%dma_start3A_173, %dma_start3A_174, %dma_start3A_175] : memref<4x4x2048xf32, #tpu.memory_space<vmem>> -> memref<1x4x2048xf32, #tpu.memory_space<vmem>>
    %dma_start3A_177 = tpu.memref_squeeze %dma_start3A_176 : memref<1x4x2048xf32, #tpu.memory_space<vmem>> -> memref<4x2048xf32, #tpu.memory_space<vmem>>
    %dma_start3A_178 = arith.constant 0 : i32
    %dma_start3A_179 = tpu.memref_slice %arg2[%add3A_172, %dma_start3A_178] : memref<16384x2048xf32, #tpu.memory_space<hbm>> -> memref<4x2048xf32, #tpu.memory_space<hbm>>
    %dma_start3A_180 = arith.constant 0 : i32
    %dma_start3A_181 = arith.constant 0 : i32
    %dma_start3A_182 = tpu.memref_slice %arg6[%dma_start3A_173, %dma_start3A_180, %dma_start3A_181] : memref<4x4x2048xf32, #tpu.memory_space<vmem>> -> memref<1x4x2048xf32, #tpu.memory_space<vmem>>
    %dma_start3A_183 = tpu.memref_squeeze %dma_start3A_182 : memref<1x4x2048xf32, #tpu.memory_space<vmem>> -> memref<4x2048xf32, #tpu.memory_space<vmem>>
    %dma_start3A_184 = arith.constant 0 : i32
    %dma_start3A_185 = tpu.memref_slice %arg2[%add3A_172, %dma_start3A_184] : memref<16384x2048xf32, #tpu.memory_space<hbm>> -> memref<4x2048xf32, #tpu.memory_space<hbm>>
    tpu.enqueue_dma source(%dma_start3A_185 : memref<4x2048xf32, #tpu.memory_space<hbm>>) target(%dma_start3A_183 : memref<4x2048xf32, #tpu.memory_space<vmem>>) target_semaphore(%arg10 : memref<!tpu.dma_semaphore, #tpu.memory_space<semaphore_mem>>)
    %dma_wait3A_186 = arith.constant 1 : i32
    %dma_wait3A_187 = arith.constant 1 : i32
    %dma_wait3A_188 = arith.constant 0 : i32
    %dma_wait3A_189 = arith.constant 0 : i32
    %dma_wait3A_190 = tpu.memref_slice %arg7[%dma_wait3A_187, %dma_wait3A_188, %dma_wait3A_189] : memref<4x4x2048xf32, #tpu.memory_space<vmem>> -> memref<1x4x2048xf32, #tpu.memory_space<vmem>>
    %dma_wait3A_191 = tpu.memref_squeeze %dma_wait3A_190 : memref<1x4x2048xf32, #tpu.memory_space<vmem>> -> memref<4x2048xf32, #tpu.memory_space<vmem>>
    %dma_wait3A_192 = arith.constant 0 : i32
    %dma_wait3A_193 = tpu.memref_slice %arg5[%dma_wait3A_186, %dma_wait3A_192] : memref<128x4xi32, #tpu.memory_space<vmem>> -> memref<1x4xi32, #tpu.memory_space<vmem>>
    %dma_wait3A_194 = tpu.memref_squeeze %dma_wait3A_193 : memref<1x4xi32, #tpu.memory_space<vmem>> -> memref<4xi32, #tpu.memory_space<vmem>>
    %dma_wait3A_195 = arith.constant 0 : i32
    %dma_wait3A_196 = arith.constant 0 : i32
    %dma_wait3A_197 = tpu.memref_slice %arg2[%dma_wait3A_195, %dma_wait3A_196] : memref<16384x2048xf32, #tpu.memory_space<hbm>> -> memref<16384x2048xf32, #tpu.memory_space<hbm>>
    tpu.wait_indirect_dma semaphore(%arg9 : memref<!tpu.dma_semaphore, #tpu.memory_space<semaphore_mem>>) src(%dma_wait3A_197 : memref<16384x2048xf32, #tpu.memory_space<hbm>>) dst(%dma_wait3A_191 : memref<4x2048xf32, #tpu.memory_space<vmem>>)
    %add3A_198 = arith.constant 4 : i32
    %add3A_199 = arith.addi %mul3A_2, %add3A_198 : i32
    %dma_wait3A_200 = arith.constant 1 : i32
    %dma_wait3A_201 = arith.constant 0 : i32
    %dma_wait3A_202 = arith.constant 0 : i32
    %dma_wait3A_203 = tpu.memref_slice %arg6[%dma_wait3A_200, %dma_wait3A_201, %dma_wait3A_202] : memref<4x4x2048xf32, #tpu.memory_space<vmem>> -> memref<1x4x2048xf32, #tpu.memory_space<vmem>>
    %dma_wait3A_204 = tpu.memref_squeeze %dma_wait3A_203 : memref<1x4x2048xf32, #tpu.memory_space<vmem>> -> memref<4x2048xf32, #tpu.memory_space<vmem>>
    %dma_wait3A_205 = arith.constant 0 : i32
    %dma_wait3A_206 = tpu.memref_slice %arg2[%add3A_199, %dma_wait3A_205] : memref<16384x2048xf32, #tpu.memory_space<hbm>> -> memref<4x2048xf32, #tpu.memory_space<hbm>>
    %dma_wait3A_207 = arith.constant 0 : i32
    %dma_wait3A_208 = arith.constant 0 : i32
    %dma_wait3A_209 = tpu.memref_slice %arg6[%dma_wait3A_200, %dma_wait3A_207, %dma_wait3A_208] : memref<4x4x2048xf32, #tpu.memory_space<vmem>> -> memref<1x4x2048xf32, #tpu.memory_space<vmem>>
    %dma_wait3A_210 = tpu.memref_squeeze %dma_wait3A_209 : memref<1x4x2048xf32, #tpu.memory_space<vmem>> -> memref<4x2048xf32, #tpu.memory_space<vmem>>
    %dma_wait3A_211 = arith.constant 0 : i32
    %dma_wait3A_212 = tpu.memref_slice %arg2[%add3A_199, %dma_wait3A_211] : memref<16384x2048xf32, #tpu.memory_space<hbm>> -> memref<4x2048xf32, #tpu.memory_space<hbm>>
    tpu.wait_dma2 semaphore(%arg10 : memref<!tpu.dma_semaphore, #tpu.memory_space<semaphore_mem>>) src(%dma_wait3A_212 : memref<4x2048xf32, #tpu.memory_space<hbm>>) dst(%dma_wait3A_210 : memref<4x2048xf32, #tpu.memory_space<vmem>>)
    %scan3A_213 = arith.constant 0 : i32
    %scan3A_214 = arith.constant 0 : i32
    %scan3A_215 = arith.constant 128 : i32
    %scan3A_216 = arith.addi %scan3A_214, %scan3A_215 : i32
    %scan3A_217 = arith.constant 1 : i32
    %scan3A_218 = scf.for %scan3A_737 = %scan3A_214 to %scan3A_216 step %scan3A_217 iter_args(%scan3A_738 = %scan3A_213) -> (i32)  : i32 {
      %mul3A_739 = arith.constant 16 : i32
      %mul3A_740 = arith.muli %scan3A_737, %mul3A_739 : i32
      %get3A = arith.constant 1 : i32
      %get3A_741 = arith.constant 0 : i32
      %get3A_742 = arith.index_cast %get3A : i32 to index
      %get3A_743 = arith.index_cast %get3A_741 : i32 to index
      %get3A_744 = arith.index_cast %mul3A_740 : i32 to index
      %get3A_745 = tpu.vector_load %arg6[%get3A_742, %get3A_743, %get3A_744] {strides = array<i32>} : memref<4x4x2048xf32, #tpu.memory_space<vmem>>, vector<1x1x16xf32>,
      %get3A_746 = vector.shape_cast %get3A_745 : vector<1x1x16xf32> to vector<16xf32>
      %get3A_747 = arith.constant 1 : i32
      %get3A_748 = arith.constant 0 : i32
      %get3A_749 = arith.index_cast %get3A_747 : i32 to index
      %get3A_750 = arith.index_cast %get3A_748 : i32 to index
      %get3A_751 = arith.index_cast %mul3A_740 : i32 to index
      %get3A_752 = tpu.vector_load %arg7[%get3A_749, %get3A_750, %get3A_751] {strides = array<i32>} : memref<4x4x2048xf32, #tpu.memory_space<vmem>>, vector<1x1x16xf32>,
      %get3A_753 = vector.shape_cast %get3A_752 : vector<1x1x16xf32> to vector<16xf32>
      %mul3A_754 = arith.constant 0.812104344 : f32
      %mul3A_755 = vector.broadcast %mul3A_754 : f32 to vector<16xf32>
      %mul3A_756 = arith.mulf %mul3A_755, %get3A_746 : vector<16xf32>
      %mul3A_757 = arith.constant 0.187895656 : f32
      %mul3A_758 = vector.broadcast %mul3A_757 : f32 to vector<16xf32>
      %mul3A_759 = arith.mulf %mul3A_758, %get3A_753 : vector<16xf32>
      %add3A_760 = arith.addf %mul3A_756, %mul3A_759 : vector<16xf32>
      %swap3A = arith.constant 1 : i32
      %swap3A_761 = arith.constant 0 : i32
      %swap3A_762 = arith.index_cast %swap3A : i32 to index
      %swap3A_763 = arith.index_cast %swap3A_761 : i32 to index
      %swap3A_764 = arith.index_cast %mul3A_740 : i32 to index
      %swap3A_765 = tpu.vector_load %arg8[%swap3A_762, %swap3A_763, %swap3A_764] {strides = array<i32>} : memref<4x4x2048xf32, #tpu.memory_space<vmem>>, vector<1x1x16xf32>,
      %swap3A_766 = vector.shape_cast %swap3A_765 : vector<1x1x16xf32> to vector<16xf32>
      %swap3A_767 = vector.shape_cast %add3A_760 : vector<16xf32> to vector<1x1x16xf32>
      tpu.vector_store %arg8[%swap3A_762, %swap3A_763, %swap3A_764], %swap3A_767 {strides = array<i32>} : memref<4x4x2048xf32, #tpu.memory_space<vmem>>, vector<1x1x16xf32>,
      %get3A_768 = arith.constant 1 : i32
      %get3A_769 = arith.constant 1 : i32
      %get3A_770 = arith.index_cast %get3A_768 : i32 to index
      %get3A_771 = arith.index_cast %get3A_769 : i32 to index
      %get3A_772 = arith.index_cast %mul3A_740 : i32 to index
      %get3A_773 = tpu.vector_load %arg6[%get3A_770, %get3A_771, %get3A_772] {strides = array<i32>} : memref<4x4x2048xf32, #tpu.memory_space<vmem>>, vector<1x1x16xf32>,
      %get3A_774 = vector.shape_cast %get3A_773 : vector<1x1x16xf32> to vector<16xf32>
      %get3A_775 = arith.constant 1 : i32
      %get3A_776 = arith.constant 1 : i32
      %get3A_777 = arith.index_cast %get3A_775 : i32 to index
      %get3A_778 = arith.index_cast %get3A_776 : i32 to index
      %get3A_779 = arith.index_cast %mul3A_740 : i32 to index
      %get3A_780 = tpu.vector_load %arg7[%get3A_777, %get3A_778, %get3A_779] {strides = array<i32>} : memref<4x4x2048xf32, #tpu.memory_space<vmem>>, vector<1x1x16xf32>,
      %get3A_781 = vector.shape_cast %get3A_780 : vector<1x1x16xf32> to vector<16xf32>
      %mul3A_782 = arith.constant 0.812104344 : f32
      %mul3A_783 = vector.broadcast %mul3A_782 : f32 to vector<16xf32>
      %mul3A_784 = arith.mulf %mul3A_783, %get3A_774 : vector<16xf32>
      %mul3A_785 = arith.constant 0.187895656 : f32
      %mul3A_786 = vector.broadcast %mul3A_785 : f32 to vector<16xf32>
      %mul3A_787 = arith.mulf %mul3A_786, %get3A_781 : vector<16xf32>
      %add3A_788 = arith.addf %mul3A_784, %mul3A_787 : vector<16xf32>
      %swap3A_789 = arith.constant 1 : i32
      %swap3A_790 = arith.constant 1 : i32
      %swap3A_791 = arith.index_cast %swap3A_789 : i32 to index
      %swap3A_792 = arith.index_cast %swap3A_790 : i32 to index
      %swap3A_793 = arith.index_cast %mul3A_740 : i32 to index
      %swap3A_794 = tpu.vector_load %arg8[%swap3A_791, %swap3A_792, %swap3A_793] {strides = array<i32>} : memref<4x4x2048xf32, #tpu.memory_space<vmem>>, vector<1x1x16xf32>,
      %swap3A_795 = vector.shape_cast %swap3A_794 : vector<1x1x16xf32> to vector<16xf32>
      %swap3A_796 = vector.shape_cast %add3A_788 : vector<16xf32> to vector<1x1x16xf32>
      tpu.vector_store %arg8[%swap3A_791, %swap3A_792, %swap3A_793], %swap3A_796 {strides = array<i32>} : memref<4x4x2048xf32, #tpu.memory_space<vmem>>, vector<1x1x16xf32>,
      %get3A_797 = arith.constant 1 : i32
      %get3A_798 = arith.constant 2 : i32
      %get3A_799 = arith.index_cast %get3A_797 : i32 to index
      %get3A_800 = arith.index_cast %get3A_798 : i32 to index
      %get3A_801 = arith.index_cast %mul3A_740 : i32 to index
      %get3A_802 = tpu.vector_load %arg6[%get3A_799, %get3A_800, %get3A_801] {strides = array<i32>} : memref<4x4x2048xf32, #tpu.memory_space<vmem>>, vector<1x1x16xf32>,
      %get3A_803 = vector.shape_cast %get3A_802 : vector<1x1x16xf32> to vector<16xf32>
      %get3A_804 = arith.constant 1 : i32
      %get3A_805 = arith.constant 2 : i32
      %get3A_806 = arith.index_cast %get3A_804 : i32 to index
      %get3A_807 = arith.index_cast %get3A_805 : i32 to index
      %get3A_808 = arith.index_cast %mul3A_740 : i32 to index
      %get3A_809 = tpu.vector_load %arg7[%get3A_806, %get3A_807, %get3A_808] {strides = array<i32>} : memref<4x4x2048xf32, #tpu.memory_space<vmem>>, vector<1x1x16xf32>,
      %get3A_810 = vector.shape_cast %get3A_809 : vector<1x1x16xf32> to vector<16xf32>
      %mul3A_811 = arith.constant 0.812104344 : f32
      %mul3A_812 = vector.broadcast %mul3A_811 : f32 to vector<16xf32>
      %mul3A_813 = arith.mulf %mul3A_812, %get3A_803 : vector<16xf32>
      %mul3A_814 = arith.constant 0.187895656 : f32
      %mul3A_815 = vector.broadcast %mul3A_814 : f32 to vector<16xf32>
      %mul3A_816 = arith.mulf %mul3A_815, %get3A_810 : vector<16xf32>
      %add3A_817 = arith.addf %mul3A_813, %mul3A_816 : vector<16xf32>
      %swap3A_818 = arith.constant 1 : i32
      %swap3A_819 = arith.constant 2 : i32
      %swap3A_820 = arith.index_cast %swap3A_818 : i32 to index
      %swap3A_821 = arith.index_cast %swap3A_819 : i32 to index
      %swap3A_822 = arith.index_cast %mul3A_740 : i32 to index
      %swap3A_823 = tpu.vector_load %arg8[%swap3A_820, %swap3A_821, %swap3A_822] {strides = array<i32>} : memref<4x4x2048xf32, #tpu.memory_space<vmem>>, vector<1x1x16xf32>,
      %swap3A_824 = vector.shape_cast %swap3A_823 : vector<1x1x16xf32> to vector<16xf32>
      %swap3A_825 = vector.shape_cast %add3A_817 : vector<16xf32> to vector<1x1x16xf32>
      tpu.vector_store %arg8[%swap3A_820, %swap3A_821, %swap3A_822], %swap3A_825 {strides = array<i32>} : memref<4x4x2048xf32, #tpu.memory_space<vmem>>, vector<1x1x16xf32>,
      %get3A_826 = arith.constant 1 : i32
      %get3A_827 = arith.constant 3 : i32
      %get3A_828 = arith.index_cast %get3A_826 : i32 to index
      %get3A_829 = arith.index_cast %get3A_827 : i32 to index
      %get3A_830 = arith.index_cast %mul3A_740 : i32 to index
      %get3A_831 = tpu.vector_load %arg6[%get3A_828, %get3A_829, %get3A_830] {strides = array<i32>} : memref<4x4x2048xf32, #tpu.memory_space<vmem>>, vector<1x1x16xf32>,
      %get3A_832 = vector.shape_cast %get3A_831 : vector<1x1x16xf32> to vector<16xf32>
      %get3A_833 = arith.constant 1 : i32
      %get3A_834 = arith.constant 3 : i32
      %get3A_835 = arith.index_cast %get3A_833 : i32 to index
      %get3A_836 = arith.index_cast %get3A_834 : i32 to index
      %get3A_837 = arith.index_cast %mul3A_740 : i32 to index
      %get3A_838 = tpu.vector_load %arg7[%get3A_835, %get3A_836, %get3A_837] {strides = array<i32>} : memref<4x4x2048xf32, #tpu.memory_space<vmem>>, vector<1x1x16xf32>,
      %get3A_839 = vector.shape_cast %get3A_838 : vector<1x1x16xf32> to vector<16xf32>
      %mul3A_840 = arith.constant 0.812104344 : f32
      %mul3A_841 = vector.broadcast %mul3A_840 : f32 to vector<16xf32>
      %mul3A_842 = arith.mulf %mul3A_841, %get3A_832 : vector<16xf32>
      %mul3A_843 = arith.constant 0.187895656 : f32
      %mul3A_844 = vector.broadcast %mul3A_843 : f32 to vector<16xf32>
      %mul3A_845 = arith.mulf %mul3A_844, %get3A_839 : vector<16xf32>
      %add3A_846 = arith.addf %mul3A_842, %mul3A_845 : vector<16xf32>
      %swap3A_847 = arith.constant 1 : i32
      %swap3A_848 = arith.constant 3 : i32
      %swap3A_849 = arith.index_cast %swap3A_847 : i32 to index
      %swap3A_850 = arith.index_cast %swap3A_848 : i32 to index
      %swap3A_851 = arith.index_cast %mul3A_740 : i32 to index
      %swap3A_852 = tpu.vector_load %arg8[%swap3A_849, %swap3A_850, %swap3A_851] {strides = array<i32>} : memref<4x4x2048xf32, #tpu.memory_space<vmem>>, vector<1x1x16xf32>,
      %swap3A_853 = vector.shape_cast %swap3A_852 : vector<1x1x16xf32> to vector<16xf32>
      %swap3A_854 = vector.shape_cast %add3A_846 : vector<16xf32> to vector<1x1x16xf32>
      tpu.vector_store %arg8[%swap3A_849, %swap3A_850, %swap3A_851], %swap3A_854 {strides = array<i32>} : memref<4x4x2048xf32, #tpu.memory_space<vmem>>, vector<1x1x16xf32>,
      %scan3A_855 = arith.constant 0 : i32
      scf.yield %scan3A_855 : i32
    }
    %scan3A_219 = arith.constant 128 : i32
    %add3A_220 = arith.constant 4 : i32
    %add3A_221 = arith.addi %mul3A_2, %add3A_220 : i32
    %dma_start3A_222 = arith.constant 1 : i32
    %dma_start3A_223 = arith.constant 0 : i32
    %dma_start3A_224 = arith.constant 0 : i32
    %dma_start3A_225 = tpu.memref_slice %arg8[%dma_start3A_222, %dma_start3A_223, %dma_start3A_224] : memref<4x4x2048xf32, #tpu.memory_space<vmem>> -> memref<1x4x2048xf32, #tpu.memory_space<vmem>>
    %dma_start3A_226 = tpu.memref_squeeze %dma_start3A_225 : memref<1x4x2048xf32, #tpu.memory_space<vmem>> -> memref<4x2048xf32, #tpu.memory_space<vmem>>
    %dma_start3A_227 = arith.constant 0 : i32
    %dma_start3A_228 = tpu.memref_slice %arg4[%add3A_221, %dma_start3A_227] : memref<16384x2048xf32, #tpu.memory_space<hbm>> -> memref<4x2048xf32, #tpu.memory_space<hbm>>
    %dma_start3A_229 = arith.constant 0 : i32
    %dma_start3A_230 = tpu.memref_slice %arg4[%add3A_221, %dma_start3A_229] : memref<16384x2048xf32, #tpu.memory_space<hbm>> -> memref<4x2048xf32, #tpu.memory_space<hbm>>
    %dma_start3A_231 = arith.constant 0 : i32
    %dma_start3A_232 = arith.constant 0 : i32
    %dma_start3A_233 = tpu.memref_slice %arg8[%dma_start3A_222, %dma_start3A_231, %dma_start3A_232] : memref<4x4x2048xf32, #tpu.memory_space<vmem>> -> memref<1x4x2048xf32, #tpu.memory_space<vmem>>
    %dma_start3A_234 = tpu.memref_squeeze %dma_start3A_233 : memref<1x4x2048xf32, #tpu.memory_space<vmem>> -> memref<4x2048xf32, #tpu.memory_space<vmem>>
    tpu.enqueue_dma source(%dma_start3A_234 : memref<4x2048xf32, #tpu.memory_space<vmem>>) target(%dma_start3A_230 : memref<4x2048xf32, #tpu.memory_space<hbm>>) target_semaphore(%arg11 : memref<!tpu.dma_semaphore, #tpu.memory_space<semaphore_mem>>)
    %dma_start3A_235 = arith.constant 5 : i32
    %dma_start3A_236 = arith.constant 1 : i32
    %dma_start3A_237 = arith.constant 0 : i32
    %dma_start3A_238 = arith.constant 0 : i32
    %dma_start3A_239 = tpu.memref_slice %arg7[%dma_start3A_236, %dma_start3A_237, %dma_start3A_238] : memref<4x4x2048xf32, #tpu.memory_space<vmem>> -> memref<1x4x2048xf32, #tpu.memory_space<vmem>>
    %dma_start3A_240 = tpu.memref_squeeze %dma_start3A_239 : memref<1x4x2048xf32, #tpu.memory_space<vmem>> -> memref<4x2048xf32, #tpu.memory_space<vmem>>
    %dma_start3A_241 = arith.constant 0 : i32
    %dma_start3A_242 = tpu.memref_slice %arg5[%dma_start3A_235, %dma_start3A_241] : memref<128x4xi32, #tpu.memory_space<vmem>> -> memref<1x4xi32, #tpu.memory_space<vmem>>
    %dma_start3A_243 = tpu.memref_squeeze %dma_start3A_242 : memref<1x4xi32, #tpu.memory_space<vmem>> -> memref<4xi32, #tpu.memory_space<vmem>>
    %dma_start3A_244 = arith.constant 0 : i32
    %dma_start3A_245 = arith.constant 0 : i32
    %dma_start3A_246 = tpu.memref_slice %arg2[%dma_start3A_244, %dma_start3A_245] : memref<16384x2048xf32, #tpu.memory_space<hbm>> -> memref<16384x2048xf32, #tpu.memory_space<hbm>>
    tpu.enqueue_indirect_dma source(%dma_start3A_246 : memref<16384x2048xf32, #tpu.memory_space<hbm>>) target(%dma_start3A_240 : memref<4x2048xf32, #tpu.memory_space<vmem>>) offsets(%dma_start3A_243 : memref<4xi32, #tpu.memory_space<vmem>>) semaphore(%arg9 : memref<!tpu.dma_semaphore, #tpu.memory_space<semaphore_mem>>)
    %add3A_247 = arith.constant 20 : i32
    %add3A_248 = arith.addi %mul3A_2, %add3A_247 : i32
    %dma_start3A_249 = arith.constant 1 : i32
    %dma_start3A_250 = arith.constant 0 : i32
    %dma_start3A_251 = arith.constant 0 : i32
    %dma_start3A_252 = tpu.memref_slice %arg6[%dma_start3A_249, %dma_start3A_250, %dma_start3A_251] : memref<4x4x2048xf32, #tpu.memory_space<vmem>> -> memref<1x4x2048xf32, #tpu.memory_space<vmem>>
    %dma_start3A_253 = tpu.memref_squeeze %dma_start3A_252 : memref<1x4x2048xf32, #tpu.memory_space<vmem>> -> memref<4x2048xf32, #tpu.memory_space<vmem>>
    %dma_start3A_254 = arith.constant 0 : i32
    %dma_start3A_255 = tpu.memref_slice %arg2[%add3A_248, %dma_start3A_254] : memref<16384x2048xf32, #tpu.memory_space<hbm>> -> memref<4x2048xf32, #tpu.memory_space<hbm>>
    %dma_start3A_256 = arith.constant 0 : i32
    %dma_start3A_257 = arith.constant 0 : i32
    %dma_start3A_258 = tpu.memref_slice %arg6[%dma_start3A_249, %dma_start3A_256, %dma_start3A_257] : memref<4x4x2048xf32, #tpu.memory_space<vmem>> -> memref<1x4x2048xf32, #tpu.memory_space<vmem>>
    %dma_start3A_259 = tpu.memref_squeeze %dma_start3A_258 : memref<1x4x2048xf32, #tpu.memory_space<vmem>> -> memref<4x2048xf32, #tpu.memory_space<vmem>>
    %dma_start3A_260 = arith.constant 0 : i32
    %dma_start3A_261 = tpu.memref_slice %arg2[%add3A_248, %dma_start3A_260] : memref<16384x2048xf32, #tpu.memory_space<hbm>> -> memref<4x2048xf32, #tpu.memory_space<hbm>>
    tpu.enqueue_dma source(%dma_start3A_261 : memref<4x2048xf32, #tpu.memory_space<hbm>>) target(%dma_start3A_259 : memref<4x2048xf32, #tpu.memory_space<vmem>>) target_semaphore(%arg10 : memref<!tpu.dma_semaphore, #tpu.memory_space<semaphore_mem>>)
    %dma_wait3A_262 = arith.constant 2 : i32
    %dma_wait3A_263 = arith.constant 2 : i32
    %dma_wait3A_264 = arith.constant 0 : i32
    %dma_wait3A_265 = arith.constant 0 : i32
    %dma_wait3A_266 = tpu.memref_slice %arg7[%dma_wait3A_263, %dma_wait3A_264, %dma_wait3A_265] : memref<4x4x2048xf32, #tpu.memory_space<vmem>> -> memref<1x4x2048xf32, #tpu.memory_space<vmem>>
    %dma_wait3A_267 = tpu.memref_squeeze %dma_wait3A_266 : memref<1x4x2048xf32, #tpu.memory_space<vmem>> -> memref<4x2048xf32, #tpu.memory_space<vmem>>
    %dma_wait3A_268 = arith.constant 0 : i32
    %dma_wait3A_269 = tpu.memref_slice %arg5[%dma_wait3A_262, %dma_wait3A_268] : memref<128x4xi32, #tpu.memory_space<vmem>> -> memref<1x4xi32, #tpu.memory_space<vmem>>
    %dma_wait3A_270 = tpu.memref_squeeze %dma_wait3A_269 : memref<1x4xi32, #tpu.memory_space<vmem>> -> memref<4xi32, #tpu.memory_space<vmem>>
    %dma_wait3A_271 = arith.constant 0 : i32
    %dma_wait3A_272 = arith.constant 0 : i32
    %dma_wait3A_273 = tpu.memref_slice %arg2[%dma_wait3A_271, %dma_wait3A_272] : memref<16384x2048xf32, #tpu.memory_space<hbm>> -> memref<16384x2048xf32, #tpu.memory_space<hbm>>
    tpu.wait_indirect_dma semaphore(%arg9 : memref<!tpu.dma_semaphore, #tpu.memory_space<semaphore_mem>>) src(%dma_wait3A_273 : memref<16384x2048xf32, #tpu.memory_space<hbm>>) dst(%dma_wait3A_267 : memref<4x2048xf32, #tpu.memory_space<vmem>>)
    %add3A_274 = arith.constant 8 : i32
    %add3A_275 = arith.addi %mul3A_2, %add3A_274 : i32
    %dma_wait3A_276 = arith.constant 2 : i32
    %dma_wait3A_277 = arith.constant 0 : i32
    %dma_wait3A_278 = arith.constant 0 : i32
    %dma_wait3A_279 = tpu.memref_slice %arg6[%dma_wait3A_276, %dma_wait3A_277, %dma_wait3A_278] : memref<4x4x2048xf32, #tpu.memory_space<vmem>> -> memref<1x4x2048xf32, #tpu.memory_space<vmem>>
    %dma_wait3A_280 = tpu.memref_squeeze %dma_wait3A_279 : memref<1x4x2048xf32, #tpu.memory_space<vmem>> -> memref<4x2048xf32, #tpu.memory_space<vmem>>
    %dma_wait3A_281 = arith.constant 0 : i32
    %dma_wait3A_282 = tpu.memref_slice %arg2[%add3A_275, %dma_wait3A_281] : memref<16384x2048xf32, #tpu.memory_space<hbm>> -> memref<4x2048xf32, #tpu.memory_space<hbm>>
    %dma_wait3A_283 = arith.constant 0 : i32
    %dma_wait3A_284 = arith.constant 0 : i32
    %dma_wait3A_285 = tpu.memref_slice %arg6[%dma_wait3A_276, %dma_wait3A_283, %dma_wait3A_284] : memref<4x4x2048xf32, #tpu.memory_space<vmem>> -> memref<1x4x2048xf32, #tpu.memory_space<vmem>>
    %dma_wait3A_286 = tpu.memref_squeeze %dma_wait3A_285 : memref<1x4x2048xf32, #tpu.memory_space<vmem>> -> memref<4x2048xf32, #tpu.memory_space<vmem>>
    %dma_wait3A_287 = arith.constant 0 : i32
    %dma_wait3A_288 = tpu.memref_slice %arg2[%add3A_275, %dma_wait3A_287] : memref<16384x2048xf32, #tpu.memory_space<hbm>> -> memref<4x2048xf32, #tpu.memory_space<hbm>>
    tpu.wait_dma2 semaphore(%arg10 : memref<!tpu.dma_semaphore, #tpu.memory_space<semaphore_mem>>) src(%dma_wait3A_288 : memref<4x2048xf32, #tpu.memory_space<hbm>>) dst(%dma_wait3A_286 : memref<4x2048xf32, #tpu.memory_space<vmem>>)
    %scan3A_289 = arith.constant 0 : i32
    %scan3A_290 = arith.constant 0 : i32
    %scan3A_291 = arith.constant 128 : i32
    %scan3A_292 = arith.addi %scan3A_290, %scan3A_291 : i32
    %scan3A_293 = arith.constant 1 : i32
    %scan3A_294 = scf.for %scan3A_737 = %scan3A_290 to %scan3A_292 step %scan3A_293 iter_args(%scan3A_738 = %scan3A_289) -> (i32)  : i32 {
      %mul3A_739 = arith.constant 16 : i32
      %mul3A_740 = arith.muli %scan3A_737, %mul3A_739 : i32
      %get3A = arith.constant 2 : i32
      %get3A_741 = arith.constant 0 : i32
      %get3A_742 = arith.index_cast %get3A : i32 to index
      %get3A_743 = arith.index_cast %get3A_741 : i32 to index
      %get3A_744 = arith.index_cast %mul3A_740 : i32 to index
      %get3A_745 = tpu.vector_load %arg6[%get3A_742, %get3A_743, %get3A_744] {strides = array<i32>} : memref<4x4x2048xf32, #tpu.memory_space<vmem>>, vector<1x1x16xf32>,
      %get3A_746 = vector.shape_cast %get3A_745 : vector<1x1x16xf32> to vector<16xf32>
      %get3A_747 = arith.constant 2 : i32
      %get3A_748 = arith.constant 0 : i32
      %get3A_749 = arith.index_cast %get3A_747 : i32 to index
      %get3A_750 = arith.index_cast %get3A_748 : i32 to index
      %get3A_751 = arith.index_cast %mul3A_740 : i32 to index
      %get3A_752 = tpu.vector_load %arg7[%get3A_749, %get3A_750, %get3A_751] {strides = array<i32>} : memref<4x4x2048xf32, #tpu.memory_space<vmem>>, vector<1x1x16xf32>,
      %get3A_753 = vector.shape_cast %get3A_752 : vector<1x1x16xf32> to vector<16xf32>
      %mul3A_754 = arith.constant 0.812104344 : f32
      %mul3A_755 = vector.broadcast %mul3A_754 : f32 to vector<16xf32>
      %mul3A_756 = arith.mulf %mul3A_755, %get3A_746 : vector<16xf32>
      %mul3A_757 = arith.constant 0.187895656 : f32
      %mul3A_758 = vector.broadcast %mul3A_757 : f32 to vector<16xf32>
      %mul3A_759 = arith.mulf %mul3A_758, %get3A_753 : vector<16xf32>
      %add3A_760 = arith.addf %mul3A_756, %mul3A_759 : vector<16xf32>
      %swap3A = arith.constant 2 : i32
      %swap3A_761 = arith.constant 0 : i32
      %swap3A_762 = arith.index_cast %swap3A : i32 to index
      %swap3A_763 = arith.index_cast %swap3A_761 : i32 to index
      %swap3A_764 = arith.index_cast %mul3A_740 : i32 to index
      %swap3A_765 = tpu.vector_load %arg8[%swap3A_762, %swap3A_763, %swap3A_764] {strides = array<i32>} : memref<4x4x2048xf32, #tpu.memory_space<vmem>>, vector<1x1x16xf32>,
      %swap3A_766 = vector.shape_cast %swap3A_765 : vector<1x1x16xf32> to vector<16xf32>
      %swap3A_767 = vector.shape_cast %add3A_760 : vector<16xf32> to vector<1x1x16xf32>
      tpu.vector_store %arg8[%swap3A_762, %swap3A_763, %swap3A_764], %swap3A_767 {strides = array<i32>} : memref<4x4x2048xf32, #tpu.memory_space<vmem>>, vector<1x1x16xf32>,
      %get3A_768 = arith.constant 2 : i32
      %get3A_769 = arith.constant 1 : i32
      %get3A_770 = arith.index_cast %get3A_768 : i32 to index
      %get3A_771 = arith.index_cast %get3A_769 : i32 to index
      %get3A_772 = arith.index_cast %mul3A_740 : i32 to index
      %get3A_773 = tpu.vector_load %arg6[%get3A_770, %get3A_771, %get3A_772] {strides = array<i32>} : memref<4x4x2048xf32, #tpu.memory_space<vmem>>, vector<1x1x16xf32>,
      %get3A_774 = vector.shape_cast %get3A_773 : vector<1x1x16xf32> to vector<16xf32>
      %get3A_775 = arith.constant 2 : i32
      %get3A_776 = arith.constant 1 : i32
      %get3A_777 = arith.index_cast %get3A_775 : i32 to index
      %get3A_778 = arith.index_cast %get3A_776 : i32 to index
      %get3A_779 = arith.index_cast %mul3A_740 : i32 to index
      %get3A_780 = tpu.vector_load %arg7[%get3A_777, %get3A_778, %get3A_779] {strides = array<i32>} : memref<4x4x2048xf32, #tpu.memory_space<vmem>>, vector<1x1x16xf32>,
      %get3A_781 = vector.shape_cast %get3A_780 : vector<1x1x16xf32> to vector<16xf32>
      %mul3A_782 = arith.constant 0.812104344 : f32
      %mul3A_783 = vector.broadcast %mul3A_782 : f32 to vector<16xf32>
      %mul3A_784 = arith.mulf %mul3A_783, %get3A_774 : vector<16xf32>
      %mul3A_785 = arith.constant 0.187895656 : f32
      %mul3A_786 = vector.broadcast %mul3A_785 : f32 to vector<16xf32>
      %mul3A_787 = arith.mulf %mul3A_786, %get3A_781 : vector<16xf32>
      %add3A_788 = arith.addf %mul3A_784, %mul3A_787 : vector<16xf32>
      %swap3A_789 = arith.constant 2 : i32
      %swap3A_790 = arith.constant 1 : i32
      %swap3A_791 = arith.index_cast %swap3A_789 : i32 to index
      %swap3A_792 = arith.index_cast %swap3A_790 : i32 to index
      %swap3A_793 = arith.index_cast %mul3A_740 : i32 to index
      %swap3A_794 = tpu.vector_load %arg8[%swap3A_791, %swap3A_792, %swap3A_793] {strides = array<i32>} : memref<4x4x2048xf32, #tpu.memory_space<vmem>>, vector<1x1x16xf32>,
      %swap3A_795 = vector.shape_cast %swap3A_794 : vector<1x1x16xf32> to vector<16xf32>
      %swap3A_796 = vector.shape_cast %add3A_788 : vector<16xf32> to vector<1x1x16xf32>
      tpu.vector_store %arg8[%swap3A_791, %swap3A_792, %swap3A_793], %swap3A_796 {strides = array<i32>} : memref<4x4x2048xf32, #tpu.memory_space<vmem>>, vector<1x1x16xf32>,
      %get3A_797 = arith.constant 2 : i32
      %get3A_798 = arith.constant 2 : i32
      %get3A_799 = arith.index_cast %get3A_797 : i32 to index
      %get3A_800 = arith.index_cast %get3A_798 : i32 to index
      %get3A_801 = arith.index_cast %mul3A_740 : i32 to index
      %get3A_802 = tpu.vector_load %arg6[%get3A_799, %get3A_800, %get3A_801] {strides = array<i32>} : memref<4x4x2048xf32, #tpu.memory_space<vmem>>, vector<1x1x16xf32>,
      %get3A_803 = vector.shape_cast %get3A_802 : vector<1x1x16xf32> to vector<16xf32>
      %get3A_804 = arith.constant 2 : i32
      %get3A_805 = arith.constant 2 : i32
      %get3A_806 = arith.index_cast %get3A_804 : i32 to index
      %get3A_807 = arith.index_cast %get3A_805 : i32 to index
      %get3A_808 = arith.index_cast %mul3A_740 : i32 to index
      %get3A_809 = tpu.vector_load %arg7[%get3A_806, %get3A_807, %get3A_808] {strides = array<i32>} : memref<4x4x2048xf32, #tpu.memory_space<vmem>>, vector<1x1x16xf32>,
      %get3A_810 = vector.shape_cast %get3A_809 : vector<1x1x16xf32> to vector<16xf32>
      %mul3A_811 = arith.constant 0.812104344 : f32
      %mul3A_812 = vector.broadcast %mul3A_811 : f32 to vector<16xf32>
      %mul3A_813 = arith.mulf %mul3A_812, %get3A_803 : vector<16xf32>
      %mul3A_814 = arith.constant 0.187895656 : f32
      %mul3A_815 = vector.broadcast %mul3A_814 : f32 to vector<16xf32>
      %mul3A_816 = arith.mulf %mul3A_815, %get3A_810 : vector<16xf32>
      %add3A_817 = arith.addf %mul3A_813, %mul3A_816 : vector<16xf32>
      %swap3A_818 = arith.constant 2 : i32
      %swap3A_819 = arith.constant 2 : i32
      %swap3A_820 = arith.index_cast %swap3A_818 : i32 to index
      %swap3A_821 = arith.index_cast %swap3A_819 : i32 to index
      %swap3A_822 = arith.index_cast %mul3A_740 : i32 to index
      %swap3A_823 = tpu.vector_load %arg8[%swap3A_820, %swap3A_821, %swap3A_822] {strides = array<i32>} : memref<4x4x2048xf32, #tpu.memory_space<vmem>>, vector<1x1x16xf32>,
      %swap3A_824 = vector.shape_cast %swap3A_823 : vector<1x1x16xf32> to vector<16xf32>
      %swap3A_825 = vector.shape_cast %add3A_817 : vector<16xf32> to vector<1x1x16xf32>
      tpu.vector_store %arg8[%swap3A_820, %swap3A_821, %swap3A_822], %swap3A_825 {strides = array<i32>} : memref<4x4x2048xf32, #tpu.memory_space<vmem>>, vector<1x1x16xf32>,
      %get3A_826 = arith.constant 2 : i32
      %get3A_827 = arith.constant 3 : i32
      %get3A_828 = arith.index_cast %get3A_826 : i32 to index
      %get3A_829 = arith.index_cast %get3A_827 : i32 to index
      %get3A_830 = arith.index_cast %mul3A_740 : i32 to index
      %get3A_831 = tpu.vector_load %arg6[%get3A_828, %get3A_829, %get3A_830] {strides = array<i32>} : memref<4x4x2048xf32, #tpu.memory_space<vmem>>, vector<1x1x16xf32>,
      %get3A_832 = vector.shape_cast %get3A_831 : vector<1x1x16xf32> to vector<16xf32>
      %get3A_833 = arith.constant 2 : i32
      %get3A_834 = arith.constant 3 : i32
      %get3A_835 = arith.index_cast %get3A_833 : i32 to index
      %get3A_836 = arith.index_cast %get3A_834 : i32 to index
      %get3A_837 = arith.index_cast %mul3A_740 : i32 to index
      %get3A_838 = tpu.vector_load %arg7[%get3A_835, %get3A_836, %get3A_837] {strides = array<i32>} : memref<4x4x2048xf32, #tpu.memory_space<vmem>>, vector<1x1x16xf32>,
      %get3A_839 = vector.shape_cast %get3A_838 : vector<1x1x16xf32> to vector<16xf32>
      %mul3A_840 = arith.constant 0.812104344 : f32
      %mul3A_841 = vector.broadcast %mul3A_840 : f32 to vector<16xf32>
      %mul3A_842 = arith.mulf %mul3A_841, %get3A_832 : vector<16xf32>
      %mul3A_843 = arith.constant 0.187895656 : f32
      %mul3A_844 = vector.broadcast %mul3A_843 : f32 to vector<16xf32>
      %mul3A_845 = arith.mulf %mul3A_844, %get3A_839 : vector<16xf32>
      %add3A_846 = arith.addf %mul3A_842, %mul3A_845 : vector<16xf32>
      %swap3A_847 = arith.constant 2 : i32
      %swap3A_848 = arith.constant 3 : i32
      %swap3A_849 = arith.index_cast %swap3A_847 : i32 to index
      %swap3A_850 = arith.index_cast %swap3A_848 : i32 to index
      %swap3A_851 = arith.index_cast %mul3A_740 : i32 to index
      %swap3A_852 = tpu.vector_load %arg8[%swap3A_849, %swap3A_850, %swap3A_851] {strides = array<i32>} : memref<4x4x2048xf32, #tpu.memory_space<vmem>>, vector<1x1x16xf32>,
      %swap3A_853 = vector.shape_cast %swap3A_852 : vector<1x1x16xf32> to vector<16xf32>
      %swap3A_854 = vector.shape_cast %add3A_846 : vector<16xf32> to vector<1x1x16xf32>
      tpu.vector_store %arg8[%swap3A_849, %swap3A_850, %swap3A_851], %swap3A_854 {strides = array<i32>} : memref<4x4x2048xf32, #tpu.memory_space<vmem>>, vector<1x1x16xf32>,
      %scan3A_855 = arith.constant 0 : i32
      scf.yield %scan3A_855 : i32
    }
    %scan3A_295 = arith.constant 128 : i32
    %add3A_296 = arith.constant 8 : i32
    %add3A_297 = arith.addi %mul3A_2, %add3A_296 : i32
    %dma_start3A_298 = arith.constant 2 : i32
    %dma_start3A_299 = arith.constant 0 : i32
    %dma_start3A_300 = arith.constant 0 : i32
    %dma_start3A_301 = tpu.memref_slice %arg8[%dma_start3A_298, %dma_start3A_299, %dma_start3A_300] : memref<4x4x2048xf32, #tpu.memory_space<vmem>> -> memref<1x4x2048xf32, #tpu.memory_space<vmem>>
    %dma_start3A_302 = tpu.memref_squeeze %dma_start3A_301 : memref<1x4x2048xf32, #tpu.memory_space<vmem>> -> memref<4x2048xf32, #tpu.memory_space<vmem>>
    %dma_start3A_303 = arith.constant 0 : i32
    %dma_start3A_304 = tpu.memref_slice %arg4[%add3A_297, %dma_start3A_303] : memref<16384x2048xf32, #tpu.memory_space<hbm>> -> memref<4x2048xf32, #tpu.memory_space<hbm>>
    %dma_start3A_305 = arith.constant 0 : i32
    %dma_start3A_306 = tpu.memref_slice %arg4[%add3A_297, %dma_start3A_305] : memref<16384x2048xf32, #tpu.memory_space<hbm>> -> memref<4x2048xf32, #tpu.memory_space<hbm>>
    %dma_start3A_307 = arith.constant 0 : i32
    %dma_start3A_308 = arith.constant 0 : i32
    %dma_start3A_309 = tpu.memref_slice %arg8[%dma_start3A_298, %dma_start3A_307, %dma_start3A_308] : memref<4x4x2048xf32, #tpu.memory_space<vmem>> -> memref<1x4x2048xf32, #tpu.memory_space<vmem>>
    %dma_start3A_310 = tpu.memref_squeeze %dma_start3A_309 : memref<1x4x2048xf32, #tpu.memory_space<vmem>> -> memref<4x2048xf32, #tpu.memory_space<vmem>>
    tpu.enqueue_dma source(%dma_start3A_310 : memref<4x2048xf32, #tpu.memory_space<vmem>>) target(%dma_start3A_306 : memref<4x2048xf32, #tpu.memory_space<hbm>>) target_semaphore(%arg11 : memref<!tpu.dma_semaphore, #tpu.memory_space<semaphore_mem>>)
    %dma_start3A_311 = arith.constant 6 : i32
    %dma_start3A_312 = arith.constant 2 : i32
    %dma_start3A_313 = arith.constant 0 : i32
    %dma_start3A_314 = arith.constant 0 : i32
    %dma_start3A_315 = tpu.memref_slice %arg7[%dma_start3A_312, %dma_start3A_313, %dma_start3A_314] : memref<4x4x2048xf32, #tpu.memory_space<vmem>> -> memref<1x4x2048xf32, #tpu.memory_space<vmem>>
    %dma_start3A_316 = tpu.memref_squeeze %dma_start3A_315 : memref<1x4x2048xf32, #tpu.memory_space<vmem>> -> memref<4x2048xf32, #tpu.memory_space<vmem>>
    %dma_start3A_317 = arith.constant 0 : i32
    %dma_start3A_318 = tpu.memref_slice %arg5[%dma_start3A_311, %dma_start3A_317] : memref<128x4xi32, #tpu.memory_space<vmem>> -> memref<1x4xi32, #tpu.memory_space<vmem>>
    %dma_start3A_319 = tpu.memref_squeeze %dma_start3A_318 : memref<1x4xi32, #tpu.memory_space<vmem>> -> memref<4xi32, #tpu.memory_space<vmem>>
    %dma_start3A_320 = arith.constant 0 : i32
    %dma_start3A_321 = arith.constant 0 : i32
    %dma_start3A_322 = tpu.memref_slice %arg2[%dma_start3A_320, %dma_start3A_321] : memref<16384x2048xf32, #tpu.memory_space<hbm>> -> memref<16384x2048xf32, #tpu.memory_space<hbm>>
    tpu.enqueue_indirect_dma source(%dma_start3A_322 : memref<16384x2048xf32, #tpu.memory_space<hbm>>) target(%dma_start3A_316 : memref<4x2048xf32, #tpu.memory_space<vmem>>) offsets(%dma_start3A_319 : memref<4xi32, #tpu.memory_space<vmem>>) semaphore(%arg9 : memref<!tpu.dma_semaphore, #tpu.memory_space<semaphore_mem>>)
    %add3A_323 = arith.constant 24 : i32
    %add3A_324 = arith.addi %mul3A_2, %add3A_323 : i32
    %dma_start3A_325 = arith.constant 2 : i32
    %dma_start3A_326 = arith.constant 0 : i32
    %dma_start3A_327 = arith.constant 0 : i32
    %dma_start3A_328 = tpu.memref_slice %arg6[%dma_start3A_325, %dma_start3A_326, %dma_start3A_327] : memref<4x4x2048xf32, #tpu.memory_space<vmem>> -> memref<1x4x2048xf32, #tpu.memory_space<vmem>>
    %dma_start3A_329 = tpu.memref_squeeze %dma_start3A_328 : memref<1x4x2048xf32, #tpu.memory_space<vmem>> -> memref<4x2048xf32, #tpu.memory_space<vmem>>
    %dma_start3A_330 = arith.constant 0 : i32
    %dma_start3A_331 = tpu.memref_slice %arg2[%add3A_324, %dma_start3A_330] : memref<16384x2048xf32, #tpu.memory_space<hbm>> -> memref<4x2048xf32, #tpu.memory_space<hbm>>
    %dma_start3A_332 = arith.constant 0 : i32
    %dma_start3A_333 = arith.constant 0 : i32
    %dma_start3A_334 = tpu.memref_slice %arg6[%dma_start3A_325, %dma_start3A_332, %dma_start3A_333] : memref<4x4x2048xf32, #tpu.memory_space<vmem>> -> memref<1x4x2048xf32, #tpu.memory_space<vmem>>
    %dma_start3A_335 = tpu.memref_squeeze %dma_start3A_334 : memref<1x4x2048xf32, #tpu.memory_space<vmem>> -> memref<4x2048xf32, #tpu.memory_space<vmem>>
    %dma_start3A_336 = arith.constant 0 : i32
    %dma_start3A_337 = tpu.memref_slice %arg2[%add3A_324, %dma_start3A_336] : memref<16384x2048xf32, #tpu.memory_space<hbm>> -> memref<4x2048xf32, #tpu.memory_space<hbm>>
    tpu.enqueue_dma source(%dma_start3A_337 : memref<4x2048xf32, #tpu.memory_space<hbm>>) target(%dma_start3A_335 : memref<4x2048xf32, #tpu.memory_space<vmem>>) target_semaphore(%arg10 : memref<!tpu.dma_semaphore, #tpu.memory_space<semaphore_mem>>)
    %dma_wait3A_338 = arith.constant 3 : i32
    %dma_wait3A_339 = arith.constant 3 : i32
    %dma_wait3A_340 = arith.constant 0 : i32
    %dma_wait3A_341 = arith.constant 0 : i32
    %dma_wait3A_342 = tpu.memref_slice %arg7[%dma_wait3A_339, %dma_wait3A_340, %dma_wait3A_341] : memref<4x4x2048xf32, #tpu.memory_space<vmem>> -> memref<1x4x2048xf32, #tpu.memory_space<vmem>>
    %dma_wait3A_343 = tpu.memref_squeeze %dma_wait3A_342 : memref<1x4x2048xf32, #tpu.memory_space<vmem>> -> memref<4x2048xf32, #tpu.memory_space<vmem>>
    %dma_wait3A_344 = arith.constant 0 : i32
    %dma_wait3A_345 = tpu.memref_slice %arg5[%dma_wait3A_338, %dma_wait3A_344] : memref<128x4xi32, #tpu.memory_space<vmem>> -> memref<1x4xi32, #tpu.memory_space<vmem>>
    %dma_wait3A_346 = tpu.memref_squeeze %dma_wait3A_345 : memref<1x4xi32, #tpu.memory_space<vmem>> -> memref<4xi32, #tpu.memory_space<vmem>>
    %dma_wait3A_347 = arith.constant 0 : i32
    %dma_wait3A_348 = arith.constant 0 : i32
    %dma_wait3A_349 = tpu.memref_slice %arg2[%dma_wait3A_347, %dma_wait3A_348] : memref<16384x2048xf32, #tpu.memory_space<hbm>> -> memref<16384x2048xf32, #tpu.memory_space<hbm>>
    tpu.wait_indirect_dma semaphore(%arg9 : memref<!tpu.dma_semaphore, #tpu.memory_space<semaphore_mem>>) src(%dma_wait3A_349 : memref<16384x2048xf32, #tpu.memory_space<hbm>>) dst(%dma_wait3A_343 : memref<4x2048xf32, #tpu.memory_space<vmem>>)
    %add3A_350 = arith.constant 12 : i32
    %add3A_351 = arith.addi %mul3A_2, %add3A_350 : i32
    %dma_wait3A_352 = arith.constant 3 : i32
    %dma_wait3A_353 = arith.constant 0 : i32
    %dma_wait3A_354 = arith.constant 0 : i32
    %dma_wait3A_355 = tpu.memref_slice %arg6[%dma_wait3A_352, %dma_wait3A_353, %dma_wait3A_354] : memref<4x4x2048xf32, #tpu.memory_space<vmem>> -> memref<1x4x2048xf32, #tpu.memory_space<vmem>>
    %dma_wait3A_356 = tpu.memref_squeeze %dma_wait3A_355 : memref<1x4x2048xf32, #tpu.memory_space<vmem>> -> memref<4x2048xf32, #tpu.memory_space<vmem>>
    %dma_wait3A_357 = arith.constant 0 : i32
    %dma_wait3A_358 = tpu.memref_slice %arg2[%add3A_351, %dma_wait3A_357] : memref<16384x2048xf32, #tpu.memory_space<hbm>> -> memref<4x2048xf32, #tpu.memory_space<hbm>>
    %dma_wait3A_359 = arith.constant 0 : i32
    %dma_wait3A_360 = arith.constant 0 : i32
    %dma_wait3A_361 = tpu.memref_slice %arg6[%dma_wait3A_352, %dma_wait3A_359, %dma_wait3A_360] : memref<4x4x2048xf32, #tpu.memory_space<vmem>> -> memref<1x4x2048xf32, #tpu.memory_space<vmem>>
    %dma_wait3A_362 = tpu.memref_squeeze %dma_wait3A_361 : memref<1x4x2048xf32, #tpu.memory_space<vmem>> -> memref<4x2048xf32, #tpu.memory_space<vmem>>
    %dma_wait3A_363 = arith.constant 0 : i32
    %dma_wait3A_364 = tpu.memref_slice %arg2[%add3A_351, %dma_wait3A_363] : memref<16384x2048xf32, #tpu.memory_space<hbm>> -> memref<4x2048xf32, #tpu.memory_space<hbm>>
    tpu.wait_dma2 semaphore(%arg10 : memref<!tpu.dma_semaphore, #tpu.memory_space<semaphore_mem>>) src(%dma_wait3A_364 : memref<4x2048xf32, #tpu.memory_space<hbm>>) dst(%dma_wait3A_362 : memref<4x2048xf32, #tpu.memory_space<vmem>>)
    %scan3A_365 = arith.constant 0 : i32
    %scan3A_366 = arith.constant 0 : i32
    %scan3A_367 = arith.constant 128 : i32
    %scan3A_368 = arith.addi %scan3A_366, %scan3A_367 : i32
    %scan3A_369 = arith.constant 1 : i32
    %scan3A_370 = scf.for %scan3A_737 = %scan3A_366 to %scan3A_368 step %scan3A_369 iter_args(%scan3A_738 = %scan3A_365) -> (i32)  : i32 {
      %mul3A_739 = arith.constant 16 : i32
      %mul3A_740 = arith.muli %scan3A_737, %mul3A_739 : i32
      %get3A = arith.constant 3 : i32
      %get3A_741 = arith.constant 0 : i32
      %get3A_742 = arith.index_cast %get3A : i32 to index
      %get3A_743 = arith.index_cast %get3A_741 : i32 to index
      %get3A_744 = arith.index_cast %mul3A_740 : i32 to index
      %get3A_745 = tpu.vector_load %arg6[%get3A_742, %get3A_743, %get3A_744] {strides = array<i32>} : memref<4x4x2048xf32, #tpu.memory_space<vmem>>, vector<1x1x16xf32>,
      %get3A_746 = vector.shape_cast %get3A_745 : vector<1x1x16xf32> to vector<16xf32>
      %get3A_747 = arith.constant 3 : i32
      %get3A_748 = arith.constant 0 : i32
      %get3A_749 = arith.index_cast %get3A_747 : i32 to index
      %get3A_750 = arith.index_cast %get3A_748 : i32 to index
      %get3A_751 = arith.index_cast %mul3A_740 : i32 to index
      %get3A_752 = tpu.vector_load %arg7[%get3A_749, %get3A_750, %get3A_751] {strides = array<i32>} : memref<4x4x2048xf32, #tpu.memory_space<vmem>>, vector<1x1x16xf32>,
      %get3A_753 = vector.shape_cast %get3A_752 : vector<1x1x16xf32> to vector<16xf32>
      %mul3A_754 = arith.constant 0.812104344 : f32
      %mul3A_755 = vector.broadcast %mul3A_754 : f32 to vector<16xf32>
      %mul3A_756 = arith.mulf %mul3A_755, %get3A_746 : vector<16xf32>
      %mul3A_757 = arith.constant 0.187895656 : f32
      %mul3A_758 = vector.broadcast %mul3A_757 : f32 to vector<16xf32>
      %mul3A_759 = arith.mulf %mul3A_758, %get3A_753 : vector<16xf32>
      %add3A_760 = arith.addf %mul3A_756, %mul3A_759 : vector<16xf32>
      %swap3A = arith.constant 3 : i32
      %swap3A_761 = arith.constant 0 : i32
      %swap3A_762 = arith.index_cast %swap3A : i32 to index
      %swap3A_763 = arith.index_cast %swap3A_761 : i32 to index
      %swap3A_764 = arith.index_cast %mul3A_740 : i32 to index
      %swap3A_765 = tpu.vector_load %arg8[%swap3A_762, %swap3A_763, %swap3A_764] {strides = array<i32>} : memref<4x4x2048xf32, #tpu.memory_space<vmem>>, vector<1x1x16xf32>,
      %swap3A_766 = vector.shape_cast %swap3A_765 : vector<1x1x16xf32> to vector<16xf32>
      %swap3A_767 = vector.shape_cast %add3A_760 : vector<16xf32> to vector<1x1x16xf32>
      tpu.vector_store %arg8[%swap3A_762, %swap3A_763, %swap3A_764], %swap3A_767 {strides = array<i32>} : memref<4x4x2048xf32, #tpu.memory_space<vmem>>, vector<1x1x16xf32>,
      %get3A_768 = arith.constant 3 : i32
      %get3A_769 = arith.constant 1 : i32
      %get3A_770 = arith.index_cast %get3A_768 : i32 to index
      %get3A_771 = arith.index_cast %get3A_769 : i32 to index
      %get3A_772 = arith.index_cast %mul3A_740 : i32 to index
      %get3A_773 = tpu.vector_load %arg6[%get3A_770, %get3A_771, %get3A_772] {strides = array<i32>} : memref<4x4x2048xf32, #tpu.memory_space<vmem>>, vector<1x1x16xf32>,
      %get3A_774 = vector.shape_cast %get3A_773 : vector<1x1x16xf32> to vector<16xf32>
      %get3A_775 = arith.constant 3 : i32
      %get3A_776 = arith.constant 1 : i32
      %get3A_777 = arith.index_cast %get3A_775 : i32 to index
      %get3A_778 = arith.index_cast %get3A_776 : i32 to index
      %get3A_779 = arith.index_cast %mul3A_740 : i32 to index
      %get3A_780 = tpu.vector_load %arg7[%get3A_777, %get3A_778, %get3A_779] {strides = array<i32>} : memref<4x4x2048xf32, #tpu.memory_space<vmem>>, vector<1x1x16xf32>,
      %get3A_781 = vector.shape_cast %get3A_780 : vector<1x1x16xf32> to vector<16xf32>
      %mul3A_782 = arith.constant 0.812104344 : f32
      %mul3A_783 = vector.broadcast %mul3A_782 : f32 to vector<16xf32>
      %mul3A_784 = arith.mulf %mul3A_783, %get3A_774 : vector<16xf32>
      %mul3A_785 = arith.constant 0.187895656 : f32
      %mul3A_786 = vector.broadcast %mul3A_785 : f32 to vector<16xf32>
      %mul3A_787 = arith.mulf %mul3A_786, %get3A_781 : vector<16xf32>
      %add3A_788 = arith.addf %mul3A_784, %mul3A_787 : vector<16xf32>
      %swap3A_789 = arith.constant 3 : i32
      %swap3A_790 = arith.constant 1 : i32
      %swap3A_791 = arith.index_cast %swap3A_789 : i32 to index
      %swap3A_792 = arith.index_cast %swap3A_790 : i32 to index
      %swap3A_793 = arith.index_cast %mul3A_740 : i32 to index
      %swap3A_794 = tpu.vector_load %arg8[%swap3A_791, %swap3A_792, %swap3A_793] {strides = array<i32>} : memref<4x4x2048xf32, #tpu.memory_space<vmem>>, vector<1x1x16xf32>,
      %swap3A_795 = vector.shape_cast %swap3A_794 : vector<1x1x16xf32> to vector<16xf32>
      %swap3A_796 = vector.shape_cast %add3A_788 : vector<16xf32> to vector<1x1x16xf32>
      tpu.vector_store %arg8[%swap3A_791, %swap3A_792, %swap3A_793], %swap3A_796 {strides = array<i32>} : memref<4x4x2048xf32, #tpu.memory_space<vmem>>, vector<1x1x16xf32>,
      %get3A_797 = arith.constant 3 : i32
      %get3A_798 = arith.constant 2 : i32
      %get3A_799 = arith.index_cast %get3A_797 : i32 to index
      %get3A_800 = arith.index_cast %get3A_798 : i32 to index
      %get3A_801 = arith.index_cast %mul3A_740 : i32 to index
      %get3A_802 = tpu.vector_load %arg6[%get3A_799, %get3A_800, %get3A_801] {strides = array<i32>} : memref<4x4x2048xf32, #tpu.memory_space<vmem>>, vector<1x1x16xf32>,
      %get3A_803 = vector.shape_cast %get3A_802 : vector<1x1x16xf32> to vector<16xf32>
      %get3A_804 = arith.constant 3 : i32
      %get3A_805 = arith.constant 2 : i32
      %get3A_806 = arith.index_cast %get3A_804 : i32 to index
      %get3A_807 = arith.index_cast %get3A_805 : i32 to index
      %get3A_808 = arith.index_cast %mul3A_740 : i32 to index
      %get3A_809 = tpu.vector_load %arg7[%get3A_806, %get3A_807, %get3A_808] {strides = array<i32>} : memref<4x4x2048xf32, #tpu.memory_space<vmem>>, vector<1x1x16xf32>,
      %get3A_810 = vector.shape_cast %get3A_809 : vector<1x1x16xf32> to vector<16xf32>
      %mul3A_811 = arith.constant 0.812104344 : f32
      %mul3A_812 = vector.broadcast %mul3A_811 : f32 to vector<16xf32>
      %mul3A_813 = arith.mulf %mul3A_812, %get3A_803 : vector<16xf32>
      %mul3A_814 = arith.constant 0.187895656 : f32
      %mul3A_815 = vector.broadcast %mul3A_814 : f32 to vector<16xf32>
      %mul3A_816 = arith.mulf %mul3A_815, %get3A_810 : vector<16xf32>
      %add3A_817 = arith.addf %mul3A_813, %mul3A_816 : vector<16xf32>
      %swap3A_818 = arith.constant 3 : i32
      %swap3A_819 = arith.constant 2 : i32
      %swap3A_820 = arith.index_cast %swap3A_818 : i32 to index
      %swap3A_821 = arith.index_cast %swap3A_819 : i32 to index
      %swap3A_822 = arith.index_cast %mul3A_740 : i32 to index
      %swap3A_823 = tpu.vector_load %arg8[%swap3A_820, %swap3A_821, %swap3A_822] {strides = array<i32>} : memref<4x4x2048xf32, #tpu.memory_space<vmem>>, vector<1x1x16xf32>,
      %swap3A_824 = vector.shape_cast %swap3A_823 : vector<1x1x16xf32> to vector<16xf32>
      %swap3A_825 = vector.shape_cast %add3A_817 : vector<16xf32> to vector<1x1x16xf32>
      tpu.vector_store %arg8[%swap3A_820, %swap3A_821, %swap3A_822], %swap3A_825 {strides = array<i32>} : memref<4x4x2048xf32, #tpu.memory_space<vmem>>, vector<1x1x16xf32>,
      %get3A_826 = arith.constant 3 : i32
      %get3A_827 = arith.constant 3 : i32
      %get3A_828 = arith.index_cast %get3A_826 : i32 to index
      %get3A_829 = arith.index_cast %get3A_827 : i32 to index
      %get3A_830 = arith.index_cast %mul3A_740 : i32 to index
      %get3A_831 = tpu.vector_load %arg6[%get3A_828, %get3A_829, %get3A_830] {strides = array<i32>} : memref<4x4x2048xf32, #tpu.memory_space<vmem>>, vector<1x1x16xf32>,
      %get3A_832 = vector.shape_cast %get3A_831 : vector<1x1x16xf32> to vector<16xf32>
      %get3A_833 = arith.constant 3 : i32
      %get3A_834 = arith.constant 3 : i32
      %get3A_835 = arith.index_cast %get3A_833 : i32 to index
      %get3A_836 = arith.index_cast %get3A_834 : i32 to index
      %get3A_837 = arith.index_cast %mul3A_740 : i32 to index
      %get3A_838 = tpu.vector_load %arg7[%get3A_835, %get3A_836, %get3A_837] {strides = array<i32>} : memref<4x4x2048xf32, #tpu.memory_space<vmem>>, vector<1x1x16xf32>,
      %get3A_839 = vector.shape_cast %get3A_838 : vector<1x1x16xf32> to vector<16xf32>
      %mul3A_840 = arith.constant 0.812104344 : f32
      %mul3A_841 = vector.broadcast %mul3A_840 : f32 to vector<16xf32>
      %mul3A_842 = arith.mulf %mul3A_841, %get3A_832 : vector<16xf32>
      %mul3A_843 = arith.constant 0.187895656 : f32
      %mul3A_844 = vector.broadcast %mul3A_843 : f32 to vector<16xf32>
      %mul3A_845 = arith.mulf %mul3A_844, %get3A_839 : vector<16xf32>
      %add3A_846 = arith.addf %mul3A_842, %mul3A_845 : vector<16xf32>
      %swap3A_847 = arith.constant 3 : i32
      %swap3A_848 = arith.constant 3 : i32
      %swap3A_849 = arith.index_cast %swap3A_847 : i32 to index
      %swap3A_850 = arith.index_cast %swap3A_848 : i32 to index
      %swap3A_851 = arith.index_cast %mul3A_740 : i32 to index
      %swap3A_852 = tpu.vector_load %arg8[%swap3A_849, %swap3A_850, %swap3A_851] {strides = array<i32>} : memref<4x4x2048xf32, #tpu.memory_space<vmem>>, vector<1x1x16xf32>,
      %swap3A_853 = vector.shape_cast %swap3A_852 : vector<1x1x16xf32> to vector<16xf32>
      %swap3A_854 = vector.shape_cast %add3A_846 : vector<16xf32> to vector<1x1x16xf32>
      tpu.vector_store %arg8[%swap3A_849, %swap3A_850, %swap3A_851], %swap3A_854 {strides = array<i32>} : memref<4x4x2048xf32, #tpu.memory_space<vmem>>, vector<1x1x16xf32>,
      %scan3A_855 = arith.constant 0 : i32
      scf.yield %scan3A_855 : i32
    }
    %scan3A_371 = arith.constant 128 : i32
    %add3A_372 = arith.constant 12 : i32
    %add3A_373 = arith.addi %mul3A_2, %add3A_372 : i32
    %dma_start3A_374 = arith.constant 3 : i32
    %dma_start3A_375 = arith.constant 0 : i32
    %dma_start3A_376 = arith.constant 0 : i32
    %dma_start3A_377 = tpu.memref_slice %arg8[%dma_start3A_374, %dma_start3A_375, %dma_start3A_376] : memref<4x4x2048xf32, #tpu.memory_space<vmem>> -> memref<1x4x2048xf32, #tpu.memory_space<vmem>>
    %dma_start3A_378 = tpu.memref_squeeze %dma_start3A_377 : memref<1x4x2048xf32, #tpu.memory_space<vmem>> -> memref<4x2048xf32, #tpu.memory_space<vmem>>
    %dma_start3A_379 = arith.constant 0 : i32
    %dma_start3A_380 = tpu.memref_slice %arg4[%add3A_373, %dma_start3A_379] : memref<16384x2048xf32, #tpu.memory_space<hbm>> -> memref<4x2048xf32, #tpu.memory_space<hbm>>
    %dma_start3A_381 = arith.constant 0 : i32
    %dma_start3A_382 = tpu.memref_slice %arg4[%add3A_373, %dma_start3A_381] : memref<16384x2048xf32, #tpu.memory_space<hbm>> -> memref<4x2048xf32, #tpu.memory_space<hbm>>
    %dma_start3A_383 = arith.constant 0 : i32
    %dma_start3A_384 = arith.constant 0 : i32
    %dma_start3A_385 = tpu.memref_slice %arg8[%dma_start3A_374, %dma_start3A_383, %dma_start3A_384] : memref<4x4x2048xf32, #tpu.memory_space<vmem>> -> memref<1x4x2048xf32, #tpu.memory_space<vmem>>
    %dma_start3A_386 = tpu.memref_squeeze %dma_start3A_385 : memref<1x4x2048xf32, #tpu.memory_space<vmem>> -> memref<4x2048xf32, #tpu.memory_space<vmem>>
    tpu.enqueue_dma source(%dma_start3A_386 : memref<4x2048xf32, #tpu.memory_space<vmem>>) target(%dma_start3A_382 : memref<4x2048xf32, #tpu.memory_space<hbm>>) target_semaphore(%arg11 : memref<!tpu.dma_semaphore, #tpu.memory_space<semaphore_mem>>)
    %scan3A_387 = arith.constant 0 : i32
    %scan3A_388 = arith.constant 1 : i32
    %scan3A_389 = arith.constant 30 : i32
    %scan3A_390 = arith.addi %scan3A_388, %scan3A_389 : i32
    %scan3A_391 = arith.constant 1 : i32
    %scan3A_392 = scf.for %scan3A_737 = %scan3A_388 to %scan3A_390 step %scan3A_391 iter_args(%scan3A_738 = %scan3A_387) -> (i32)  : i32 {
      %mul3A_739 = arith.constant 4 : i32
      %mul3A_740 = arith.muli %mul3A_739, %scan3A_737 : i32
      %add3A_741 = arith.constant 0 : i32
      %add3A_742 = arith.addi %mul3A_740, %add3A_741 : i32
      %add3A_743 = arith.constant 3 : i32
      %add3A_744 = arith.addi %add3A_742, %add3A_743 : i32
      %dma_start3A_745 = arith.constant 3 : i32
      %dma_start3A_746 = arith.constant 0 : i32
      %dma_start3A_747 = arith.constant 0 : i32
      %dma_start3A_748 = tpu.memref_slice %arg7[%dma_start3A_745, %dma_start3A_746, %dma_start3A_747] : memref<4x4x2048xf32, #tpu.memory_space<vmem>> -> memref<1x4x2048xf32, #tpu.memory_space<vmem>>
      %dma_start3A_749 = tpu.memref_squeeze %dma_start3A_748 : memref<1x4x2048xf32, #tpu.memory_space<vmem>> -> memref<4x2048xf32, #tpu.memory_space<vmem>>
      %dma_start3A_750 = arith.constant 0 : i32
      %dma_start3A_751 = tpu.memref_slice %arg5[%add3A_744, %dma_start3A_750] : memref<128x4xi32, #tpu.memory_space<vmem>> -> memref<1x4xi32, #tpu.memory_space<vmem>>
      %dma_start3A_752 = tpu.memref_squeeze %dma_start3A_751 : memref<1x4xi32, #tpu.memory_space<vmem>> -> memref<4xi32, #tpu.memory_space<vmem>>
      %dma_start3A_753 = arith.constant 0 : i32
      %dma_start3A_754 = arith.constant 0 : i32
      %dma_start3A_755 = tpu.memref_slice %arg2[%dma_start3A_753, %dma_start3A_754] : memref<16384x2048xf32, #tpu.memory_space<hbm>> -> memref<16384x2048xf32, #tpu.memory_space<hbm>>
      tpu.enqueue_indirect_dma source(%dma_start3A_755 : memref<16384x2048xf32, #tpu.memory_space<hbm>>) target(%dma_start3A_749 : memref<4x2048xf32, #tpu.memory_space<vmem>>) offsets(%dma_start3A_752 : memref<4xi32, #tpu.memory_space<vmem>>) semaphore(%arg9 : memref<!tpu.dma_semaphore, #tpu.memory_space<semaphore_mem>>)
      %mul3A_756 = arith.constant 4 : i32
      %mul3A_757 = arith.muli %add3A_744, %mul3A_756 : i32
      %add3A_758 = arith.addi %mul3A_2, %mul3A_757 : i32
      %dma_start3A_759 = arith.constant 3 : i32
      %dma_start3A_760 = arith.constant 0 : i32
      %dma_start3A_761 = arith.constant 0 : i32
      %dma_start3A_762 = tpu.memref_slice %arg6[%dma_start3A_759, %dma_start3A_760, %dma_start3A_761] : memref<4x4x2048xf32, #tpu.memory_space<vmem>> -> memref<1x4x2048xf32, #tpu.memory_space<vmem>>
      %dma_start3A_763 = tpu.memref_squeeze %dma_start3A_762 : memref<1x4x2048xf32, #tpu.memory_space<vmem>> -> memref<4x2048xf32, #tpu.memory_space<vmem>>
      %dma_start3A_764 = arith.constant 0 : i32
      %dma_start3A_765 = tpu.memref_slice %arg2[%add3A_758, %dma_start3A_764] : memref<16384x2048xf32, #tpu.memory_space<hbm>> -> memref<4x2048xf32, #tpu.memory_space<hbm>>
      %dma_start3A_766 = arith.constant 0 : i32
      %dma_start3A_767 = arith.constant 0 : i32
      %dma_start3A_768 = tpu.memref_slice %arg6[%dma_start3A_759, %dma_start3A_766, %dma_start3A_767] : memref<4x4x2048xf32, #tpu.memory_space<vmem>> -> memref<1x4x2048xf32, #tpu.memory_space<vmem>>
      %dma_start3A_769 = tpu.memref_squeeze %dma_start3A_768 : memref<1x4x2048xf32, #tpu.memory_space<vmem>> -> memref<4x2048xf32, #tpu.memory_space<vmem>>
      %dma_start3A_770 = arith.constant 0 : i32
      %dma_start3A_771 = tpu.memref_slice %arg2[%add3A_758, %dma_start3A_770] : memref<16384x2048xf32, #tpu.memory_space<hbm>> -> memref<4x2048xf32, #tpu.memory_space<hbm>>
      tpu.enqueue_dma source(%dma_start3A_771 : memref<4x2048xf32, #tpu.memory_space<hbm>>) target(%dma_start3A_769 : memref<4x2048xf32, #tpu.memory_space<vmem>>) target_semaphore(%arg10 : memref<!tpu.dma_semaphore, #tpu.memory_space<semaphore_mem>>)
      %dma_wait3A_772 = arith.constant 0 : i32
      %dma_wait3A_773 = arith.constant 0 : i32
      %dma_wait3A_774 = arith.constant 0 : i32
      %dma_wait3A_775 = tpu.memref_slice %arg7[%dma_wait3A_772, %dma_wait3A_773, %dma_wait3A_774] : memref<4x4x2048xf32, #tpu.memory_space<vmem>> -> memref<1x4x2048xf32, #tpu.memory_space<vmem>>
      %dma_wait3A_776 = tpu.memref_squeeze %dma_wait3A_775 : memref<1x4x2048xf32, #tpu.memory_space<vmem>> -> memref<4x2048xf32, #tpu.memory_space<vmem>>
      %dma_wait3A_777 = arith.constant 0 : i32
      %dma_wait3A_778 = tpu.memref_slice %arg5[%add3A_742, %dma_wait3A_777] : memref<128x4xi32, #tpu.memory_space<vmem>> -> memref<1x4xi32, #tpu.memory_space<vmem>>
      %dma_wait3A_779 = tpu.memref_squeeze %dma_wait3A_778 : memref<1x4xi32, #tpu.memory_space<vmem>> -> memref<4xi32, #tpu.memory_space<vmem>>
      %dma_wait3A_780 = arith.constant 0 : i32
      %dma_wait3A_781 = arith.constant 0 : i32
      %dma_wait3A_782 = tpu.memref_slice %arg2[%dma_wait3A_780, %dma_wait3A_781] : memref<16384x2048xf32, #tpu.memory_space<hbm>> -> memref<16384x2048xf32, #tpu.memory_space<hbm>>
      tpu.wait_indirect_dma semaphore(%arg9 : memref<!tpu.dma_semaphore, #tpu.memory_space<semaphore_mem>>) src(%dma_wait3A_782 : memref<16384x2048xf32, #tpu.memory_space<hbm>>) dst(%dma_wait3A_776 : memref<4x2048xf32, #tpu.memory_space<vmem>>)
      %mul3A_783 = arith.constant 4 : i32
      %mul3A_784 = arith.muli %add3A_742, %mul3A_783 : i32
      %add3A_785 = arith.addi %mul3A_2, %mul3A_784 : i32
      %dma_wait3A_786 = arith.constant 0 : i32
      %dma_wait3A_787 = arith.constant 0 : i32
      %dma_wait3A_788 = arith.constant 0 : i32
      %dma_wait3A_789 = tpu.memref_slice %arg6[%dma_wait3A_786, %dma_wait3A_787, %dma_wait3A_788] : memref<4x4x2048xf32, #tpu.memory_space<vmem>> -> memref<1x4x2048xf32, #tpu.memory_space<vmem>>
      %dma_wait3A_790 = tpu.memref_squeeze %dma_wait3A_789 : memref<1x4x2048xf32, #tpu.memory_space<vmem>> -> memref<4x2048xf32, #tpu.memory_space<vmem>>
      %dma_wait3A_791 = arith.constant 0 : i32
      %dma_wait3A_792 = tpu.memref_slice %arg2[%add3A_785, %dma_wait3A_791] : memref<16384x2048xf32, #tpu.memory_space<hbm>> -> memref<4x2048xf32, #tpu.memory_space<hbm>>
      %dma_wait3A_793 = arith.constant 0 : i32
      %dma_wait3A_794 = arith.constant 0 : i32
      %dma_wait3A_795 = tpu.memref_slice %arg6[%dma_wait3A_786, %dma_wait3A_793, %dma_wait3A_794] : memref<4x4x2048xf32, #tpu.memory_space<vmem>> -> memref<1x4x2048xf32, #tpu.memory_space<vmem>>
      %dma_wait3A_796 = tpu.memref_squeeze %dma_wait3A_795 : memref<1x4x2048xf32, #tpu.memory_space<vmem>> -> memref<4x2048xf32, #tpu.memory_space<vmem>>
      %dma_wait3A_797 = arith.constant 0 : i32
      %dma_wait3A_798 = tpu.memref_slice %arg2[%add3A_785, %dma_wait3A_797] : memref<16384x2048xf32, #tpu.memory_space<hbm>> -> memref<4x2048xf32, #tpu.memory_space<hbm>>
      tpu.wait_dma2 semaphore(%arg10 : memref<!tpu.dma_semaphore, #tpu.memory_space<semaphore_mem>>) src(%dma_wait3A_798 : memref<4x2048xf32, #tpu.memory_space<hbm>>) dst(%dma_wait3A_796 : memref<4x2048xf32, #tpu.memory_space<vmem>>)
      %sub3A = arith.constant 4 : i32
      %sub3A_799 = arith.subi %add3A_742, %sub3A : i32
      %mul3A_800 = arith.constant 4 : i32
      %mul3A_801 = arith.muli %sub3A_799, %mul3A_800 : i32
      %add3A_802 = arith.addi %mul3A_2, %mul3A_801 : i32
      %dma_wait3A_803 = arith.constant 0 : i32
      %dma_wait3A_804 = arith.constant 0 : i32
      %dma_wait3A_805 = arith.constant 0 : i32
      %dma_wait3A_806 = tpu.memref_slice %arg8[%dma_wait3A_803, %dma_wait3A_804, %dma_wait3A_805] : memref<4x4x2048xf32, #tpu.memory_space<vmem>> -> memref<1x4x2048xf32, #tpu.memory_space<vmem>>
      %dma_wait3A_807 = tpu.memref_squeeze %dma_wait3A_806 : memref<1x4x2048xf32, #tpu.memory_space<vmem>> -> memref<4x2048xf32, #tpu.memory_space<vmem>>
      %dma_wait3A_808 = arith.constant 0 : i32
      %dma_wait3A_809 = tpu.memref_slice %arg4[%add3A_802, %dma_wait3A_808] : memref<16384x2048xf32, #tpu.memory_space<hbm>> -> memref<4x2048xf32, #tpu.memory_space<hbm>>
      %dma_wait3A_810 = arith.constant 0 : i32
      %dma_wait3A_811 = tpu.memref_slice %arg4[%add3A_802, %dma_wait3A_810] : memref<16384x2048xf32, #tpu.memory_space<hbm>> -> memref<4x2048xf32, #tpu.memory_space<hbm>>
      %dma_wait3A_812 = arith.constant 0 : i32
      %dma_wait3A_813 = arith.constant 0 : i32
      %dma_wait3A_814 = tpu.memref_slice %arg8[%dma_wait3A_803, %dma_wait3A_812, %dma_wait3A_813] : memref<4x4x2048xf32, #tpu.memory_space<vmem>> -> memref<1x4x2048xf32, #tpu.memory_space<vmem>>
      %dma_wait3A_815 = tpu.memref_squeeze %dma_wait3A_814 : memref<1x4x2048xf32, #tpu.memory_space<vmem>> -> memref<4x2048xf32, #tpu.memory_space<vmem>>
      tpu.wait_dma2 semaphore(%arg11 : memref<!tpu.dma_semaphore, #tpu.memory_space<semaphore_mem>>) src(%dma_wait3A_815 : memref<4x2048xf32, #tpu.memory_space<vmem>>) dst(%dma_wait3A_811 : memref<4x2048xf32, #tpu.memory_space<hbm>>)
      %scan3A_816 = arith.constant 0 : i32
      %scan3A_817 = arith.constant 0 : i32
      %scan3A_818 = arith.constant 128 : i32
      %scan3A_819 = arith.addi %scan3A_817, %scan3A_818 : i32
      %scan3A_820 = arith.constant 1 : i32
      %scan3A_821 = scf.for %scan3A_1137 = %scan3A_817 to %scan3A_819 step %scan3A_820 iter_args(%scan3A_1138 = %scan3A_816) -> (i32)  : i32 {
        %mul3A_1139 = arith.constant 16 : i32
        %mul3A_1140 = arith.muli %scan3A_1137, %mul3A_1139 : i32
        %get3A = arith.constant 0 : i32
        %get3A_1141 = arith.constant 0 : i32
        %get3A_1142 = arith.index_cast %get3A : i32 to index
        %get3A_1143 = arith.index_cast %get3A_1141 : i32 to index
        %get3A_1144 = arith.index_cast %mul3A_1140 : i32 to index
        %get3A_1145 = tpu.vector_load %arg6[%get3A_1142, %get3A_1143, %get3A_1144] {strides = array<i32>} : memref<4x4x2048xf32, #tpu.memory_space<vmem>>, vector<1x1x16xf32>,
        %get3A_1146 = vector.shape_cast %get3A_1145 : vector<1x1x16xf32> to vector<16xf32>
        %get3A_1147 = arith.constant 0 : i32
        %get3A_1148 = arith.constant 0 : i32
        %get3A_1149 = arith.index_cast %get3A_1147 : i32 to index
        %get3A_1150 = arith.index_cast %get3A_1148 : i32 to index
        %get3A_1151 = arith.index_cast %mul3A_1140 : i32 to index
        %get3A_1152 = tpu.vector_load %arg7[%get3A_1149, %get3A_1150, %get3A_1151] {strides = array<i32>} : memref<4x4x2048xf32, #tpu.memory_space<vmem>>, vector<1x1x16xf32>,
        %get3A_1153 = vector.shape_cast %get3A_1152 : vector<1x1x16xf32> to vector<16xf32>
        %mul3A_1154 = arith.constant 0.812104344 : f32
        %mul3A_1155 = vector.broadcast %mul3A_1154 : f32 to vector<16xf32>
        %mul3A_1156 = arith.mulf %mul3A_1155, %get3A_1146 : vector<16xf32>
        %mul3A_1157 = arith.constant 0.187895656 : f32
        %mul3A_1158 = vector.broadcast %mul3A_1157 : f32 to vector<16xf32>
        %mul3A_1159 = arith.mulf %mul3A_1158, %get3A_1153 : vector<16xf32>
        %add3A_1160 = arith.addf %mul3A_1156, %mul3A_1159 : vector<16xf32>
        %swap3A = arith.constant 0 : i32
        %swap3A_1161 = arith.constant 0 : i32
        %swap3A_1162 = arith.index_cast %swap3A : i32 to index
        %swap3A_1163 = arith.index_cast %swap3A_1161 : i32 to index
        %swap3A_1164 = arith.index_cast %mul3A_1140 : i32 to index
        %swap3A_1165 = tpu.vector_load %arg8[%swap3A_1162, %swap3A_1163, %swap3A_1164] {strides = array<i32>} : memref<4x4x2048xf32, #tpu.memory_space<vmem>>, vector<1x1x16xf32>,
        %swap3A_1166 = vector.shape_cast %swap3A_1165 : vector<1x1x16xf32> to vector<16xf32>
        %swap3A_1167 = vector.shape_cast %add3A_1160 : vector<16xf32> to vector<1x1x16xf32>
        tpu.vector_store %arg8[%swap3A_1162, %swap3A_1163, %swap3A_1164], %swap3A_1167 {strides = array<i32>} : memref<4x4x2048xf32, #tpu.memory_space<vmem>>, vector<1x1x16xf32>,
        %get3A_1168 = arith.constant 0 : i32
        %get3A_1169 = arith.constant 1 : i32
        %get3A_1170 = arith.index_cast %get3A_1168 : i32 to index
        %get3A_1171 = arith.index_cast %get3A_1169 : i32 to index
        %get3A_1172 = arith.index_cast %mul3A_1140 : i32 to index
        %get3A_1173 = tpu.vector_load %arg6[%get3A_1170, %get3A_1171, %get3A_1172] {strides = array<i32>} : memref<4x4x2048xf32, #tpu.memory_space<vmem>>, vector<1x1x16xf32>,
        %get3A_1174 = vector.shape_cast %get3A_1173 : vector<1x1x16xf32> to vector<16xf32>
        %get3A_1175 = arith.constant 0 : i32
        %get3A_1176 = arith.constant 1 : i32
        %get3A_1177 = arith.index_cast %get3A_1175 : i32 to index
        %get3A_1178 = arith.index_cast %get3A_1176 : i32 to index
        %get3A_1179 = arith.index_cast %mul3A_1140 : i32 to index
        %get3A_1180 = tpu.vector_load %arg7[%get3A_1177, %get3A_1178, %get3A_1179] {strides = array<i32>} : memref<4x4x2048xf32, #tpu.memory_space<vmem>>, vector<1x1x16xf32>,
        %get3A_1181 = vector.shape_cast %get3A_1180 : vector<1x1x16xf32> to vector<16xf32>
        %mul3A_1182 = arith.constant 0.812104344 : f32
        %mul3A_1183 = vector.broadcast %mul3A_1182 : f32 to vector<16xf32>
        %mul3A_1184 = arith.mulf %mul3A_1183, %get3A_1174 : vector<16xf32>
        %mul3A_1185 = arith.constant 0.187895656 : f32
        %mul3A_1186 = vector.broadcast %mul3A_1185 : f32 to vector<16xf32>
        %mul3A_1187 = arith.mulf %mul3A_1186, %get3A_1181 : vector<16xf32>
        %add3A_1188 = arith.addf %mul3A_1184, %mul3A_1187 : vector<16xf32>
        %swap3A_1189 = arith.constant 0 : i32
        %swap3A_1190 = arith.constant 1 : i32
        %swap3A_1191 = arith.index_cast %swap3A_1189 : i32 to index
        %swap3A_1192 = arith.index_cast %swap3A_1190 : i32 to index
        %swap3A_1193 = arith.index_cast %mul3A_1140 : i32 to index
        %swap3A_1194 = tpu.vector_load %arg8[%swap3A_1191, %swap3A_1192, %swap3A_1193] {strides = array<i32>} : memref<4x4x2048xf32, #tpu.memory_space<vmem>>, vector<1x1x16xf32>,
        %swap3A_1195 = vector.shape_cast %swap3A_1194 : vector<1x1x16xf32> to vector<16xf32>
        %swap3A_1196 = vector.shape_cast %add3A_1188 : vector<16xf32> to vector<1x1x16xf32>
        tpu.vector_store %arg8[%swap3A_1191, %swap3A_1192, %swap3A_1193], %swap3A_1196 {strides = array<i32>} : memref<4x4x2048xf32, #tpu.memory_space<vmem>>, vector<1x1x16xf32>,
        %get3A_1197 = arith.constant 0 : i32
        %get3A_1198 = arith.constant 2 : i32
        %get3A_1199 = arith.index_cast %get3A_1197 : i32 to index
        %get3A_1200 = arith.index_cast %get3A_1198 : i32 to index
        %get3A_1201 = arith.index_cast %mul3A_1140 : i32 to index
        %get3A_1202 = tpu.vector_load %arg6[%get3A_1199, %get3A_1200, %get3A_1201] {strides = array<i32>} : memref<4x4x2048xf32, #tpu.memory_space<vmem>>, vector<1x1x16xf32>,
        %get3A_1203 = vector.shape_cast %get3A_1202 : vector<1x1x16xf32> to vector<16xf32>
        %get3A_1204 = arith.constant 0 : i32
        %get3A_1205 = arith.constant 2 : i32
        %get3A_1206 = arith.index_cast %get3A_1204 : i32 to index
        %get3A_1207 = arith.index_cast %get3A_1205 : i32 to index
        %get3A_1208 = arith.index_cast %mul3A_1140 : i32 to index
        %get3A_1209 = tpu.vector_load %arg7[%get3A_1206, %get3A_1207, %get3A_1208] {strides = array<i32>} : memref<4x4x2048xf32, #tpu.memory_space<vmem>>, vector<1x1x16xf32>,
        %get3A_1210 = vector.shape_cast %get3A_1209 : vector<1x1x16xf32> to vector<16xf32>
        %mul3A_1211 = arith.constant 0.812104344 : f32
        %mul3A_1212 = vector.broadcast %mul3A_1211 : f32 to vector<16xf32>
        %mul3A_1213 = arith.mulf %mul3A_1212, %get3A_1203 : vector<16xf32>
        %mul3A_1214 = arith.constant 0.187895656 : f32
        %mul3A_1215 = vector.broadcast %mul3A_1214 : f32 to vector<16xf32>
        %mul3A_1216 = arith.mulf %mul3A_1215, %get3A_1210 : vector<16xf32>
        %add3A_1217 = arith.addf %mul3A_1213, %mul3A_1216 : vector<16xf32>
        %swap3A_1218 = arith.constant 0 : i32
        %swap3A_1219 = arith.constant 2 : i32
        %swap3A_1220 = arith.index_cast %swap3A_1218 : i32 to index
        %swap3A_1221 = arith.index_cast %swap3A_1219 : i32 to index
        %swap3A_1222 = arith.index_cast %mul3A_1140 : i32 to index
        %swap3A_1223 = tpu.vector_load %arg8[%swap3A_1220, %swap3A_1221, %swap3A_1222] {strides = array<i32>} : memref<4x4x2048xf32, #tpu.memory_space<vmem>>, vector<1x1x16xf32>,
        %swap3A_1224 = vector.shape_cast %swap3A_1223 : vector<1x1x16xf32> to vector<16xf32>
        %swap3A_1225 = vector.shape_cast %add3A_1217 : vector<16xf32> to vector<1x1x16xf32>
        tpu.vector_store %arg8[%swap3A_1220, %swap3A_1221, %swap3A_1222], %swap3A_1225 {strides = array<i32>} : memref<4x4x2048xf32, #tpu.memory_space<vmem>>, vector<1x1x16xf32>,
        %get3A_1226 = arith.constant 0 : i32
        %get3A_1227 = arith.constant 3 : i32
        %get3A_1228 = arith.index_cast %get3A_1226 : i32 to index
        %get3A_1229 = arith.index_cast %get3A_1227 : i32 to index
        %get3A_1230 = arith.index_cast %mul3A_1140 : i32 to index
        %get3A_1231 = tpu.vector_load %arg6[%get3A_1228, %get3A_1229, %get3A_1230] {strides = array<i32>} : memref<4x4x2048xf32, #tpu.memory_space<vmem>>, vector<1x1x16xf32>,
        %get3A_1232 = vector.shape_cast %get3A_1231 : vector<1x1x16xf32> to vector<16xf32>
        %get3A_1233 = arith.constant 0 : i32
        %get3A_1234 = arith.constant 3 : i32
        %get3A_1235 = arith.index_cast %get3A_1233 : i32 to index
        %get3A_1236 = arith.index_cast %get3A_1234 : i32 to index
        %get3A_1237 = arith.index_cast %mul3A_1140 : i32 to index
        %get3A_1238 = tpu.vector_load %arg7[%get3A_1235, %get3A_1236, %get3A_1237] {strides = array<i32>} : memref<4x4x2048xf32, #tpu.memory_space<vmem>>, vector<1x1x16xf32>,
        %get3A_1239 = vector.shape_cast %get3A_1238 : vector<1x1x16xf32> to vector<16xf32>
        %mul3A_1240 = arith.constant 0.812104344 : f32
        %mul3A_1241 = vector.broadcast %mul3A_1240 : f32 to vector<16xf32>
        %mul3A_1242 = arith.mulf %mul3A_1241, %get3A_1232 : vector<16xf32>
        %mul3A_1243 = arith.constant 0.187895656 : f32
        %mul3A_1244 = vector.broadcast %mul3A_1243 : f32 to vector<16xf32>
        %mul3A_1245 = arith.mulf %mul3A_1244, %get3A_1239 : vector<16xf32>
        %add3A_1246 = arith.addf %mul3A_1242, %mul3A_1245 : vector<16xf32>
        %swap3A_1247 = arith.constant 0 : i32
        %swap3A_1248 = arith.constant 3 : i32
        %swap3A_1249 = arith.index_cast %swap3A_1247 : i32 to index
        %swap3A_1250 = arith.index_cast %swap3A_1248 : i32 to index
        %swap3A_1251 = arith.index_cast %mul3A_1140 : i32 to index
        %swap3A_1252 = tpu.vector_load %arg8[%swap3A_1249, %swap3A_1250, %swap3A_1251] {strides = array<i32>} : memref<4x4x2048xf32, #tpu.memory_space<vmem>>, vector<1x1x16xf32>,
        %swap3A_1253 = vector.shape_cast %swap3A_1252 : vector<1x1x16xf32> to vector<16xf32>
        %swap3A_1254 = vector.shape_cast %add3A_1246 : vector<16xf32> to vector<1x1x16xf32>
        tpu.vector_store %arg8[%swap3A_1249, %swap3A_1250, %swap3A_1251], %swap3A_1254 {strides = array<i32>} : memref<4x4x2048xf32, #tpu.memory_space<vmem>>, vector<1x1x16xf32>,
        %scan3A_1255 = arith.constant 0 : i32
        scf.yield %scan3A_1255 : i32
      }
      %scan3A_822 = arith.constant 128 : i32
      %mul3A_823 = arith.constant 4 : i32
      %mul3A_824 = arith.muli %add3A_742, %mul3A_823 : i32
      %add3A_825 = arith.addi %mul3A_2, %mul3A_824 : i32
      %dma_start3A_826 = arith.constant 0 : i32
      %dma_start3A_827 = arith.constant 0 : i32
      %dma_start3A_828 = arith.constant 0 : i32
      %dma_start3A_829 = tpu.memref_slice %arg8[%dma_start3A_826, %dma_start3A_827, %dma_start3A_828] : memref<4x4x2048xf32, #tpu.memory_space<vmem>> -> memref<1x4x2048xf32, #tpu.memory_space<vmem>>
      %dma_start3A_830 = tpu.memref_squeeze %dma_start3A_829 : memref<1x4x2048xf32, #tpu.memory_space<vmem>> -> memref<4x2048xf32, #tpu.memory_space<vmem>>
      %dma_start3A_831 = arith.constant 0 : i32
      %dma_start3A_832 = tpu.memref_slice %arg4[%add3A_825, %dma_start3A_831] : memref<16384x2048xf32, #tpu.memory_space<hbm>> -> memref<4x2048xf32, #tpu.memory_space<hbm>>
      %dma_start3A_833 = arith.constant 0 : i32
      %dma_start3A_834 = tpu.memref_slice %arg4[%add3A_825, %dma_start3A_833] : memref<16384x2048xf32, #tpu.memory_space<hbm>> -> memref<4x2048xf32, #tpu.memory_space<hbm>>
      %dma_start3A_835 = arith.constant 0 : i32
      %dma_start3A_836 = arith.constant 0 : i32
      %dma_start3A_837 = tpu.memref_slice %arg8[%dma_start3A_826, %dma_start3A_835, %dma_start3A_836] : memref<4x4x2048xf32, #tpu.memory_space<vmem>> -> memref<1x4x2048xf32, #tpu.memory_space<vmem>>
      %dma_start3A_838 = tpu.memref_squeeze %dma_start3A_837 : memref<1x4x2048xf32, #tpu.memory_space<vmem>> -> memref<4x2048xf32, #tpu.memory_space<vmem>>
      tpu.enqueue_dma source(%dma_start3A_838 : memref<4x2048xf32, #tpu.memory_space<vmem>>) target(%dma_start3A_834 : memref<4x2048xf32, #tpu.memory_space<hbm>>) target_semaphore(%arg11 : memref<!tpu.dma_semaphore, #tpu.memory_space<semaphore_mem>>)
      %add3A_839 = arith.constant 1 : i32
      %add3A_840 = arith.addi %mul3A_740, %add3A_839 : i32
      %add3A_841 = arith.constant 3 : i32
      %add3A_842 = arith.addi %add3A_840, %add3A_841 : i32
      %dma_start3A_843 = arith.constant 0 : i32
      %dma_start3A_844 = arith.constant 0 : i32
      %dma_start3A_845 = arith.constant 0 : i32
      %dma_start3A_846 = tpu.memref_slice %arg7[%dma_start3A_843, %dma_start3A_844, %dma_start3A_845] : memref<4x4x2048xf32, #tpu.memory_space<vmem>> -> memref<1x4x2048xf32, #tpu.memory_space<vmem>>
      %dma_start3A_847 = tpu.memref_squeeze %dma_start3A_846 : memref<1x4x2048xf32, #tpu.memory_space<vmem>> -> memref<4x2048xf32, #tpu.memory_space<vmem>>
      %dma_start3A_848 = arith.constant 0 : i32
      %dma_start3A_849 = tpu.memref_slice %arg5[%add3A_842, %dma_start3A_848] : memref<128x4xi32, #tpu.memory_space<vmem>> -> memref<1x4xi32, #tpu.memory_space<vmem>>
      %dma_start3A_850 = tpu.memref_squeeze %dma_start3A_849 : memref<1x4xi32, #tpu.memory_space<vmem>> -> memref<4xi32, #tpu.memory_space<vmem>>
      %dma_start3A_851 = arith.constant 0 : i32
      %dma_start3A_852 = arith.constant 0 : i32
      %dma_start3A_853 = tpu.memref_slice %arg2[%dma_start3A_851, %dma_start3A_852] : memref<16384x2048xf32, #tpu.memory_space<hbm>> -> memref<16384x2048xf32, #tpu.memory_space<hbm>>
      tpu.enqueue_indirect_dma source(%dma_start3A_853 : memref<16384x2048xf32, #tpu.memory_space<hbm>>) target(%dma_start3A_847 : memref<4x2048xf32, #tpu.memory_space<vmem>>) offsets(%dma_start3A_850 : memref<4xi32, #tpu.memory_space<vmem>>) semaphore(%arg9 : memref<!tpu.dma_semaphore, #tpu.memory_space<semaphore_mem>>)
      %mul3A_854 = arith.constant 4 : i32
      %mul3A_855 = arith.muli %add3A_842, %mul3A_854 : i32
      %add3A_856 = arith.addi %mul3A_2, %mul3A_855 : i32
      %dma_start3A_857 = arith.constant 0 : i32
      %dma_start3A_858 = arith.constant 0 : i32
      %dma_start3A_859 = arith.constant 0 : i32
      %dma_start3A_860 = tpu.memref_slice %arg6[%dma_start3A_857, %dma_start3A_858, %dma_start3A_859] : memref<4x4x2048xf32, #tpu.memory_space<vmem>> -> memref<1x4x2048xf32, #tpu.memory_space<vmem>>
      %dma_start3A_861 = tpu.memref_squeeze %dma_start3A_860 : memref<1x4x2048xf32, #tpu.memory_space<vmem>> -> memref<4x2048xf32, #tpu.memory_space<vmem>>
      %dma_start3A_862 = arith.constant 0 : i32
      %dma_start3A_863 = tpu.memref_slice %arg2[%add3A_856, %dma_start3A_862] : memref<16384x2048xf32, #tpu.memory_space<hbm>> -> memref<4x2048xf32, #tpu.memory_space<hbm>>
      %dma_start3A_864 = arith.constant 0 : i32
      %dma_start3A_865 = arith.constant 0 : i32
      %dma_start3A_866 = tpu.memref_slice %arg6[%dma_start3A_857, %dma_start3A_864, %dma_start3A_865] : memref<4x4x2048xf32, #tpu.memory_space<vmem>> -> memref<1x4x2048xf32, #tpu.memory_space<vmem>>
      %dma_start3A_867 = tpu.memref_squeeze %dma_start3A_866 : memref<1x4x2048xf32, #tpu.memory_space<vmem>> -> memref<4x2048xf32, #tpu.memory_space<vmem>>
      %dma_start3A_868 = arith.constant 0 : i32
      %dma_start3A_869 = tpu.memref_slice %arg2[%add3A_856, %dma_start3A_868] : memref<16384x2048xf32, #tpu.memory_space<hbm>> -> memref<4x2048xf32, #tpu.memory_space<hbm>>
      tpu.enqueue_dma source(%dma_start3A_869 : memref<4x2048xf32, #tpu.memory_space<hbm>>) target(%dma_start3A_867 : memref<4x2048xf32, #tpu.memory_space<vmem>>) target_semaphore(%arg10 : memref<!tpu.dma_semaphore, #tpu.memory_space<semaphore_mem>>)
      %dma_wait3A_870 = arith.constant 1 : i32
      %dma_wait3A_871 = arith.constant 0 : i32
      %dma_wait3A_872 = arith.constant 0 : i32
      %dma_wait3A_873 = tpu.memref_slice %arg7[%dma_wait3A_870, %dma_wait3A_871, %dma_wait3A_872] : memref<4x4x2048xf32, #tpu.memory_space<vmem>> -> memref<1x4x2048xf32, #tpu.memory_space<vmem>>
      %dma_wait3A_874 = tpu.memref_squeeze %dma_wait3A_873 : memref<1x4x2048xf32, #tpu.memory_space<vmem>> -> memref<4x2048xf32, #tpu.memory_space<vmem>>
      %dma_wait3A_875 = arith.constant 0 : i32
      %dma_wait3A_876 = tpu.memref_slice %arg5[%add3A_840, %dma_wait3A_875] : memref<128x4xi32, #tpu.memory_space<vmem>> -> memref<1x4xi32, #tpu.memory_space<vmem>>
      %dma_wait3A_877 = tpu.memref_squeeze %dma_wait3A_876 : memref<1x4xi32, #tpu.memory_space<vmem>> -> memref<4xi32, #tpu.memory_space<vmem>>
      %dma_wait3A_878 = arith.constant 0 : i32
      %dma_wait3A_879 = arith.constant 0 : i32
      %dma_wait3A_880 = tpu.memref_slice %arg2[%dma_wait3A_878, %dma_wait3A_879] : memref<16384x2048xf32, #tpu.memory_space<hbm>> -> memref<16384x2048xf32, #tpu.memory_space<hbm>>
      tpu.wait_indirect_dma semaphore(%arg9 : memref<!tpu.dma_semaphore, #tpu.memory_space<semaphore_mem>>) src(%dma_wait3A_880 : memref<16384x2048xf32, #tpu.memory_space<hbm>>) dst(%dma_wait3A_874 : memref<4x2048xf32, #tpu.memory_space<vmem>>)
      %mul3A_881 = arith.constant 4 : i32
      %mul3A_882 = arith.muli %add3A_840, %mul3A_881 : i32
      %add3A_883 = arith.addi %mul3A_2, %mul3A_882 : i32
      %dma_wait3A_884 = arith.constant 1 : i32
      %dma_wait3A_885 = arith.constant 0 : i32
      %dma_wait3A_886 = arith.constant 0 : i32
      %dma_wait3A_887 = tpu.memref_slice %arg6[%dma_wait3A_884, %dma_wait3A_885, %dma_wait3A_886] : memref<4x4x2048xf32, #tpu.memory_space<vmem>> -> memref<1x4x2048xf32, #tpu.memory_space<vmem>>
      %dma_wait3A_888 = tpu.memref_squeeze %dma_wait3A_887 : memref<1x4x2048xf32, #tpu.memory_space<vmem>> -> memref<4x2048xf32, #tpu.memory_space<vmem>>
      %dma_wait3A_889 = arith.constant 0 : i32
      %dma_wait3A_890 = tpu.memref_slice %arg2[%add3A_883, %dma_wait3A_889] : memref<16384x2048xf32, #tpu.memory_space<hbm>> -> memref<4x2048xf32, #tpu.memory_space<hbm>>
      %dma_wait3A_891 = arith.constant 0 : i32
      %dma_wait3A_892 = arith.constant 0 : i32
      %dma_wait3A_893 = tpu.memref_slice %arg6[%dma_wait3A_884, %dma_wait3A_891, %dma_wait3A_892] : memref<4x4x2048xf32, #tpu.memory_space<vmem>> -> memref<1x4x2048xf32, #tpu.memory_space<vmem>>
      %dma_wait3A_894 = tpu.memref_squeeze %dma_wait3A_893 : memref<1x4x2048xf32, #tpu.memory_space<vmem>> -> memref<4x2048xf32, #tpu.memory_space<vmem>>
      %dma_wait3A_895 = arith.constant 0 : i32
      %dma_wait3A_896 = tpu.memref_slice %arg2[%add3A_883, %dma_wait3A_895] : memref<16384x2048xf32, #tpu.memory_space<hbm>> -> memref<4x2048xf32, #tpu.memory_space<hbm>>
      tpu.wait_dma2 semaphore(%arg10 : memref<!tpu.dma_semaphore, #tpu.memory_space<semaphore_mem>>) src(%dma_wait3A_896 : memref<4x2048xf32, #tpu.memory_space<hbm>>) dst(%dma_wait3A_894 : memref<4x2048xf32, #tpu.memory_space<vmem>>)
      %sub3A_897 = arith.constant 4 : i32
      %sub3A_898 = arith.subi %add3A_840, %sub3A_897 : i32
      %mul3A_899 = arith.constant 4 : i32
      %mul3A_900 = arith.muli %sub3A_898, %mul3A_899 : i32
      %add3A_901 = arith.addi %mul3A_2, %mul3A_900 : i32
      %dma_wait3A_902 = arith.constant 1 : i32
      %dma_wait3A_903 = arith.constant 0 : i32
      %dma_wait3A_904 = arith.constant 0 : i32
      %dma_wait3A_905 = tpu.memref_slice %arg8[%dma_wait3A_902, %dma_wait3A_903, %dma_wait3A_904] : memref<4x4x2048xf32, #tpu.memory_space<vmem>> -> memref<1x4x2048xf32, #tpu.memory_space<vmem>>
      %dma_wait3A_906 = tpu.memref_squeeze %dma_wait3A_905 : memref<1x4x2048xf32, #tpu.memory_space<vmem>> -> memref<4x2048xf32, #tpu.memory_space<vmem>>
      %dma_wait3A_907 = arith.constant 0 : i32
      %dma_wait3A_908 = tpu.memref_slice %arg4[%add3A_901, %dma_wait3A_907] : memref<16384x2048xf32, #tpu.memory_space<hbm>> -> memref<4x2048xf32, #tpu.memory_space<hbm>>
      %dma_wait3A_909 = arith.constant 0 : i32
      %dma_wait3A_910 = tpu.memref_slice %arg4[%add3A_901, %dma_wait3A_909] : memref<16384x2048xf32, #tpu.memory_space<hbm>> -> memref<4x2048xf32, #tpu.memory_space<hbm>>
      %dma_wait3A_911 = arith.constant 0 : i32
      %dma_wait3A_912 = arith.constant 0 : i32
      %dma_wait3A_913 = tpu.memref_slice %arg8[%dma_wait3A_902, %dma_wait3A_911, %dma_wait3A_912] : memref<4x4x2048xf32, #tpu.memory_space<vmem>> -> memref<1x4x2048xf32, #tpu.memory_space<vmem>>
      %dma_wait3A_914 = tpu.memref_squeeze %dma_wait3A_913 : memref<1x4x2048xf32, #tpu.memory_space<vmem>> -> memref<4x2048xf32, #tpu.memory_space<vmem>>
      tpu.wait_dma2 semaphore(%arg11 : memref<!tpu.dma_semaphore, #tpu.memory_space<semaphore_mem>>) src(%dma_wait3A_914 : memref<4x2048xf32, #tpu.memory_space<vmem>>) dst(%dma_wait3A_910 : memref<4x2048xf32, #tpu.memory_space<hbm>>)
      %scan3A_915 = arith.constant 0 : i32
      %scan3A_916 = arith.constant 0 : i32
      %scan3A_917 = arith.constant 128 : i32
      %scan3A_918 = arith.addi %scan3A_916, %scan3A_917 : i32
      %scan3A_919 = arith.constant 1 : i32
      %scan3A_920 = scf.for %scan3A_1137 = %scan3A_916 to %scan3A_918 step %scan3A_919 iter_args(%scan3A_1138 = %scan3A_915) -> (i32)  : i32 {
        %mul3A_1139 = arith.constant 16 : i32
        %mul3A_1140 = arith.muli %scan3A_1137, %mul3A_1139 : i32
        %get3A = arith.constant 1 : i32
        %get3A_1141 = arith.constant 0 : i32
        %get3A_1142 = arith.index_cast %get3A : i32 to index
        %get3A_1143 = arith.index_cast %get3A_1141 : i32 to index
        %get3A_1144 = arith.index_cast %mul3A_1140 : i32 to index
        %get3A_1145 = tpu.vector_load %arg6[%get3A_1142, %get3A_1143, %get3A_1144] {strides = array<i32>} : memref<4x4x2048xf32, #tpu.memory_space<vmem>>, vector<1x1x16xf32>,
        %get3A_1146 = vector.shape_cast %get3A_1145 : vector<1x1x16xf32> to vector<16xf32>
        %get3A_1147 = arith.constant 1 : i32
        %get3A_1148 = arith.constant 0 : i32
        %get3A_1149 = arith.index_cast %get3A_1147 : i32 to index
        %get3A_1150 = arith.index_cast %get3A_1148 : i32 to index
        %get3A_1151 = arith.index_cast %mul3A_1140 : i32 to index
        %get3A_1152 = tpu.vector_load %arg7[%get3A_1149, %get3A_1150, %get3A_1151] {strides = array<i32>} : memref<4x4x2048xf32, #tpu.memory_space<vmem>>, vector<1x1x16xf32>,
        %get3A_1153 = vector.shape_cast %get3A_1152 : vector<1x1x16xf32> to vector<16xf32>
        %mul3A_1154 = arith.constant 0.812104344 : f32
        %mul3A_1155 = vector.broadcast %mul3A_1154 : f32 to vector<16xf32>
        %mul3A_1156 = arith.mulf %mul3A_1155, %get3A_1146 : vector<16xf32>
        %mul3A_1157 = arith.constant 0.187895656 : f32
        %mul3A_1158 = vector.broadcast %mul3A_1157 : f32 to vector<16xf32>
        %mul3A_1159 = arith.mulf %mul3A_1158, %get3A_1153 : vector<16xf32>
        %add3A_1160 = arith.addf %mul3A_1156, %mul3A_1159 : vector<16xf32>
        %swap3A = arith.constant 1 : i32
        %swap3A_1161 = arith.constant 0 : i32
        %swap3A_1162 = arith.index_cast %swap3A : i32 to index
        %swap3A_1163 = arith.index_cast %swap3A_1161 : i32 to index
        %swap3A_1164 = arith.index_cast %mul3A_1140 : i32 to index
        %swap3A_1165 = tpu.vector_load %arg8[%swap3A_1162, %swap3A_1163, %swap3A_1164] {strides = array<i32>} : memref<4x4x2048xf32, #tpu.memory_space<vmem>>, vector<1x1x16xf32>,
        %swap3A_1166 = vector.shape_cast %swap3A_1165 : vector<1x1x16xf32> to vector<16xf32>
        %swap3A_1167 = vector.shape_cast %add3A_1160 : vector<16xf32> to vector<1x1x16xf32>
        tpu.vector_store %arg8[%swap3A_1162, %swap3A_1163, %swap3A_1164], %swap3A_1167 {strides = array<i32>} : memref<4x4x2048xf32, #tpu.memory_space<vmem>>, vector<1x1x16xf32>,
        %get3A_1168 = arith.constant 1 : i32
        %get3A_1169 = arith.constant 1 : i32
        %get3A_1170 = arith.index_cast %get3A_1168 : i32 to index
        %get3A_1171 = arith.index_cast %get3A_1169 : i32 to index
        %get3A_1172 = arith.index_cast %mul3A_1140 : i32 to index
        %get3A_1173 = tpu.vector_load %arg6[%get3A_1170, %get3A_1171, %get3A_1172] {strides = array<i32>} : memref<4x4x2048xf32, #tpu.memory_space<vmem>>, vector<1x1x16xf32>,
        %get3A_1174 = vector.shape_cast %get3A_1173 : vector<1x1x16xf32> to vector<16xf32>
        %get3A_1175 = arith.constant 1 : i32
        %get3A_1176 = arith.constant 1 : i32
        %get3A_1177 = arith.index_cast %get3A_1175 : i32 to index
        %get3A_1178 = arith.index_cast %get3A_1176 : i32 to index
        %get3A_1179 = arith.index_cast %mul3A_1140 : i32 to index
        %get3A_1180 = tpu.vector_load %arg7[%get3A_1177, %get3A_1178, %get3A_1179] {strides = array<i32>} : memref<4x4x2048xf32, #tpu.memory_space<vmem>>, vector<1x1x16xf32>,
        %get3A_1181 = vector.shape_cast %get3A_1180 : vector<1x1x16xf32> to vector<16xf32>
        %mul3A_1182 = arith.constant 0.812104344 : f32
        %mul3A_1183 = vector.broadcast %mul3A_1182 : f32 to vector<16xf32>
        %mul3A_1184 = arith.mulf %mul3A_1183, %get3A_1174 : vector<16xf32>
        %mul3A_1185 = arith.constant 0.187895656 : f32
        %mul3A_1186 = vector.broadcast %mul3A_1185 : f32 to vector<16xf32>
        %mul3A_1187 = arith.mulf %mul3A_1186, %get3A_1181 : vector<16xf32>
        %add3A_1188 = arith.addf %mul3A_1184, %mul3A_1187 : vector<16xf32>
        %swap3A_1189 = arith.constant 1 : i32
        %swap3A_1190 = arith.constant 1 : i32
        %swap3A_1191 = arith.index_cast %swap3A_1189 : i32 to index
        %swap3A_1192 = arith.index_cast %swap3A_1190 : i32 to index
        %swap3A_1193 = arith.index_cast %mul3A_1140 : i32 to index
        %swap3A_1194 = tpu.vector_load %arg8[%swap3A_1191, %swap3A_1192, %swap3A_1193] {strides = array<i32>} : memref<4x4x2048xf32, #tpu.memory_space<vmem>>, vector<1x1x16xf32>,
        %swap3A_1195 = vector.shape_cast %swap3A_1194 : vector<1x1x16xf32> to vector<16xf32>
        %swap3A_1196 = vector.shape_cast %add3A_1188 : vector<16xf32> to vector<1x1x16xf32>
        tpu.vector_store %arg8[%swap3A_1191, %swap3A_1192, %swap3A_1193], %swap3A_1196 {strides = array<i32>} : memref<4x4x2048xf32, #tpu.memory_space<vmem>>, vector<1x1x16xf32>,
        %get3A_1197 = arith.constant 1 : i32
        %get3A_1198 = arith.constant 2 : i32
        %get3A_1199 = arith.index_cast %get3A_1197 : i32 to index
        %get3A_1200 = arith.index_cast %get3A_1198 : i32 to index
        %get3A_1201 = arith.index_cast %mul3A_1140 : i32 to index
        %get3A_1202 = tpu.vector_load %arg6[%get3A_1199, %get3A_1200, %get3A_1201] {strides = array<i32>} : memref<4x4x2048xf32, #tpu.memory_space<vmem>>, vector<1x1x16xf32>,
        %get3A_1203 = vector.shape_cast %get3A_1202 : vector<1x1x16xf32> to vector<16xf32>
        %get3A_1204 = arith.constant 1 : i32
        %get3A_1205 = arith.constant 2 : i32
        %get3A_1206 = arith.index_cast %get3A_1204 : i32 to index
        %get3A_1207 = arith.index_cast %get3A_1205 : i32 to index
        %get3A_1208 = arith.index_cast %mul3A_1140 : i32 to index
        %get3A_1209 = tpu.vector_load %arg7[%get3A_1206, %get3A_1207, %get3A_1208] {strides = array<i32>} : memref<4x4x2048xf32, #tpu.memory_space<vmem>>, vector<1x1x16xf32>,
        %get3A_1210 = vector.shape_cast %get3A_1209 : vector<1x1x16xf32> to vector<16xf32>
        %mul3A_1211 = arith.constant 0.812104344 : f32
        %mul3A_1212 = vector.broadcast %mul3A_1211 : f32 to vector<16xf32>
        %mul3A_1213 = arith.mulf %mul3A_1212, %get3A_1203 : vector<16xf32>
        %mul3A_1214 = arith.constant 0.187895656 : f32
        %mul3A_1215 = vector.broadcast %mul3A_1214 : f32 to vector<16xf32>
        %mul3A_1216 = arith.mulf %mul3A_1215, %get3A_1210 : vector<16xf32>
        %add3A_1217 = arith.addf %mul3A_1213, %mul3A_1216 : vector<16xf32>
        %swap3A_1218 = arith.constant 1 : i32
        %swap3A_1219 = arith.constant 2 : i32
        %swap3A_1220 = arith.index_cast %swap3A_1218 : i32 to index
        %swap3A_1221 = arith.index_cast %swap3A_1219 : i32 to index
        %swap3A_1222 = arith.index_cast %mul3A_1140 : i32 to index
        %swap3A_1223 = tpu.vector_load %arg8[%swap3A_1220, %swap3A_1221, %swap3A_1222] {strides = array<i32>} : memref<4x4x2048xf32, #tpu.memory_space<vmem>>, vector<1x1x16xf32>,
        %swap3A_1224 = vector.shape_cast %swap3A_1223 : vector<1x1x16xf32> to vector<16xf32>
        %swap3A_1225 = vector.shape_cast %add3A_1217 : vector<16xf32> to vector<1x1x16xf32>
        tpu.vector_store %arg8[%swap3A_1220, %swap3A_1221, %swap3A_1222], %swap3A_1225 {strides = array<i32>} : memref<4x4x2048xf32, #tpu.memory_space<vmem>>, vector<1x1x16xf32>,
        %get3A_1226 = arith.constant 1 : i32
        %get3A_1227 = arith.constant 3 : i32
        %get3A_1228 = arith.index_cast %get3A_1226 : i32 to index
        %get3A_1229 = arith.index_cast %get3A_1227 : i32 to index
        %get3A_1230 = arith.index_cast %mul3A_1140 : i32 to index
        %get3A_1231 = tpu.vector_load %arg6[%get3A_1228, %get3A_1229, %get3A_1230] {strides = array<i32>} : memref<4x4x2048xf32, #tpu.memory_space<vmem>>, vector<1x1x16xf32>,
        %get3A_1232 = vector.shape_cast %get3A_1231 : vector<1x1x16xf32> to vector<16xf32>
        %get3A_1233 = arith.constant 1 : i32
        %get3A_1234 = arith.constant 3 : i32
        %get3A_1235 = arith.index_cast %get3A_1233 : i32 to index
        %get3A_1236 = arith.index_cast %get3A_1234 : i32 to index
        %get3A_1237 = arith.index_cast %mul3A_1140 : i32 to index
        %get3A_1238 = tpu.vector_load %arg7[%get3A_1235, %get3A_1236, %get3A_1237] {strides = array<i32>} : memref<4x4x2048xf32, #tpu.memory_space<vmem>>, vector<1x1x16xf32>,
        %get3A_1239 = vector.shape_cast %get3A_1238 : vector<1x1x16xf32> to vector<16xf32>
        %mul3A_1240 = arith.constant 0.812104344 : f32
        %mul3A_1241 = vector.broadcast %mul3A_1240 : f32 to vector<16xf32>
        %mul3A_1242 = arith.mulf %mul3A_1241, %get3A_1232 : vector<16xf32>
        %mul3A_1243 = arith.constant 0.187895656 : f32
        %mul3A_1244 = vector.broadcast %mul3A_1243 : f32 to vector<16xf32>
        %mul3A_1245 = arith.mulf %mul3A_1244, %get3A_1239 : vector<16xf32>
        %add3A_1246 = arith.addf %mul3A_1242, %mul3A_1245 : vector<16xf32>
        %swap3A_1247 = arith.constant 1 : i32
        %swap3A_1248 = arith.constant 3 : i32
        %swap3A_1249 = arith.index_cast %swap3A_1247 : i32 to index
        %swap3A_1250 = arith.index_cast %swap3A_1248 : i32 to index
        %swap3A_1251 = arith.index_cast %mul3A_1140 : i32 to index
        %swap3A_1252 = tpu.vector_load %arg8[%swap3A_1249, %swap3A_1250, %swap3A_1251] {strides = array<i32>} : memref<4x4x2048xf32, #tpu.memory_space<vmem>>, vector<1x1x16xf32>,
        %swap3A_1253 = vector.shape_cast %swap3A_1252 : vector<1x1x16xf32> to vector<16xf32>
        %swap3A_1254 = vector.shape_cast %add3A_1246 : vector<16xf32> to vector<1x1x16xf32>
        tpu.vector_store %arg8[%swap3A_1249, %swap3A_1250, %swap3A_1251], %swap3A_1254 {strides = array<i32>} : memref<4x4x2048xf32, #tpu.memory_space<vmem>>, vector<1x1x16xf32>,
        %scan3A_1255 = arith.constant 0 : i32
        scf.yield %scan3A_1255 : i32
      }
      %scan3A_921 = arith.constant 128 : i32
      %mul3A_922 = arith.constant 4 : i32
      %mul3A_923 = arith.muli %add3A_840, %mul3A_922 : i32
      %add3A_924 = arith.addi %mul3A_2, %mul3A_923 : i32
      %dma_start3A_925 = arith.constant 1 : i32
      %dma_start3A_926 = arith.constant 0 : i32
      %dma_start3A_927 = arith.constant 0 : i32
      %dma_start3A_928 = tpu.memref_slice %arg8[%dma_start3A_925, %dma_start3A_926, %dma_start3A_927] : memref<4x4x2048xf32, #tpu.memory_space<vmem>> -> memref<1x4x2048xf32, #tpu.memory_space<vmem>>
      %dma_start3A_929 = tpu.memref_squeeze %dma_start3A_928 : memref<1x4x2048xf32, #tpu.memory_space<vmem>> -> memref<4x2048xf32, #tpu.memory_space<vmem>>
      %dma_start3A_930 = arith.constant 0 : i32
      %dma_start3A_931 = tpu.memref_slice %arg4[%add3A_924, %dma_start3A_930] : memref<16384x2048xf32, #tpu.memory_space<hbm>> -> memref<4x2048xf32, #tpu.memory_space<hbm>>
      %dma_start3A_932 = arith.constant 0 : i32
      %dma_start3A_933 = tpu.memref_slice %arg4[%add3A_924, %dma_start3A_932] : memref<16384x2048xf32, #tpu.memory_space<hbm>> -> memref<4x2048xf32, #tpu.memory_space<hbm>>
      %dma_start3A_934 = arith.constant 0 : i32
      %dma_start3A_935 = arith.constant 0 : i32
      %dma_start3A_936 = tpu.memref_slice %arg8[%dma_start3A_925, %dma_start3A_934, %dma_start3A_935] : memref<4x4x2048xf32, #tpu.memory_space<vmem>> -> memref<1x4x2048xf32, #tpu.memory_space<vmem>>
      %dma_start3A_937 = tpu.memref_squeeze %dma_start3A_936 : memref<1x4x2048xf32, #tpu.memory_space<vmem>> -> memref<4x2048xf32, #tpu.memory_space<vmem>>
      tpu.enqueue_dma source(%dma_start3A_937 : memref<4x2048xf32, #tpu.memory_space<vmem>>) target(%dma_start3A_933 : memref<4x2048xf32, #tpu.memory_space<hbm>>) target_semaphore(%arg11 : memref<!tpu.dma_semaphore, #tpu.memory_space<semaphore_mem>>)
      %add3A_938 = arith.constant 2 : i32
      %add3A_939 = arith.addi %mul3A_740, %add3A_938 : i32
      %add3A_940 = arith.constant 3 : i32
      %add3A_941 = arith.addi %add3A_939, %add3A_940 : i32
      %dma_start3A_942 = arith.constant 1 : i32
      %dma_start3A_943 = arith.constant 0 : i32
      %dma_start3A_944 = arith.constant 0 : i32
      %dma_start3A_945 = tpu.memref_slice %arg7[%dma_start3A_942, %dma_start3A_943, %dma_start3A_944] : memref<4x4x2048xf32, #tpu.memory_space<vmem>> -> memref<1x4x2048xf32, #tpu.memory_space<vmem>>
      %dma_start3A_946 = tpu.memref_squeeze %dma_start3A_945 : memref<1x4x2048xf32, #tpu.memory_space<vmem>> -> memref<4x2048xf32, #tpu.memory_space<vmem>>
      %dma_start3A_947 = arith.constant 0 : i32
      %dma_start3A_948 = tpu.memref_slice %arg5[%add3A_941, %dma_start3A_947] : memref<128x4xi32, #tpu.memory_space<vmem>> -> memref<1x4xi32, #tpu.memory_space<vmem>>
      %dma_start3A_949 = tpu.memref_squeeze %dma_start3A_948 : memref<1x4xi32, #tpu.memory_space<vmem>> -> memref<4xi32, #tpu.memory_space<vmem>>
      %dma_start3A_950 = arith.constant 0 : i32
      %dma_start3A_951 = arith.constant 0 : i32
      %dma_start3A_952 = tpu.memref_slice %arg2[%dma_start3A_950, %dma_start3A_951] : memref<16384x2048xf32, #tpu.memory_space<hbm>> -> memref<16384x2048xf32, #tpu.memory_space<hbm>>
      tpu.enqueue_indirect_dma source(%dma_start3A_952 : memref<16384x2048xf32, #tpu.memory_space<hbm>>) target(%dma_start3A_946 : memref<4x2048xf32, #tpu.memory_space<vmem>>) offsets(%dma_start3A_949 : memref<4xi32, #tpu.memory_space<vmem>>) semaphore(%arg9 : memref<!tpu.dma_semaphore, #tpu.memory_space<semaphore_mem>>)
      %mul3A_953 = arith.constant 4 : i32
      %mul3A_954 = arith.muli %add3A_941, %mul3A_953 : i32
      %add3A_955 = arith.addi %mul3A_2, %mul3A_954 : i32
      %dma_start3A_956 = arith.constant 1 : i32
      %dma_start3A_957 = arith.constant 0 : i32
      %dma_start3A_958 = arith.constant 0 : i32
      %dma_start3A_959 = tpu.memref_slice %arg6[%dma_start3A_956, %dma_start3A_957, %dma_start3A_958] : memref<4x4x2048xf32, #tpu.memory_space<vmem>> -> memref<1x4x2048xf32, #tpu.memory_space<vmem>>
      %dma_start3A_960 = tpu.memref_squeeze %dma_start3A_959 : memref<1x4x2048xf32, #tpu.memory_space<vmem>> -> memref<4x2048xf32, #tpu.memory_space<vmem>>
      %dma_start3A_961 = arith.constant 0 : i32
      %dma_start3A_962 = tpu.memref_slice %arg2[%add3A_955, %dma_start3A_961] : memref<16384x2048xf32, #tpu.memory_space<hbm>> -> memref<4x2048xf32, #tpu.memory_space<hbm>>
      %dma_start3A_963 = arith.constant 0 : i32
      %dma_start3A_964 = arith.constant 0 : i32
      %dma_start3A_965 = tpu.memref_slice %arg6[%dma_start3A_956, %dma_start3A_963, %dma_start3A_964] : memref<4x4x2048xf32, #tpu.memory_space<vmem>> -> memref<1x4x2048xf32, #tpu.memory_space<vmem>>
      %dma_start3A_966 = tpu.memref_squeeze %dma_start3A_965 : memref<1x4x2048xf32, #tpu.memory_space<vmem>> -> memref<4x2048xf32, #tpu.memory_space<vmem>>
      %dma_start3A_967 = arith.constant 0 : i32
      %dma_start3A_968 = tpu.memref_slice %arg2[%add3A_955, %dma_start3A_967] : memref<16384x2048xf32, #tpu.memory_space<hbm>> -> memref<4x2048xf32, #tpu.memory_space<hbm>>
      tpu.enqueue_dma source(%dma_start3A_968 : memref<4x2048xf32, #tpu.memory_space<hbm>>) target(%dma_start3A_966 : memref<4x2048xf32, #tpu.memory_space<vmem>>) target_semaphore(%arg10 : memref<!tpu.dma_semaphore, #tpu.memory_space<semaphore_mem>>)
      %dma_wait3A_969 = arith.constant 2 : i32
      %dma_wait3A_970 = arith.constant 0 : i32
      %dma_wait3A_971 = arith.constant 0 : i32
      %dma_wait3A_972 = tpu.memref_slice %arg7[%dma_wait3A_969, %dma_wait3A_970, %dma_wait3A_971] : memref<4x4x2048xf32, #tpu.memory_space<vmem>> -> memref<1x4x2048xf32, #tpu.memory_space<vmem>>
      %dma_wait3A_973 = tpu.memref_squeeze %dma_wait3A_972 : memref<1x4x2048xf32, #tpu.memory_space<vmem>> -> memref<4x2048xf32, #tpu.memory_space<vmem>>
      %dma_wait3A_974 = arith.constant 0 : i32
      %dma_wait3A_975 = tpu.memref_slice %arg5[%add3A_939, %dma_wait3A_974] : memref<128x4xi32, #tpu.memory_space<vmem>> -> memref<1x4xi32, #tpu.memory_space<vmem>>
      %dma_wait3A_976 = tpu.memref_squeeze %dma_wait3A_975 : memref<1x4xi32, #tpu.memory_space<vmem>> -> memref<4xi32, #tpu.memory_space<vmem>>
      %dma_wait3A_977 = arith.constant 0 : i32
      %dma_wait3A_978 = arith.constant 0 : i32
      %dma_wait3A_979 = tpu.memref_slice %arg2[%dma_wait3A_977, %dma_wait3A_978] : memref<16384x2048xf32, #tpu.memory_space<hbm>> -> memref<16384x2048xf32, #tpu.memory_space<hbm>>
      tpu.wait_indirect_dma semaphore(%arg9 : memref<!tpu.dma_semaphore, #tpu.memory_space<semaphore_mem>>) src(%dma_wait3A_979 : memref<16384x2048xf32, #tpu.memory_space<hbm>>) dst(%dma_wait3A_973 : memref<4x2048xf32, #tpu.memory_space<vmem>>)
      %mul3A_980 = arith.constant 4 : i32
      %mul3A_981 = arith.muli %add3A_939, %mul3A_980 : i32
      %add3A_982 = arith.addi %mul3A_2, %mul3A_981 : i32
      %dma_wait3A_983 = arith.constant 2 : i32
      %dma_wait3A_984 = arith.constant 0 : i32
      %dma_wait3A_985 = arith.constant 0 : i32
      %dma_wait3A_986 = tpu.memref_slice %arg6[%dma_wait3A_983, %dma_wait3A_984, %dma_wait3A_985] : memref<4x4x2048xf32, #tpu.memory_space<vmem>> -> memref<1x4x2048xf32, #tpu.memory_space<vmem>>
      %dma_wait3A_987 = tpu.memref_squeeze %dma_wait3A_986 : memref<1x4x2048xf32, #tpu.memory_space<vmem>> -> memref<4x2048xf32, #tpu.memory_space<vmem>>
      %dma_wait3A_988 = arith.constant 0 : i32
      %dma_wait3A_989 = tpu.memref_slice %arg2[%add3A_982, %dma_wait3A_988] : memref<16384x2048xf32, #tpu.memory_space<hbm>> -> memref<4x2048xf32, #tpu.memory_space<hbm>>
      %dma_wait3A_990 = arith.constant 0 : i32
      %dma_wait3A_991 = arith.constant 0 : i32
      %dma_wait3A_992 = tpu.memref_slice %arg6[%dma_wait3A_983, %dma_wait3A_990, %dma_wait3A_991] : memref<4x4x2048xf32, #tpu.memory_space<vmem>> -> memref<1x4x2048xf32, #tpu.memory_space<vmem>>
      %dma_wait3A_993 = tpu.memref_squeeze %dma_wait3A_992 : memref<1x4x2048xf32, #tpu.memory_space<vmem>> -> memref<4x2048xf32, #tpu.memory_space<vmem>>
      %dma_wait3A_994 = arith.constant 0 : i32
      %dma_wait3A_995 = tpu.memref_slice %arg2[%add3A_982, %dma_wait3A_994] : memref<16384x2048xf32, #tpu.memory_space<hbm>> -> memref<4x2048xf32, #tpu.memory_space<hbm>>
      tpu.wait_dma2 semaphore(%arg10 : memref<!tpu.dma_semaphore, #tpu.memory_space<semaphore_mem>>) src(%dma_wait3A_995 : memref<4x2048xf32, #tpu.memory_space<hbm>>) dst(%dma_wait3A_993 : memref<4x2048xf32, #tpu.memory_space<vmem>>)
      %sub3A_996 = arith.constant 4 : i32
      %sub3A_997 = arith.subi %add3A_939, %sub3A_996 : i32
      %mul3A_998 = arith.constant 4 : i32
      %mul3A_999 = arith.muli %sub3A_997, %mul3A_998 : i32
      %add3A_1000 = arith.addi %mul3A_2, %mul3A_999 : i32
      %dma_wait3A_1001 = arith.constant 2 : i32
      %dma_wait3A_1002 = arith.constant 0 : i32
      %dma_wait3A_1003 = arith.constant 0 : i32
      %dma_wait3A_1004 = tpu.memref_slice %arg8[%dma_wait3A_1001, %dma_wait3A_1002, %dma_wait3A_1003] : memref<4x4x2048xf32, #tpu.memory_space<vmem>> -> memref<1x4x2048xf32, #tpu.memory_space<vmem>>
      %dma_wait3A_1005 = tpu.memref_squeeze %dma_wait3A_1004 : memref<1x4x2048xf32, #tpu.memory_space<vmem>> -> memref<4x2048xf32, #tpu.memory_space<vmem>>
      %dma_wait3A_1006 = arith.constant 0 : i32
      %dma_wait3A_1007 = tpu.memref_slice %arg4[%add3A_1000, %dma_wait3A_1006] : memref<16384x2048xf32, #tpu.memory_space<hbm>> -> memref<4x2048xf32, #tpu.memory_space<hbm>>
      %dma_wait3A_1008 = arith.constant 0 : i32
      %dma_wait3A_1009 = tpu.memref_slice %arg4[%add3A_1000, %dma_wait3A_1008] : memref<16384x2048xf32, #tpu.memory_space<hbm>> -> memref<4x2048xf32, #tpu.memory_space<hbm>>
      %dma_wait3A_1010 = arith.constant 0 : i32
      %dma_wait3A_1011 = arith.constant 0 : i32
      %dma_wait3A_1012 = tpu.memref_slice %arg8[%dma_wait3A_1001, %dma_wait3A_1010, %dma_wait3A_1011] : memref<4x4x2048xf32, #tpu.memory_space<vmem>> -> memref<1x4x2048xf32, #tpu.memory_space<vmem>>
      %dma_wait3A_1013 = tpu.memref_squeeze %dma_wait3A_1012 : memref<1x4x2048xf32, #tpu.memory_space<vmem>> -> memref<4x2048xf32, #tpu.memory_space<vmem>>
      tpu.wait_dma2 semaphore(%arg11 : memref<!tpu.dma_semaphore, #tpu.memory_space<semaphore_mem>>) src(%dma_wait3A_1013 : memref<4x2048xf32, #tpu.memory_space<vmem>>) dst(%dma_wait3A_1009 : memref<4x2048xf32, #tpu.memory_space<hbm>>)
      %scan3A_1014 = arith.constant 0 : i32
      %scan3A_1015 = arith.constant 0 : i32
      %scan3A_1016 = arith.constant 128 : i32
      %scan3A_1017 = arith.addi %scan3A_1015, %scan3A_1016 : i32
      %scan3A_1018 = arith.constant 1 : i32
      %scan3A_1019 = scf.for %scan3A_1137 = %scan3A_1015 to %scan3A_1017 step %scan3A_1018 iter_args(%scan3A_1138 = %scan3A_1014) -> (i32)  : i32 {
        %mul3A_1139 = arith.constant 16 : i32
        %mul3A_1140 = arith.muli %scan3A_1137, %mul3A_1139 : i32
        %get3A = arith.constant 2 : i32
        %get3A_1141 = arith.constant 0 : i32
        %get3A_1142 = arith.index_cast %get3A : i32 to index
        %get3A_1143 = arith.index_cast %get3A_1141 : i32 to index
        %get3A_1144 = arith.index_cast %mul3A_1140 : i32 to index
        %get3A_1145 = tpu.vector_load %arg6[%get3A_1142, %get3A_1143, %get3A_1144] {strides = array<i32>} : memref<4x4x2048xf32, #tpu.memory_space<vmem>>, vector<1x1x16xf32>,
        %get3A_1146 = vector.shape_cast %get3A_1145 : vector<1x1x16xf32> to vector<16xf32>
        %get3A_1147 = arith.constant 2 : i32
        %get3A_1148 = arith.constant 0 : i32
        %get3A_1149 = arith.index_cast %get3A_1147 : i32 to index
        %get3A_1150 = arith.index_cast %get3A_1148 : i32 to index
        %get3A_1151 = arith.index_cast %mul3A_1140 : i32 to index
        %get3A_1152 = tpu.vector_load %arg7[%get3A_1149, %get3A_1150, %get3A_1151] {strides = array<i32>} : memref<4x4x2048xf32, #tpu.memory_space<vmem>>, vector<1x1x16xf32>,
        %get3A_1153 = vector.shape_cast %get3A_1152 : vector<1x1x16xf32> to vector<16xf32>
        %mul3A_1154 = arith.constant 0.812104344 : f32
        %mul3A_1155 = vector.broadcast %mul3A_1154 : f32 to vector<16xf32>
        %mul3A_1156 = arith.mulf %mul3A_1155, %get3A_1146 : vector<16xf32>
        %mul3A_1157 = arith.constant 0.187895656 : f32
        %mul3A_1158 = vector.broadcast %mul3A_1157 : f32 to vector<16xf32>
        %mul3A_1159 = arith.mulf %mul3A_1158, %get3A_1153 : vector<16xf32>
        %add3A_1160 = arith.addf %mul3A_1156, %mul3A_1159 : vector<16xf32>
        %swap3A = arith.constant 2 : i32
        %swap3A_1161 = arith.constant 0 : i32
        %swap3A_1162 = arith.index_cast %swap3A : i32 to index
        %swap3A_1163 = arith.index_cast %swap3A_1161 : i32 to index
        %swap3A_1164 = arith.index_cast %mul3A_1140 : i32 to index
        %swap3A_1165 = tpu.vector_load %arg8[%swap3A_1162, %swap3A_1163, %swap3A_1164] {strides = array<i32>} : memref<4x4x2048xf32, #tpu.memory_space<vmem>>, vector<1x1x16xf32>,
        %swap3A_1166 = vector.shape_cast %swap3A_1165 : vector<1x1x16xf32> to vector<16xf32>
        %swap3A_1167 = vector.shape_cast %add3A_1160 : vector<16xf32> to vector<1x1x16xf32>
        tpu.vector_store %arg8[%swap3A_1162, %swap3A_1163, %swap3A_1164], %swap3A_1167 {strides = array<i32>} : memref<4x4x2048xf32, #tpu.memory_space<vmem>>, vector<1x1x16xf32>,
        %get3A_1168 = arith.constant 2 : i32
        %get3A_1169 = arith.constant 1 : i32
        %get3A_1170 = arith.index_cast %get3A_1168 : i32 to index
        %get3A_1171 = arith.index_cast %get3A_1169 : i32 to index
        %get3A_1172 = arith.index_cast %mul3A_1140 : i32 to index
        %get3A_1173 = tpu.vector_load %arg6[%get3A_1170, %get3A_1171, %get3A_1172] {strides = array<i32>} : memref<4x4x2048xf32, #tpu.memory_space<vmem>>, vector<1x1x16xf32>,
        %get3A_1174 = vector.shape_cast %get3A_1173 : vector<1x1x16xf32> to vector<16xf32>
        %get3A_1175 = arith.constant 2 : i32
        %get3A_1176 = arith.constant 1 : i32
        %get3A_1177 = arith.index_cast %get3A_1175 : i32 to index
        %get3A_1178 = arith.index_cast %get3A_1176 : i32 to index
        %get3A_1179 = arith.index_cast %mul3A_1140 : i32 to index
        %get3A_1180 = tpu.vector_load %arg7[%get3A_1177, %get3A_1178, %get3A_1179] {strides = array<i32>} : memref<4x4x2048xf32, #tpu.memory_space<vmem>>, vector<1x1x16xf32>,
        %get3A_1181 = vector.shape_cast %get3A_1180 : vector<1x1x16xf32> to vector<16xf32>
        %mul3A_1182 = arith.constant 0.812104344 : f32
        %mul3A_1183 = vector.broadcast %mul3A_1182 : f32 to vector<16xf32>
        %mul3A_1184 = arith.mulf %mul3A_1183, %get3A_1174 : vector<16xf32>
        %mul3A_1185 = arith.constant 0.187895656 : f32
        %mul3A_1186 = vector.broadcast %mul3A_1185 : f32 to vector<16xf32>
        %mul3A_1187 = arith.mulf %mul3A_1186, %get3A_1181 : vector<16xf32>
        %add3A_1188 = arith.addf %mul3A_1184, %mul3A_1187 : vector<16xf32>
        %swap3A_1189 = arith.constant 2 : i32
        %swap3A_1190 = arith.constant 1 : i32
        %swap3A_1191 = arith.index_cast %swap3A_1189 : i32 to index
        %swap3A_1192 = arith.index_cast %swap3A_1190 : i32 to index
        %swap3A_1193 = arith.index_cast %mul3A_1140 : i32 to index
        %swap3A_1194 = tpu.vector_load %arg8[%swap3A_1191, %swap3A_1192, %swap3A_1193] {strides = array<i32>} : memref<4x4x2048xf32, #tpu.memory_space<vmem>>, vector<1x1x16xf32>,
        %swap3A_1195 = vector.shape_cast %swap3A_1194 : vector<1x1x16xf32> to vector<16xf32>
        %swap3A_1196 = vector.shape_cast %add3A_1188 : vector<16xf32> to vector<1x1x16xf32>
        tpu.vector_store %arg8[%swap3A_1191, %swap3A_1192, %swap3A_1193], %swap3A_1196 {strides = array<i32>} : memref<4x4x2048xf32, #tpu.memory_space<vmem>>, vector<1x1x16xf32>,
        %get3A_1197 = arith.constant 2 : i32
        %get3A_1198 = arith.constant 2 : i32
        %get3A_1199 = arith.index_cast %get3A_1197 : i32 to index
        %get3A_1200 = arith.index_cast %get3A_1198 : i32 to index
        %get3A_1201 = arith.index_cast %mul3A_1140 : i32 to index
        %get3A_1202 = tpu.vector_load %arg6[%get3A_1199, %get3A_1200, %get3A_1201] {strides = array<i32>} : memref<4x4x2048xf32, #tpu.memory_space<vmem>>, vector<1x1x16xf32>,
        %get3A_1203 = vector.shape_cast %get3A_1202 : vector<1x1x16xf32> to vector<16xf32>
        %get3A_1204 = arith.constant 2 : i32
        %get3A_1205 = arith.constant 2 : i32
        %get3A_1206 = arith.index_cast %get3A_1204 : i32 to index
        %get3A_1207 = arith.index_cast %get3A_1205 : i32 to index
        %get3A_1208 = arith.index_cast %mul3A_1140 : i32 to index
        %get3A_1209 = tpu.vector_load %arg7[%get3A_1206, %get3A_1207, %get3A_1208] {strides = array<i32>} : memref<4x4x2048xf32, #tpu.memory_space<vmem>>, vector<1x1x16xf32>,
        %get3A_1210 = vector.shape_cast %get3A_1209 : vector<1x1x16xf32> to vector<16xf32>
        %mul3A_1211 = arith.constant 0.812104344 : f32
        %mul3A_1212 = vector.broadcast %mul3A_1211 : f32 to vector<16xf32>
        %mul3A_1213 = arith.mulf %mul3A_1212, %get3A_1203 : vector<16xf32>
        %mul3A_1214 = arith.constant 0.187895656 : f32
        %mul3A_1215 = vector.broadcast %mul3A_1214 : f32 to vector<16xf32>
        %mul3A_1216 = arith.mulf %mul3A_1215, %get3A_1210 : vector<16xf32>
        %add3A_1217 = arith.addf %mul3A_1213, %mul3A_1216 : vector<16xf32>
        %swap3A_1218 = arith.constant 2 : i32
        %swap3A_1219 = arith.constant 2 : i32
        %swap3A_1220 = arith.index_cast %swap3A_1218 : i32 to index
        %swap3A_1221 = arith.index_cast %swap3A_1219 : i32 to index
        %swap3A_1222 = arith.index_cast %mul3A_1140 : i32 to index
        %swap3A_1223 = tpu.vector_load %arg8[%swap3A_1220, %swap3A_1221, %swap3A_1222] {strides = array<i32>} : memref<4x4x2048xf32, #tpu.memory_space<vmem>>, vector<1x1x16xf32>,
        %swap3A_1224 = vector.shape_cast %swap3A_1223 : vector<1x1x16xf32> to vector<16xf32>
        %swap3A_1225 = vector.shape_cast %add3A_1217 : vector<16xf32> to vector<1x1x16xf32>
        tpu.vector_store %arg8[%swap3A_1220, %swap3A_1221, %swap3A_1222], %swap3A_1225 {strides = array<i32>} : memref<4x4x2048xf32, #tpu.memory_space<vmem>>, vector<1x1x16xf32>,
        %get3A_1226 = arith.constant 2 : i32
        %get3A_1227 = arith.constant 3 : i32
        %get3A_1228 = arith.index_cast %get3A_1226 : i32 to index
        %get3A_1229 = arith.index_cast %get3A_1227 : i32 to index
        %get3A_1230 = arith.index_cast %mul3A_1140 : i32 to index
        %get3A_1231 = tpu.vector_load %arg6[%get3A_1228, %get3A_1229, %get3A_1230] {strides = array<i32>} : memref<4x4x2048xf32, #tpu.memory_space<vmem>>, vector<1x1x16xf32>,
        %get3A_1232 = vector.shape_cast %get3A_1231 : vector<1x1x16xf32> to vector<16xf32>
        %get3A_1233 = arith.constant 2 : i32
        %get3A_1234 = arith.constant 3 : i32
        %get3A_1235 = arith.index_cast %get3A_1233 : i32 to index
        %get3A_1236 = arith.index_cast %get3A_1234 : i32 to index
        %get3A_1237 = arith.index_cast %mul3A_1140 : i32 to index
        %get3A_1238 = tpu.vector_load %arg7[%get3A_1235, %get3A_1236, %get3A_1237] {strides = array<i32>} : memref<4x4x2048xf32, #tpu.memory_space<vmem>>, vector<1x1x16xf32>,
        %get3A_1239 = vector.shape_cast %get3A_1238 : vector<1x1x16xf32> to vector<16xf32>
        %mul3A_1240 = arith.constant 0.812104344 : f32
        %mul3A_1241 = vector.broadcast %mul3A_1240 : f32 to vector<16xf32>
        %mul3A_1242 = arith.mulf %mul3A_1241, %get3A_1232 : vector<16xf32>
        %mul3A_1243 = arith.constant 0.187895656 : f32
        %mul3A_1244 = vector.broadcast %mul3A_1243 : f32 to vector<16xf32>
        %mul3A_1245 = arith.mulf %mul3A_1244, %get3A_1239 : vector<16xf32>
        %add3A_1246 = arith.addf %mul3A_1242, %mul3A_1245 : vector<16xf32>
        %swap3A_1247 = arith.constant 2 : i32
        %swap3A_1248 = arith.constant 3 : i32
        %swap3A_1249 = arith.index_cast %swap3A_1247 : i32 to index
        %swap3A_1250 = arith.index_cast %swap3A_1248 : i32 to index
        %swap3A_1251 = arith.index_cast %mul3A_1140 : i32 to index
        %swap3A_1252 = tpu.vector_load %arg8[%swap3A_1249, %swap3A_1250, %swap3A_1251] {strides = array<i32>} : memref<4x4x2048xf32, #tpu.memory_space<vmem>>, vector<1x1x16xf32>,
        %swap3A_1253 = vector.shape_cast %swap3A_1252 : vector<1x1x16xf32> to vector<16xf32>
        %swap3A_1254 = vector.shape_cast %add3A_1246 : vector<16xf32> to vector<1x1x16xf32>
        tpu.vector_store %arg8[%swap3A_1249, %swap3A_1250, %swap3A_1251], %swap3A_1254 {strides = array<i32>} : memref<4x4x2048xf32, #tpu.memory_space<vmem>>, vector<1x1x16xf32>,
        %scan3A_1255 = arith.constant 0 : i32
        scf.yield %scan3A_1255 : i32
      }
      %scan3A_1020 = arith.constant 128 : i32
      %mul3A_1021 = arith.constant 4 : i32
      %mul3A_1022 = arith.muli %add3A_939, %mul3A_1021 : i32
      %add3A_1023 = arith.addi %mul3A_2, %mul3A_1022 : i32
      %dma_start3A_1024 = arith.constant 2 : i32
      %dma_start3A_1025 = arith.constant 0 : i32
      %dma_start3A_1026 = arith.constant 0 : i32
      %dma_start3A_1027 = tpu.memref_slice %arg8[%dma_start3A_1024, %dma_start3A_1025, %dma_start3A_1026] : memref<4x4x2048xf32, #tpu.memory_space<vmem>> -> memref<1x4x2048xf32, #tpu.memory_space<vmem>>
      %dma_start3A_1028 = tpu.memref_squeeze %dma_start3A_1027 : memref<1x4x2048xf32, #tpu.memory_space<vmem>> -> memref<4x2048xf32, #tpu.memory_space<vmem>>
      %dma_start3A_1029 = arith.constant 0 : i32
      %dma_start3A_1030 = tpu.memref_slice %arg4[%add3A_1023, %dma_start3A_1029] : memref<16384x2048xf32, #tpu.memory_space<hbm>> -> memref<4x2048xf32, #tpu.memory_space<hbm>>
      %dma_start3A_1031 = arith.constant 0 : i32
      %dma_start3A_1032 = tpu.memref_slice %arg4[%add3A_1023, %dma_start3A_1031] : memref<16384x2048xf32, #tpu.memory_space<hbm>> -> memref<4x2048xf32, #tpu.memory_space<hbm>>
      %dma_start3A_1033 = arith.constant 0 : i32
      %dma_start3A_1034 = arith.constant 0 : i32
      %dma_start3A_1035 = tpu.memref_slice %arg8[%dma_start3A_1024, %dma_start3A_1033, %dma_start3A_1034] : memref<4x4x2048xf32, #tpu.memory_space<vmem>> -> memref<1x4x2048xf32, #tpu.memory_space<vmem>>
      %dma_start3A_1036 = tpu.memref_squeeze %dma_start3A_1035 : memref<1x4x2048xf32, #tpu.memory_space<vmem>> -> memref<4x2048xf32, #tpu.memory_space<vmem>>
      tpu.enqueue_dma source(%dma_start3A_1036 : memref<4x2048xf32, #tpu.memory_space<vmem>>) target(%dma_start3A_1032 : memref<4x2048xf32, #tpu.memory_space<hbm>>) target_semaphore(%arg11 : memref<!tpu.dma_semaphore, #tpu.memory_space<semaphore_mem>>)
      %add3A_1037 = arith.constant 3 : i32
      %add3A_1038 = arith.addi %mul3A_740, %add3A_1037 : i32
      %add3A_1039 = arith.constant 3 : i32
      %add3A_1040 = arith.addi %add3A_1038, %add3A_1039 : i32
      %dma_start3A_1041 = arith.constant 2 : i32
      %dma_start3A_1042 = arith.constant 0 : i32
      %dma_start3A_1043 = arith.constant 0 : i32
      %dma_start3A_1044 = tpu.memref_slice %arg7[%dma_start3A_1041, %dma_start3A_1042, %dma_start3A_1043] : memref<4x4x2048xf32, #tpu.memory_space<vmem>> -> memref<1x4x2048xf32, #tpu.memory_space<vmem>>
      %dma_start3A_1045 = tpu.memref_squeeze %dma_start3A_1044 : memref<1x4x2048xf32, #tpu.memory_space<vmem>> -> memref<4x2048xf32, #tpu.memory_space<vmem>>
      %dma_start3A_1046 = arith.constant 0 : i32
      %dma_start3A_1047 = tpu.memref_slice %arg5[%add3A_1040, %dma_start3A_1046] : memref<128x4xi32, #tpu.memory_space<vmem>> -> memref<1x4xi32, #tpu.memory_space<vmem>>
      %dma_start3A_1048 = tpu.memref_squeeze %dma_start3A_1047 : memref<1x4xi32, #tpu.memory_space<vmem>> -> memref<4xi32, #tpu.memory_space<vmem>>
      %dma_start3A_1049 = arith.constant 0 : i32
      %dma_start3A_1050 = arith.constant 0 : i32
      %dma_start3A_1051 = tpu.memref_slice %arg2[%dma_start3A_1049, %dma_start3A_1050] : memref<16384x2048xf32, #tpu.memory_space<hbm>> -> memref<16384x2048xf32, #tpu.memory_space<hbm>>
      tpu.enqueue_indirect_dma source(%dma_start3A_1051 : memref<16384x2048xf32, #tpu.memory_space<hbm>>) target(%dma_start3A_1045 : memref<4x2048xf32, #tpu.memory_space<vmem>>) offsets(%dma_start3A_1048 : memref<4xi32, #tpu.memory_space<vmem>>) semaphore(%arg9 : memref<!tpu.dma_semaphore, #tpu.memory_space<semaphore_mem>>)
      %mul3A_1052 = arith.constant 4 : i32
      %mul3A_1053 = arith.muli %add3A_1040, %mul3A_1052 : i32
      %add3A_1054 = arith.addi %mul3A_2, %mul3A_1053 : i32
      %dma_start3A_1055 = arith.constant 2 : i32
      %dma_start3A_1056 = arith.constant 0 : i32
      %dma_start3A_1057 = arith.constant 0 : i32
      %dma_start3A_1058 = tpu.memref_slice %arg6[%dma_start3A_1055, %dma_start3A_1056, %dma_start3A_1057] : memref<4x4x2048xf32, #tpu.memory_space<vmem>> -> memref<1x4x2048xf32, #tpu.memory_space<vmem>>
      %dma_start3A_1059 = tpu.memref_squeeze %dma_start3A_1058 : memref<1x4x2048xf32, #tpu.memory_space<vmem>> -> memref<4x2048xf32, #tpu.memory_space<vmem>>
      %dma_start3A_1060 = arith.constant 0 : i32
      %dma_start3A_1061 = tpu.memref_slice %arg2[%add3A_1054, %dma_start3A_1060] : memref<16384x2048xf32, #tpu.memory_space<hbm>> -> memref<4x2048xf32, #tpu.memory_space<hbm>>
      %dma_start3A_1062 = arith.constant 0 : i32
      %dma_start3A_1063 = arith.constant 0 : i32
      %dma_start3A_1064 = tpu.memref_slice %arg6[%dma_start3A_1055, %dma_start3A_1062, %dma_start3A_1063] : memref<4x4x2048xf32, #tpu.memory_space<vmem>> -> memref<1x4x2048xf32, #tpu.memory_space<vmem>>
      %dma_start3A_1065 = tpu.memref_squeeze %dma_start3A_1064 : memref<1x4x2048xf32, #tpu.memory_space<vmem>> -> memref<4x2048xf32, #tpu.memory_space<vmem>>
      %dma_start3A_1066 = arith.constant 0 : i32
      %dma_start3A_1067 = tpu.memref_slice %arg2[%add3A_1054, %dma_start3A_1066] : memref<16384x2048xf32, #tpu.memory_space<hbm>> -> memref<4x2048xf32, #tpu.memory_space<hbm>>
      tpu.enqueue_dma source(%dma_start3A_1067 : memref<4x2048xf32, #tpu.memory_space<hbm>>) target(%dma_start3A_1065 : memref<4x2048xf32, #tpu.memory_space<vmem>>) target_semaphore(%arg10 : memref<!tpu.dma_semaphore, #tpu.memory_space<semaphore_mem>>)
      %dma_wait3A_1068 = arith.constant 3 : i32
      %dma_wait3A_1069 = arith.constant 0 : i32
      %dma_wait3A_1070 = arith.constant 0 : i32
      %dma_wait3A_1071 = tpu.memref_slice %arg7[%dma_wait3A_1068, %dma_wait3A_1069, %dma_wait3A_1070] : memref<4x4x2048xf32, #tpu.memory_space<vmem>> -> memref<1x4x2048xf32, #tpu.memory_space<vmem>>
      %dma_wait3A_1072 = tpu.memref_squeeze %dma_wait3A_1071 : memref<1x4x2048xf32, #tpu.memory_space<vmem>> -> memref<4x2048xf32, #tpu.memory_space<vmem>>
      %dma_wait3A_1073 = arith.constant 0 : i32
      %dma_wait3A_1074 = tpu.memref_slice %arg5[%add3A_1038, %dma_wait3A_1073] : memref<128x4xi32, #tpu.memory_space<vmem>> -> memref<1x4xi32, #tpu.memory_space<vmem>>
      %dma_wait3A_1075 = tpu.memref_squeeze %dma_wait3A_1074 : memref<1x4xi32, #tpu.memory_space<vmem>> -> memref<4xi32, #tpu.memory_space<vmem>>
      %dma_wait3A_1076 = arith.constant 0 : i32
      %dma_wait3A_1077 = arith.constant 0 : i32
      %dma_wait3A_1078 = tpu.memref_slice %arg2[%dma_wait3A_1076, %dma_wait3A_1077] : memref<16384x2048xf32, #tpu.memory_space<hbm>> -> memref<16384x2048xf32, #tpu.memory_space<hbm>>
      tpu.wait_indirect_dma semaphore(%arg9 : memref<!tpu.dma_semaphore, #tpu.memory_space<semaphore_mem>>) src(%dma_wait3A_1078 : memref<16384x2048xf32, #tpu.memory_space<hbm>>) dst(%dma_wait3A_1072 : memref<4x2048xf32, #tpu.memory_space<vmem>>)
      %mul3A_1079 = arith.constant 4 : i32
      %mul3A_1080 = arith.muli %add3A_1038, %mul3A_1079 : i32
      %add3A_1081 = arith.addi %mul3A_2, %mul3A_1080 : i32
      %dma_wait3A_1082 = arith.constant 3 : i32
      %dma_wait3A_1083 = arith.constant 0 : i32
      %dma_wait3A_1084 = arith.constant 0 : i32
      %dma_wait3A_1085 = tpu.memref_slice %arg6[%dma_wait3A_1082, %dma_wait3A_1083, %dma_wait3A_1084] : memref<4x4x2048xf32, #tpu.memory_space<vmem>> -> memref<1x4x2048xf32, #tpu.memory_space<vmem>>
      %dma_wait3A_1086 = tpu.memref_squeeze %dma_wait3A_1085 : memref<1x4x2048xf32, #tpu.memory_space<vmem>> -> memref<4x2048xf32, #tpu.memory_space<vmem>>
      %dma_wait3A_1087 = arith.constant 0 : i32
      %dma_wait3A_1088 = tpu.memref_slice %arg2[%add3A_1081, %dma_wait3A_1087] : memref<16384x2048xf32, #tpu.memory_space<hbm>> -> memref<4x2048xf32, #tpu.memory_space<hbm>>
      %dma_wait3A_1089 = arith.constant 0 : i32
      %dma_wait3A_1090 = arith.constant 0 : i32
      %dma_wait3A_1091 = tpu.memref_slice %arg6[%dma_wait3A_1082, %dma_wait3A_1089, %dma_wait3A_1090] : memref<4x4x2048xf32, #tpu.memory_space<vmem>> -> memref<1x4x2048xf32, #tpu.memory_space<vmem>>
      %dma_wait3A_1092 = tpu.memref_squeeze %dma_wait3A_1091 : memref<1x4x2048xf32, #tpu.memory_space<vmem>> -> memref<4x2048xf32, #tpu.memory_space<vmem>>
      %dma_wait3A_1093 = arith.constant 0 : i32
      %dma_wait3A_1094 = tpu.memref_slice %arg2[%add3A_1081, %dma_wait3A_1093] : memref<16384x2048xf32, #tpu.memory_space<hbm>> -> memref<4x2048xf32, #tpu.memory_space<hbm>>
      tpu.wait_dma2 semaphore(%arg10 : memref<!tpu.dma_semaphore, #tpu.memory_space<semaphore_mem>>) src(%dma_wait3A_1094 : memref<4x2048xf32, #tpu.memory_space<hbm>>) dst(%dma_wait3A_1092 : memref<4x2048xf32, #tpu.memory_space<vmem>>)
      %sub3A_1095 = arith.constant 4 : i32
      %sub3A_1096 = arith.subi %add3A_1038, %sub3A_1095 : i32
      %mul3A_1097 = arith.constant 4 : i32
      %mul3A_1098 = arith.muli %sub3A_1096, %mul3A_1097 : i32
      %add3A_1099 = arith.addi %mul3A_2, %mul3A_1098 : i32
      %dma_wait3A_1100 = arith.constant 3 : i32
      %dma_wait3A_1101 = arith.constant 0 : i32
      %dma_wait3A_1102 = arith.constant 0 : i32
      %dma_wait3A_1103 = tpu.memref_slice %arg8[%dma_wait3A_1100, %dma_wait3A_1101, %dma_wait3A_1102] : memref<4x4x2048xf32, #tpu.memory_space<vmem>> -> memref<1x4x2048xf32, #tpu.memory_space<vmem>>
      %dma_wait3A_1104 = tpu.memref_squeeze %dma_wait3A_1103 : memref<1x4x2048xf32, #tpu.memory_space<vmem>> -> memref<4x2048xf32, #tpu.memory_space<vmem>>
      %dma_wait3A_1105 = arith.constant 0 : i32
      %dma_wait3A_1106 = tpu.memref_slice %arg4[%add3A_1099, %dma_wait3A_1105] : memref<16384x2048xf32, #tpu.memory_space<hbm>> -> memref<4x2048xf32, #tpu.memory_space<hbm>>
      %dma_wait3A_1107 = arith.constant 0 : i32
      %dma_wait3A_1108 = tpu.memref_slice %arg4[%add3A_1099, %dma_wait3A_1107] : memref<16384x2048xf32, #tpu.memory_space<hbm>> -> memref<4x2048xf32, #tpu.memory_space<hbm>>
      %dma_wait3A_1109 = arith.constant 0 : i32
      %dma_wait3A_1110 = arith.constant 0 : i32
      %dma_wait3A_1111 = tpu.memref_slice %arg8[%dma_wait3A_1100, %dma_wait3A_1109, %dma_wait3A_1110] : memref<4x4x2048xf32, #tpu.memory_space<vmem>> -> memref<1x4x2048xf32, #tpu.memory_space<vmem>>
      %dma_wait3A_1112 = tpu.memref_squeeze %dma_wait3A_1111 : memref<1x4x2048xf32, #tpu.memory_space<vmem>> -> memref<4x2048xf32, #tpu.memory_space<vmem>>
      tpu.wait_dma2 semaphore(%arg11 : memref<!tpu.dma_semaphore, #tpu.memory_space<semaphore_mem>>) src(%dma_wait3A_1112 : memref<4x2048xf32, #tpu.memory_space<vmem>>) dst(%dma_wait3A_1108 : memref<4x2048xf32, #tpu.memory_space<hbm>>)
      %scan3A_1113 = arith.constant 0 : i32
      %scan3A_1114 = arith.constant 0 : i32
      %scan3A_1115 = arith.constant 128 : i32
      %scan3A_1116 = arith.addi %scan3A_1114, %scan3A_1115 : i32
      %scan3A_1117 = arith.constant 1 : i32
      %scan3A_1118 = scf.for %scan3A_1137 = %scan3A_1114 to %scan3A_1116 step %scan3A_1117 iter_args(%scan3A_1138 = %scan3A_1113) -> (i32)  : i32 {
        %mul3A_1139 = arith.constant 16 : i32
        %mul3A_1140 = arith.muli %scan3A_1137, %mul3A_1139 : i32
        %get3A = arith.constant 3 : i32
        %get3A_1141 = arith.constant 0 : i32
        %get3A_1142 = arith.index_cast %get3A : i32 to index
        %get3A_1143 = arith.index_cast %get3A_1141 : i32 to index
        %get3A_1144 = arith.index_cast %mul3A_1140 : i32 to index
        %get3A_1145 = tpu.vector_load %arg6[%get3A_1142, %get3A_1143, %get3A_1144] {strides = array<i32>} : memref<4x4x2048xf32, #tpu.memory_space<vmem>>, vector<1x1x16xf32>,
        %get3A_1146 = vector.shape_cast %get3A_1145 : vector<1x1x16xf32> to vector<16xf32>
        %get3A_1147 = arith.constant 3 : i32
        %get3A_1148 = arith.constant 0 : i32
        %get3A_1149 = arith.index_cast %get3A_1147 : i32 to index
        %get3A_1150 = arith.index_cast %get3A_1148 : i32 to index
        %get3A_1151 = arith.index_cast %mul3A_1140 : i32 to index
        %get3A_1152 = tpu.vector_load %arg7[%get3A_1149, %get3A_1150, %get3A_1151] {strides = array<i32>} : memref<4x4x2048xf32, #tpu.memory_space<vmem>>, vector<1x1x16xf32>,
        %get3A_1153 = vector.shape_cast %get3A_1152 : vector<1x1x16xf32> to vector<16xf32>
        %mul3A_1154 = arith.constant 0.812104344 : f32
        %mul3A_1155 = vector.broadcast %mul3A_1154 : f32 to vector<16xf32>
        %mul3A_1156 = arith.mulf %mul3A_1155, %get3A_1146 : vector<16xf32>
        %mul3A_1157 = arith.constant 0.187895656 : f32
        %mul3A_1158 = vector.broadcast %mul3A_1157 : f32 to vector<16xf32>
        %mul3A_1159 = arith.mulf %mul3A_1158, %get3A_1153 : vector<16xf32>
        %add3A_1160 = arith.addf %mul3A_1156, %mul3A_1159 : vector<16xf32>
        %swap3A = arith.constant 3 : i32
        %swap3A_1161 = arith.constant 0 : i32
        %swap3A_1162 = arith.index_cast %swap3A : i32 to index
        %swap3A_1163 = arith.index_cast %swap3A_1161 : i32 to index
        %swap3A_1164 = arith.index_cast %mul3A_1140 : i32 to index
        %swap3A_1165 = tpu.vector_load %arg8[%swap3A_1162, %swap3A_1163, %swap3A_1164] {strides = array<i32>} : memref<4x4x2048xf32, #tpu.memory_space<vmem>>, vector<1x1x16xf32>,
        %swap3A_1166 = vector.shape_cast %swap3A_1165 : vector<1x1x16xf32> to vector<16xf32>
        %swap3A_1167 = vector.shape_cast %add3A_1160 : vector<16xf32> to vector<1x1x16xf32>
        tpu.vector_store %arg8[%swap3A_1162, %swap3A_1163, %swap3A_1164], %swap3A_1167 {strides = array<i32>} : memref<4x4x2048xf32, #tpu.memory_space<vmem>>, vector<1x1x16xf32>,
        %get3A_1168 = arith.constant 3 : i32
        %get3A_1169 = arith.constant 1 : i32
        %get3A_1170 = arith.index_cast %get3A_1168 : i32 to index
        %get3A_1171 = arith.index_cast %get3A_1169 : i32 to index
        %get3A_1172 = arith.index_cast %mul3A_1140 : i32 to index
        %get3A_1173 = tpu.vector_load %arg6[%get3A_1170, %get3A_1171, %get3A_1172] {strides = array<i32>} : memref<4x4x2048xf32, #tpu.memory_space<vmem>>, vector<1x1x16xf32>,
        %get3A_1174 = vector.shape_cast %get3A_1173 : vector<1x1x16xf32> to vector<16xf32>
        %get3A_1175 = arith.constant 3 : i32
        %get3A_1176 = arith.constant 1 : i32
        %get3A_1177 = arith.index_cast %get3A_1175 : i32 to index
        %get3A_1178 = arith.index_cast %get3A_1176 : i32 to index
        %get3A_1179 = arith.index_cast %mul3A_1140 : i32 to index
        %get3A_1180 = tpu.vector_load %arg7[%get3A_1177, %get3A_1178, %get3A_1179] {strides = array<i32>} : memref<4x4x2048xf32, #tpu.memory_space<vmem>>, vector<1x1x16xf32>,
        %get3A_1181 = vector.shape_cast %get3A_1180 : vector<1x1x16xf32> to vector<16xf32>
        %mul3A_1182 = arith.constant 0.812104344 : f32
        %mul3A_1183 = vector.broadcast %mul3A_1182 : f32 to vector<16xf32>
        %mul3A_1184 = arith.mulf %mul3A_1183, %get3A_1174 : vector<16xf32>
        %mul3A_1185 = arith.constant 0.187895656 : f32
        %mul3A_1186 = vector.broadcast %mul3A_1185 : f32 to vector<16xf32>
        %mul3A_1187 = arith.mulf %mul3A_1186, %get3A_1181 : vector<16xf32>
        %add3A_1188 = arith.addf %mul3A_1184, %mul3A_1187 : vector<16xf32>
        %swap3A_1189 = arith.constant 3 : i32
        %swap3A_1190 = arith.constant 1 : i32
        %swap3A_1191 = arith.index_cast %swap3A_1189 : i32 to index
        %swap3A_1192 = arith.index_cast %swap3A_1190 : i32 to index
        %swap3A_1193 = arith.index_cast %mul3A_1140 : i32 to index
        %swap3A_1194 = tpu.vector_load %arg8[%swap3A_1191, %swap3A_1192, %swap3A_1193] {strides = array<i32>} : memref<4x4x2048xf32, #tpu.memory_space<vmem>>, vector<1x1x16xf32>,
        %swap3A_1195 = vector.shape_cast %swap3A_1194 : vector<1x1x16xf32> to vector<16xf32>
        %swap3A_1196 = vector.shape_cast %add3A_1188 : vector<16xf32> to vector<1x1x16xf32>
        tpu.vector_store %arg8[%swap3A_1191, %swap3A_1192, %swap3A_1193], %swap3A_1196 {strides = array<i32>} : memref<4x4x2048xf32, #tpu.memory_space<vmem>>, vector<1x1x16xf32>,
        %get3A_1197 = arith.constant 3 : i32
        %get3A_1198 = arith.constant 2 : i32
        %get3A_1199 = arith.index_cast %get3A_1197 : i32 to index
        %get3A_1200 = arith.index_cast %get3A_1198 : i32 to index
        %get3A_1201 = arith.index_cast %mul3A_1140 : i32 to index
        %get3A_1202 = tpu.vector_load %arg6[%get3A_1199, %get3A_1200, %get3A_1201] {strides = array<i32>} : memref<4x4x2048xf32, #tpu.memory_space<vmem>>, vector<1x1x16xf32>,
        %get3A_1203 = vector.shape_cast %get3A_1202 : vector<1x1x16xf32> to vector<16xf32>
        %get3A_1204 = arith.constant 3 : i32
        %get3A_1205 = arith.constant 2 : i32
        %get3A_1206 = arith.index_cast %get3A_1204 : i32 to index
        %get3A_1207 = arith.index_cast %get3A_1205 : i32 to index
        %get3A_1208 = arith.index_cast %mul3A_1140 : i32 to index
        %get3A_1209 = tpu.vector_load %arg7[%get3A_1206, %get3A_1207, %get3A_1208] {strides = array<i32>} : memref<4x4x2048xf32, #tpu.memory_space<vmem>>, vector<1x1x16xf32>,
        %get3A_1210 = vector.shape_cast %get3A_1209 : vector<1x1x16xf32> to vector<16xf32>
        %mul3A_1211 = arith.constant 0.812104344 : f32
        %mul3A_1212 = vector.broadcast %mul3A_1211 : f32 to vector<16xf32>
        %mul3A_1213 = arith.mulf %mul3A_1212, %get3A_1203 : vector<16xf32>
        %mul3A_1214 = arith.constant 0.187895656 : f32
        %mul3A_1215 = vector.broadcast %mul3A_1214 : f32 to vector<16xf32>
        %mul3A_1216 = arith.mulf %mul3A_1215, %get3A_1210 : vector<16xf32>
        %add3A_1217 = arith.addf %mul3A_1213, %mul3A_1216 : vector<16xf32>
        %swap3A_1218 = arith.constant 3 : i32
        %swap3A_1219 = arith.constant 2 : i32
        %swap3A_1220 = arith.index_cast %swap3A_1218 : i32 to index
        %swap3A_1221 = arith.index_cast %swap3A_1219 : i32 to index
        %swap3A_1222 = arith.index_cast %mul3A_1140 : i32 to index
        %swap3A_1223 = tpu.vector_load %arg8[%swap3A_1220, %swap3A_1221, %swap3A_1222] {strides = array<i32>} : memref<4x4x2048xf32, #tpu.memory_space<vmem>>, vector<1x1x16xf32>,
        %swap3A_1224 = vector.shape_cast %swap3A_1223 : vector<1x1x16xf32> to vector<16xf32>
        %swap3A_1225 = vector.shape_cast %add3A_1217 : vector<16xf32> to vector<1x1x16xf32>
        tpu.vector_store %arg8[%swap3A_1220, %swap3A_1221, %swap3A_1222], %swap3A_1225 {strides = array<i32>} : memref<4x4x2048xf32, #tpu.memory_space<vmem>>, vector<1x1x16xf32>,
        %get3A_1226 = arith.constant 3 : i32
        %get3A_1227 = arith.constant 3 : i32
        %get3A_1228 = arith.index_cast %get3A_1226 : i32 to index
        %get3A_1229 = arith.index_cast %get3A_1227 : i32 to index
        %get3A_1230 = arith.index_cast %mul3A_1140 : i32 to index
        %get3A_1231 = tpu.vector_load %arg6[%get3A_1228, %get3A_1229, %get3A_1230] {strides = array<i32>} : memref<4x4x2048xf32, #tpu.memory_space<vmem>>, vector<1x1x16xf32>,
        %get3A_1232 = vector.shape_cast %get3A_1231 : vector<1x1x16xf32> to vector<16xf32>
        %get3A_1233 = arith.constant 3 : i32
        %get3A_1234 = arith.constant 3 : i32
        %get3A_1235 = arith.index_cast %get3A_1233 : i32 to index
        %get3A_1236 = arith.index_cast %get3A_1234 : i32 to index
        %get3A_1237 = arith.index_cast %mul3A_1140 : i32 to index
        %get3A_1238 = tpu.vector_load %arg7[%get3A_1235, %get3A_1236, %get3A_1237] {strides = array<i32>} : memref<4x4x2048xf32, #tpu.memory_space<vmem>>, vector<1x1x16xf32>,
        %get3A_1239 = vector.shape_cast %get3A_1238 : vector<1x1x16xf32> to vector<16xf32>
        %mul3A_1240 = arith.constant 0.812104344 : f32
        %mul3A_1241 = vector.broadcast %mul3A_1240 : f32 to vector<16xf32>
        %mul3A_1242 = arith.mulf %mul3A_1241, %get3A_1232 : vector<16xf32>
        %mul3A_1243 = arith.constant 0.187895656 : f32
        %mul3A_1244 = vector.broadcast %mul3A_1243 : f32 to vector<16xf32>
        %mul3A_1245 = arith.mulf %mul3A_1244, %get3A_1239 : vector<16xf32>
        %add3A_1246 = arith.addf %mul3A_1242, %mul3A_1245 : vector<16xf32>
        %swap3A_1247 = arith.constant 3 : i32
        %swap3A_1248 = arith.constant 3 : i32
        %swap3A_1249 = arith.index_cast %swap3A_1247 : i32 to index
        %swap3A_1250 = arith.index_cast %swap3A_1248 : i32 to index
        %swap3A_1251 = arith.index_cast %mul3A_1140 : i32 to index
        %swap3A_1252 = tpu.vector_load %arg8[%swap3A_1249, %swap3A_1250, %swap3A_1251] {strides = array<i32>} : memref<4x4x2048xf32, #tpu.memory_space<vmem>>, vector<1x1x16xf32>,
        %swap3A_1253 = vector.shape_cast %swap3A_1252 : vector<1x1x16xf32> to vector<16xf32>
        %swap3A_1254 = vector.shape_cast %add3A_1246 : vector<16xf32> to vector<1x1x16xf32>
        tpu.vector_store %arg8[%swap3A_1249, %swap3A_1250, %swap3A_1251], %swap3A_1254 {strides = array<i32>} : memref<4x4x2048xf32, #tpu.memory_space<vmem>>, vector<1x1x16xf32>,
        %scan3A_1255 = arith.constant 0 : i32
        scf.yield %scan3A_1255 : i32
      }
      %scan3A_1119 = arith.constant 128 : i32
      %mul3A_1120 = arith.constant 4 : i32
      %mul3A_1121 = arith.muli %add3A_1038, %mul3A_1120 : i32
      %add3A_1122 = arith.addi %mul3A_2, %mul3A_1121 : i32
      %dma_start3A_1123 = arith.constant 3 : i32
      %dma_start3A_1124 = arith.constant 0 : i32
      %dma_start3A_1125 = arith.constant 0 : i32
      %dma_start3A_1126 = tpu.memref_slice %arg8[%dma_start3A_1123, %dma_start3A_1124, %dma_start3A_1125] : memref<4x4x2048xf32, #tpu.memory_space<vmem>> -> memref<1x4x2048xf32, #tpu.memory_space<vmem>>
      %dma_start3A_1127 = tpu.memref_squeeze %dma_start3A_1126 : memref<1x4x2048xf32, #tpu.memory_space<vmem>> -> memref<4x2048xf32, #tpu.memory_space<vmem>>
      %dma_start3A_1128 = arith.constant 0 : i32
      %dma_start3A_1129 = tpu.memref_slice %arg4[%add3A_1122, %dma_start3A_1128] : memref<16384x2048xf32, #tpu.memory_space<hbm>> -> memref<4x2048xf32, #tpu.memory_space<hbm>>
      %dma_start3A_1130 = arith.constant 0 : i32
      %dma_start3A_1131 = tpu.memref_slice %arg4[%add3A_1122, %dma_start3A_1130] : memref<16384x2048xf32, #tpu.memory_space<hbm>> -> memref<4x2048xf32, #tpu.memory_space<hbm>>
      %dma_start3A_1132 = arith.constant 0 : i32
      %dma_start3A_1133 = arith.constant 0 : i32
      %dma_start3A_1134 = tpu.memref_slice %arg8[%dma_start3A_1123, %dma_start3A_1132, %dma_start3A_1133] : memref<4x4x2048xf32, #tpu.memory_space<vmem>> -> memref<1x4x2048xf32, #tpu.memory_space<vmem>>
      %dma_start3A_1135 = tpu.memref_squeeze %dma_start3A_1134 : memref<1x4x2048xf32, #tpu.memory_space<vmem>> -> memref<4x2048xf32, #tpu.memory_space<vmem>>
      tpu.enqueue_dma source(%dma_start3A_1135 : memref<4x2048xf32, #tpu.memory_space<vmem>>) target(%dma_start3A_1131 : memref<4x2048xf32, #tpu.memory_space<hbm>>) target_semaphore(%arg11 : memref<!tpu.dma_semaphore, #tpu.memory_space<semaphore_mem>>)
      %scan3A_1136 = arith.constant 0 : i32
      scf.yield %scan3A_1136 : i32
    }
    %scan3A_393 = arith.constant 30 : i32
    %dma_start3A_394 = arith.constant 127 : i32
    %dma_start3A_395 = arith.constant 3 : i32
    %dma_start3A_396 = arith.constant 0 : i32
    %dma_start3A_397 = arith.constant 0 : i32
    %dma_start3A_398 = tpu.memref_slice %arg7[%dma_start3A_395, %dma_start3A_396, %dma_start3A_397] : memref<4x4x2048xf32, #tpu.memory_space<vmem>> -> memref<1x4x2048xf32, #tpu.memory_space<vmem>>
    %dma_start3A_399 = tpu.memref_squeeze %dma_start3A_398 : memref<1x4x2048xf32, #tpu.memory_space<vmem>> -> memref<4x2048xf32, #tpu.memory_space<vmem>>
    %dma_start3A_400 = arith.constant 0 : i32
    %dma_start3A_401 = tpu.memref_slice %arg5[%dma_start3A_394, %dma_start3A_400] : memref<128x4xi32, #tpu.memory_space<vmem>> -> memref<1x4xi32, #tpu.memory_space<vmem>>
    %dma_start3A_402 = tpu.memref_squeeze %dma_start3A_401 : memref<1x4xi32, #tpu.memory_space<vmem>> -> memref<4xi32, #tpu.memory_space<vmem>>
    %dma_start3A_403 = arith.constant 0 : i32
    %dma_start3A_404 = arith.constant 0 : i32
    %dma_start3A_405 = tpu.memref_slice %arg2[%dma_start3A_403, %dma_start3A_404] : memref<16384x2048xf32, #tpu.memory_space<hbm>> -> memref<16384x2048xf32, #tpu.memory_space<hbm>>
    tpu.enqueue_indirect_dma source(%dma_start3A_405 : memref<16384x2048xf32, #tpu.memory_space<hbm>>) target(%dma_start3A_399 : memref<4x2048xf32, #tpu.memory_space<vmem>>) offsets(%dma_start3A_402 : memref<4xi32, #tpu.memory_space<vmem>>) semaphore(%arg9 : memref<!tpu.dma_semaphore, #tpu.memory_space<semaphore_mem>>)
    %add3A_406 = arith.constant 508 : i32
    %add3A_407 = arith.addi %mul3A_2, %add3A_406 : i32
    %dma_start3A_408 = arith.constant 3 : i32
    %dma_start3A_409 = arith.constant 0 : i32
    %dma_start3A_410 = arith.constant 0 : i32
    %dma_start3A_411 = tpu.memref_slice %arg6[%dma_start3A_408, %dma_start3A_409, %dma_start3A_410] : memref<4x4x2048xf32, #tpu.memory_space<vmem>> -> memref<1x4x2048xf32, #tpu.memory_space<vmem>>
    %dma_start3A_412 = tpu.memref_squeeze %dma_start3A_411 : memref<1x4x2048xf32, #tpu.memory_space<vmem>> -> memref<4x2048xf32, #tpu.memory_space<vmem>>
    %dma_start3A_413 = arith.constant 0 : i32
    %dma_start3A_414 = tpu.memref_slice %arg2[%add3A_407, %dma_start3A_413] : memref<16384x2048xf32, #tpu.memory_space<hbm>> -> memref<4x2048xf32, #tpu.memory_space<hbm>>
    %dma_start3A_415 = arith.constant 0 : i32
    %dma_start3A_416 = arith.constant 0 : i32
    %dma_start3A_417 = tpu.memref_slice %arg6[%dma_start3A_408, %dma_start3A_415, %dma_start3A_416] : memref<4x4x2048xf32, #tpu.memory_space<vmem>> -> memref<1x4x2048xf32, #tpu.memory_space<vmem>>
    %dma_start3A_418 = tpu.memref_squeeze %dma_start3A_417 : memref<1x4x2048xf32, #tpu.memory_space<vmem>> -> memref<4x2048xf32, #tpu.memory_space<vmem>>
    %dma_start3A_419 = arith.constant 0 : i32
    %dma_start3A_420 = tpu.memref_slice %arg2[%add3A_407, %dma_start3A_419] : memref<16384x2048xf32, #tpu.memory_space<hbm>> -> memref<4x2048xf32, #tpu.memory_space<hbm>>
    tpu.enqueue_dma source(%dma_start3A_420 : memref<4x2048xf32, #tpu.memory_space<hbm>>) target(%dma_start3A_418 : memref<4x2048xf32, #tpu.memory_space<vmem>>) target_semaphore(%arg10 : memref<!tpu.dma_semaphore, #tpu.memory_space<semaphore_mem>>)
    %dma_wait3A_421 = arith.constant 124 : i32
    %dma_wait3A_422 = arith.constant 0 : i32
    %dma_wait3A_423 = arith.constant 0 : i32
    %dma_wait3A_424 = arith.constant 0 : i32
    %dma_wait3A_425 = tpu.memref_slice %arg7[%dma_wait3A_422, %dma_wait3A_423, %dma_wait3A_424] : memref<4x4x2048xf32, #tpu.memory_space<vmem>> -> memref<1x4x2048xf32, #tpu.memory_space<vmem>>
    %dma_wait3A_426 = tpu.memref_squeeze %dma_wait3A_425 : memref<1x4x2048xf32, #tpu.memory_space<vmem>> -> memref<4x2048xf32, #tpu.memory_space<vmem>>
    %dma_wait3A_427 = arith.constant 0 : i32
    %dma_wait3A_428 = tpu.memref_slice %arg5[%dma_wait3A_421, %dma_wait3A_427] : memref<128x4xi32, #tpu.memory_space<vmem>> -> memref<1x4xi32, #tpu.memory_space<vmem>>
    %dma_wait3A_429 = tpu.memref_squeeze %dma_wait3A_428 : memref<1x4xi32, #tpu.memory_space<vmem>> -> memref<4xi32, #tpu.memory_space<vmem>>
    %dma_wait3A_430 = arith.constant 0 : i32
    %dma_wait3A_431 = arith.constant 0 : i32
    %dma_wait3A_432 = tpu.memref_slice %arg2[%dma_wait3A_430, %dma_wait3A_431] : memref<16384x2048xf32, #tpu.memory_space<hbm>> -> memref<16384x2048xf32, #tpu.memory_space<hbm>>
    tpu.wait_indirect_dma semaphore(%arg9 : memref<!tpu.dma_semaphore, #tpu.memory_space<semaphore_mem>>) src(%dma_wait3A_432 : memref<16384x2048xf32, #tpu.memory_space<hbm>>) dst(%dma_wait3A_426 : memref<4x2048xf32, #tpu.memory_space<vmem>>)
    %add3A_433 = arith.constant 496 : i32
    %add3A_434 = arith.addi %mul3A_2, %add3A_433 : i32
    %dma_wait3A_435 = arith.constant 0 : i32
    %dma_wait3A_436 = arith.constant 0 : i32
    %dma_wait3A_437 = arith.constant 0 : i32
    %dma_wait3A_438 = tpu.memref_slice %arg6[%dma_wait3A_435, %dma_wait3A_436, %dma_wait3A_437] : memref<4x4x2048xf32, #tpu.memory_space<vmem>> -> memref<1x4x2048xf32, #tpu.memory_space<vmem>>
    %dma_wait3A_439 = tpu.memref_squeeze %dma_wait3A_438 : memref<1x4x2048xf32, #tpu.memory_space<vmem>> -> memref<4x2048xf32, #tpu.memory_space<vmem>>
    %dma_wait3A_440 = arith.constant 0 : i32
    %dma_wait3A_441 = tpu.memref_slice %arg2[%add3A_434, %dma_wait3A_440] : memref<16384x2048xf32, #tpu.memory_space<hbm>> -> memref<4x2048xf32, #tpu.memory_space<hbm>>
    %dma_wait3A_442 = arith.constant 0 : i32
    %dma_wait3A_443 = arith.constant 0 : i32
    %dma_wait3A_444 = tpu.memref_slice %arg6[%dma_wait3A_435, %dma_wait3A_442, %dma_wait3A_443] : memref<4x4x2048xf32, #tpu.memory_space<vmem>> -> memref<1x4x2048xf32, #tpu.memory_space<vmem>>
    %dma_wait3A_445 = tpu.memref_squeeze %dma_wait3A_444 : memref<1x4x2048xf32, #tpu.memory_space<vmem>> -> memref<4x2048xf32, #tpu.memory_space<vmem>>
    %dma_wait3A_446 = arith.constant 0 : i32
    %dma_wait3A_447 = tpu.memref_slice %arg2[%add3A_434, %dma_wait3A_446] : memref<16384x2048xf32, #tpu.memory_space<hbm>> -> memref<4x2048xf32, #tpu.memory_space<hbm>>
    tpu.wait_dma2 semaphore(%arg10 : memref<!tpu.dma_semaphore, #tpu.memory_space<semaphore_mem>>) src(%dma_wait3A_447 : memref<4x2048xf32, #tpu.memory_space<hbm>>) dst(%dma_wait3A_445 : memref<4x2048xf32, #tpu.memory_space<vmem>>)
    %add3A_448 = arith.constant 480 : i32
    %add3A_449 = arith.addi %mul3A_2, %add3A_448 : i32
    %dma_wait3A_450 = arith.constant 0 : i32
    %dma_wait3A_451 = arith.constant 0 : i32
    %dma_wait3A_452 = arith.constant 0 : i32
    %dma_wait3A_453 = tpu.memref_slice %arg8[%dma_wait3A_450, %dma_wait3A_451, %dma_wait3A_452] : memref<4x4x2048xf32, #tpu.memory_space<vmem>> -> memref<1x4x2048xf32, #tpu.memory_space<vmem>>
    %dma_wait3A_454 = tpu.memref_squeeze %dma_wait3A_453 : memref<1x4x2048xf32, #tpu.memory_space<vmem>> -> memref<4x2048xf32, #tpu.memory_space<vmem>>
    %dma_wait3A_455 = arith.constant 0 : i32
    %dma_wait3A_456 = tpu.memref_slice %arg4[%add3A_449, %dma_wait3A_455] : memref<16384x2048xf32, #tpu.memory_space<hbm>> -> memref<4x2048xf32, #tpu.memory_space<hbm>>
    %dma_wait3A_457 = arith.constant 0 : i32
    %dma_wait3A_458 = tpu.memref_slice %arg4[%add3A_449, %dma_wait3A_457] : memref<16384x2048xf32, #tpu.memory_space<hbm>> -> memref<4x2048xf32, #tpu.memory_space<hbm>>
    %dma_wait3A_459 = arith.constant 0 : i32
    %dma_wait3A_460 = arith.constant 0 : i32
    %dma_wait3A_461 = tpu.memref_slice %arg8[%dma_wait3A_450, %dma_wait3A_459, %dma_wait3A_460] : memref<4x4x2048xf32, #tpu.memory_space<vmem>> -> memref<1x4x2048xf32, #tpu.memory_space<vmem>>
    %dma_wait3A_462 = tpu.memref_squeeze %dma_wait3A_461 : memref<1x4x2048xf32, #tpu.memory_space<vmem>> -> memref<4x2048xf32, #tpu.memory_space<vmem>>
    tpu.wait_dma2 semaphore(%arg11 : memref<!tpu.dma_semaphore, #tpu.memory_space<semaphore_mem>>) src(%dma_wait3A_462 : memref<4x2048xf32, #tpu.memory_space<vmem>>) dst(%dma_wait3A_458 : memref<4x2048xf32, #tpu.memory_space<hbm>>)
    %scan3A_463 = arith.constant 0 : i32
    %scan3A_464 = arith.constant 0 : i32
    %scan3A_465 = arith.constant 128 : i32
    %scan3A_466 = arith.addi %scan3A_464, %scan3A_465 : i32
    %scan3A_467 = arith.constant 1 : i32
    %scan3A_468 = scf.for %scan3A_737 = %scan3A_464 to %scan3A_466 step %scan3A_467 iter_args(%scan3A_738 = %scan3A_463) -> (i32)  : i32 {
      %mul3A_739 = arith.constant 16 : i32
      %mul3A_740 = arith.muli %scan3A_737, %mul3A_739 : i32
      %get3A = arith.constant 0 : i32
      %get3A_741 = arith.constant 0 : i32
      %get3A_742 = arith.index_cast %get3A : i32 to index
      %get3A_743 = arith.index_cast %get3A_741 : i32 to index
      %get3A_744 = arith.index_cast %mul3A_740 : i32 to index
      %get3A_745 = tpu.vector_load %arg6[%get3A_742, %get3A_743, %get3A_744] {strides = array<i32>} : memref<4x4x2048xf32, #tpu.memory_space<vmem>>, vector<1x1x16xf32>,
      %get3A_746 = vector.shape_cast %get3A_745 : vector<1x1x16xf32> to vector<16xf32>
      %get3A_747 = arith.constant 0 : i32
      %get3A_748 = arith.constant 0 : i32
      %get3A_749 = arith.index_cast %get3A_747 : i32 to index
      %get3A_750 = arith.index_cast %get3A_748 : i32 to index
      %get3A_751 = arith.index_cast %mul3A_740 : i32 to index
      %get3A_752 = tpu.vector_load %arg7[%get3A_749, %get3A_750, %get3A_751] {strides = array<i32>} : memref<4x4x2048xf32, #tpu.memory_space<vmem>>, vector<1x1x16xf32>,
      %get3A_753 = vector.shape_cast %get3A_752 : vector<1x1x16xf32> to vector<16xf32>
      %mul3A_754 = arith.constant 0.812104344 : f32
      %mul3A_755 = vector.broadcast %mul3A_754 : f32 to vector<16xf32>
      %mul3A_756 = arith.mulf %mul3A_755, %get3A_746 : vector<16xf32>
      %mul3A_757 = arith.constant 0.187895656 : f32
      %mul3A_758 = vector.broadcast %mul3A_757 : f32 to vector<16xf32>
      %mul3A_759 = arith.mulf %mul3A_758, %get3A_753 : vector<16xf32>
      %add3A_760 = arith.addf %mul3A_756, %mul3A_759 : vector<16xf32>
      %swap3A = arith.constant 0 : i32
      %swap3A_761 = arith.constant 0 : i32
      %swap3A_762 = arith.index_cast %swap3A : i32 to index
      %swap3A_763 = arith.index_cast %swap3A_761 : i32 to index
      %swap3A_764 = arith.index_cast %mul3A_740 : i32 to index
      %swap3A_765 = tpu.vector_load %arg8[%swap3A_762, %swap3A_763, %swap3A_764] {strides = array<i32>} : memref<4x4x2048xf32, #tpu.memory_space<vmem>>, vector<1x1x16xf32>,
      %swap3A_766 = vector.shape_cast %swap3A_765 : vector<1x1x16xf32> to vector<16xf32>
      %swap3A_767 = vector.shape_cast %add3A_760 : vector<16xf32> to vector<1x1x16xf32>
      tpu.vector_store %arg8[%swap3A_762, %swap3A_763, %swap3A_764], %swap3A_767 {strides = array<i32>} : memref<4x4x2048xf32, #tpu.memory_space<vmem>>, vector<1x1x16xf32>,
      %get3A_768 = arith.constant 0 : i32
      %get3A_769 = arith.constant 1 : i32
      %get3A_770 = arith.index_cast %get3A_768 : i32 to index
      %get3A_771 = arith.index_cast %get3A_769 : i32 to index
      %get3A_772 = arith.index_cast %mul3A_740 : i32 to index
      %get3A_773 = tpu.vector_load %arg6[%get3A_770, %get3A_771, %get3A_772] {strides = array<i32>} : memref<4x4x2048xf32, #tpu.memory_space<vmem>>, vector<1x1x16xf32>,
      %get3A_774 = vector.shape_cast %get3A_773 : vector<1x1x16xf32> to vector<16xf32>
      %get3A_775 = arith.constant 0 : i32
      %get3A_776 = arith.constant 1 : i32
      %get3A_777 = arith.index_cast %get3A_775 : i32 to index
      %get3A_778 = arith.index_cast %get3A_776 : i32 to index
      %get3A_779 = arith.index_cast %mul3A_740 : i32 to index
      %get3A_780 = tpu.vector_load %arg7[%get3A_777, %get3A_778, %get3A_779] {strides = array<i32>} : memref<4x4x2048xf32, #tpu.memory_space<vmem>>, vector<1x1x16xf32>,
      %get3A_781 = vector.shape_cast %get3A_780 : vector<1x1x16xf32> to vector<16xf32>
      %mul3A_782 = arith.constant 0.812104344 : f32
      %mul3A_783 = vector.broadcast %mul3A_782 : f32 to vector<16xf32>
      %mul3A_784 = arith.mulf %mul3A_783, %get3A_774 : vector<16xf32>
      %mul3A_785 = arith.constant 0.187895656 : f32
      %mul3A_786 = vector.broadcast %mul3A_785 : f32 to vector<16xf32>
      %mul3A_787 = arith.mulf %mul3A_786, %get3A_781 : vector<16xf32>
      %add3A_788 = arith.addf %mul3A_784, %mul3A_787 : vector<16xf32>
      %swap3A_789 = arith.constant 0 : i32
      %swap3A_790 = arith.constant 1 : i32
      %swap3A_791 = arith.index_cast %swap3A_789 : i32 to index
      %swap3A_792 = arith.index_cast %swap3A_790 : i32 to index
      %swap3A_793 = arith.index_cast %mul3A_740 : i32 to index
      %swap3A_794 = tpu.vector_load %arg8[%swap3A_791, %swap3A_792, %swap3A_793] {strides = array<i32>} : memref<4x4x2048xf32, #tpu.memory_space<vmem>>, vector<1x1x16xf32>,
      %swap3A_795 = vector.shape_cast %swap3A_794 : vector<1x1x16xf32> to vector<16xf32>
      %swap3A_796 = vector.shape_cast %add3A_788 : vector<16xf32> to vector<1x1x16xf32>
      tpu.vector_store %arg8[%swap3A_791, %swap3A_792, %swap3A_793], %swap3A_796 {strides = array<i32>} : memref<4x4x2048xf32, #tpu.memory_space<vmem>>, vector<1x1x16xf32>,
      %get3A_797 = arith.constant 0 : i32
      %get3A_798 = arith.constant 2 : i32
      %get3A_799 = arith.index_cast %get3A_797 : i32 to index
      %get3A_800 = arith.index_cast %get3A_798 : i32 to index
      %get3A_801 = arith.index_cast %mul3A_740 : i32 to index
      %get3A_802 = tpu.vector_load %arg6[%get3A_799, %get3A_800, %get3A_801] {strides = array<i32>} : memref<4x4x2048xf32, #tpu.memory_space<vmem>>, vector<1x1x16xf32>,
      %get3A_803 = vector.shape_cast %get3A_802 : vector<1x1x16xf32> to vector<16xf32>
      %get3A_804 = arith.constant 0 : i32
      %get3A_805 = arith.constant 2 : i32
      %get3A_806 = arith.index_cast %get3A_804 : i32 to index
      %get3A_807 = arith.index_cast %get3A_805 : i32 to index
      %get3A_808 = arith.index_cast %mul3A_740 : i32 to index
      %get3A_809 = tpu.vector_load %arg7[%get3A_806, %get3A_807, %get3A_808] {strides = array<i32>} : memref<4x4x2048xf32, #tpu.memory_space<vmem>>, vector<1x1x16xf32>,
      %get3A_810 = vector.shape_cast %get3A_809 : vector<1x1x16xf32> to vector<16xf32>
      %mul3A_811 = arith.constant 0.812104344 : f32
      %mul3A_812 = vector.broadcast %mul3A_811 : f32 to vector<16xf32>
      %mul3A_813 = arith.mulf %mul3A_812, %get3A_803 : vector<16xf32>
      %mul3A_814 = arith.constant 0.187895656 : f32
      %mul3A_815 = vector.broadcast %mul3A_814 : f32 to vector<16xf32>
      %mul3A_816 = arith.mulf %mul3A_815, %get3A_810 : vector<16xf32>
      %add3A_817 = arith.addf %mul3A_813, %mul3A_816 : vector<16xf32>
      %swap3A_818 = arith.constant 0 : i32
      %swap3A_819 = arith.constant 2 : i32
      %swap3A_820 = arith.index_cast %swap3A_818 : i32 to index
      %swap3A_821 = arith.index_cast %swap3A_819 : i32 to index
      %swap3A_822 = arith.index_cast %mul3A_740 : i32 to index
      %swap3A_823 = tpu.vector_load %arg8[%swap3A_820, %swap3A_821, %swap3A_822] {strides = array<i32>} : memref<4x4x2048xf32, #tpu.memory_space<vmem>>, vector<1x1x16xf32>,
      %swap3A_824 = vector.shape_cast %swap3A_823 : vector<1x1x16xf32> to vector<16xf32>
      %swap3A_825 = vector.shape_cast %add3A_817 : vector<16xf32> to vector<1x1x16xf32>
      tpu.vector_store %arg8[%swap3A_820, %swap3A_821, %swap3A_822], %swap3A_825 {strides = array<i32>} : memref<4x4x2048xf32, #tpu.memory_space<vmem>>, vector<1x1x16xf32>,
      %get3A_826 = arith.constant 0 : i32
      %get3A_827 = arith.constant 3 : i32
      %get3A_828 = arith.index_cast %get3A_826 : i32 to index
      %get3A_829 = arith.index_cast %get3A_827 : i32 to index
      %get3A_830 = arith.index_cast %mul3A_740 : i32 to index
      %get3A_831 = tpu.vector_load %arg6[%get3A_828, %get3A_829, %get3A_830] {strides = array<i32>} : memref<4x4x2048xf32, #tpu.memory_space<vmem>>, vector<1x1x16xf32>,
      %get3A_832 = vector.shape_cast %get3A_831 : vector<1x1x16xf32> to vector<16xf32>
      %get3A_833 = arith.constant 0 : i32
      %get3A_834 = arith.constant 3 : i32
      %get3A_835 = arith.index_cast %get3A_833 : i32 to index
      %get3A_836 = arith.index_cast %get3A_834 : i32 to index
      %get3A_837 = arith.index_cast %mul3A_740 : i32 to index
      %get3A_838 = tpu.vector_load %arg7[%get3A_835, %get3A_836, %get3A_837] {strides = array<i32>} : memref<4x4x2048xf32, #tpu.memory_space<vmem>>, vector<1x1x16xf32>,
      %get3A_839 = vector.shape_cast %get3A_838 : vector<1x1x16xf32> to vector<16xf32>
      %mul3A_840 = arith.constant 0.812104344 : f32
      %mul3A_841 = vector.broadcast %mul3A_840 : f32 to vector<16xf32>
      %mul3A_842 = arith.mulf %mul3A_841, %get3A_832 : vector<16xf32>
      %mul3A_843 = arith.constant 0.187895656 : f32
      %mul3A_844 = vector.broadcast %mul3A_843 : f32 to vector<16xf32>
      %mul3A_845 = arith.mulf %mul3A_844, %get3A_839 : vector<16xf32>
      %add3A_846 = arith.addf %mul3A_842, %mul3A_845 : vector<16xf32>
      %swap3A_847 = arith.constant 0 : i32
      %swap3A_848 = arith.constant 3 : i32
      %swap3A_849 = arith.index_cast %swap3A_847 : i32 to index
      %swap3A_850 = arith.index_cast %swap3A_848 : i32 to index
      %swap3A_851 = arith.index_cast %mul3A_740 : i32 to index
      %swap3A_852 = tpu.vector_load %arg8[%swap3A_849, %swap3A_850, %swap3A_851] {strides = array<i32>} : memref<4x4x2048xf32, #tpu.memory_space<vmem>>, vector<1x1x16xf32>,
      %swap3A_853 = vector.shape_cast %swap3A_852 : vector<1x1x16xf32> to vector<16xf32>
      %swap3A_854 = vector.shape_cast %add3A_846 : vector<16xf32> to vector<1x1x16xf32>
      tpu.vector_store %arg8[%swap3A_849, %swap3A_850, %swap3A_851], %swap3A_854 {strides = array<i32>} : memref<4x4x2048xf32, #tpu.memory_space<vmem>>, vector<1x1x16xf32>,
      %scan3A_855 = arith.constant 0 : i32
      scf.yield %scan3A_855 : i32
    }
    %scan3A_469 = arith.constant 128 : i32
    %add3A_470 = arith.constant 496 : i32
    %add3A_471 = arith.addi %mul3A_2, %add3A_470 : i32
    %dma_start3A_472 = arith.constant 0 : i32
    %dma_start3A_473 = arith.constant 0 : i32
    %dma_start3A_474 = arith.constant 0 : i32
    %dma_start3A_475 = tpu.memref_slice %arg8[%dma_start3A_472, %dma_start3A_473, %dma_start3A_474] : memref<4x4x2048xf32, #tpu.memory_space<vmem>> -> memref<1x4x2048xf32, #tpu.memory_space<vmem>>
    %dma_start3A_476 = tpu.memref_squeeze %dma_start3A_475 : memref<1x4x2048xf32, #tpu.memory_space<vmem>> -> memref<4x2048xf32, #tpu.memory_space<vmem>>
    %dma_start3A_477 = arith.constant 0 : i32
    %dma_start3A_478 = tpu.memref_slice %arg4[%add3A_471, %dma_start3A_477] : memref<16384x2048xf32, #tpu.memory_space<hbm>> -> memref<4x2048xf32, #tpu.memory_space<hbm>>
    %dma_start3A_479 = arith.constant 0 : i32
    %dma_start3A_480 = tpu.memref_slice %arg4[%add3A_471, %dma_start3A_479] : memref<16384x2048xf32, #tpu.memory_space<hbm>> -> memref<4x2048xf32, #tpu.memory_space<hbm>>
    %dma_start3A_481 = arith.constant 0 : i32
    %dma_start3A_482 = arith.constant 0 : i32
    %dma_start3A_483 = tpu.memref_slice %arg8[%dma_start3A_472, %dma_start3A_481, %dma_start3A_482] : memref<4x4x2048xf32, #tpu.memory_space<vmem>> -> memref<1x4x2048xf32, #tpu.memory_space<vmem>>
    %dma_start3A_484 = tpu.memref_squeeze %dma_start3A_483 : memref<1x4x2048xf32, #tpu.memory_space<vmem>> -> memref<4x2048xf32, #tpu.memory_space<vmem>>
    tpu.enqueue_dma source(%dma_start3A_484 : memref<4x2048xf32, #tpu.memory_space<vmem>>) target(%dma_start3A_480 : memref<4x2048xf32, #tpu.memory_space<hbm>>) target_semaphore(%arg11 : memref<!tpu.dma_semaphore, #tpu.memory_space<semaphore_mem>>)
    %dma_wait3A_485 = arith.constant 125 : i32
    %dma_wait3A_486 = arith.constant 1 : i32
    %dma_wait3A_487 = arith.constant 0 : i32
    %dma_wait3A_488 = arith.constant 0 : i32
    %dma_wait3A_489 = tpu.memref_slice %arg7[%dma_wait3A_486, %dma_wait3A_487, %dma_wait3A_488] : memref<4x4x2048xf32, #tpu.memory_space<vmem>> -> memref<1x4x2048xf32, #tpu.memory_space<vmem>>
    %dma_wait3A_490 = tpu.memref_squeeze %dma_wait3A_489 : memref<1x4x2048xf32, #tpu.memory_space<vmem>> -> memref<4x2048xf32, #tpu.memory_space<vmem>>
    %dma_wait3A_491 = arith.constant 0 : i32
    %dma_wait3A_492 = tpu.memref_slice %arg5[%dma_wait3A_485, %dma_wait3A_491] : memref<128x4xi32, #tpu.memory_space<vmem>> -> memref<1x4xi32, #tpu.memory_space<vmem>>
    %dma_wait3A_493 = tpu.memref_squeeze %dma_wait3A_492 : memref<1x4xi32, #tpu.memory_space<vmem>> -> memref<4xi32, #tpu.memory_space<vmem>>
    %dma_wait3A_494 = arith.constant 0 : i32
    %dma_wait3A_495 = arith.constant 0 : i32
    %dma_wait3A_496 = tpu.memref_slice %arg2[%dma_wait3A_494, %dma_wait3A_495] : memref<16384x2048xf32, #tpu.memory_space<hbm>> -> memref<16384x2048xf32, #tpu.memory_space<hbm>>
    tpu.wait_indirect_dma semaphore(%arg9 : memref<!tpu.dma_semaphore, #tpu.memory_space<semaphore_mem>>) src(%dma_wait3A_496 : memref<16384x2048xf32, #tpu.memory_space<hbm>>) dst(%dma_wait3A_490 : memref<4x2048xf32, #tpu.memory_space<vmem>>)
    %add3A_497 = arith.constant 500 : i32
    %add3A_498 = arith.addi %mul3A_2, %add3A_497 : i32
    %dma_wait3A_499 = arith.constant 1 : i32
    %dma_wait3A_500 = arith.constant 0 : i32
    %dma_wait3A_501 = arith.constant 0 : i32
    %dma_wait3A_502 = tpu.memref_slice %arg6[%dma_wait3A_499, %dma_wait3A_500, %dma_wait3A_501] : memref<4x4x2048xf32, #tpu.memory_space<vmem>> -> memref<1x4x2048xf32, #tpu.memory_space<vmem>>
    %dma_wait3A_503 = tpu.memref_squeeze %dma_wait3A_502 : memref<1x4x2048xf32, #tpu.memory_space<vmem>> -> memref<4x2048xf32, #tpu.memory_space<vmem>>
    %dma_wait3A_504 = arith.constant 0 : i32
    %dma_wait3A_505 = tpu.memref_slice %arg2[%add3A_498, %dma_wait3A_504] : memref<16384x2048xf32, #tpu.memory_space<hbm>> -> memref<4x2048xf32, #tpu.memory_space<hbm>>
    %dma_wait3A_506 = arith.constant 0 : i32
    %dma_wait3A_507 = arith.constant 0 : i32
    %dma_wait3A_508 = tpu.memref_slice %arg6[%dma_wait3A_499, %dma_wait3A_506, %dma_wait3A_507] : memref<4x4x2048xf32, #tpu.memory_space<vmem>> -> memref<1x4x2048xf32, #tpu.memory_space<vmem>>
    %dma_wait3A_509 = tpu.memref_squeeze %dma_wait3A_508 : memref<1x4x2048xf32, #tpu.memory_space<vmem>> -> memref<4x2048xf32, #tpu.memory_space<vmem>>
    %dma_wait3A_510 = arith.constant 0 : i32
    %dma_wait3A_511 = tpu.memref_slice %arg2[%add3A_498, %dma_wait3A_510] : memref<16384x2048xf32, #tpu.memory_space<hbm>> -> memref<4x2048xf32, #tpu.memory_space<hbm>>
    tpu.wait_dma2 semaphore(%arg10 : memref<!tpu.dma_semaphore, #tpu.memory_space<semaphore_mem>>) src(%dma_wait3A_511 : memref<4x2048xf32, #tpu.memory_space<hbm>>) dst(%dma_wait3A_509 : memref<4x2048xf32, #tpu.memory_space<vmem>>)
    %add3A_512 = arith.constant 484 : i32
    %add3A_513 = arith.addi %mul3A_2, %add3A_512 : i32
    %dma_wait3A_514 = arith.constant 1 : i32
    %dma_wait3A_515 = arith.constant 0 : i32
    %dma_wait3A_516 = arith.constant 0 : i32
    %dma_wait3A_517 = tpu.memref_slice %arg8[%dma_wait3A_514, %dma_wait3A_515, %dma_wait3A_516] : memref<4x4x2048xf32, #tpu.memory_space<vmem>> -> memref<1x4x2048xf32, #tpu.memory_space<vmem>>
    %dma_wait3A_518 = tpu.memref_squeeze %dma_wait3A_517 : memref<1x4x2048xf32, #tpu.memory_space<vmem>> -> memref<4x2048xf32, #tpu.memory_space<vmem>>
    %dma_wait3A_519 = arith.constant 0 : i32
    %dma_wait3A_520 = tpu.memref_slice %arg4[%add3A_513, %dma_wait3A_519] : memref<16384x2048xf32, #tpu.memory_space<hbm>> -> memref<4x2048xf32, #tpu.memory_space<hbm>>
    %dma_wait3A_521 = arith.constant 0 : i32
    %dma_wait3A_522 = tpu.memref_slice %arg4[%add3A_513, %dma_wait3A_521] : memref<16384x2048xf32, #tpu.memory_space<hbm>> -> memref<4x2048xf32, #tpu.memory_space<hbm>>
    %dma_wait3A_523 = arith.constant 0 : i32
    %dma_wait3A_524 = arith.constant 0 : i32
    %dma_wait3A_525 = tpu.memref_slice %arg8[%dma_wait3A_514, %dma_wait3A_523, %dma_wait3A_524] : memref<4x4x2048xf32, #tpu.memory_space<vmem>> -> memref<1x4x2048xf32, #tpu.memory_space<vmem>>
    %dma_wait3A_526 = tpu.memref_squeeze %dma_wait3A_525 : memref<1x4x2048xf32, #tpu.memory_space<vmem>> -> memref<4x2048xf32, #tpu.memory_space<vmem>>
    tpu.wait_dma2 semaphore(%arg11 : memref<!tpu.dma_semaphore, #tpu.memory_space<semaphore_mem>>) src(%dma_wait3A_526 : memref<4x2048xf32, #tpu.memory_space<vmem>>) dst(%dma_wait3A_522 : memref<4x2048xf32, #tpu.memory_space<hbm>>)
    %scan3A_527 = arith.constant 0 : i32
    %scan3A_528 = arith.constant 0 : i32
    %scan3A_529 = arith.constant 128 : i32
    %scan3A_530 = arith.addi %scan3A_528, %scan3A_529 : i32
    %scan3A_531 = arith.constant 1 : i32
    %scan3A_532 = scf.for %scan3A_737 = %scan3A_528 to %scan3A_530 step %scan3A_531 iter_args(%scan3A_738 = %scan3A_527) -> (i32)  : i32 {
      %mul3A_739 = arith.constant 16 : i32
      %mul3A_740 = arith.muli %scan3A_737, %mul3A_739 : i32
      %get3A = arith.constant 1 : i32
      %get3A_741 = arith.constant 0 : i32
      %get3A_742 = arith.index_cast %get3A : i32 to index
      %get3A_743 = arith.index_cast %get3A_741 : i32 to index
      %get3A_744 = arith.index_cast %mul3A_740 : i32 to index
      %get3A_745 = tpu.vector_load %arg6[%get3A_742, %get3A_743, %get3A_744] {strides = array<i32>} : memref<4x4x2048xf32, #tpu.memory_space<vmem>>, vector<1x1x16xf32>,
      %get3A_746 = vector.shape_cast %get3A_745 : vector<1x1x16xf32> to vector<16xf32>
      %get3A_747 = arith.constant 1 : i32
      %get3A_748 = arith.constant 0 : i32
      %get3A_749 = arith.index_cast %get3A_747 : i32 to index
      %get3A_750 = arith.index_cast %get3A_748 : i32 to index
      %get3A_751 = arith.index_cast %mul3A_740 : i32 to index
      %get3A_752 = tpu.vector_load %arg7[%get3A_749, %get3A_750, %get3A_751] {strides = array<i32>} : memref<4x4x2048xf32, #tpu.memory_space<vmem>>, vector<1x1x16xf32>,
      %get3A_753 = vector.shape_cast %get3A_752 : vector<1x1x16xf32> to vector<16xf32>
      %mul3A_754 = arith.constant 0.812104344 : f32
      %mul3A_755 = vector.broadcast %mul3A_754 : f32 to vector<16xf32>
      %mul3A_756 = arith.mulf %mul3A_755, %get3A_746 : vector<16xf32>
      %mul3A_757 = arith.constant 0.187895656 : f32
      %mul3A_758 = vector.broadcast %mul3A_757 : f32 to vector<16xf32>
      %mul3A_759 = arith.mulf %mul3A_758, %get3A_753 : vector<16xf32>
      %add3A_760 = arith.addf %mul3A_756, %mul3A_759 : vector<16xf32>
      %swap3A = arith.constant 1 : i32
      %swap3A_761 = arith.constant 0 : i32
      %swap3A_762 = arith.index_cast %swap3A : i32 to index
      %swap3A_763 = arith.index_cast %swap3A_761 : i32 to index
      %swap3A_764 = arith.index_cast %mul3A_740 : i32 to index
      %swap3A_765 = tpu.vector_load %arg8[%swap3A_762, %swap3A_763, %swap3A_764] {strides = array<i32>} : memref<4x4x2048xf32, #tpu.memory_space<vmem>>, vector<1x1x16xf32>,
      %swap3A_766 = vector.shape_cast %swap3A_765 : vector<1x1x16xf32> to vector<16xf32>
      %swap3A_767 = vector.shape_cast %add3A_760 : vector<16xf32> to vector<1x1x16xf32>
      tpu.vector_store %arg8[%swap3A_762, %swap3A_763, %swap3A_764], %swap3A_767 {strides = array<i32>} : memref<4x4x2048xf32, #tpu.memory_space<vmem>>, vector<1x1x16xf32>,
      %get3A_768 = arith.constant 1 : i32
      %get3A_769 = arith.constant 1 : i32
      %get3A_770 = arith.index_cast %get3A_768 : i32 to index
      %get3A_771 = arith.index_cast %get3A_769 : i32 to index
      %get3A_772 = arith.index_cast %mul3A_740 : i32 to index
      %get3A_773 = tpu.vector_load %arg6[%get3A_770, %get3A_771, %get3A_772] {strides = array<i32>} : memref<4x4x2048xf32, #tpu.memory_space<vmem>>, vector<1x1x16xf32>,
      %get3A_774 = vector.shape_cast %get3A_773 : vector<1x1x16xf32> to vector<16xf32>
      %get3A_775 = arith.constant 1 : i32
      %get3A_776 = arith.constant 1 : i32
      %get3A_777 = arith.index_cast %get3A_775 : i32 to index
      %get3A_778 = arith.index_cast %get3A_776 : i32 to index
      %get3A_779 = arith.index_cast %mul3A_740 : i32 to index
      %get3A_780 = tpu.vector_load %arg7[%get3A_777, %get3A_778, %get3A_779] {strides = array<i32>} : memref<4x4x2048xf32, #tpu.memory_space<vmem>>, vector<1x1x16xf32>,
      %get3A_781 = vector.shape_cast %get3A_780 : vector<1x1x16xf32> to vector<16xf32>
      %mul3A_782 = arith.constant 0.812104344 : f32
      %mul3A_783 = vector.broadcast %mul3A_782 : f32 to vector<16xf32>
      %mul3A_784 = arith.mulf %mul3A_783, %get3A_774 : vector<16xf32>
      %mul3A_785 = arith.constant 0.187895656 : f32
      %mul3A_786 = vector.broadcast %mul3A_785 : f32 to vector<16xf32>
      %mul3A_787 = arith.mulf %mul3A_786, %get3A_781 : vector<16xf32>
      %add3A_788 = arith.addf %mul3A_784, %mul3A_787 : vector<16xf32>
      %swap3A_789 = arith.constant 1 : i32
      %swap3A_790 = arith.constant 1 : i32
      %swap3A_791 = arith.index_cast %swap3A_789 : i32 to index
      %swap3A_792 = arith.index_cast %swap3A_790 : i32 to index
      %swap3A_793 = arith.index_cast %mul3A_740 : i32 to index
      %swap3A_794 = tpu.vector_load %arg8[%swap3A_791, %swap3A_792, %swap3A_793] {strides = array<i32>} : memref<4x4x2048xf32, #tpu.memory_space<vmem>>, vector<1x1x16xf32>,
      %swap3A_795 = vector.shape_cast %swap3A_794 : vector<1x1x16xf32> to vector<16xf32>
      %swap3A_796 = vector.shape_cast %add3A_788 : vector<16xf32> to vector<1x1x16xf32>
      tpu.vector_store %arg8[%swap3A_791, %swap3A_792, %swap3A_793], %swap3A_796 {strides = array<i32>} : memref<4x4x2048xf32, #tpu.memory_space<vmem>>, vector<1x1x16xf32>,
      %get3A_797 = arith.constant 1 : i32
      %get3A_798 = arith.constant 2 : i32
      %get3A_799 = arith.index_cast %get3A_797 : i32 to index
      %get3A_800 = arith.index_cast %get3A_798 : i32 to index
      %get3A_801 = arith.index_cast %mul3A_740 : i32 to index
      %get3A_802 = tpu.vector_load %arg6[%get3A_799, %get3A_800, %get3A_801] {strides = array<i32>} : memref<4x4x2048xf32, #tpu.memory_space<vmem>>, vector<1x1x16xf32>,
      %get3A_803 = vector.shape_cast %get3A_802 : vector<1x1x16xf32> to vector<16xf32>
      %get3A_804 = arith.constant 1 : i32
      %get3A_805 = arith.constant 2 : i32
      %get3A_806 = arith.index_cast %get3A_804 : i32 to index
      %get3A_807 = arith.index_cast %get3A_805 : i32 to index
      %get3A_808 = arith.index_cast %mul3A_740 : i32 to index
      %get3A_809 = tpu.vector_load %arg7[%get3A_806, %get3A_807, %get3A_808] {strides = array<i32>} : memref<4x4x2048xf32, #tpu.memory_space<vmem>>, vector<1x1x16xf32>,
      %get3A_810 = vector.shape_cast %get3A_809 : vector<1x1x16xf32> to vector<16xf32>
      %mul3A_811 = arith.constant 0.812104344 : f32
      %mul3A_812 = vector.broadcast %mul3A_811 : f32 to vector<16xf32>
      %mul3A_813 = arith.mulf %mul3A_812, %get3A_803 : vector<16xf32>
      %mul3A_814 = arith.constant 0.187895656 : f32
      %mul3A_815 = vector.broadcast %mul3A_814 : f32 to vector<16xf32>
      %mul3A_816 = arith.mulf %mul3A_815, %get3A_810 : vector<16xf32>
      %add3A_817 = arith.addf %mul3A_813, %mul3A_816 : vector<16xf32>
      %swap3A_818 = arith.constant 1 : i32
      %swap3A_819 = arith.constant 2 : i32
      %swap3A_820 = arith.index_cast %swap3A_818 : i32 to index
      %swap3A_821 = arith.index_cast %swap3A_819 : i32 to index
      %swap3A_822 = arith.index_cast %mul3A_740 : i32 to index
      %swap3A_823 = tpu.vector_load %arg8[%swap3A_820, %swap3A_821, %swap3A_822] {strides = array<i32>} : memref<4x4x2048xf32, #tpu.memory_space<vmem>>, vector<1x1x16xf32>,
      %swap3A_824 = vector.shape_cast %swap3A_823 : vector<1x1x16xf32> to vector<16xf32>
      %swap3A_825 = vector.shape_cast %add3A_817 : vector<16xf32> to vector<1x1x16xf32>
      tpu.vector_store %arg8[%swap3A_820, %swap3A_821, %swap3A_822], %swap3A_825 {strides = array<i32>} : memref<4x4x2048xf32, #tpu.memory_space<vmem>>, vector<1x1x16xf32>,
      %get3A_826 = arith.constant 1 : i32
      %get3A_827 = arith.constant 3 : i32
      %get3A_828 = arith.index_cast %get3A_826 : i32 to index
      %get3A_829 = arith.index_cast %get3A_827 : i32 to index
      %get3A_830 = arith.index_cast %mul3A_740 : i32 to index
      %get3A_831 = tpu.vector_load %arg6[%get3A_828, %get3A_829, %get3A_830] {strides = array<i32>} : memref<4x4x2048xf32, #tpu.memory_space<vmem>>, vector<1x1x16xf32>,
      %get3A_832 = vector.shape_cast %get3A_831 : vector<1x1x16xf32> to vector<16xf32>
      %get3A_833 = arith.constant 1 : i32
      %get3A_834 = arith.constant 3 : i32
      %get3A_835 = arith.index_cast %get3A_833 : i32 to index
      %get3A_836 = arith.index_cast %get3A_834 : i32 to index
      %get3A_837 = arith.index_cast %mul3A_740 : i32 to index
      %get3A_838 = tpu.vector_load %arg7[%get3A_835, %get3A_836, %get3A_837] {strides = array<i32>} : memref<4x4x2048xf32, #tpu.memory_space<vmem>>, vector<1x1x16xf32>,
      %get3A_839 = vector.shape_cast %get3A_838 : vector<1x1x16xf32> to vector<16xf32>
      %mul3A_840 = arith.constant 0.812104344 : f32
      %mul3A_841 = vector.broadcast %mul3A_840 : f32 to vector<16xf32>
      %mul3A_842 = arith.mulf %mul3A_841, %get3A_832 : vector<16xf32>
      %mul3A_843 = arith.constant 0.187895656 : f32
      %mul3A_844 = vector.broadcast %mul3A_843 : f32 to vector<16xf32>
      %mul3A_845 = arith.mulf %mul3A_844, %get3A_839 : vector<16xf32>
      %add3A_846 = arith.addf %mul3A_842, %mul3A_845 : vector<16xf32>
      %swap3A_847 = arith.constant 1 : i32
      %swap3A_848 = arith.constant 3 : i32
      %swap3A_849 = arith.index_cast %swap3A_847 : i32 to index
      %swap3A_850 = arith.index_cast %swap3A_848 : i32 to index
      %swap3A_851 = arith.index_cast %mul3A_740 : i32 to index
      %swap3A_852 = tpu.vector_load %arg8[%swap3A_849, %swap3A_850, %swap3A_851] {strides = array<i32>} : memref<4x4x2048xf32, #tpu.memory_space<vmem>>, vector<1x1x16xf32>,
      %swap3A_853 = vector.shape_cast %swap3A_852 : vector<1x1x16xf32> to vector<16xf32>
      %swap3A_854 = vector.shape_cast %add3A_846 : vector<16xf32> to vector<1x1x16xf32>
      tpu.vector_store %arg8[%swap3A_849, %swap3A_850, %swap3A_851], %swap3A_854 {strides = array<i32>} : memref<4x4x2048xf32, #tpu.memory_space<vmem>>, vector<1x1x16xf32>,
      %scan3A_855 = arith.constant 0 : i32
      scf.yield %scan3A_855 : i32
    }
    %scan3A_533 = arith.constant 128 : i32
    %add3A_534 = arith.constant 500 : i32
    %add3A_535 = arith.addi %mul3A_2, %add3A_534 : i32
    %dma_start3A_536 = arith.constant 1 : i32
    %dma_start3A_537 = arith.constant 0 : i32
    %dma_start3A_538 = arith.constant 0 : i32
    %dma_start3A_539 = tpu.memref_slice %arg8[%dma_start3A_536, %dma_start3A_537, %dma_start3A_538] : memref<4x4x2048xf32, #tpu.memory_space<vmem>> -> memref<1x4x2048xf32, #tpu.memory_space<vmem>>
    %dma_start3A_540 = tpu.memref_squeeze %dma_start3A_539 : memref<1x4x2048xf32, #tpu.memory_space<vmem>> -> memref<4x2048xf32, #tpu.memory_space<vmem>>
    %dma_start3A_541 = arith.constant 0 : i32
    %dma_start3A_542 = tpu.memref_slice %arg4[%add3A_535, %dma_start3A_541] : memref<16384x2048xf32, #tpu.memory_space<hbm>> -> memref<4x2048xf32, #tpu.memory_space<hbm>>
    %dma_start3A_543 = arith.constant 0 : i32
    %dma_start3A_544 = tpu.memref_slice %arg4[%add3A_535, %dma_start3A_543] : memref<16384x2048xf32, #tpu.memory_space<hbm>> -> memref<4x2048xf32, #tpu.memory_space<hbm>>
    %dma_start3A_545 = arith.constant 0 : i32
    %dma_start3A_546 = arith.constant 0 : i32
    %dma_start3A_547 = tpu.memref_slice %arg8[%dma_start3A_536, %dma_start3A_545, %dma_start3A_546] : memref<4x4x2048xf32, #tpu.memory_space<vmem>> -> memref<1x4x2048xf32, #tpu.memory_space<vmem>>
    %dma_start3A_548 = tpu.memref_squeeze %dma_start3A_547 : memref<1x4x2048xf32, #tpu.memory_space<vmem>> -> memref<4x2048xf32, #tpu.memory_space<vmem>>
    tpu.enqueue_dma source(%dma_start3A_548 : memref<4x2048xf32, #tpu.memory_space<vmem>>) target(%dma_start3A_544 : memref<4x2048xf32, #tpu.memory_space<hbm>>) target_semaphore(%arg11 : memref<!tpu.dma_semaphore, #tpu.memory_space<semaphore_mem>>)
    %dma_wait3A_549 = arith.constant 126 : i32
    %dma_wait3A_550 = arith.constant 2 : i32
    %dma_wait3A_551 = arith.constant 0 : i32
    %dma_wait3A_552 = arith.constant 0 : i32
    %dma_wait3A_553 = tpu.memref_slice %arg7[%dma_wait3A_550, %dma_wait3A_551, %dma_wait3A_552] : memref<4x4x2048xf32, #tpu.memory_space<vmem>> -> memref<1x4x2048xf32, #tpu.memory_space<vmem>>
    %dma_wait3A_554 = tpu.memref_squeeze %dma_wait3A_553 : memref<1x4x2048xf32, #tpu.memory_space<vmem>> -> memref<4x2048xf32, #tpu.memory_space<vmem>>
    %dma_wait3A_555 = arith.constant 0 : i32
    %dma_wait3A_556 = tpu.memref_slice %arg5[%dma_wait3A_549, %dma_wait3A_555] : memref<128x4xi32, #tpu.memory_space<vmem>> -> memref<1x4xi32, #tpu.memory_space<vmem>>
    %dma_wait3A_557 = tpu.memref_squeeze %dma_wait3A_556 : memref<1x4xi32, #tpu.memory_space<vmem>> -> memref<4xi32, #tpu.memory_space<vmem>>
    %dma_wait3A_558 = arith.constant 0 : i32
    %dma_wait3A_559 = arith.constant 0 : i32
    %dma_wait3A_560 = tpu.memref_slice %arg2[%dma_wait3A_558, %dma_wait3A_559] : memref<16384x2048xf32, #tpu.memory_space<hbm>> -> memref<16384x2048xf32, #tpu.memory_space<hbm>>
    tpu.wait_indirect_dma semaphore(%arg9 : memref<!tpu.dma_semaphore, #tpu.memory_space<semaphore_mem>>) src(%dma_wait3A_560 : memref<16384x2048xf32, #tpu.memory_space<hbm>>) dst(%dma_wait3A_554 : memref<4x2048xf32, #tpu.memory_space<vmem>>)
    %add3A_561 = arith.constant 504 : i32
    %add3A_562 = arith.addi %mul3A_2, %add3A_561 : i32
    %dma_wait3A_563 = arith.constant 2 : i32
    %dma_wait3A_564 = arith.constant 0 : i32
    %dma_wait3A_565 = arith.constant 0 : i32
    %dma_wait3A_566 = tpu.memref_slice %arg6[%dma_wait3A_563, %dma_wait3A_564, %dma_wait3A_565] : memref<4x4x2048xf32, #tpu.memory_space<vmem>> -> memref<1x4x2048xf32, #tpu.memory_space<vmem>>
    %dma_wait3A_567 = tpu.memref_squeeze %dma_wait3A_566 : memref<1x4x2048xf32, #tpu.memory_space<vmem>> -> memref<4x2048xf32, #tpu.memory_space<vmem>>
    %dma_wait3A_568 = arith.constant 0 : i32
    %dma_wait3A_569 = tpu.memref_slice %arg2[%add3A_562, %dma_wait3A_568] : memref<16384x2048xf32, #tpu.memory_space<hbm>> -> memref<4x2048xf32, #tpu.memory_space<hbm>>
    %dma_wait3A_570 = arith.constant 0 : i32
    %dma_wait3A_571 = arith.constant 0 : i32
    %dma_wait3A_572 = tpu.memref_slice %arg6[%dma_wait3A_563, %dma_wait3A_570, %dma_wait3A_571] : memref<4x4x2048xf32, #tpu.memory_space<vmem>> -> memref<1x4x2048xf32, #tpu.memory_space<vmem>>
    %dma_wait3A_573 = tpu.memref_squeeze %dma_wait3A_572 : memref<1x4x2048xf32, #tpu.memory_space<vmem>> -> memref<4x2048xf32, #tpu.memory_space<vmem>>
    %dma_wait3A_574 = arith.constant 0 : i32
    %dma_wait3A_575 = tpu.memref_slice %arg2[%add3A_562, %dma_wait3A_574] : memref<16384x2048xf32, #tpu.memory_space<hbm>> -> memref<4x2048xf32, #tpu.memory_space<hbm>>
    tpu.wait_dma2 semaphore(%arg10 : memref<!tpu.dma_semaphore, #tpu.memory_space<semaphore_mem>>) src(%dma_wait3A_575 : memref<4x2048xf32, #tpu.memory_space<hbm>>) dst(%dma_wait3A_573 : memref<4x2048xf32, #tpu.memory_space<vmem>>)
    %add3A_576 = arith.constant 488 : i32
    %add3A_577 = arith.addi %mul3A_2, %add3A_576 : i32
    %dma_wait3A_578 = arith.constant 2 : i32
    %dma_wait3A_579 = arith.constant 0 : i32
    %dma_wait3A_580 = arith.constant 0 : i32
    %dma_wait3A_581 = tpu.memref_slice %arg8[%dma_wait3A_578, %dma_wait3A_579, %dma_wait3A_580] : memref<4x4x2048xf32, #tpu.memory_space<vmem>> -> memref<1x4x2048xf32, #tpu.memory_space<vmem>>
    %dma_wait3A_582 = tpu.memref_squeeze %dma_wait3A_581 : memref<1x4x2048xf32, #tpu.memory_space<vmem>> -> memref<4x2048xf32, #tpu.memory_space<vmem>>
    %dma_wait3A_583 = arith.constant 0 : i32
    %dma_wait3A_584 = tpu.memref_slice %arg4[%add3A_577, %dma_wait3A_583] : memref<16384x2048xf32, #tpu.memory_space<hbm>> -> memref<4x2048xf32, #tpu.memory_space<hbm>>
    %dma_wait3A_585 = arith.constant 0 : i32
    %dma_wait3A_586 = tpu.memref_slice %arg4[%add3A_577, %dma_wait3A_585] : memref<16384x2048xf32, #tpu.memory_space<hbm>> -> memref<4x2048xf32, #tpu.memory_space<hbm>>
    %dma_wait3A_587 = arith.constant 0 : i32
    %dma_wait3A_588 = arith.constant 0 : i32
    %dma_wait3A_589 = tpu.memref_slice %arg8[%dma_wait3A_578, %dma_wait3A_587, %dma_wait3A_588] : memref<4x4x2048xf32, #tpu.memory_space<vmem>> -> memref<1x4x2048xf32, #tpu.memory_space<vmem>>
    %dma_wait3A_590 = tpu.memref_squeeze %dma_wait3A_589 : memref<1x4x2048xf32, #tpu.memory_space<vmem>> -> memref<4x2048xf32, #tpu.memory_space<vmem>>
    tpu.wait_dma2 semaphore(%arg11 : memref<!tpu.dma_semaphore, #tpu.memory_space<semaphore_mem>>) src(%dma_wait3A_590 : memref<4x2048xf32, #tpu.memory_space<vmem>>) dst(%dma_wait3A_586 : memref<4x2048xf32, #tpu.memory_space<hbm>>)
    %scan3A_591 = arith.constant 0 : i32
    %scan3A_592 = arith.constant 0 : i32
    %scan3A_593 = arith.constant 128 : i32
    %scan3A_594 = arith.addi %scan3A_592, %scan3A_593 : i32
    %scan3A_595 = arith.constant 1 : i32
    %scan3A_596 = scf.for %scan3A_737 = %scan3A_592 to %scan3A_594 step %scan3A_595 iter_args(%scan3A_738 = %scan3A_591) -> (i32)  : i32 {
      %mul3A_739 = arith.constant 16 : i32
      %mul3A_740 = arith.muli %scan3A_737, %mul3A_739 : i32
      %get3A = arith.constant 2 : i32
      %get3A_741 = arith.constant 0 : i32
      %get3A_742 = arith.index_cast %get3A : i32 to index
      %get3A_743 = arith.index_cast %get3A_741 : i32 to index
      %get3A_744 = arith.index_cast %mul3A_740 : i32 to index
      %get3A_745 = tpu.vector_load %arg6[%get3A_742, %get3A_743, %get3A_744] {strides = array<i32>} : memref<4x4x2048xf32, #tpu.memory_space<vmem>>, vector<1x1x16xf32>,
      %get3A_746 = vector.shape_cast %get3A_745 : vector<1x1x16xf32> to vector<16xf32>
      %get3A_747 = arith.constant 2 : i32
      %get3A_748 = arith.constant 0 : i32
      %get3A_749 = arith.index_cast %get3A_747 : i32 to index
      %get3A_750 = arith.index_cast %get3A_748 : i32 to index
      %get3A_751 = arith.index_cast %mul3A_740 : i32 to index
      %get3A_752 = tpu.vector_load %arg7[%get3A_749, %get3A_750, %get3A_751] {strides = array<i32>} : memref<4x4x2048xf32, #tpu.memory_space<vmem>>, vector<1x1x16xf32>,
      %get3A_753 = vector.shape_cast %get3A_752 : vector<1x1x16xf32> to vector<16xf32>
      %mul3A_754 = arith.constant 0.812104344 : f32
      %mul3A_755 = vector.broadcast %mul3A_754 : f32 to vector<16xf32>
      %mul3A_756 = arith.mulf %mul3A_755, %get3A_746 : vector<16xf32>
      %mul3A_757 = arith.constant 0.187895656 : f32
      %mul3A_758 = vector.broadcast %mul3A_757 : f32 to vector<16xf32>
      %mul3A_759 = arith.mulf %mul3A_758, %get3A_753 : vector<16xf32>
      %add3A_760 = arith.addf %mul3A_756, %mul3A_759 : vector<16xf32>
      %swap3A = arith.constant 2 : i32
      %swap3A_761 = arith.constant 0 : i32
      %swap3A_762 = arith.index_cast %swap3A : i32 to index
      %swap3A_763 = arith.index_cast %swap3A_761 : i32 to index
      %swap3A_764 = arith.index_cast %mul3A_740 : i32 to index
      %swap3A_765 = tpu.vector_load %arg8[%swap3A_762, %swap3A_763, %swap3A_764] {strides = array<i32>} : memref<4x4x2048xf32, #tpu.memory_space<vmem>>, vector<1x1x16xf32>,
      %swap3A_766 = vector.shape_cast %swap3A_765 : vector<1x1x16xf32> to vector<16xf32>
      %swap3A_767 = vector.shape_cast %add3A_760 : vector<16xf32> to vector<1x1x16xf32>
      tpu.vector_store %arg8[%swap3A_762, %swap3A_763, %swap3A_764], %swap3A_767 {strides = array<i32>} : memref<4x4x2048xf32, #tpu.memory_space<vmem>>, vector<1x1x16xf32>,
      %get3A_768 = arith.constant 2 : i32
      %get3A_769 = arith.constant 1 : i32
      %get3A_770 = arith.index_cast %get3A_768 : i32 to index
      %get3A_771 = arith.index_cast %get3A_769 : i32 to index
      %get3A_772 = arith.index_cast %mul3A_740 : i32 to index
      %get3A_773 = tpu.vector_load %arg6[%get3A_770, %get3A_771, %get3A_772] {strides = array<i32>} : memref<4x4x2048xf32, #tpu.memory_space<vmem>>, vector<1x1x16xf32>,
      %get3A_774 = vector.shape_cast %get3A_773 : vector<1x1x16xf32> to vector<16xf32>
      %get3A_775 = arith.constant 2 : i32
      %get3A_776 = arith.constant 1 : i32
      %get3A_777 = arith.index_cast %get3A_775 : i32 to index
      %get3A_778 = arith.index_cast %get3A_776 : i32 to index
      %get3A_779 = arith.index_cast %mul3A_740 : i32 to index
      %get3A_780 = tpu.vector_load %arg7[%get3A_777, %get3A_778, %get3A_779] {strides = array<i32>} : memref<4x4x2048xf32, #tpu.memory_space<vmem>>, vector<1x1x16xf32>,
      %get3A_781 = vector.shape_cast %get3A_780 : vector<1x1x16xf32> to vector<16xf32>
      %mul3A_782 = arith.constant 0.812104344 : f32
      %mul3A_783 = vector.broadcast %mul3A_782 : f32 to vector<16xf32>
      %mul3A_784 = arith.mulf %mul3A_783, %get3A_774 : vector<16xf32>
      %mul3A_785 = arith.constant 0.187895656 : f32
      %mul3A_786 = vector.broadcast %mul3A_785 : f32 to vector<16xf32>
      %mul3A_787 = arith.mulf %mul3A_786, %get3A_781 : vector<16xf32>
      %add3A_788 = arith.addf %mul3A_784, %mul3A_787 : vector<16xf32>
      %swap3A_789 = arith.constant 2 : i32
      %swap3A_790 = arith.constant 1 : i32
      %swap3A_791 = arith.index_cast %swap3A_789 : i32 to index
      %swap3A_792 = arith.index_cast %swap3A_790 : i32 to index
      %swap3A_793 = arith.index_cast %mul3A_740 : i32 to index
      %swap3A_794 = tpu.vector_load %arg8[%swap3A_791, %swap3A_792, %swap3A_793] {strides = array<i32>} : memref<4x4x2048xf32, #tpu.memory_space<vmem>>, vector<1x1x16xf32>,
      %swap3A_795 = vector.shape_cast %swap3A_794 : vector<1x1x16xf32> to vector<16xf32>
      %swap3A_796 = vector.shape_cast %add3A_788 : vector<16xf32> to vector<1x1x16xf32>
      tpu.vector_store %arg8[%swap3A_791, %swap3A_792, %swap3A_793], %swap3A_796 {strides = array<i32>} : memref<4x4x2048xf32, #tpu.memory_space<vmem>>, vector<1x1x16xf32>,
      %get3A_797 = arith.constant 2 : i32
      %get3A_798 = arith.constant 2 : i32
      %get3A_799 = arith.index_cast %get3A_797 : i32 to index
      %get3A_800 = arith.index_cast %get3A_798 : i32 to index
      %get3A_801 = arith.index_cast %mul3A_740 : i32 to index
      %get3A_802 = tpu.vector_load %arg6[%get3A_799, %get3A_800, %get3A_801] {strides = array<i32>} : memref<4x4x2048xf32, #tpu.memory_space<vmem>>, vector<1x1x16xf32>,
      %get3A_803 = vector.shape_cast %get3A_802 : vector<1x1x16xf32> to vector<16xf32>
      %get3A_804 = arith.constant 2 : i32
      %get3A_805 = arith.constant 2 : i32
      %get3A_806 = arith.index_cast %get3A_804 : i32 to index
      %get3A_807 = arith.index_cast %get3A_805 : i32 to index
      %get3A_808 = arith.index_cast %mul3A_740 : i32 to index
      %get3A_809 = tpu.vector_load %arg7[%get3A_806, %get3A_807, %get3A_808] {strides = array<i32>} : memref<4x4x2048xf32, #tpu.memory_space<vmem>>, vector<1x1x16xf32>,
      %get3A_810 = vector.shape_cast %get3A_809 : vector<1x1x16xf32> to vector<16xf32>
      %mul3A_811 = arith.constant 0.812104344 : f32
      %mul3A_812 = vector.broadcast %mul3A_811 : f32 to vector<16xf32>
      %mul3A_813 = arith.mulf %mul3A_812, %get3A_803 : vector<16xf32>
      %mul3A_814 = arith.constant 0.187895656 : f32
      %mul3A_815 = vector.broadcast %mul3A_814 : f32 to vector<16xf32>
      %mul3A_816 = arith.mulf %mul3A_815, %get3A_810 : vector<16xf32>
      %add3A_817 = arith.addf %mul3A_813, %mul3A_816 : vector<16xf32>
      %swap3A_818 = arith.constant 2 : i32
      %swap3A_819 = arith.constant 2 : i32
      %swap3A_820 = arith.index_cast %swap3A_818 : i32 to index
      %swap3A_821 = arith.index_cast %swap3A_819 : i32 to index
      %swap3A_822 = arith.index_cast %mul3A_740 : i32 to index
      %swap3A_823 = tpu.vector_load %arg8[%swap3A_820, %swap3A_821, %swap3A_822] {strides = array<i32>} : memref<4x4x2048xf32, #tpu.memory_space<vmem>>, vector<1x1x16xf32>,
      %swap3A_824 = vector.shape_cast %swap3A_823 : vector<1x1x16xf32> to vector<16xf32>
      %swap3A_825 = vector.shape_cast %add3A_817 : vector<16xf32> to vector<1x1x16xf32>
      tpu.vector_store %arg8[%swap3A_820, %swap3A_821, %swap3A_822], %swap3A_825 {strides = array<i32>} : memref<4x4x2048xf32, #tpu.memory_space<vmem>>, vector<1x1x16xf32>,
      %get3A_826 = arith.constant 2 : i32
      %get3A_827 = arith.constant 3 : i32
      %get3A_828 = arith.index_cast %get3A_826 : i32 to index
      %get3A_829 = arith.index_cast %get3A_827 : i32 to index
      %get3A_830 = arith.index_cast %mul3A_740 : i32 to index
      %get3A_831 = tpu.vector_load %arg6[%get3A_828, %get3A_829, %get3A_830] {strides = array<i32>} : memref<4x4x2048xf32, #tpu.memory_space<vmem>>, vector<1x1x16xf32>,
      %get3A_832 = vector.shape_cast %get3A_831 : vector<1x1x16xf32> to vector<16xf32>
      %get3A_833 = arith.constant 2 : i32
      %get3A_834 = arith.constant 3 : i32
      %get3A_835 = arith.index_cast %get3A_833 : i32 to index
      %get3A_836 = arith.index_cast %get3A_834 : i32 to index
      %get3A_837 = arith.index_cast %mul3A_740 : i32 to index
      %get3A_838 = tpu.vector_load %arg7[%get3A_835, %get3A_836, %get3A_837] {strides = array<i32>} : memref<4x4x2048xf32, #tpu.memory_space<vmem>>, vector<1x1x16xf32>,
      %get3A_839 = vector.shape_cast %get3A_838 : vector<1x1x16xf32> to vector<16xf32>
      %mul3A_840 = arith.constant 0.812104344 : f32
      %mul3A_841 = vector.broadcast %mul3A_840 : f32 to vector<16xf32>
      %mul3A_842 = arith.mulf %mul3A_841, %get3A_832 : vector<16xf32>
      %mul3A_843 = arith.constant 0.187895656 : f32
      %mul3A_844 = vector.broadcast %mul3A_843 : f32 to vector<16xf32>
      %mul3A_845 = arith.mulf %mul3A_844, %get3A_839 : vector<16xf32>
      %add3A_846 = arith.addf %mul3A_842, %mul3A_845 : vector<16xf32>
      %swap3A_847 = arith.constant 2 : i32
      %swap3A_848 = arith.constant 3 : i32
      %swap3A_849 = arith.index_cast %swap3A_847 : i32 to index
      %swap3A_850 = arith.index_cast %swap3A_848 : i32 to index
      %swap3A_851 = arith.index_cast %mul3A_740 : i32 to index
      %swap3A_852 = tpu.vector_load %arg8[%swap3A_849, %swap3A_850, %swap3A_851] {strides = array<i32>} : memref<4x4x2048xf32, #tpu.memory_space<vmem>>, vector<1x1x16xf32>,
      %swap3A_853 = vector.shape_cast %swap3A_852 : vector<1x1x16xf32> to vector<16xf32>
      %swap3A_854 = vector.shape_cast %add3A_846 : vector<16xf32> to vector<1x1x16xf32>
      tpu.vector_store %arg8[%swap3A_849, %swap3A_850, %swap3A_851], %swap3A_854 {strides = array<i32>} : memref<4x4x2048xf32, #tpu.memory_space<vmem>>, vector<1x1x16xf32>,
      %scan3A_855 = arith.constant 0 : i32
      scf.yield %scan3A_855 : i32
    }
    %scan3A_597 = arith.constant 128 : i32
    %add3A_598 = arith.constant 504 : i32
    %add3A_599 = arith.addi %mul3A_2, %add3A_598 : i32
    %dma_start3A_600 = arith.constant 2 : i32
    %dma_start3A_601 = arith.constant 0 : i32
    %dma_start3A_602 = arith.constant 0 : i32
    %dma_start3A_603 = tpu.memref_slice %arg8[%dma_start3A_600, %dma_start3A_601, %dma_start3A_602] : memref<4x4x2048xf32, #tpu.memory_space<vmem>> -> memref<1x4x2048xf32, #tpu.memory_space<vmem>>
    %dma_start3A_604 = tpu.memref_squeeze %dma_start3A_603 : memref<1x4x2048xf32, #tpu.memory_space<vmem>> -> memref<4x2048xf32, #tpu.memory_space<vmem>>
    %dma_start3A_605 = arith.constant 0 : i32
    %dma_start3A_606 = tpu.memref_slice %arg4[%add3A_599, %dma_start3A_605] : memref<16384x2048xf32, #tpu.memory_space<hbm>> -> memref<4x2048xf32, #tpu.memory_space<hbm>>
    %dma_start3A_607 = arith.constant 0 : i32
    %dma_start3A_608 = tpu.memref_slice %arg4[%add3A_599, %dma_start3A_607] : memref<16384x2048xf32, #tpu.memory_space<hbm>> -> memref<4x2048xf32, #tpu.memory_space<hbm>>
    %dma_start3A_609 = arith.constant 0 : i32
    %dma_start3A_610 = arith.constant 0 : i32
    %dma_start3A_611 = tpu.memref_slice %arg8[%dma_start3A_600, %dma_start3A_609, %dma_start3A_610] : memref<4x4x2048xf32, #tpu.memory_space<vmem>> -> memref<1x4x2048xf32, #tpu.memory_space<vmem>>
    %dma_start3A_612 = tpu.memref_squeeze %dma_start3A_611 : memref<1x4x2048xf32, #tpu.memory_space<vmem>> -> memref<4x2048xf32, #tpu.memory_space<vmem>>
    tpu.enqueue_dma source(%dma_start3A_612 : memref<4x2048xf32, #tpu.memory_space<vmem>>) target(%dma_start3A_608 : memref<4x2048xf32, #tpu.memory_space<hbm>>) target_semaphore(%arg11 : memref<!tpu.dma_semaphore, #tpu.memory_space<semaphore_mem>>)
    %dma_wait3A_613 = arith.constant 127 : i32
    %dma_wait3A_614 = arith.constant 3 : i32
    %dma_wait3A_615 = arith.constant 0 : i32
    %dma_wait3A_616 = arith.constant 0 : i32
    %dma_wait3A_617 = tpu.memref_slice %arg7[%dma_wait3A_614, %dma_wait3A_615, %dma_wait3A_616] : memref<4x4x2048xf32, #tpu.memory_space<vmem>> -> memref<1x4x2048xf32, #tpu.memory_space<vmem>>
    %dma_wait3A_618 = tpu.memref_squeeze %dma_wait3A_617 : memref<1x4x2048xf32, #tpu.memory_space<vmem>> -> memref<4x2048xf32, #tpu.memory_space<vmem>>
    %dma_wait3A_619 = arith.constant 0 : i32
    %dma_wait3A_620 = tpu.memref_slice %arg5[%dma_wait3A_613, %dma_wait3A_619] : memref<128x4xi32, #tpu.memory_space<vmem>> -> memref<1x4xi32, #tpu.memory_space<vmem>>
    %dma_wait3A_621 = tpu.memref_squeeze %dma_wait3A_620 : memref<1x4xi32, #tpu.memory_space<vmem>> -> memref<4xi32, #tpu.memory_space<vmem>>
    %dma_wait3A_622 = arith.constant 0 : i32
    %dma_wait3A_623 = arith.constant 0 : i32
    %dma_wait3A_624 = tpu.memref_slice %arg2[%dma_wait3A_622, %dma_wait3A_623] : memref<16384x2048xf32, #tpu.memory_space<hbm>> -> memref<16384x2048xf32, #tpu.memory_space<hbm>>
    tpu.wait_indirect_dma semaphore(%arg9 : memref<!tpu.dma_semaphore, #tpu.memory_space<semaphore_mem>>) src(%dma_wait3A_624 : memref<16384x2048xf32, #tpu.memory_space<hbm>>) dst(%dma_wait3A_618 : memref<4x2048xf32, #tpu.memory_space<vmem>>)
    %add3A_625 = arith.constant 508 : i32
    %add3A_626 = arith.addi %mul3A_2, %add3A_625 : i32
    %dma_wait3A_627 = arith.constant 3 : i32
    %dma_wait3A_628 = arith.constant 0 : i32
    %dma_wait3A_629 = arith.constant 0 : i32
    %dma_wait3A_630 = tpu.memref_slice %arg6[%dma_wait3A_627, %dma_wait3A_628, %dma_wait3A_629] : memref<4x4x2048xf32, #tpu.memory_space<vmem>> -> memref<1x4x2048xf32, #tpu.memory_space<vmem>>
    %dma_wait3A_631 = tpu.memref_squeeze %dma_wait3A_630 : memref<1x4x2048xf32, #tpu.memory_space<vmem>> -> memref<4x2048xf32, #tpu.memory_space<vmem>>
    %dma_wait3A_632 = arith.constant 0 : i32
    %dma_wait3A_633 = tpu.memref_slice %arg2[%add3A_626, %dma_wait3A_632] : memref<16384x2048xf32, #tpu.memory_space<hbm>> -> memref<4x2048xf32, #tpu.memory_space<hbm>>
    %dma_wait3A_634 = arith.constant 0 : i32
    %dma_wait3A_635 = arith.constant 0 : i32
    %dma_wait3A_636 = tpu.memref_slice %arg6[%dma_wait3A_627, %dma_wait3A_634, %dma_wait3A_635] : memref<4x4x2048xf32, #tpu.memory_space<vmem>> -> memref<1x4x2048xf32, #tpu.memory_space<vmem>>
    %dma_wait3A_637 = tpu.memref_squeeze %dma_wait3A_636 : memref<1x4x2048xf32, #tpu.memory_space<vmem>> -> memref<4x2048xf32, #tpu.memory_space<vmem>>
    %dma_wait3A_638 = arith.constant 0 : i32
    %dma_wait3A_639 = tpu.memref_slice %arg2[%add3A_626, %dma_wait3A_638] : memref<16384x2048xf32, #tpu.memory_space<hbm>> -> memref<4x2048xf32, #tpu.memory_space<hbm>>
    tpu.wait_dma2 semaphore(%arg10 : memref<!tpu.dma_semaphore, #tpu.memory_space<semaphore_mem>>) src(%dma_wait3A_639 : memref<4x2048xf32, #tpu.memory_space<hbm>>) dst(%dma_wait3A_637 : memref<4x2048xf32, #tpu.memory_space<vmem>>)
    %add3A_640 = arith.constant 492 : i32
    %add3A_641 = arith.addi %mul3A_2, %add3A_640 : i32
    %dma_wait3A_642 = arith.constant 3 : i32
    %dma_wait3A_643 = arith.constant 0 : i32
    %dma_wait3A_644 = arith.constant 0 : i32
    %dma_wait3A_645 = tpu.memref_slice %arg8[%dma_wait3A_642, %dma_wait3A_643, %dma_wait3A_644] : memref<4x4x2048xf32, #tpu.memory_space<vmem>> -> memref<1x4x2048xf32, #tpu.memory_space<vmem>>
    %dma_wait3A_646 = tpu.memref_squeeze %dma_wait3A_645 : memref<1x4x2048xf32, #tpu.memory_space<vmem>> -> memref<4x2048xf32, #tpu.memory_space<vmem>>
    %dma_wait3A_647 = arith.constant 0 : i32
    %dma_wait3A_648 = tpu.memref_slice %arg4[%add3A_641, %dma_wait3A_647] : memref<16384x2048xf32, #tpu.memory_space<hbm>> -> memref<4x2048xf32, #tpu.memory_space<hbm>>
    %dma_wait3A_649 = arith.constant 0 : i32
    %dma_wait3A_650 = tpu.memref_slice %arg4[%add3A_641, %dma_wait3A_649] : memref<16384x2048xf32, #tpu.memory_space<hbm>> -> memref<4x2048xf32, #tpu.memory_space<hbm>>
    %dma_wait3A_651 = arith.constant 0 : i32
    %dma_wait3A_652 = arith.constant 0 : i32
    %dma_wait3A_653 = tpu.memref_slice %arg8[%dma_wait3A_642, %dma_wait3A_651, %dma_wait3A_652] : memref<4x4x2048xf32, #tpu.memory_space<vmem>> -> memref<1x4x2048xf32, #tpu.memory_space<vmem>>
    %dma_wait3A_654 = tpu.memref_squeeze %dma_wait3A_653 : memref<1x4x2048xf32, #tpu.memory_space<vmem>> -> memref<4x2048xf32, #tpu.memory_space<vmem>>
    tpu.wait_dma2 semaphore(%arg11 : memref<!tpu.dma_semaphore, #tpu.memory_space<semaphore_mem>>) src(%dma_wait3A_654 : memref<4x2048xf32, #tpu.memory_space<vmem>>) dst(%dma_wait3A_650 : memref<4x2048xf32, #tpu.memory_space<hbm>>)
    %scan3A_655 = arith.constant 0 : i32
    %scan3A_656 = arith.constant 0 : i32
    %scan3A_657 = arith.constant 128 : i32
    %scan3A_658 = arith.addi %scan3A_656, %scan3A_657 : i32
    %scan3A_659 = arith.constant 1 : i32
    %scan3A_660 = scf.for %scan3A_737 = %scan3A_656 to %scan3A_658 step %scan3A_659 iter_args(%scan3A_738 = %scan3A_655) -> (i32)  : i32 {
      %mul3A_739 = arith.constant 16 : i32
      %mul3A_740 = arith.muli %scan3A_737, %mul3A_739 : i32
      %get3A = arith.constant 3 : i32
      %get3A_741 = arith.constant 0 : i32
      %get3A_742 = arith.index_cast %get3A : i32 to index
      %get3A_743 = arith.index_cast %get3A_741 : i32 to index
      %get3A_744 = arith.index_cast %mul3A_740 : i32 to index
      %get3A_745 = tpu.vector_load %arg6[%get3A_742, %get3A_743, %get3A_744] {strides = array<i32>} : memref<4x4x2048xf32, #tpu.memory_space<vmem>>, vector<1x1x16xf32>,
      %get3A_746 = vector.shape_cast %get3A_745 : vector<1x1x16xf32> to vector<16xf32>
      %get3A_747 = arith.constant 3 : i32
      %get3A_748 = arith.constant 0 : i32
      %get3A_749 = arith.index_cast %get3A_747 : i32 to index
      %get3A_750 = arith.index_cast %get3A_748 : i32 to index
      %get3A_751 = arith.index_cast %mul3A_740 : i32 to index
      %get3A_752 = tpu.vector_load %arg7[%get3A_749, %get3A_750, %get3A_751] {strides = array<i32>} : memref<4x4x2048xf32, #tpu.memory_space<vmem>>, vector<1x1x16xf32>,
      %get3A_753 = vector.shape_cast %get3A_752 : vector<1x1x16xf32> to vector<16xf32>
      %mul3A_754 = arith.constant 0.812104344 : f32
      %mul3A_755 = vector.broadcast %mul3A_754 : f32 to vector<16xf32>
      %mul3A_756 = arith.mulf %mul3A_755, %get3A_746 : vector<16xf32>
      %mul3A_757 = arith.constant 0.187895656 : f32
      %mul3A_758 = vector.broadcast %mul3A_757 : f32 to vector<16xf32>
      %mul3A_759 = arith.mulf %mul3A_758, %get3A_753 : vector<16xf32>
      %add3A_760 = arith.addf %mul3A_756, %mul3A_759 : vector<16xf32>
      %swap3A = arith.constant 3 : i32
      %swap3A_761 = arith.constant 0 : i32
      %swap3A_762 = arith.index_cast %swap3A : i32 to index
      %swap3A_763 = arith.index_cast %swap3A_761 : i32 to index
      %swap3A_764 = arith.index_cast %mul3A_740 : i32 to index
      %swap3A_765 = tpu.vector_load %arg8[%swap3A_762, %swap3A_763, %swap3A_764] {strides = array<i32>} : memref<4x4x2048xf32, #tpu.memory_space<vmem>>, vector<1x1x16xf32>,
      %swap3A_766 = vector.shape_cast %swap3A_765 : vector<1x1x16xf32> to vector<16xf32>
      %swap3A_767 = vector.shape_cast %add3A_760 : vector<16xf32> to vector<1x1x16xf32>
      tpu.vector_store %arg8[%swap3A_762, %swap3A_763, %swap3A_764], %swap3A_767 {strides = array<i32>} : memref<4x4x2048xf32, #tpu.memory_space<vmem>>, vector<1x1x16xf32>,
      %get3A_768 = arith.constant 3 : i32
      %get3A_769 = arith.constant 1 : i32
      %get3A_770 = arith.index_cast %get3A_768 : i32 to index
      %get3A_771 = arith.index_cast %get3A_769 : i32 to index
      %get3A_772 = arith.index_cast %mul3A_740 : i32 to index
      %get3A_773 = tpu.vector_load %arg6[%get3A_770, %get3A_771, %get3A_772] {strides = array<i32>} : memref<4x4x2048xf32, #tpu.memory_space<vmem>>, vector<1x1x16xf32>,
      %get3A_774 = vector.shape_cast %get3A_773 : vector<1x1x16xf32> to vector<16xf32>
      %get3A_775 = arith.constant 3 : i32
      %get3A_776 = arith.constant 1 : i32
      %get3A_777 = arith.index_cast %get3A_775 : i32 to index
      %get3A_778 = arith.index_cast %get3A_776 : i32 to index
      %get3A_779 = arith.index_cast %mul3A_740 : i32 to index
      %get3A_780 = tpu.vector_load %arg7[%get3A_777, %get3A_778, %get3A_779] {strides = array<i32>} : memref<4x4x2048xf32, #tpu.memory_space<vmem>>, vector<1x1x16xf32>,
      %get3A_781 = vector.shape_cast %get3A_780 : vector<1x1x16xf32> to vector<16xf32>
      %mul3A_782 = arith.constant 0.812104344 : f32
      %mul3A_783 = vector.broadcast %mul3A_782 : f32 to vector<16xf32>
      %mul3A_784 = arith.mulf %mul3A_783, %get3A_774 : vector<16xf32>
      %mul3A_785 = arith.constant 0.187895656 : f32
      %mul3A_786 = vector.broadcast %mul3A_785 : f32 to vector<16xf32>
      %mul3A_787 = arith.mulf %mul3A_786, %get3A_781 : vector<16xf32>
      %add3A_788 = arith.addf %mul3A_784, %mul3A_787 : vector<16xf32>
      %swap3A_789 = arith.constant 3 : i32
      %swap3A_790 = arith.constant 1 : i32
      %swap3A_791 = arith.index_cast %swap3A_789 : i32 to index
      %swap3A_792 = arith.index_cast %swap3A_790 : i32 to index
      %swap3A_793 = arith.index_cast %mul3A_740 : i32 to index
      %swap3A_794 = tpu.vector_load %arg8[%swap3A_791, %swap3A_792, %swap3A_793] {strides = array<i32>} : memref<4x4x2048xf32, #tpu.memory_space<vmem>>, vector<1x1x16xf32>,
      %swap3A_795 = vector.shape_cast %swap3A_794 : vector<1x1x16xf32> to vector<16xf32>
      %swap3A_796 = vector.shape_cast %add3A_788 : vector<16xf32> to vector<1x1x16xf32>
      tpu.vector_store %arg8[%swap3A_791, %swap3A_792, %swap3A_793], %swap3A_796 {strides = array<i32>} : memref<4x4x2048xf32, #tpu.memory_space<vmem>>, vector<1x1x16xf32>,
      %get3A_797 = arith.constant 3 : i32
      %get3A_798 = arith.constant 2 : i32
      %get3A_799 = arith.index_cast %get3A_797 : i32 to index
      %get3A_800 = arith.index_cast %get3A_798 : i32 to index
      %get3A_801 = arith.index_cast %mul3A_740 : i32 to index
      %get3A_802 = tpu.vector_load %arg6[%get3A_799, %get3A_800, %get3A_801] {strides = array<i32>} : memref<4x4x2048xf32, #tpu.memory_space<vmem>>, vector<1x1x16xf32>,
      %get3A_803 = vector.shape_cast %get3A_802 : vector<1x1x16xf32> to vector<16xf32>
      %get3A_804 = arith.constant 3 : i32
      %get3A_805 = arith.constant 2 : i32
      %get3A_806 = arith.index_cast %get3A_804 : i32 to index
      %get3A_807 = arith.index_cast %get3A_805 : i32 to index
      %get3A_808 = arith.index_cast %mul3A_740 : i32 to index
      %get3A_809 = tpu.vector_load %arg7[%get3A_806, %get3A_807, %get3A_808] {strides = array<i32>} : memref<4x4x2048xf32, #tpu.memory_space<vmem>>, vector<1x1x16xf32>,
      %get3A_810 = vector.shape_cast %get3A_809 : vector<1x1x16xf32> to vector<16xf32>
      %mul3A_811 = arith.constant 0.812104344 : f32
      %mul3A_812 = vector.broadcast %mul3A_811 : f32 to vector<16xf32>
      %mul3A_813 = arith.mulf %mul3A_812, %get3A_803 : vector<16xf32>
      %mul3A_814 = arith.constant 0.187895656 : f32
      %mul3A_815 = vector.broadcast %mul3A_814 : f32 to vector<16xf32>
      %mul3A_816 = arith.mulf %mul3A_815, %get3A_810 : vector<16xf32>
      %add3A_817 = arith.addf %mul3A_813, %mul3A_816 : vector<16xf32>
      %swap3A_818 = arith.constant 3 : i32
      %swap3A_819 = arith.constant 2 : i32
      %swap3A_820 = arith.index_cast %swap3A_818 : i32 to index
      %swap3A_821 = arith.index_cast %swap3A_819 : i32 to index
      %swap3A_822 = arith.index_cast %mul3A_740 : i32 to index
      %swap3A_823 = tpu.vector_load %arg8[%swap3A_820, %swap3A_821, %swap3A_822] {strides = array<i32>} : memref<4x4x2048xf32, #tpu.memory_space<vmem>>, vector<1x1x16xf32>,
      %swap3A_824 = vector.shape_cast %swap3A_823 : vector<1x1x16xf32> to vector<16xf32>
      %swap3A_825 = vector.shape_cast %add3A_817 : vector<16xf32> to vector<1x1x16xf32>
      tpu.vector_store %arg8[%swap3A_820, %swap3A_821, %swap3A_822], %swap3A_825 {strides = array<i32>} : memref<4x4x2048xf32, #tpu.memory_space<vmem>>, vector<1x1x16xf32>,
      %get3A_826 = arith.constant 3 : i32
      %get3A_827 = arith.constant 3 : i32
      %get3A_828 = arith.index_cast %get3A_826 : i32 to index
      %get3A_829 = arith.index_cast %get3A_827 : i32 to index
      %get3A_830 = arith.index_cast %mul3A_740 : i32 to index
      %get3A_831 = tpu.vector_load %arg6[%get3A_828, %get3A_829, %get3A_830] {strides = array<i32>} : memref<4x4x2048xf32, #tpu.memory_space<vmem>>, vector<1x1x16xf32>,
      %get3A_832 = vector.shape_cast %get3A_831 : vector<1x1x16xf32> to vector<16xf32>
      %get3A_833 = arith.constant 3 : i32
      %get3A_834 = arith.constant 3 : i32
      %get3A_835 = arith.index_cast %get3A_833 : i32 to index
      %get3A_836 = arith.index_cast %get3A_834 : i32 to index
      %get3A_837 = arith.index_cast %mul3A_740 : i32 to index
      %get3A_838 = tpu.vector_load %arg7[%get3A_835, %get3A_836, %get3A_837] {strides = array<i32>} : memref<4x4x2048xf32, #tpu.memory_space<vmem>>, vector<1x1x16xf32>,
      %get3A_839 = vector.shape_cast %get3A_838 : vector<1x1x16xf32> to vector<16xf32>
      %mul3A_840 = arith.constant 0.812104344 : f32
      %mul3A_841 = vector.broadcast %mul3A_840 : f32 to vector<16xf32>
      %mul3A_842 = arith.mulf %mul3A_841, %get3A_832 : vector<16xf32>
      %mul3A_843 = arith.constant 0.187895656 : f32
      %mul3A_844 = vector.broadcast %mul3A_843 : f32 to vector<16xf32>
      %mul3A_845 = arith.mulf %mul3A_844, %get3A_839 : vector<16xf32>
      %add3A_846 = arith.addf %mul3A_842, %mul3A_845 : vector<16xf32>
      %swap3A_847 = arith.constant 3 : i32
      %swap3A_848 = arith.constant 3 : i32
      %swap3A_849 = arith.index_cast %swap3A_847 : i32 to index
      %swap3A_850 = arith.index_cast %swap3A_848 : i32 to index
      %swap3A_851 = arith.index_cast %mul3A_740 : i32 to index
      %swap3A_852 = tpu.vector_load %arg8[%swap3A_849, %swap3A_850, %swap3A_851] {strides = array<i32>} : memref<4x4x2048xf32, #tpu.memory_space<vmem>>, vector<1x1x16xf32>,
      %swap3A_853 = vector.shape_cast %swap3A_852 : vector<1x1x16xf32> to vector<16xf32>
      %swap3A_854 = vector.shape_cast %add3A_846 : vector<16xf32> to vector<1x1x16xf32>
      tpu.vector_store %arg8[%swap3A_849, %swap3A_850, %swap3A_851], %swap3A_854 {strides = array<i32>} : memref<4x4x2048xf32, #tpu.memory_space<vmem>>, vector<1x1x16xf32>,
      %scan3A_855 = arith.constant 0 : i32
      scf.yield %scan3A_855 : i32
    }
    %scan3A_661 = arith.constant 128 : i32
    %add3A_662 = arith.constant 508 : i32
    %add3A_663 = arith.addi %mul3A_2, %add3A_662 : i32
    %dma_start3A_664 = arith.constant 3 : i32
    %dma_start3A_665 = arith.constant 0 : i32
    %dma_start3A_666 = arith.constant 0 : i32
    %dma_start3A_667 = tpu.memref_slice %arg8[%dma_start3A_664, %dma_start3A_665, %dma_start3A_666] : memref<4x4x2048xf32, #tpu.memory_space<vmem>> -> memref<1x4x2048xf32, #tpu.memory_space<vmem>>
    %dma_start3A_668 = tpu.memref_squeeze %dma_start3A_667 : memref<1x4x2048xf32, #tpu.memory_space<vmem>> -> memref<4x2048xf32, #tpu.memory_space<vmem>>
    %dma_start3A_669 = arith.constant 0 : i32
    %dma_start3A_670 = tpu.memref_slice %arg4[%add3A_663, %dma_start3A_669] : memref<16384x2048xf32, #tpu.memory_space<hbm>> -> memref<4x2048xf32, #tpu.memory_space<hbm>>
    %dma_start3A_671 = arith.constant 0 : i32
    %dma_start3A_672 = tpu.memref_slice %arg4[%add3A_663, %dma_start3A_671] : memref<16384x2048xf32, #tpu.memory_space<hbm>> -> memref<4x2048xf32, #tpu.memory_space<hbm>>
    %dma_start3A_673 = arith.constant 0 : i32
    %dma_start3A_674 = arith.constant 0 : i32
    %dma_start3A_675 = tpu.memref_slice %arg8[%dma_start3A_664, %dma_start3A_673, %dma_start3A_674] : memref<4x4x2048xf32, #tpu.memory_space<vmem>> -> memref<1x4x2048xf32, #tpu.memory_space<vmem>>
    %dma_start3A_676 = tpu.memref_squeeze %dma_start3A_675 : memref<1x4x2048xf32, #tpu.memory_space<vmem>> -> memref<4x2048xf32, #tpu.memory_space<vmem>>
    tpu.enqueue_dma source(%dma_start3A_676 : memref<4x2048xf32, #tpu.memory_space<vmem>>) target(%dma_start3A_672 : memref<4x2048xf32, #tpu.memory_space<hbm>>) target_semaphore(%arg11 : memref<!tpu.dma_semaphore, #tpu.memory_space<semaphore_mem>>)
    %add3A_677 = arith.constant 496 : i32
    %add3A_678 = arith.addi %mul3A_2, %add3A_677 : i32
    %dma_wait3A_679 = arith.constant 0 : i32
    %dma_wait3A_680 = arith.constant 0 : i32
    %dma_wait3A_681 = arith.constant 0 : i32
    %dma_wait3A_682 = tpu.memref_slice %arg8[%dma_wait3A_679, %dma_wait3A_680, %dma_wait3A_681] : memref<4x4x2048xf32, #tpu.memory_space<vmem>> -> memref<1x4x2048xf32, #tpu.memory_space<vmem>>
    %dma_wait3A_683 = tpu.memref_squeeze %dma_wait3A_682 : memref<1x4x2048xf32, #tpu.memory_space<vmem>> -> memref<4x2048xf32, #tpu.memory_space<vmem>>
    %dma_wait3A_684 = arith.constant 0 : i32
    %dma_wait3A_685 = tpu.memref_slice %arg4[%add3A_678, %dma_wait3A_684] : memref<16384x2048xf32, #tpu.memory_space<hbm>> -> memref<4x2048xf32, #tpu.memory_space<hbm>>
    %dma_wait3A_686 = arith.constant 0 : i32
    %dma_wait3A_687 = tpu.memref_slice %arg4[%add3A_678, %dma_wait3A_686] : memref<16384x2048xf32, #tpu.memory_space<hbm>> -> memref<4x2048xf32, #tpu.memory_space<hbm>>
    %dma_wait3A_688 = arith.constant 0 : i32
    %dma_wait3A_689 = arith.constant 0 : i32
    %dma_wait3A_690 = tpu.memref_slice %arg8[%dma_wait3A_679, %dma_wait3A_688, %dma_wait3A_689] : memref<4x4x2048xf32, #tpu.memory_space<vmem>> -> memref<1x4x2048xf32, #tpu.memory_space<vmem>>
    %dma_wait3A_691 = tpu.memref_squeeze %dma_wait3A_690 : memref<1x4x2048xf32, #tpu.memory_space<vmem>> -> memref<4x2048xf32, #tpu.memory_space<vmem>>
    tpu.wait_dma2 semaphore(%arg11 : memref<!tpu.dma_semaphore, #tpu.memory_space<semaphore_mem>>) src(%dma_wait3A_691 : memref<4x2048xf32, #tpu.memory_space<vmem>>) dst(%dma_wait3A_687 : memref<4x2048xf32, #tpu.memory_space<hbm>>)
    %add3A_692 = arith.constant 500 : i32
    %add3A_693 = arith.addi %mul3A_2, %add3A_692 : i32
    %dma_wait3A_694 = arith.constant 1 : i32
    %dma_wait3A_695 = arith.constant 0 : i32
    %dma_wait3A_696 = arith.constant 0 : i32
    %dma_wait3A_697 = tpu.memref_slice %arg8[%dma_wait3A_694, %dma_wait3A_695, %dma_wait3A_696] : memref<4x4x2048xf32, #tpu.memory_space<vmem>> -> memref<1x4x2048xf32, #tpu.memory_space<vmem>>
    %dma_wait3A_698 = tpu.memref_squeeze %dma_wait3A_697 : memref<1x4x2048xf32, #tpu.memory_space<vmem>> -> memref<4x2048xf32, #tpu.memory_space<vmem>>
    %dma_wait3A_699 = arith.constant 0 : i32
    %dma_wait3A_700 = tpu.memref_slice %arg4[%add3A_693, %dma_wait3A_699] : memref<16384x2048xf32, #tpu.memory_space<hbm>> -> memref<4x2048xf32, #tpu.memory_space<hbm>>
    %dma_wait3A_701 = arith.constant 0 : i32
    %dma_wait3A_702 = tpu.memref_slice %arg4[%add3A_693, %dma_wait3A_701] : memref<16384x2048xf32, #tpu.memory_space<hbm>> -> memref<4x2048xf32, #tpu.memory_space<hbm>>
    %dma_wait3A_703 = arith.constant 0 : i32
    %dma_wait3A_704 = arith.constant 0 : i32
    %dma_wait3A_705 = tpu.memref_slice %arg8[%dma_wait3A_694, %dma_wait3A_703, %dma_wait3A_704] : memref<4x4x2048xf32, #tpu.memory_space<vmem>> -> memref<1x4x2048xf32, #tpu.memory_space<vmem>>
    %dma_wait3A_706 = tpu.memref_squeeze %dma_wait3A_705 : memref<1x4x2048xf32, #tpu.memory_space<vmem>> -> memref<4x2048xf32, #tpu.memory_space<vmem>>
    tpu.wait_dma2 semaphore(%arg11 : memref<!tpu.dma_semaphore, #tpu.memory_space<semaphore_mem>>) src(%dma_wait3A_706 : memref<4x2048xf32, #tpu.memory_space<vmem>>) dst(%dma_wait3A_702 : memref<4x2048xf32, #tpu.memory_space<hbm>>)
    %add3A_707 = arith.constant 504 : i32
    %add3A_708 = arith.addi %mul3A_2, %add3A_707 : i32
    %dma_wait3A_709 = arith.constant 2 : i32
    %dma_wait3A_710 = arith.constant 0 : i32
    %dma_wait3A_711 = arith.constant 0 : i32
    %dma_wait3A_712 = tpu.memref_slice %arg8[%dma_wait3A_709, %dma_wait3A_710, %dma_wait3A_711] : memref<4x4x2048xf32, #tpu.memory_space<vmem>> -> memref<1x4x2048xf32, #tpu.memory_space<vmem>>
    %dma_wait3A_713 = tpu.memref_squeeze %dma_wait3A_712 : memref<1x4x2048xf32, #tpu.memory_space<vmem>> -> memref<4x2048xf32, #tpu.memory_space<vmem>>
    %dma_wait3A_714 = arith.constant 0 : i32
    %dma_wait3A_715 = tpu.memref_slice %arg4[%add3A_708, %dma_wait3A_714] : memref<16384x2048xf32, #tpu.memory_space<hbm>> -> memref<4x2048xf32, #tpu.memory_space<hbm>>
    %dma_wait3A_716 = arith.constant 0 : i32
    %dma_wait3A_717 = tpu.memref_slice %arg4[%add3A_708, %dma_wait3A_716] : memref<16384x2048xf32, #tpu.memory_space<hbm>> -> memref<4x2048xf32, #tpu.memory_space<hbm>>
    %dma_wait3A_718 = arith.constant 0 : i32
    %dma_wait3A_719 = arith.constant 0 : i32
    %dma_wait3A_720 = tpu.memref_slice %arg8[%dma_wait3A_709, %dma_wait3A_718, %dma_wait3A_719] : memref<4x4x2048xf32, #tpu.memory_space<vmem>> -> memref<1x4x2048xf32, #tpu.memory_space<vmem>>
    %dma_wait3A_721 = tpu.memref_squeeze %dma_wait3A_720 : memref<1x4x2048xf32, #tpu.memory_space<vmem>> -> memref<4x2048xf32, #tpu.memory_space<vmem>>
    tpu.wait_dma2 semaphore(%arg11 : memref<!tpu.dma_semaphore, #tpu.memory_space<semaphore_mem>>) src(%dma_wait3A_721 : memref<4x2048xf32, #tpu.memory_space<vmem>>) dst(%dma_wait3A_717 : memref<4x2048xf32, #tpu.memory_space<hbm>>)
    %add3A_722 = arith.constant 508 : i32
    %add3A_723 = arith.addi %mul3A_2, %add3A_722 : i32
    %dma_wait3A_724 = arith.constant 3 : i32
    %dma_wait3A_725 = arith.constant 0 : i32
    %dma_wait3A_726 = arith.constant 0 : i32
    %dma_wait3A_727 = tpu.memref_slice %arg8[%dma_wait3A_724, %dma_wait3A_725, %dma_wait3A_726] : memref<4x4x2048xf32, #tpu.memory_space<vmem>> -> memref<1x4x2048xf32, #tpu.memory_space<vmem>>
    %dma_wait3A_728 = tpu.memref_squeeze %dma_wait3A_727 : memref<1x4x2048xf32, #tpu.memory_space<vmem>> -> memref<4x2048xf32, #tpu.memory_space<vmem>>
    %dma_wait3A_729 = arith.constant 0 : i32
    %dma_wait3A_730 = tpu.memref_slice %arg4[%add3A_723, %dma_wait3A_729] : memref<16384x2048xf32, #tpu.memory_space<hbm>> -> memref<4x2048xf32, #tpu.memory_space<hbm>>
    %dma_wait3A_731 = arith.constant 0 : i32
    %dma_wait3A_732 = tpu.memref_slice %arg4[%add3A_723, %dma_wait3A_731] : memref<16384x2048xf32, #tpu.memory_space<hbm>> -> memref<4x2048xf32, #tpu.memory_space<hbm>>
    %dma_wait3A_733 = arith.constant 0 : i32
    %dma_wait3A_734 = arith.constant 0 : i32
    %dma_wait3A_735 = tpu.memref_slice %arg8[%dma_wait3A_724, %dma_wait3A_733, %dma_wait3A_734] : memref<4x4x2048xf32, #tpu.memory_space<vmem>> -> memref<1x4x2048xf32, #tpu.memory_space<vmem>>
    %dma_wait3A_736 = tpu.memref_squeeze %dma_wait3A_735 : memref<1x4x2048xf32, #tpu.memory_space<vmem>> -> memref<4x2048xf32, #tpu.memory_space<vmem>>
    tpu.wait_dma2 semaphore(%arg11 : memref<!tpu.dma_semaphore, #tpu.memory_space<semaphore_mem>>) src(%dma_wait3A_736 : memref<4x2048xf32, #tpu.memory_space<vmem>>) dst(%dma_wait3A_732 : memref<4x2048xf32, #tpu.memory_space<hbm>>)
    return
  }
}

</mosaic_0001>

<sc_bundles>
// kernel: kernel.3.cloned.1.call-start
scs
__scs_entry_jumppad:
0x0: {  	(pc) =	sbr.rel $0x88, $3  }
0x1: {  	(tag) =	ssettag $0x0;
	lr =	simm.s32 $0x1  }
0x2: {  	[smem:$0x3FA0] =	sst lr;
	_ =	strace $0xD0000000  }
0x3: {  	_ = 	snop  }
0x4: {  	_ = 	snop  }
0x5: {  	_ = 	snop  }
0x6: {  	_ = 	snop  }
0x7: {  	_ = 	snop  }
__scs_overlays_trampoline_lowered:
0x8: {  	[smem:$0x3FAF] =	sst s0  }
0x9: {  	[smem:$0x3FB0] =	sst s1  }
0xa: {  	[smem:$0x3FB1] =	sst s2  }
0xb: {  	[smem:$0x3FB2] =	sst s3  }
0xc: {  	[smem:$0x3FB3] =	sst s4  }
0xd: {  	[smem:$0x3FB4] =	sst s5  }
0xe: {  	[smem:$0x3FB5] =	sst s6  }
0xf: {  	[smem:$0x3FB6] =	sst s7  }
0x10: {  	[smem:$0x3FB7] =	sst s8  }
0x11: {  	[smem:$0x3FB8] =	sst s9;
	s0 =	simm.s32 @!p0 $0x0  }
0x12: {  	s1 =	sld [smem:$0x3F9E];
	s0 =	simm.s32 @p0 $0x1  }
0x13: {  	[smem:$0x3FB9] =	sst s0;
	s0 =	simm.s32 @!p1 $0x0  }
0x14: {  	s2 =	sld [smem:$0x3F9D];
	s0 =	simm.s32 @p1 $0x1  }
0x15: {  	[smem:$0x3FBA] =	sst s0;
	s0 =	simm.s32 @!p2 $0x0  }
0x16: {  	s3 =	sld [smem:$0x3FDB];
	s0 =	simm.s32 @p2 $0x1  }
0x17: {  	s4 =	simm.s32 $0x1BF5;
	[smem:$0x3FBC] =	sst s0  }
0x18: {  	s0 =	sld [smem:$0x3F9F];
	_ =	swait.ge [sflag:s4], $0x0  }
0x19: {  	s7 =	sld [smem:$0x3FA0]  }
0x1a: {  	s8 =	sadd.s32 $0xFFFFE003, lr  }
0x1b: {  	s9 =	sadd.s32 $0xFFFFFEF7, lr;
	s5 =	simm.s32 $0xFFFFFFFF;
	p2 =	slt.u32 s8, $0xFFFFF086  }
0x1c: {  	p1 =	slt.u32 s9, $0xF7A;
	s5 =	simm.s32 @!p2 $0x0  }
0x1d: {  	s5 =	simm.s32 @p1 $0x1;
	p0 =	seq.s32 s7, s2  }
0x1e: {  	s7 =	smul.u32 @!p0 $0xF7A, s2;
	p2 =	seq.s32 @!p0 s5, $0x0  }
0x1f: {  	s9 =	smul.u32 $0xF7A, s1;
	s8 =	simm.s32 @!p0 $0x1BF5;
	p2 =	por !p2, p0  }
0x20: {  	[sflag:s8] =	ssyncset.s32 @!p0 $0xFFFFF086;
	s6 =	sadd.s32 @!p0 s3, s7;
	s7 =	simm.s32 @!p0 $0x108  }
0x21: {  	s3 =	sadd.s32 s3, s9;
	s6 =	sadd.s32 @!p0 $0x88, s6;
	s7 =	simm.s32 @p2 $0x1082  }
0x22: {  	[simem:s7], [sflag:s8] =	dma.local @!p0 [hbm:s6], $0xF7A  }
0x23: {  	s9 =	sor.u32 $0xD0000000, s2;
	s6 =	simm.s32 $0x108;
	_ =	swait.ge @!p0 [sflag:s8], $0x0  }
0x24: {  	s3 =	sadd.s32 $0x88, s3;
	s6 =	simm.s32 @!p1 $0x1082;
	[sflag:s4] =	ssyncset.s32 $0xFFFFF086  }
0x25: {  	[simem:s6], [sflag:s4] =	dma.local [hbm:s3], $0xF7A  }
0x26: {  	[smem:$0x3FA0] =	sst s1;
	(tag) =	ssettag s2;
	_ =	strace s9  }
0x27: {  	s1 =	sld [smem:$0x3FB0]  }
0x28: {  	s2 =	sld [smem:$0x3FB1]  }
0x29: {  	s4 =	sld [smem:$0x3FB3]  }
0x2a: {  	p0 =	seq.s32 s5, $0x0;
	s5 =	sld [smem:$0x3FB4]  }
0x2b: {  	s6 =	sld [smem:$0x3FB5]  }
0x2c: {  	s7 =	sld [smem:$0x3FB6]  }
0x2d: {  	s3 =	simm.s32 $0x108;
	s8 =	sld [smem:$0x3FB7]  }
0x2e: {  	s3 =	simm.s32 @!p0 $0x1082;
	s9 =	sld [smem:$0x3FB8]  }
0x2f: {  	lr =	sadd.s32 s0, s3;
	s0 =	sld [smem:$0x3FAF]  }
0x30: {  	s3 =	sld [smem:$0x3FB2]  }
0x31: {  	[smem:$0x3FBB] =	sst s10  }
0x32: {  	s10 =	sld [smem:$0x3FB9];
	_ =	sdelay $0x3  }
0x33: {  	p0 =	seq.s32 s10, $0x1;
	s10 =	sld [smem:$0x3FBB];
	_ =	sdelay $0x3  }
0x34: {  	[smem:$0x3FBB] =	sst s10  }
0x35: {  	s10 =	sld [smem:$0x3FBA];
	_ =	sdelay $0x3  }
0x36: {  	p1 =	seq.s32 s10, $0x1;
	s10 =	sld [smem:$0x3FBB];
	_ =	sdelay $0x3  }
0x37: {  	[smem:$0x3FBB] =	sst s10  }
0x38: {  	s10 =	sld [smem:$0x3FBC]  }
0x39: {  	_ = 	snop;
	(pc) =	sbr.ind lr, $3  }
0x3a: {  	_ = 	snop  }
0x3b: {  	_ = 	snop  }
0x3c: {  	p2 =	seq.s32 s10, $0x1;
	s10 =	sld [smem:$0x3FBB]  }
0x3d: {  	_ =	shalt  }
0x3e: {  	_ =	shalt  }
0x3f: {  	_ =	shalt  }
0x40: {  	_ =	shalt  }
0x41: {  	_ =	shalt  }
0x42: {  	_ =	shalt  }
0x43: {  	_ =	shalt  }
0x44: {  	_ =	shalt  }
0x45: {  	_ =	shalt  }
0x46: {  	_ =	shalt  }
0x47: {  	_ =	shalt  }
0x48: {  	_ =	shalt  }
0x49: {  	_ =	shalt  }
0x4a: {  	_ =	shalt  }
0x4b: {  	_ =	shalt  }
0x4c: {  	_ =	shalt  }
0x4d: {  	_ =	shalt  }
0x4e: {  	_ =	shalt  }
0x4f: {  	_ =	shalt  }
0x50: {  	_ =	shalt  }
0x51: {  	_ =	shalt  }
0x52: {  	_ =	shalt  }
0x53: {  	_ =	shalt  }
0x54: {  	_ =	shalt  }
0x55: {  	_ =	shalt  }
0x56: {  	_ =	shalt  }
0x57: {  	_ =	shalt  }
0x58: {  	_ =	shalt  }
0x59: {  	_ =	shalt  }
0x5a: {  	_ =	shalt  }
0x5b: {  	_ =	shalt  }
0x5c: {  	_ =	shalt  }
0x5d: {  	_ =	shalt  }
0x5e: {  	_ =	shalt  }
0x5f: {  	_ =	shalt  }
0x60: {  	_ =	shalt  }
0x61: {  	_ =	shalt  }
0x62: {  	_ =	shalt  }
0x63: {  	_ =	shalt  }
0x64: {  	_ =	shalt  }
0x65: {  	_ =	shalt  }
0x66: {  	_ =	shalt  }
0x67: {  	_ =	shalt  }
0x68: {  	_ =	shalt  }
0x69: {  	_ =	shalt  }
0x6a: {  	_ =	shalt  }
0x6b: {  	_ =	shalt  }
0x6c: {  	_ =	shalt  }
0x6d: {  	_ =	shalt  }
0x6e: {  	_ =	shalt  }
0x6f: {  	_ =	shalt  }
0x70: {  	_ =	shalt  }
0x71: {  	_ =	shalt  }
0x72: {  	_ =	shalt  }
0x73: {  	_ =	shalt  }
0x74: {  	_ =	shalt  }
0x75: {  	_ =	shalt  }
0x76: {  	_ =	shalt  }
0x77: {  	_ =	shalt  }
0x78: {  	_ =	shalt  }
0x79: {  	_ =	shalt  }
0x7a: {  	_ =	shalt  }
0x7b: {  	_ =	shalt  }
0x7c: {  	_ =	shalt  }
0x7d: {  	_ =	shalt  }
0x7e: {  	_ =	shalt  }
0x7f: {  	_ =	shalt  }
0x80: {  	_ =	shalt  }
0x81: {  	_ =	shalt  }
0x82: {  	_ =	shalt  }
0x83: {  	_ =	shalt  }
0x84: {  	_ =	shalt  }
0x85: {  	_ =	shalt  }
0x86: {  	_ =	shalt  }
0x87: {  	_ =	shalt  }
.Lfunc_end0:
.L_simem_size_0:
called_computation_lowered:
.L_overlay_start_0:
0x88: {  	s2 =	sld [smem:$0x3FD9]  }
0x89: {  	s3 =	sld [smem:$0x3FFE];
	_ =	sdelay $0x1  }
0x8a: {  	s1 =	srdreg.scid  }
0x8b: {  	s0 =	sand.u32 $0x1, s1  }
0x8c: {  	s17 =	sshll.u32 s0, $0xA;
	s2 =	sadd.s32 s3, s2  }
0x8d: {  	s2 =	sadd.s32 s2, s17  }
0x8e: {  	[smem:$0x3FC7] =	sst s2  }
0x8f: {  	_ = 	snop  }
0x90: {  	s2 =	sld [smem:$0x3FC9]  }
0x91: {  	s18 =	sld [smem:$0x3FD0];
	(tm) =	ssettm $0x1  }
0x92: {  	s4 =	sld [smem:$0x3FFB];
	_ =	sdelay $0x3  }
0x93: {  	_ =	strace s4  }
0x94: {  	s4 =	sld [smem:$0x3FFC];
	_ =	sdelay $0x3  }
0x95: {  	_ =	strace s4  }
0x96: {  	s4 =	sld [smem:$0x3FFD];
	_ =	sdelay $0x3  }
0x97: {  	_ =	strace s4  }
0x98: {  	_ =	strace $0x8FFFFFFF  }
0x99: {  	s19 =	sld [smem:$0x3FDB];
	_ =	sdelay $0x1  }
0x9a: {  	s5 =	simm.s32 $_scs_section_size  }
0x9b: {  	s6 =	simm.s32 $_size__tile_overlayer_lowered;
	s7 =	simm.s32 $_tile_overlayer_lowered  }
0x9c: {  	s22 =	simm.s32 $0x1BFF;
	s21 =	sshll.u32 s7, $0x1;
	s4 =	sadd.s32 s5, s19  }
0x9d: {  	s8 =	simm.s32 $0x0;
	s20 =	sshll.u32 s6, $0x1;
	s6 =	sadd.s32 s21, s4  }
0x9e: {  	[timem:s8], [sflag:s22] =	dma.local [hbm:s6], s20  }
0x9f: {  	_ =	swait.ge [sflag:s22], s20  }
0xa0: {  	s5 =	ssub.s32 $0x0, s20;
	[sflag:s22] =	ssyncset.done $0x0  }
0xa1: {  	[sflag:s22] =	ssyncadd.s32 s5;
	_ =	sdelay $0x1  }
0xa2: {  	s23 =	simm.s32 $0x1B8B  }
0xa3: {  	_ =	swait.ge [sflag:s23], $0x1  }
0xa4: {  	[sflag:s23] =	ssyncset.done $0x0  }
0xa5: {  	s25 =	simm.s32 $0x1B8E;
	s24 =	sld [smem:$0x3FFE];
	[sflag:s23] =	ssyncadd.s32 $0xFFFFFFFF  }
0xa6: {  	s26 =	simm.s32 $execute0_lowered;
	[smem:$0x3FD2] =	sst s25  }
0xa7: {  	s6 =	sshll.u32 s26, $0x1;
	_ =	strace $0x80000046;
	[dreg:$0x1] =	wrdreg $0xFFFFFFFF  }
0xa8: {  	s28 =	simm.s32 $_size_execute0_lowered;
	s4 =	sadd.s32 s4, s6;
	[dreg:$0x0] =	wrdreg $0x0  }
0xa9: {  	s6 =	sshll.u32 s28, $0x1;
	[dreg:$0x2] =	wrdreg s4  }
0xaa: {  	[dreg:$0x3] =	wrdreg s6  }
0xab: {  	[dreg:$0x4] =	wrdreg $0xC0  }
0xac: {  	_ =	task [dreg:s8], $0x5FFFF  }
0xad: {  	[dreg:$0x1] =	wrdreg $0xFFFFFFFF  }
0xae: {  	[dreg:$0x0] =	wrdreg $0x60  }
0xaf: {  	[dreg:$0x2] =	wrdreg s2  }
0xb0: {  	[dreg:$0x3] =	wrdreg s24  }
0xb1: {  	[dreg:$0x4] =	wrdreg s18  }
0xb2: {  	[dreg:$0x5] =	wrdreg $0x9  }
0xb3: {  	_ =	task.clear_ibuf [dreg:s8], $0x6FFFF;
	_ =	strace $0x90000046  }
0xb4: {  	s29 =	simm.s32 $0x9;
	_ =	strace $0x80000048  }
0xb5: {  	_ =	swait.ge [sflag:s29], $0x1  }
0xb6: {  	[sflag:s29] =	ssyncadd.s32 $0xFFFFFFFF  }
0xb7: {  	_ =	strace $0x90000048  }
0xb8: {  	_ =	sfence  }
0xb9: {  	s30 =	sld [smem:$0x0];
	_ =	sdelay $0x2  }
0xba: {  	s31 =	sshll.u32 s1, $0xD;
	s1 =	sshrl.u32 s1, $0x2  }
0xbb: {  	s3 =	sand.u32 $0x4000, s31;
	s1 =	sadd.s32 s1, s30  }
0xbc: {  	s0 =	sor.u32 s3, s0;
	s1 =	sshll.u32 s1, $0x11  }
0xbd: {  	s0 =	sor.u32 s1, s0  }
0xbe: {  	s0 =	sadd.s32 $0x8F2B, s0  }
0xbf: {  	[sflag:s0] =	ssyncadd.remote.s32 $0x1  }
0xc0: {  	_ =	sfence.sel $0xFFFF  }
0xc1: {  	[dreg:$0x0] =	wrdreg $0xFFFFFFFF;
	(pc) =	sbr.abs _section_cstart, $3  }
0xc2: {  	[dreg:$0x1] =	wrdreg $0xFFFFFFFF  }
0xc3: {  	_ =	task.clear_ibuf [dreg:s8], $0x2FFFF;
	_ =	strace $0x9FFFFFFF  }
0xc4: {  	(tm) =	ssettm $0x7FFFFFFF  }
0xc5: {  	_ =	shalt  }
tec
execute0_lowered:
.L_overlay_start_1:
0x0: {  	(tag) =	ssettag $0x1  }
0x1: {  	s1 =	rddreg [dreg:$0x0]  }
0x2: {  	s0 =	rddreg [dreg:$0x1];
	s2 =	srdreg.scid  }
0x3: {  	s4 =	stileid.u32;
	s3 =	rddreg [dreg:$0x2];
	s5 =	simm.s32 $0x0  }
0x4: {  	s13 =	simm.s32 $0x200;
	s2 =	sand.u32 $0x1, s2;
	s4 =	sshll.u32 s4, $0x1  }
0x5: {  	s12 =	simm.s32 $0x2;
	[smem:$0x7FF] =	sst s5;
	s4 =	sor.u32 s2, s4  }
0x6: {  	s7 =	sadd.s32 $0x200, s1;
	s8 =	sadd.s32 $0x400, s1;
	s14 =	sshll.u32 s4, $0xB  }
0x7: {  	s9 =	sadd.s32 $0x600, s1;
	s5 =	sshll.u32 s4, $0x11;
	s0 =	sadd.s32 s14, s0  }
0x8: {  	_ =	strace $0x80000047;
	s11 =	sor.u32 $0x40, s5;
	s0 =	sadd.s32 $0x400, s0  }
0x9: {  	s16 =	sor.u32 $0x800, s5;
	s17 =	sadd.s32 s1, s11;
	[dreg:$0x4] =	wrdreg s0  }
0xa: {  	s19 =	sor.u32 $0x840, s5;
	s18 =	sadd.s32 s1, s16;
	[dreg:$0x5] =	wrdreg s17  }
0xb: {  	s10 =	sadd.s32 s1, s5;
	s6 =	sadd.s32 s1, s19;
	[dreg:$0x6] =	wrdreg s18  }
0xc: {  	s2 =	ssub.s32 $0x2, s2;
	s20 =	sadd.s32 $0x1000, s10;
	[dreg:$0x7] =	wrdreg s6  }
0xd: {  	s15 =	sshrl.u32 s2, $0x1;
	s21 =	sadd.s32 s3, s11;
	[dreg:$0x8] =	wrdreg s20  }
0xe: {  	s2 =	ssub.s32 s2, s15;
	s22 =	sadd.s32 $0x1040, s10;
	[dreg:$0x9] =	wrdreg s21  }
0xf: {  	s15 =	sadd.s32 s3, s5;
	s23 =	sadd.s32 $0x1800, s10;
	[dreg:$0xa] =	wrdreg s22  }
0x10: {  	s25 =	sor.u32 $0x1F840, s5;
	s24 =	sadd.s32 s3, s19;
	[dreg:$0xc] =	wrdreg s23  }
0x11: {  	s14 =	simm.s32 $0x400;
	s26 =	sadd.s32 s1, s25;
	[dreg:$0xd] =	wrdreg s24  }
0x12: {  	s28 =	smax.u32 s2, $0x1;
	s29 =	sadd.s32 $0x1F000, s15;
	[dreg:$0xe] =	wrdreg s26  }
0x13: {  	s30 =	sadd.s32 $0x1F040, s15;
	s31 =	sadd.s32 $0x1F800, s15;
	[dreg:$0x10] =	wrdreg s28  }
0x14: {  	s19 =	simm.s32 $0x1A000;
	s2 =	simm.s32 $0x0;
	[dreg:$0x11] =	wrdreg s29  }
0x15: {  	s0 =	sadd.s32 s3, s16;
	s22 =	sadd.s32 $0x40, s3;
	[dreg:$0x12] =	wrdreg s30  }
0x16: {  	v0 =	vlaneseq.u32;
	s26 =	sadd.s32 $0x40, s1;
	[dreg:$0x13] =	wrdreg s31;
	s6 =	simm.s32 $0x1  }
0x17: {  	v1 =	vshrl.u32 v0, $0x2;
	s17 =	simm.s32 $0x16000;
	[dreg:$0xb] =	wrdreg s0;
	s0 =	sadd.s32 s3, s25  }
0x18: {  	vm0 =	vmmov $0xffff;
	v0 =	vand.u32 $0x3, v0;
	v1 =	vmul.u32 $0x8, v1;
	s18 =	simm.s32 $0x18000;
	s20 =	simm.s32 $0x3;
	[dreg:$0xf] =	wrdreg s0  }
.LBB2_1:
0x19: {  	[dreg:$0x14] =	wrdreg s2  }
0x1a: {  	s0 =	simm.s32 $0x0;
	s21 =	rddreg [dreg:$0x4];
	s23 =	simm.s32 $0x4  }
0x1b: {  	[tilespmem:s0], [sflag:$0x4] =	stream.linear.gather [hbm4b:s21+s0], $0x4000, $0x38;
	[tilespmem:$0x1C000] =	vst v63  }
0x1c: {  	_ =	swait.ge [sflag:s23], $0x4000  }
0x1d: {  	[sflag:s23] =	ssyncset.done $0x0  }
0x1e: {  	[sflag:s23] =	ssyncadd.s32 $0xFFFFC000  }
0x1f: {  	v2 =	vld.msk [tilespmem:$0x0], $0xf;
	_ =	sdelay $0x4  }
0x20: {  	v3 =	vshll.u32 v2, $0x4  }
0x21: {  	v2 =	vand.u32 $0x7, v2;
	v3 =	vand.u32 $0xFFFFFF80, v3  }
0x22: {  	v2 =	vor.u32 v2, v3  }
0x23: {  	v2 =	vperm.xlane v2, v0;
	_ =	sdelay $0x1  }
0x24: {  	v2 =	vadd.s32 v1, v2;
	_ =	sdelay $0x3  }
0x25: {  	s24 =	simm.s32 $0xC000  }
0x26: {  	[tilespmem:s24], [sflag:$0x1] =	stream.indirect_vreg.gather [hbm4b:s1+s0], $0x80, v2, vm0, $0xb8;
	[tilespmem:$0x1C000] =	vst v63  }
0x27: {  	s25 =	simm.s32 $0xC800  }
0x28: {  	[tilespmem:s25], [sflag:$0x1] =	stream.indirect_vreg.gather [hbm4b:s7+s0], $0x80, v2, vm0, $0xb8;
	[tilespmem:$0x1C000] =	vst v63  }
0x29: {  	s28 =	simm.s32 $0xD000  }
0x2a: {  	[tilespmem:s28], [sflag:$0x1] =	stream.indirect_vreg.gather [hbm4b:s8+s0], $0x80, v2, vm0, $0xb8;
	[tilespmem:$0x1C000] =	vst v63  }
0x2b: {  	s29 =	simm.s32 $0xD800  }
0x2c: {  	[tilespmem:s29], [sflag:$0x1] =	stream.indirect_vreg.gather [hbm4b:s9+s0], $0x80, v2, vm0, $0xb8;
	[tilespmem:$0x1C000] =	vst v63  }
0x2d: {  	s30 =	simm.s32 $0x4000  }
0x2e: {  	[tilespmem:s30], [sflag:$0x2] =	stream.strided.gather [hbm4b:s10+s13], $0x2000, s14, s13, $0x38;
	[tilespmem:$0x1C000] =	vst v63  }
0x2f: {  	v2 =	vld.msk [tilespmem:$0x80], $0xf;
	_ =	sdelay $0x4  }
0x30: {  	v3 =	vshll.u32 v2, $0x4  }
0x31: {  	v2 =	vand.u32 $0x7, v2;
	v3 =	vand.u32 $0xFFFFFF80, v3  }
0x32: {  	v2 =	vor.u32 v2, v3  }
0x33: {  	v2 =	vperm.xlane v2, v0;
	_ =	sdelay $0x1  }
0x34: {  	v2 =	vadd.s32 v1, v2;
	_ =	sdelay $0x3  }
0x35: {  	s31 =	simm.s32 $0xE000  }
0x36: {  	[tilespmem:s31], [sflag:$0x1] =	stream.indirect_vreg.gather [hbm4b:s1+s0], $0x80, v2, vm0, $0xb8;
	[tilespmem:$0x1C000] =	vst v63  }
0x37: {  	s4 =	simm.s32 $0xE800  }
0x38: {  	[tilespmem:s4], [sflag:$0x1] =	stream.indirect_vreg.gather [hbm4b:s7+s0], $0x80, v2, vm0, $0xb8;
	[tilespmem:$0x1C000] =	vst v63  }
0x39: {  	s16 =	simm.s32 $0xF000  }
0x3a: {  	[tilespmem:s16], [sflag:$0x1] =	stream.indirect_vreg.gather [hbm4b:s8+s0], $0x80, v2, vm0, $0xb8;
	[tilespmem:$0x1C000] =	vst v63  }
0x3b: {  	s21 =	simm.s32 $0xF800  }
0x3c: {  	[tilespmem:s21], [sflag:$0x1] =	stream.indirect_vreg.gather [hbm4b:s9+s0], $0x80, v2, vm0, $0xb8;
	[tilespmem:$0x1C000] =	vst v63  }
0x3d: {  	s23 =	rddreg [dreg:$0x5];
	s4 =	simm.s32 $0x6000  }
0x3e: {  	[tilespmem:s4], [sflag:$0x2] =	stream.strided.gather [hbm4b:s23+s13], $0x2000, s14, s13, $0x38;
	[tilespmem:$0x1C000] =	vst v63  }
0x3f: {  	v2 =	vld.msk [tilespmem:$0x100], $0xf;
	_ =	sdelay $0x4  }
0x40: {  	v3 =	vshll.u32 v2, $0x4  }
0x41: {  	v2 =	vand.u32 $0x7, v2;
	v3 =	vand.u32 $0xFFFFFF80, v3  }
0x42: {  	v2 =	vor.u32 v2, v3  }
0x43: {  	v2 =	vperm.xlane v2, v0;
	_ =	sdelay $0x1  }
0x44: {  	v2 =	vadd.s32 v1, v2;
	_ =	sdelay $0x3  }
0x45: {  	s24 =	simm.s32 $0x10000  }
0x46: {  	[tilespmem:s24], [sflag:$0x1] =	stream.indirect_vreg.gather [hbm4b:s1+s0], $0x80, v2, vm0, $0xb8;
	[tilespmem:$0x1C000] =	vst v63  }
0x47: {  	s25 =	simm.s32 $0x10800  }
0x48: {  	[tilespmem:s25], [sflag:$0x1] =	stream.indirect_vreg.gather [hbm4b:s7+s0], $0x80, v2, vm0, $0xb8;
	[tilespmem:$0x1C000] =	vst v63  }
0x49: {  	s28 =	simm.s32 $0x11000  }
0x4a: {  	[tilespmem:s28], [sflag:$0x1] =	stream.indirect_vreg.gather [hbm4b:s8+s0], $0x80, v2, vm0, $0xb8;
	[tilespmem:$0x1C000] =	vst v63  }
0x4b: {  	s29 =	simm.s32 $0x11800  }
0x4c: {  	[tilespmem:s29], [sflag:$0x1] =	stream.indirect_vreg.gather [hbm4b:s9+s0], $0x80, v2, vm0, $0xb8;
	[tilespmem:$0x1C000] =	vst v63  }
0x4d: {  	s30 =	rddreg [dreg:$0x6];
	s31 =	simm.s32 $0x8000  }
0x4e: {  	[tilespmem:s31], [sflag:$0x2] =	stream.strided.gather [hbm4b:s30+s13], $0x2000, s14, s13, $0x38;
	[tilespmem:$0x1C000] =	vst v63  }
0x4f: {  	v2 =	vld.msk [tilespmem:$0x180], $0xf;
	_ =	sdelay $0x4  }
0x50: {  	v3 =	vshll.u32 v2, $0x4  }
0x51: {  	v2 =	vand.u32 $0x7, v2;
	v3 =	vand.u32 $0xFFFFFF80, v3  }
0x52: {  	v2 =	vor.u32 v2, v3  }
0x53: {  	v2 =	vperm.xlane v2, v0;
	_ =	sdelay $0x1  }
0x54: {  	v2 =	vadd.s32 v1, v2;
	_ =	sdelay $0x3  }
0x55: {  	s16 =	simm.s32 $0x12000  }
0x56: {  	[tilespmem:s16], [sflag:$0x1] =	stream.indirect_vreg.gather [hbm4b:s1+s0], $0x80, v2, vm0, $0xb8;
	[tilespmem:$0x1C000] =	vst v63  }
0x57: {  	s21 =	simm.s32 $0x12800  }
0x58: {  	[tilespmem:s21], [sflag:$0x1] =	stream.indirect_vreg.gather [hbm4b:s7+s0], $0x80, v2, vm0, $0xb8;
	[tilespmem:$0x1C000] =	vst v63  }
0x59: {  	s23 =	simm.s32 $0x13000  }
0x5a: {  	[tilespmem:s23], [sflag:$0x1] =	stream.indirect_vreg.gather [hbm4b:s8+s0], $0x80, v2, vm0, $0xb8;
	[tilespmem:$0x1C000] =	vst v63  }
0x5b: {  	s24 =	simm.s32 $0x13800  }
0x5c: {  	[tilespmem:s24], [sflag:$0x1] =	stream.indirect_vreg.gather [hbm4b:s9+s0], $0x80, v2, vm0, $0xb8;
	[tilespmem:$0x1C000] =	vst v63  }
0x5d: {  	s25 =	rddreg [dreg:$0x7];
	s28 =	simm.s32 $0xA000  }
0x5e: {  	[tilespmem:s28], [sflag:$0x2] =	stream.strided.gather [hbm4b:s25+s13], $0x2000, s14, s13, $0x38;
	[tilespmem:$0x1C000] =	vst v63  }
0x5f: {  	_ =	swait.ge [sflag:s6], $0x2000  }
0x60: {  	[sflag:s6] =	ssyncset.done $0x0  }
0x61: {  	[sflag:s6] =	ssyncadd.s32 $0xFFFFE000  }
0x62: {  	_ =	swait.ge [sflag:s12], $0x2000  }
0x63: {  	s29 =	sand.u32 $0x70, s0;
	s21 =	sand.u32 $0x1E00, s0;
	[sflag:s12] =	ssyncset.done $0x0  }
0x64: {  	s23 =	sor.u32 s29, s21;
	[sflag:s12] =	ssyncadd.s32 $0xFFFFE000  }
0x65: {  	v4 =	vld [tilespmem:s23+$0xC100]  }
0x66: {  	v5 =	vld [tilespmem:s23+$0xC080]  }
0x67: {  	v3 =	vld [tilespmem:s23+$0x4100]  }
0x68: {  	v7 =	vld [tilespmem:s23+$0xC000]  }
0x69: {  	v8 =	vld [tilespmem:s23+$0x4000]  }
0x6a: {  	s30 =	simm.s32 $0x10;
	s31 =	simm.s32 $0x40;
	v9 =	vld [tilespmem:s23+$0x4180]  }
0x6b: {  	s4 =	sand.u32 $0x70, s30;
	s21 =	sand.u32 $0x1E00, s31;
	v10 =	vld [tilespmem:s23+$0xC180]  }
0x6c: {  	s21 =	sor.u32 s4, s21;
	v11 =	vld [tilespmem:s23+$0x4080]  }
0x6d: {  	v6 =	vld [tilespmem:s21+$0xC100]  }
0x6e: {  	v2 =	vld [tilespmem:s21+$0xC080];
	v7 =	vmul.f32 $1.878956560e-01, v7;
	v12 =	vmul.f32 $8.121043440e-01, v3  }
0x6f: {  	v3 =	vld [tilespmem:s21+$0x4100];
	v8 =	vmul.f32 $8.121043440e-01, v8;
	v13 =	vmul.f32 $1.878956560e-01, v4  }
0x70: {  	v4 =	vld [tilespmem:s21+$0xC000];
	v14 =	vmul.f32 $8.121043440e-01, v9;
	v10 =	vmul.f32 $1.878956560e-01, v10  }
0x71: {  	v9 =	vmul.f32 $1.878956560e-01, v5;
	v5 =	vld [tilespmem:s21+$0x4000];
	v7 =	vadd.f32 v7, v8  }
0x72: {  	s24 =	simm.s32 $0x80;
	s25 =	simm.s32 $0x20;
	v11 =	vmul.f32 $8.121043440e-01, v11;
	v12 =	vadd.f32 v13, v12;
	v8 =	vld [tilespmem:s21+$0x4180];
	v10 =	vadd.f32 v10, v14  }
.LBB2_2:
0x73: {  	s29 =	smov.u32 s25  }
0x74: {  	s4 =	sand.u32 $0x70, s25;
	s28 =	sand.u32 $0x1E00, s24;
	v13 =	vld [tilespmem:s21+$0xC180];
	v11 =	vadd.f32 v9, v11;
	[tilespmem:s23+$0x14100] =	vst v12;
	s29 =	sadd.s32 $0x10, s25  }
0x75: {  	p0 =	sne.s32 s25, $0x7F0;
	s4 =	sor.u32 s4, s28;
	v12 =	vld [tilespmem:s21+$0x4080];
	[tilespmem:s23+$0x14180] =	vst v10  }
0x76: {  	v9 =	vmul.f32 $1.878956560e-01, v2;
	v15 =	vmul.f32 $8.121043440e-01, v3;
	v14 =	vld [tilespmem:s4+$0xC100];
	[tilespmem:s23+$0x14080] =	vst v11  }
.Ltmp0:
0x77: {  	v10 =	vmul.f32 $1.878956560e-01, v4;
	v2 =	vld [tilespmem:s4+$0xC080];
	[tilespmem:s23+$0x14000] =	vst v7;
	(pc) =	sbr.rel @p0 .LBB2_2-.Ltmp0, $4  }
0x78: {  	v17 =	vmul.f32 $1.878956560e-01, v6;
	v7 =	vmul.f32 $8.121043440e-01, v5;
	s23 =	smov.u32 s21;
	s21 =	smov.u32 s4;
	v3 =	vld [tilespmem:s4+$0x4100]  }
0x79: {  	v16 =	vmul.f32 $8.121043440e-01, v8;
	v13 =	vmul.f32 $1.878956560e-01, v13;
	v4 =	vld [tilespmem:s21+$0xC000]  }
0x7a: {  	v7 =	vadd.f32 v10, v7;
	v5 =	vld [tilespmem:s21+$0x4000];
	v11 =	vmul.f32 $8.121043440e-01, v12;
	v12 =	vadd.f32 v17, v15  }
0x7b: {  	s24 =	sadd.s32 $0x40, s24;
	s25 =	smov.u32 s29;
	v10 =	vadd.f32 v13, v16;
	v8 =	vld [tilespmem:s21+$0x4180];
	v6 =	vmov v14  }
0x7c: {  	v13 =	vld [tilespmem:s21+$0xC180];
	[tilespmem:s23+$0x14100] =	vst v12  }
0x7d: {  	v12 =	vld [tilespmem:s21+$0x4080]  }
0x7e: {  	v6 =	vmul.f32 $1.878956560e-01, v6;
	v3 =	vmul.f32 $8.121043440e-01, v3  }
0x7f: {  	v9 =	vadd.f32 v9, v11  }
0x80: {  	[tilespmem:s23+$0x14180] =	vst v10;
	v4 =	vmul.f32 $1.878956560e-01, v4;
	v3 =	vadd.f32 v6, v3;
	v5 =	vmul.f32 $8.121043440e-01, v5  }
0x81: {  	[tilespmem:s23+$0x14080] =	vst v9;
	v8 =	vmul.f32 $8.121043440e-01, v8;
	v10 =	vmul.f32 $1.878956560e-01, v13  }
0x82: {  	v2 =	vmul.f32 $1.878956560e-01, v2;
	[tilespmem:s21+$0x14100] =	vst v3;
	v3 =	vadd.f32 v4, v5;
	v9 =	vmul.f32 $8.121043440e-01, v12  }
0x83: {  	[tilespmem:s23+$0x14000] =	vst v7;
	v6 =	vadd.f32 v10, v8  }
0x84: {  	[tilespmem:s21+$0x14000] =	vst v3;
	v2 =	vadd.f32 v2, v9  }
0x85: {  	[tilespmem:s21+$0x14180] =	vst v6  }
0x86: {  	s0 =	simm.s32 $0x14000;
	[tilespmem:s21+$0x14080] =	vst v2  }
0x87: {  	[hbm4b:s15+s13] =	stream.strided.scatter [tilespmem:s0], [sflag:$0x3], $0x2000, s14, s13, $0x38;
	[tilespmem:$0x1C000] =	vst v63  }
0x88: {  	v2 =	vld.msk [tilespmem:$0x200], $0xf;
	_ =	sdelay $0x4  }
0x89: {  	v3 =	vshll.u32 v2, $0x4  }
0x8a: {  	v2 =	vand.u32 $0x7, v2;
	v3 =	vand.u32 $0xFFFFFF80, v3  }
0x8b: {  	v2 =	vor.u32 v2, v3  }
0x8c: {  	v2 =	vperm.xlane v2, v0;
	_ =	sdelay $0x1  }
0x8d: {  	v2 =	vadd.s32 v1, v2;
	_ =	sdelay $0x3  }
0x8e: {  	s4 =	simm.s32 $0x0;
	s21 =	simm.s32 $0xC000  }
0x8f: {  	[tilespmem:s21], [sflag:$0x1] =	stream.indirect_vreg.gather [hbm4b:s1+s4], $0x80, v2, vm0, $0xb8;
	[tilespmem:$0x1C000] =	vst v63  }
0x90: {  	s23 =	simm.s32 $0xC800  }
0x91: {  	[tilespmem:s23], [sflag:$0x1] =	stream.indirect_vreg.gather [hbm4b:s7+s4], $0x80, v2, vm0, $0xb8;
	[tilespmem:$0x1C000] =	vst v63  }
0x92: {  	s24 =	simm.s32 $0xD000  }
0x93: {  	[tilespmem:s24], [sflag:$0x1] =	stream.indirect_vreg.gather [hbm4b:s8+s4], $0x80, v2, vm0, $0xb8;
	[tilespmem:$0x1C000] =	vst v63  }
0x94: {  	s25 =	simm.s32 $0xD800  }
0x95: {  	[tilespmem:s25], [sflag:$0x1] =	stream.indirect_vreg.gather [hbm4b:s9+s4], $0x80, v2, vm0, $0xb8;
	[tilespmem:$0x1C000] =	vst v63  }
0x96: {  	s28 =	rddreg [dreg:$0x8];
	s2 =	simm.s32 $0x4000  }
0x97: {  	[tilespmem:s2], [sflag:$0x2] =	stream.strided.gather [hbm4b:s28+s13], $0x2000, s14, s13, $0x38;
	[tilespmem:$0x1C000] =	vst v63  }
0x98: {  	_ =	swait.ge [sflag:s6], $0x2000  }
0x99: {  	[sflag:s6] =	ssyncset.done $0x0  }
0x9a: {  	[sflag:s6] =	ssyncadd.s32 $0xFFFFE000  }
0x9b: {  	_ =	swait.ge [sflag:s12], $0x2000  }
0x9c: {  	s29 =	sand.u32 $0x70, s4;
	s4 =	sand.u32 $0x1E00, s4;
	[sflag:s12] =	ssyncset.done $0x0  }
0x9d: {  	s23 =	sor.u32 s29, s4;
	[sflag:s12] =	ssyncadd.s32 $0xFFFFE000  }
0x9e: {  	v4 =	vld [tilespmem:s23+$0xE100]  }
0x9f: {  	v5 =	vld [tilespmem:s23+$0xE080]  }
0xa0: {  	v3 =	vld [tilespmem:s23+$0x6100]  }
0xa1: {  	v7 =	vld [tilespmem:s23+$0xE000]  }
0xa2: {  	v8 =	vld [tilespmem:s23+$0x6000]  }
0xa3: {  	s30 =	simm.s32 $0x10;
	s31 =	simm.s32 $0x40;
	v9 =	vld [tilespmem:s23+$0x6180]  }
0xa4: {  	s21 =	sand.u32 $0x1E00, s31;
	s4 =	sand.u32 $0x70, s30;
	v10 =	vld [tilespmem:s23+$0xE180]  }
0xa5: {  	s21 =	sor.u32 s4, s21;
	v11 =	vld [tilespmem:s23+$0x6080]  }
0xa6: {  	v6 =	vld [tilespmem:s21+$0xE100]  }
0xa7: {  	v2 =	vld [tilespmem:s21+$0xE080];
	v7 =	vmul.f32 $1.878956560e-01, v7;
	v12 =	vmul.f32 $8.121043440e-01, v3  }
0xa8: {  	v3 =	vld [tilespmem:s21+$0x6100];
	v8 =	vmul.f32 $8.121043440e-01, v8;
	v13 =	vmul.f32 $1.878956560e-01, v4  }
0xa9: {  	v4 =	vld [tilespmem:s21+$0xE000];
	v14 =	vmul.f32 $8.121043440e-01, v9;
	v10 =	vmul.f32 $1.878956560e-01, v10  }
0xaa: {  	v9 =	vmul.f32 $1.878956560e-01, v5;
	v5 =	vld [tilespmem:s21+$0x6000];
	v7 =	vadd.f32 v7, v8  }
0xab: {  	s24 =	simm.s32 $0x80;
	s25 =	simm.s32 $0x20;
	v11 =	vmul.f32 $8.121043440e-01, v11;
	v12 =	vadd.f32 v13, v12;
	v8 =	vld [tilespmem:s21+$0x6180];
	v10 =	vadd.f32 v10, v14  }
.LBB2_4:
0xac: {  	s29 =	smov.u32 s25  }
0xad: {  	s4 =	sand.u32 $0x70, s25;
	s28 =	sand.u32 $0x1E00, s24;
	v13 =	vld [tilespmem:s21+$0xE180];
	v11 =	vadd.f32 v9, v11;
	[tilespmem:s23+$0x16100] =	vst v12;
	s29 =	sadd.s32 $0x10, s25  }
0xae: {  	p0 =	sne.s32 s25, $0x7F0;
	s4 =	sor.u32 s4, s28;
	v12 =	vld [tilespmem:s21+$0x6080];
	[tilespmem:s23+$0x16180] =	vst v10  }
0xaf: {  	v9 =	vmul.f32 $1.878956560e-01, v2;
	v15 =	vmul.f32 $8.121043440e-01, v3;
	v14 =	vld [tilespmem:s4+$0xE100];
	[tilespmem:s23+$0x16080] =	vst v11  }
.Ltmp1:
0xb0: {  	v10 =	vmul.f32 $1.878956560e-01, v4;
	v2 =	vld [tilespmem:s4+$0xE080];
	[tilespmem:s23+$0x16000] =	vst v7;
	(pc) =	sbr.rel @p0 .LBB2_4-.Ltmp1, $4  }
0xb1: {  	v17 =	vmul.f32 $1.878956560e-01, v6;
	v7 =	vmul.f32 $8.121043440e-01, v5;
	s23 =	smov.u32 s21;
	s21 =	smov.u32 s4;
	v3 =	vld [tilespmem:s4+$0x6100]  }
0xb2: {  	v16 =	vmul.f32 $8.121043440e-01, v8;
	v13 =	vmul.f32 $1.878956560e-01, v13;
	v4 =	vld [tilespmem:s21+$0xE000]  }
0xb3: {  	v7 =	vadd.f32 v10, v7;
	v5 =	vld [tilespmem:s21+$0x6000];
	v11 =	vmul.f32 $8.121043440e-01, v12;
	v12 =	vadd.f32 v17, v15  }
0xb4: {  	s24 =	sadd.s32 $0x40, s24;
	s25 =	smov.u32 s29;
	v10 =	vadd.f32 v13, v16;
	v8 =	vld [tilespmem:s21+$0x6180];
	v6 =	vmov v14  }
0xb5: {  	v13 =	vld [tilespmem:s21+$0xE180];
	[tilespmem:s23+$0x16100] =	vst v12  }
0xb6: {  	v12 =	vld [tilespmem:s21+$0x6080]  }
0xb7: {  	v6 =	vmul.f32 $1.878956560e-01, v6;
	v3 =	vmul.f32 $8.121043440e-01, v3  }
0xb8: {  	v9 =	vadd.f32 v9, v11  }
0xb9: {  	[tilespmem:s23+$0x16180] =	vst v10;
	v4 =	vmul.f32 $1.878956560e-01, v4;
	v3 =	vadd.f32 v6, v3;
	v5 =	vmul.f32 $8.121043440e-01, v5  }
0xba: {  	[tilespmem:s23+$0x16080] =	vst v9;
	v8 =	vmul.f32 $8.121043440e-01, v8;
	v10 =	vmul.f32 $1.878956560e-01, v13  }
0xbb: {  	v2 =	vmul.f32 $1.878956560e-01, v2;
	[tilespmem:s21+$0x16100] =	vst v3;
	v3 =	vadd.f32 v4, v5;
	v9 =	vmul.f32 $8.121043440e-01, v12  }
0xbc: {  	[tilespmem:s23+$0x16000] =	vst v7;
	v6 =	vadd.f32 v10, v8  }
0xbd: {  	[tilespmem:s21+$0x16000] =	vst v3;
	v2 =	vadd.f32 v2, v9  }
0xbe: {  	[tilespmem:s21+$0x16180] =	vst v6  }
0xbf: {  	s0 =	rddreg [dreg:$0x9];
	[tilespmem:s21+$0x16080] =	vst v2  }
0xc0: {  	[hbm4b:s0+s13] =	stream.strided.scatter [tilespmem:s17], [sflag:$0x3], $0x2000, s14, s13, $0x38;
	[tilespmem:$0x1C000] =	vst v63  }
0xc1: {  	v2 =	vld.msk [tilespmem:$0x280], $0xf;
	_ =	sdelay $0x4  }
0xc2: {  	v3 =	vshll.u32 v2, $0x4  }
0xc3: {  	v2 =	vand.u32 $0x7, v2;
	v3 =	vand.u32 $0xFFFFFF80, v3  }
0xc4: {  	v2 =	vor.u32 v2, v3  }
0xc5: {  	v2 =	vperm.xlane v2, v0;
	_ =	sdelay $0x1  }
0xc6: {  	v2 =	vadd.s32 v1, v2;
	_ =	sdelay $0x3  }
0xc7: {  	s4 =	simm.s32 $0x0;
	s21 =	simm.s32 $0xE000  }
0xc8: {  	[tilespmem:s21], [sflag:$0x1] =	stream.indirect_vreg.gather [hbm4b:s1+s4], $0x80, v2, vm0, $0xb8;
	[tilespmem:$0x1C000] =	vst v63  }
0xc9: {  	s23 =	simm.s32 $0xE800  }
0xca: {  	[tilespmem:s23], [sflag:$0x1] =	stream.indirect_vreg.gather [hbm4b:s7+s4], $0x80, v2, vm0, $0xb8;
	[tilespmem:$0x1C000] =	vst v63  }
0xcb: {  	s24 =	simm.s32 $0xF000  }
0xcc: {  	[tilespmem:s24], [sflag:$0x1] =	stream.indirect_vreg.gather [hbm4b:s8+s4], $0x80, v2, vm0, $0xb8;
	[tilespmem:$0x1C000] =	vst v63  }
0xcd: {  	s25 =	simm.s32 $0xF800  }
0xce: {  	[tilespmem:s25], [sflag:$0x1] =	stream.indirect_vreg.gather [hbm4b:s9+s4], $0x80, v2, vm0, $0xb8;
	[tilespmem:$0x1C000] =	vst v63  }
0xcf: {  	s28 =	rddreg [dreg:$0xa];
	s2 =	simm.s32 $0x6000  }
0xd0: {  	[tilespmem:s2], [sflag:$0x2] =	stream.strided.gather [hbm4b:s28+s13], $0x2000, s14, s13, $0x38;
	[tilespmem:$0x1C000] =	vst v63  }
0xd1: {  	_ =	swait.ge [sflag:s6], $0x2000  }
0xd2: {  	[sflag:s6] =	ssyncset.done $0x0  }
0xd3: {  	[sflag:s6] =	ssyncadd.s32 $0xFFFFE000  }
0xd4: {  	_ =	swait.ge [sflag:s12], $0x2000  }
0xd5: {  	s29 =	sand.u32 $0x70, s4;
	s4 =	sand.u32 $0x1E00, s4;
	[sflag:s12] =	ssyncset.done $0x0  }
0xd6: {  	s23 =	sor.u32 s29, s4;
	[sflag:s12] =	ssyncadd.s32 $0xFFFFE000  }
0xd7: {  	v4 =	vld [tilespmem:s23+$0x10100]  }
0xd8: {  	v5 =	vld [tilespmem:s23+$0x10080]  }
0xd9: {  	v3 =	vld [tilespmem:s23+$0x8100]  }
0xda: {  	v7 =	vld [tilespmem:s23+$0x10000]  }
0xdb: {  	v8 =	vld [tilespmem:s23+$0x8000]  }
0xdc: {  	s30 =	simm.s32 $0x10;
	s31 =	simm.s32 $0x40;
	v9 =	vld [tilespmem:s23+$0x8180]  }
0xdd: {  	s21 =	sand.u32 $0x1E00, s31;
	s4 =	sand.u32 $0x70, s30;
	v10 =	vld [tilespmem:s23+$0x10180]  }
0xde: {  	s21 =	sor.u32 s4, s21;
	v11 =	vld [tilespmem:s23+$0x8080]  }
0xdf: {  	v6 =	vld [tilespmem:s21+$0x10100]  }
0xe0: {  	v2 =	vld [tilespmem:s21+$0x10080];
	v7 =	vmul.f32 $1.878956560e-01, v7;
	v12 =	vmul.f32 $8.121043440e-01, v3  }
0xe1: {  	v3 =	vld [tilespmem:s21+$0x8100];
	v8 =	vmul.f32 $8.121043440e-01, v8;
	v13 =	vmul.f32 $1.878956560e-01, v4  }
0xe2: {  	v4 =	vld [tilespmem:s21+$0x10000];
	v14 =	vmul.f32 $8.121043440e-01, v9;
	v10 =	vmul.f32 $1.878956560e-01, v10  }
0xe3: {  	v9 =	vmul.f32 $1.878956560e-01, v5;
	v5 =	vld [tilespmem:s21+$0x8000];
	v7 =	vadd.f32 v7, v8  }
0xe4: {  	s24 =	simm.s32 $0x80;
	s25 =	simm.s32 $0x20;
	v11 =	vmul.f32 $8.121043440e-01, v11;
	v12 =	vadd.f32 v13, v12;
	v8 =	vld [tilespmem:s21+$0x8180];
	v10 =	vadd.f32 v10, v14  }
.LBB2_6:
0xe5: {  	s29 =	smov.u32 s25  }
0xe6: {  	s4 =	sand.u32 $0x70, s25;
	s28 =	sand.u32 $0x1E00, s24;
	v13 =	vld [tilespmem:s21+$0x10180];
	v11 =	vadd.f32 v9, v11;
	[tilespmem:s23+$0x18100] =	vst v12;
	s29 =	sadd.s32 $0x10, s25  }
0xe7: {  	p0 =	sne.s32 s25, $0x7F0;
	s4 =	sor.u32 s4, s28;
	v12 =	vld [tilespmem:s21+$0x8080];
	[tilespmem:s23+$0x18180] =	vst v10  }
0xe8: {  	v9 =	vmul.f32 $1.878956560e-01, v2;
	v15 =	vmul.f32 $8.121043440e-01, v3;
	v14 =	vld [tilespmem:s4+$0x10100];
	[tilespmem:s23+$0x18080] =	vst v11  }
.Ltmp2:
0xe9: {  	v10 =	vmul.f32 $1.878956560e-01, v4;
	v2 =	vld [tilespmem:s4+$0x10080];
	[tilespmem:s23+$0x18000] =	vst v7;
	(pc) =	sbr.rel @p0 .LBB2_6-.Ltmp2, $4  }
0xea: {  	v17 =	vmul.f32 $1.878956560e-01, v6;
	v7 =	vmul.f32 $8.121043440e-01, v5;
	s23 =	smov.u32 s21;
	s21 =	smov.u32 s4;
	v3 =	vld [tilespmem:s4+$0x8100]  }
0xeb: {  	v16 =	vmul.f32 $8.121043440e-01, v8;
	v13 =	vmul.f32 $1.878956560e-01, v13;
	v4 =	vld [tilespmem:s21+$0x10000]  }
0xec: {  	v7 =	vadd.f32 v10, v7;
	v5 =	vld [tilespmem:s21+$0x8000];
	v11 =	vmul.f32 $8.121043440e-01, v12;
	v12 =	vadd.f32 v17, v15  }
0xed: {  	s24 =	sadd.s32 $0x40, s24;
	s25 =	smov.u32 s29;
	v10 =	vadd.f32 v13, v16;
	v8 =	vld [tilespmem:s21+$0x8180];
	v6 =	vmov v14  }
0xee: {  	v13 =	vld [tilespmem:s21+$0x10180];
	[tilespmem:s23+$0x18100] =	vst v12  }
0xef: {  	v12 =	vld [tilespmem:s21+$0x8080]  }
0xf0: {  	v6 =	vmul.f32 $1.878956560e-01, v6;
	v3 =	vmul.f32 $8.121043440e-01, v3  }
0xf1: {  	v9 =	vadd.f32 v9, v11  }
0xf2: {  	[tilespmem:s23+$0x18180] =	vst v10;
	v4 =	vmul.f32 $1.878956560e-01, v4;
	v3 =	vadd.f32 v6, v3;
	v5 =	vmul.f32 $8.121043440e-01, v5  }
0xf3: {  	[tilespmem:s23+$0x18080] =	vst v9;
	v8 =	vmul.f32 $8.121043440e-01, v8;
	v10 =	vmul.f32 $1.878956560e-01, v13  }
0xf4: {  	v2 =	vmul.f32 $1.878956560e-01, v2;
	[tilespmem:s21+$0x18100] =	vst v3;
	v3 =	vadd.f32 v4, v5;
	v9 =	vmul.f32 $8.121043440e-01, v12  }
0xf5: {  	[tilespmem:s23+$0x18000] =	vst v7;
	v6 =	vadd.f32 v10, v8  }
0xf6: {  	[tilespmem:s21+$0x18000] =	vst v3;
	v2 =	vadd.f32 v2, v9  }
0xf7: {  	[tilespmem:s21+$0x18180] =	vst v6  }
0xf8: {  	s0 =	rddreg [dreg:$0xb];
	[tilespmem:s21+$0x18080] =	vst v2  }
0xf9: {  	[hbm4b:s0+s13] =	stream.strided.scatter [tilespmem:s18], [sflag:$0x3], $0x2000, s14, s13, $0x38;
	[tilespmem:$0x1C000] =	vst v63  }
0xfa: {  	v2 =	vld.msk [tilespmem:$0x300], $0xf;
	_ =	sdelay $0x4  }
0xfb: {  	v3 =	vshll.u32 v2, $0x4  }
0xfc: {  	v2 =	vand.u32 $0x7, v2;
	v3 =	vand.u32 $0xFFFFFF80, v3  }
0xfd: {  	v2 =	vor.u32 v2, v3  }
0xfe: {  	v2 =	vperm.xlane v2, v0;
	_ =	sdelay $0x1  }
0xff: {  	v2 =	vadd.s32 v1, v2;
	_ =	sdelay $0x3  }
0x100: {  	s4 =	simm.s32 $0x0;
	s21 =	simm.s32 $0x10000  }
0x101: {  	[tilespmem:s21], [sflag:$0x1] =	stream.indirect_vreg.gather [hbm4b:s1+s4], $0x80, v2, vm0, $0xb8;
	[tilespmem:$0x1C000] =	vst v63  }
0x102: {  	s23 =	simm.s32 $0x10800  }
0x103: {  	[tilespmem:s23], [sflag:$0x1] =	stream.indirect_vreg.gather [hbm4b:s7+s4], $0x80, v2, vm0, $0xb8;
	[tilespmem:$0x1C000] =	vst v63  }
0x104: {  	s24 =	simm.s32 $0x11000  }
0x105: {  	[tilespmem:s24], [sflag:$0x1] =	stream.indirect_vreg.gather [hbm4b:s8+s4], $0x80, v2, vm0, $0xb8;
	[tilespmem:$0x1C000] =	vst v63  }
0x106: {  	s25 =	simm.s32 $0x11800  }
0x107: {  	[tilespmem:s25], [sflag:$0x1] =	stream.indirect_vreg.gather [hbm4b:s9+s4], $0x80, v2, vm0, $0xb8;
	[tilespmem:$0x1C000] =	vst v63  }
0x108: {  	s28 =	rddreg [dreg:$0xc];
	s2 =	simm.s32 $0x8000  }
0x109: {  	[tilespmem:s2], [sflag:$0x2] =	stream.strided.gather [hbm4b:s28+s13], $0x2000, s14, s13, $0x38;
	[tilespmem:$0x1C000] =	vst v63  }
0x10a: {  	_ =	swait.ge [sflag:s6], $0x2000  }
0x10b: {  	[sflag:s6] =	ssyncset.done $0x0  }
0x10c: {  	[sflag:s6] =	ssyncadd.s32 $0xFFFFE000  }
0x10d: {  	_ =	swait.ge [sflag:s12], $0x2000  }
0x10e: {  	s29 =	sand.u32 $0x70, s4;
	s4 =	sand.u32 $0x1E00, s4;
	[sflag:s12] =	ssyncset.done $0x0  }
0x10f: {  	s23 =	sor.u32 s29, s4;
	[sflag:s12] =	ssyncadd.s32 $0xFFFFE000  }
0x110: {  	v4 =	vld [tilespmem:s23+$0x12100]  }
0x111: {  	v5 =	vld [tilespmem:s23+$0x12080]  }
0x112: {  	v3 =	vld [tilespmem:s23+$0xA100]  }
0x113: {  	v7 =	vld [tilespmem:s23+$0x12000]  }
0x114: {  	v8 =	vld [tilespmem:s23+$0xA000]  }
0x115: {  	s30 =	simm.s32 $0x10;
	s31 =	simm.s32 $0x40;
	v9 =	vld [tilespmem:s23+$0xA180]  }
0x116: {  	s21 =	sand.u32 $0x1E00, s31;
	s4 =	sand.u32 $0x70, s30;
	v10 =	vld [tilespmem:s23+$0x12180]  }
0x117: {  	s21 =	sor.u32 s4, s21;
	v11 =	vld [tilespmem:s23+$0xA080]  }
0x118: {  	v6 =	vld [tilespmem:s21+$0x12100]  }
0x119: {  	v2 =	vld [tilespmem:s21+$0x12080];
	v7 =	vmul.f32 $1.878956560e-01, v7;
	v12 =	vmul.f32 $8.121043440e-01, v3  }
0x11a: {  	v3 =	vld [tilespmem:s21+$0xA100];
	v8 =	vmul.f32 $8.121043440e-01, v8;
	v13 =	vmul.f32 $1.878956560e-01, v4  }
0x11b: {  	v4 =	vld [tilespmem:s21+$0x12000];
	v14 =	vmul.f32 $8.121043440e-01, v9;
	v10 =	vmul.f32 $1.878956560e-01, v10  }
0x11c: {  	v9 =	vmul.f32 $1.878956560e-01, v5;
	v5 =	vld [tilespmem:s21+$0xA000];
	v7 =	vadd.f32 v7, v8  }
0x11d: {  	s24 =	simm.s32 $0x80;
	s25 =	simm.s32 $0x20;
	v11 =	vmul.f32 $8.121043440e-01, v11;
	v12 =	vadd.f32 v13, v12;
	v8 =	vld [tilespmem:s21+$0xA180];
	v10 =	vadd.f32 v10, v14  }
.LBB2_8:
0x11e: {  	s29 =	smov.u32 s25  }
0x11f: {  	s4 =	sand.u32 $0x70, s25;
	s28 =	sand.u32 $0x1E00, s24;
	v13 =	vld [tilespmem:s21+$0x12180];
	v11 =	vadd.f32 v9, v11;
	[tilespmem:s23+$0x1A100] =	vst v12;
	s29 =	sadd.s32 $0x10, s25  }
0x120: {  	p0 =	sne.s32 s25, $0x7F0;
	s4 =	sor.u32 s4, s28;
	v12 =	vld [tilespmem:s21+$0xA080];
	[tilespmem:s23+$0x1A180] =	vst v10  }
0x121: {  	v9 =	vmul.f32 $1.878956560e-01, v2;
	v15 =	vmul.f32 $8.121043440e-01, v3;
	v14 =	vld [tilespmem:s4+$0x12100];
	[tilespmem:s23+$0x1A080] =	vst v11  }
.Ltmp3:
0x122: {  	v10 =	vmul.f32 $1.878956560e-01, v4;
	v2 =	vld [tilespmem:s4+$0x12080];
	[tilespmem:s23+$0x1A000] =	vst v7;
	(pc) =	sbr.rel @p0 .LBB2_8-.Ltmp3, $4  }
0x123: {  	v17 =	vmul.f32 $1.878956560e-01, v6;
	v7 =	vmul.f32 $8.121043440e-01, v5;
	s23 =	smov.u32 s21;
	s21 =	smov.u32 s4;
	v3 =	vld [tilespmem:s4+$0xA100]  }
0x124: {  	v16 =	vmul.f32 $8.121043440e-01, v8;
	v13 =	vmul.f32 $1.878956560e-01, v13;
	v4 =	vld [tilespmem:s21+$0x12000]  }
0x125: {  	v7 =	vadd.f32 v10, v7;
	v5 =	vld [tilespmem:s21+$0xA000];
	v11 =	vmul.f32 $8.121043440e-01, v12;
	v12 =	vadd.f32 v17, v15  }
0x126: {  	s24 =	sadd.s32 $0x40, s24;
	s25 =	smov.u32 s29;
	v10 =	vadd.f32 v13, v16;
	v8 =	vld [tilespmem:s21+$0xA180];
	v6 =	vmov v14  }
0x127: {  	v13 =	vld [tilespmem:s21+$0x12180];
	[tilespmem:s23+$0x1A100] =	vst v12  }
0x128: {  	v12 =	vld [tilespmem:s21+$0xA080]  }
0x129: {  	v6 =	vmul.f32 $1.878956560e-01, v6;
	v3 =	vmul.f32 $8.121043440e-01, v3;
	_ =	sdelay $0x1  }
0x12a: {  	[tilespmem:s23+$0x1A180] =	vst v10;
	v4 =	vmul.f32 $1.878956560e-01, v4;
	v3 =	vadd.f32 v6, v3;
	v5 =	vmul.f32 $8.121043440e-01, v5  }
0x12b: {  	v9 =	vadd.f32 v9, v11;
	[tilespmem:s23+$0x1A000] =	vst v7;
	v8 =	vmul.f32 $8.121043440e-01, v8;
	v61 =	vmul.f32 $1.878956560e-01, v13  }
0x12c: {  	v2 =	vmul.f32 $1.878956560e-01, v2;
	[tilespmem:s21+$0x1A100] =	vst v3;
	v3 =	vadd.f32 v4, v5;
	v62 =	vmul.f32 $8.121043440e-01, v12  }
0x12d: {  	[tilespmem:s23+$0x1A080] =	vst v9;
	v63 =	vadd.f32 v61, v8  }
0x12e: {  	[tilespmem:s21+$0x1A000] =	vst v3;
	v2 =	vadd.f32 v2, v62  }
0x12f: {  	[tilespmem:s21+$0x1A180] =	vst v63  }
0x130: {  	s0 =	rddreg [dreg:$0xd];
	[tilespmem:s21+$0x1A080] =	vst v2;
	s21 =	simm.s32 $0x1  }
0x131: {  	[hbm4b:s0+s13] =	stream.strided.scatter [tilespmem:s19], [sflag:$0x3], $0x2000, s14, s13, $0x38;
	[tilespmem:$0x1C000] =	vst v63  }
.LBB2_10:
0x132: {  	s4 =	sshllo.u32 s21, $0x2  }
0x133: {  	s23 =	sshll.u32 s4, $0x7  }
0x134: {  	s23 =	sand.u32 $0x3FFFFF80, s23  }
0x135: {  	v2 =	vld.msk [tilespmem:s23+$0x0], $0xf;
	_ =	sdelay $0x4  }
0x136: {  	v3 =	vshll.u32 v2, $0x4  }
0x137: {  	v2 =	vand.u32 $0x7, v2;
	v3 =	vand.u32 $0xFFFFFF80, v3  }
0x138: {  	v2 =	vor.u32 v2, v3  }
0x139: {  	v2 =	vperm.xlane v2, v0;
	_ =	sdelay $0x1  }
0x13a: {  	v2 =	vadd.s32 v1, v2;
	_ =	sdelay $0x3  }
0x13b: {  	s24 =	simm.s32 $0x0;
	s0 =	simm.s32 $0x12000  }
0x13c: {  	[tilespmem:s0], [sflag:$0x1] =	stream.indirect_vreg.gather [hbm4b:s1+s24], $0x80, v2, vm0, $0xb8;
	[tilespmem:$0x1C000] =	vst v63  }
0x13d: {  	s4 =	sshll.u32 s4, $0xA;
	s23 =	simm.s32 $0x12800  }
0x13e: {  	[tilespmem:s23], [sflag:$0x1] =	stream.indirect_vreg.gather [hbm4b:s7+s24], $0x80, v2, vm0, $0xb8;
	[tilespmem:$0x1C000] =	vst v63  }
0x13f: {  	s25 =	simm.s32 $0x13000;
	s4 =	sand.u32 $0x1F800, s4  }
0x140: {  	[tilespmem:s25], [sflag:$0x1] =	stream.indirect_vreg.gather [hbm4b:s8+s24], $0x80, v2, vm0, $0xb8;
	[tilespmem:$0x1C000] =	vst v63  }
0x141: {  	s31 =	simm.s32 $0x13800;
	s23 =	sor.u32 s11, s4  }
0x142: {  	[tilespmem:s31], [sflag:$0x1] =	stream.indirect_vreg.gather [hbm4b:s9+s24], $0x80, v2, vm0, $0xb8;
	[tilespmem:$0x1C000] =	vst v63  }
0x143: {  	s2 =	simm.s32 $0xA000;
	s4 =	sadd.s32 s1, s23  }
0x144: {  	[tilespmem:s2], [sflag:$0x2] =	stream.strided.gather [hbm4b:s4+s13], $0x2000, s14, s13, $0x38;
	[tilespmem:$0x1C000] =	vst v63  }
0x145: {  	_ =	swait.ge [sflag:s6], $0x2000  }
0x146: {  	[sflag:s6] =	ssyncset.done $0x0  }
0x147: {  	[sflag:s6] =	ssyncadd.s32 $0xFFFFE000  }
0x148: {  	_ =	swait.ge [sflag:s12], $0x2000  }
0x149: {  	[sflag:s12] =	ssyncset.done $0x0  }
0x14a: {  	[sflag:s12] =	ssyncadd.s32 $0xFFFFE000  }
0x14b: {  	_ =	swait.ge [sflag:s20], $0x2000  }
0x14c: {  	s16 =	sand.u32 $0x70, s24;
	s24 =	sand.u32 $0x1E00, s24;
	[sflag:s20] =	ssyncset.done $0x0  }
0x14d: {  	s25 =	sor.u32 s16, s24;
	[sflag:s20] =	ssyncadd.s32 $0xFFFFE000  }
0x14e: {  	v4 =	vld [tilespmem:s25+$0xC100]  }
0x14f: {  	v5 =	vld [tilespmem:s25+$0xC080]  }
0x150: {  	v3 =	vld [tilespmem:s25+$0x4100]  }
0x151: {  	v7 =	vld [tilespmem:s25+$0xC000]  }
0x152: {  	v8 =	vld [tilespmem:s25+$0x4000]  }
0x153: {  	s31 =	simm.s32 $0x40;
	s24 =	simm.s32 $0x10;
	v9 =	vld [tilespmem:s25+$0x4180]  }
0x154: {  	s4 =	sand.u32 $0x70, s24;
	s24 =	sand.u32 $0x1E00, s31;
	v10 =	vld [tilespmem:s25+$0xC180]  }
0x155: {  	s29 =	sor.u32 s4, s24;
	v11 =	vld [tilespmem:s25+$0x4080]  }
0x156: {  	v6 =	vld [tilespmem:s29+$0xC100]  }
0x157: {  	v2 =	vld [tilespmem:s29+$0xC080];
	v7 =	vmul.f32 $1.878956560e-01, v7;
	v12 =	vmul.f32 $8.121043440e-01, v3  }
0x158: {  	v3 =	vld [tilespmem:s29+$0x4100];
	v13 =	vmul.f32 $8.121043440e-01, v8;
	v14 =	vmul.f32 $1.878956560e-01, v4  }
0x159: {  	v4 =	vld [tilespmem:s29+$0xC000];
	v15 =	vmul.f32 $8.121043440e-01, v9;
	v10 =	vmul.f32 $1.878956560e-01, v10  }
0x15a: {  	v8 =	vmul.f32 $1.878956560e-01, v5;
	v5 =	vld [tilespmem:s29+$0x4000];
	v7 =	vadd.f32 v7, v13  }
0x15b: {  	s30 =	simm.s32 $0x20;
	s28 =	simm.s32 $0x80;
	s24 =	sshll.u32 s21, $0x2;
	v11 =	vmul.f32 $8.121043440e-01, v11;
	v9 =	vld [tilespmem:s29+$0x4180];
	v12 =	vadd.f32 v14, v12;
	v10 =	vadd.f32 v10, v15  }
.LBB2_11:
0x15c: {  	s2 =	smov.u32 s30  }
0x15d: {  	s4 =	sand.u32 $0x70, s30;
	s31 =	sand.u32 $0x1E00, s28;
	v13 =	vld [tilespmem:s29+$0xC180];
	v11 =	vadd.f32 v8, v11;
	[tilespmem:s25+$0x14100] =	vst v12;
	s2 =	sadd.s32 $0x10, s30  }
0x15e: {  	p0 =	sne.s32 s30, $0x7F0;
	s4 =	sor.u32 s4, s31;
	v12 =	vld [tilespmem:s29+$0x4080];
	[tilespmem:s25+$0x14180] =	vst v10  }
0x15f: {  	v8 =	vmul.f32 $1.878956560e-01, v2;
	v15 =	vmul.f32 $8.121043440e-01, v3;
	v14 =	vld [tilespmem:s4+$0xC100];
	[tilespmem:s25+$0x14080] =	vst v11  }
.Ltmp4:
0x160: {  	v10 =	vmul.f32 $1.878956560e-01, v4;
	v2 =	vld [tilespmem:s4+$0xC080];
	[tilespmem:s25+$0x14000] =	vst v7;
	(pc) =	sbr.rel @p0 .LBB2_11-.Ltmp4, $4  }
0x161: {  	v17 =	vmul.f32 $1.878956560e-01, v6;
	v7 =	vmul.f32 $8.121043440e-01, v5;
	s25 =	smov.u32 s29;
	s29 =	smov.u32 s4;
	v3 =	vld [tilespmem:s4+$0x4100]  }
0x162: {  	v16 =	vmul.f32 $8.121043440e-01, v9;
	v13 =	vmul.f32 $1.878956560e-01, v13;
	v4 =	vld [tilespmem:s29+$0xC000]  }
0x163: {  	v7 =	vadd.f32 v10, v7;
	v5 =	vld [tilespmem:s29+$0x4000];
	v11 =	vmul.f32 $8.121043440e-01, v12;
	v12 =	vadd.f32 v17, v15  }
0x164: {  	s28 =	sadd.s32 $0x40, s28;
	s30 =	smov.u32 s2;
	v10 =	vadd.f32 v13, v16;
	v9 =	vld [tilespmem:s29+$0x4180];
	v6 =	vmov v14  }
0x165: {  	v13 =	vld [tilespmem:s29+$0xC180];
	[tilespmem:s25+$0x14100] =	vst v12  }
0x166: {  	v12 =	vld [tilespmem:s29+$0x4080]  }
0x167: {  	v6 =	vmul.f32 $1.878956560e-01, v6;
	v3 =	vmul.f32 $8.121043440e-01, v3  }
0x168: {  	v8 =	vadd.f32 v8, v11  }
0x169: {  	[tilespmem:s25+$0x14180] =	vst v10;
	v4 =	vmul.f32 $1.878956560e-01, v4;
	v3 =	vadd.f32 v6, v3;
	v5 =	vmul.f32 $8.121043440e-01, v5  }
0x16a: {  	[tilespmem:s25+$0x14080] =	vst v8;
	v9 =	vmul.f32 $8.121043440e-01, v9;
	v10 =	vmul.f32 $1.878956560e-01, v13  }
0x16b: {  	v2 =	vmul.f32 $1.878956560e-01, v2;
	[tilespmem:s29+$0x14100] =	vst v3;
	v3 =	vadd.f32 v4, v5;
	v8 =	vmul.f32 $8.121043440e-01, v12  }
0x16c: {  	[tilespmem:s25+$0x14000] =	vst v7;
	v6 =	vadd.f32 v10, v9  }
0x16d: {  	s25 =	sshll.u32 s21, $0xC;
	[tilespmem:s29+$0x14000] =	vst v3;
	v2 =	vadd.f32 v2, v8  }
0x16e: {  	s28 =	sor.u32 s5, s25;
	[tilespmem:s29+$0x14180] =	vst v6  }
0x16f: {  	s0 =	simm.s32 $0x14000;
	s2 =	sadd.s32 s3, s28;
	[tilespmem:s29+$0x14080] =	vst v2  }
0x170: {  	[hbm4b:s2+s13] =	stream.strided.scatter [tilespmem:s0], [sflag:$0x3], $0x2000, s14, s13, $0x38;
	[tilespmem:$0x1C000] =	vst v63  }
0x171: {  	s2 =	sadd.s32 $0x4, s24  }
0x172: {  	s4 =	sshll.u32 s2, $0x7  }
0x173: {  	s4 =	sand.u32 $0x3FFFFF80, s4  }
0x174: {  	v2 =	vld.msk [tilespmem:s4+$0x0], $0xf;
	_ =	sdelay $0x4  }
0x175: {  	v3 =	vshll.u32 v2, $0x4  }
0x176: {  	v2 =	vand.u32 $0x7, v2;
	v3 =	vand.u32 $0xFFFFFF80, v3  }
0x177: {  	v2 =	vor.u32 v2, v3  }
0x178: {  	v2 =	vperm.xlane v2, v0;
	_ =	sdelay $0x1  }
0x179: {  	v2 =	vadd.s32 v1, v2;
	_ =	sdelay $0x3  }
0x17a: {  	s16 =	simm.s32 $0xC000;
	s4 =	simm.s32 $0x0  }
0x17b: {  	[tilespmem:s16], [sflag:$0x1] =	stream.indirect_vreg.gather [hbm4b:s1+s4], $0x80, v2, vm0, $0xb8;
	[tilespmem:$0x1C000] =	vst v63  }
0x17c: {  	s16 =	simm.s32 $0xC800  }
0x17d: {  	[tilespmem:s16], [sflag:$0x1] =	stream.indirect_vreg.gather [hbm4b:s7+s4], $0x80, v2, vm0, $0xb8;
	[tilespmem:$0x1C000] =	vst v63  }
0x17e: {  	s16 =	simm.s32 $0xD000  }
0x17f: {  	[tilespmem:s16], [sflag:$0x1] =	stream.indirect_vreg.gather [hbm4b:s8+s4], $0x80, v2, vm0, $0xb8;
	[tilespmem:$0x1C000] =	vst v63  }
0x180: {  	s2 =	sshll.u32 s2, $0xA;
	s16 =	simm.s32 $0xD800  }
0x181: {  	[tilespmem:s16], [sflag:$0x1] =	stream.indirect_vreg.gather [hbm4b:s9+s4], $0x80, v2, vm0, $0xb8;
	[tilespmem:$0x1C000] =	vst v63  }
0x182: {  	s2 =	sadd.s32 s2, s10;
	s16 =	simm.s32 $0x4000  }
0x183: {  	[tilespmem:s16], [sflag:$0x2] =	stream.strided.gather [hbm4b:s2+s13], $0x2000, s14, s13, $0x38;
	[tilespmem:$0x1C000] =	vst v63  }
0x184: {  	_ =	swait.ge [sflag:s6], $0x2000  }
0x185: {  	[sflag:s6] =	ssyncset.done $0x0  }
0x186: {  	[sflag:s6] =	ssyncadd.s32 $0xFFFFE000  }
0x187: {  	_ =	swait.ge [sflag:s12], $0x2000  }
0x188: {  	[sflag:s12] =	ssyncset.done $0x0  }
0x189: {  	[sflag:s12] =	ssyncadd.s32 $0xFFFFE000  }
0x18a: {  	_ =	swait.ge [sflag:s20], $0x2000  }
0x18b: {  	s0 =	sand.u32 $0x70, s4;
	s4 =	sand.u32 $0x1E00, s4;
	[sflag:s20] =	ssyncset.done $0x0  }
0x18c: {  	s30 =	sor.u32 s0, s4;
	[sflag:s20] =	ssyncadd.s32 $0xFFFFE000  }
0x18d: {  	v4 =	vld [tilespmem:s30+$0xE100]  }
0x18e: {  	v5 =	vld [tilespmem:s30+$0xE080]  }
0x18f: {  	v3 =	vld [tilespmem:s30+$0x6100]  }
0x190: {  	v7 =	vld [tilespmem:s30+$0xE000]  }
0x191: {  	v8 =	vld [tilespmem:s30+$0x6000]  }
0x192: {  	s4 =	simm.s32 $0x10;
	s16 =	simm.s32 $0x40;
	v9 =	vld [tilespmem:s30+$0x6180]  }
0x193: {  	s2 =	sand.u32 $0x70, s4;
	s4 =	sand.u32 $0x1E00, s16;
	v10 =	vld [tilespmem:s30+$0xE180]  }
0x194: {  	s29 =	sor.u32 s2, s4;
	v11 =	vld [tilespmem:s30+$0x6080]  }
0x195: {  	v6 =	vld [tilespmem:s29+$0xE100]  }
0x196: {  	v2 =	vld [tilespmem:s29+$0xE080];
	v7 =	vmul.f32 $1.878956560e-01, v7;
	v12 =	vmul.f32 $8.121043440e-01, v3  }
0x197: {  	v3 =	vld [tilespmem:s29+$0x6100];
	v8 =	vmul.f32 $8.121043440e-01, v8;
	v13 =	vmul.f32 $1.878956560e-01, v4  }
0x198: {  	v4 =	vld [tilespmem:s29+$0xE000];
	v14 =	vmul.f32 $8.121043440e-01, v9;
	v10 =	vmul.f32 $1.878956560e-01, v10  }
0x199: {  	v9 =	vmul.f32 $1.878956560e-01, v5;
	v5 =	vld [tilespmem:s29+$0x6000];
	v7 =	vadd.f32 v7, v8  }
0x19a: {  	s31 =	simm.s32 $0x80;
	s4 =	simm.s32 $0x20;
	v11 =	vmul.f32 $8.121043440e-01, v11;
	v12 =	vadd.f32 v13, v12;
	v8 =	vld [tilespmem:s29+$0x6180];
	v10 =	vadd.f32 v10, v14  }
.LBB2_13:
0x19b: {  	s16 =	smov.u32 s4  }
0x19c: {  	s2 =	sand.u32 $0x70, s4;
	s0 =	sand.u32 $0x1E00, s31;
	v13 =	vld [tilespmem:s29+$0xE180];
	v11 =	vadd.f32 v9, v11;
	[tilespmem:s30+$0x16100] =	vst v12;
	s16 =	sadd.s32 $0x10, s4  }
0x19d: {  	p0 =	sne.s32 s4, $0x7F0;
	s0 =	sor.u32 s2, s0;
	v12 =	vld [tilespmem:s29+$0x6080];
	[tilespmem:s30+$0x16180] =	vst v10  }
0x19e: {  	v9 =	vmul.f32 $1.878956560e-01, v2;
	v15 =	vmul.f32 $8.121043440e-01, v3;
	v14 =	vld [tilespmem:s0+$0xE100];
	[tilespmem:s30+$0x16080] =	vst v11  }
.Ltmp5:
0x19f: {  	v10 =	vmul.f32 $1.878956560e-01, v4;
	v2 =	vld [tilespmem:s0+$0xE080];
	[tilespmem:s30+$0x16000] =	vst v7;
	(pc) =	sbr.rel @p0 .LBB2_13-.Ltmp5, $4  }
0x1a0: {  	v17 =	vmul.f32 $1.878956560e-01, v6;
	v7 =	vmul.f32 $8.121043440e-01, v5;
	s30 =	smov.u32 s29;
	s29 =	smov.u32 s0;
	v3 =	vld [tilespmem:s0+$0x6100]  }
0x1a1: {  	v16 =	vmul.f32 $8.121043440e-01, v8;
	v13 =	vmul.f32 $1.878956560e-01, v13;
	v4 =	vld [tilespmem:s29+$0xE000]  }
0x1a2: {  	v7 =	vadd.f32 v10, v7;
	v5 =	vld [tilespmem:s29+$0x6000];
	v11 =	vmul.f32 $8.121043440e-01, v12;
	v12 =	vadd.f32 v17, v15  }
0x1a3: {  	s31 =	sadd.s32 $0x40, s31;
	s4 =	smov.u32 s16;
	v10 =	vadd.f32 v13, v16;
	v8 =	vld [tilespmem:s29+$0x6180];
	v6 =	vmov v14  }
0x1a4: {  	v13 =	vld [tilespmem:s29+$0xE180];
	[tilespmem:s30+$0x16100] =	vst v12  }
0x1a5: {  	v12 =	vld [tilespmem:s29+$0x6080]  }
0x1a6: {  	v6 =	vmul.f32 $1.878956560e-01, v6;
	v3 =	vmul.f32 $8.121043440e-01, v3  }
0x1a7: {  	v9 =	vadd.f32 v9, v11  }
0x1a8: {  	[tilespmem:s30+$0x16180] =	vst v10;
	v4 =	vmul.f32 $1.878956560e-01, v4;
	v3 =	vadd.f32 v6, v3;
	v5 =	vmul.f32 $8.121043440e-01, v5  }
0x1a9: {  	[tilespmem:s30+$0x16080] =	vst v9;
	v8 =	vmul.f32 $8.121043440e-01, v8;
	v10 =	vmul.f32 $1.878956560e-01, v13  }
0x1aa: {  	v2 =	vmul.f32 $1.878956560e-01, v2;
	[tilespmem:s29+$0x16100] =	vst v3;
	v3 =	vadd.f32 v4, v5;
	v9 =	vmul.f32 $8.121043440e-01, v12  }
0x1ab: {  	[tilespmem:s30+$0x16000] =	vst v7;
	v6 =	vadd.f32 v10, v8  }
0x1ac: {  	[tilespmem:s29+$0x16000] =	vst v3;
	v2 =	vadd.f32 v2, v9  }
0x1ad: {  	[tilespmem:s29+$0x16180] =	vst v6  }
0x1ae: {  	s0 =	sadd.s32 s28, s22;
	[tilespmem:s29+$0x16080] =	vst v2  }
0x1af: {  	[hbm4b:s0+s13] =	stream.strided.scatter [tilespmem:s17], [sflag:$0x3], $0x2000, s14, s13, $0x38;
	[tilespmem:$0x1C000] =	vst v63  }
0x1b0: {  	s0 =	sadd.s32 $0x5, s24  }
0x1b1: {  	s2 =	sshll.u32 s0, $0x7  }
0x1b2: {  	s2 =	sand.u32 $0x3FFFFF80, s2  }
0x1b3: {  	v2 =	vld.msk [tilespmem:s2+$0x0], $0xf;
	_ =	sdelay $0x4  }
0x1b4: {  	v3 =	vshll.u32 v2, $0x4  }
0x1b5: {  	v2 =	vand.u32 $0x7, v2;
	v3 =	vand.u32 $0xFFFFFF80, v3  }
0x1b6: {  	v2 =	vor.u32 v2, v3  }
0x1b7: {  	v2 =	vperm.xlane v2, v0;
	_ =	sdelay $0x1  }
0x1b8: {  	v2 =	vadd.s32 v1, v2;
	_ =	sdelay $0x3  }
0x1b9: {  	s4 =	simm.s32 $0xE000;
	s2 =	simm.s32 $0x0  }
0x1ba: {  	[tilespmem:s4], [sflag:$0x1] =	stream.indirect_vreg.gather [hbm4b:s1+s2], $0x80, v2, vm0, $0xb8;
	[tilespmem:$0x1C000] =	vst v63  }
0x1bb: {  	s16 =	simm.s32 $0xE800;
	s0 =	sshll.u32 s0, $0xA  }
0x1bc: {  	[tilespmem:s16], [sflag:$0x1] =	stream.indirect_vreg.gather [hbm4b:s7+s2], $0x80, v2, vm0, $0xb8;
	[tilespmem:$0x1C000] =	vst v63  }
0x1bd: {  	s31 =	simm.s32 $0xF000;
	s0 =	sadd.s32 s5, s0  }
0x1be: {  	[tilespmem:s31], [sflag:$0x1] =	stream.indirect_vreg.gather [hbm4b:s8+s2], $0x80, v2, vm0, $0xb8;
	[tilespmem:$0x1C000] =	vst v63  }
0x1bf: {  	s0 =	sand.u32 $0x7FF000, s0;
	s16 =	simm.s32 $0xF800  }
0x1c0: {  	[tilespmem:s16], [sflag:$0x1] =	stream.indirect_vreg.gather [hbm4b:s9+s2], $0x80, v2, vm0, $0xb8;
	[tilespmem:$0x1C000] =	vst v63  }
0x1c1: {  	s0 =	sadd.s32 s0, s26;
	s31 =	simm.s32 $0x6000  }
0x1c2: {  	[tilespmem:s31], [sflag:$0x2] =	stream.strided.gather [hbm4b:s0+s13], $0x2000, s14, s13, $0x38;
	[tilespmem:$0x1C000] =	vst v63  }
0x1c3: {  	_ =	swait.ge [sflag:s6], $0x2000  }
0x1c4: {  	[sflag:s6] =	ssyncset.done $0x0  }
0x1c5: {  	[sflag:s6] =	ssyncadd.s32 $0xFFFFE000  }
0x1c6: {  	_ =	swait.ge [sflag:s12], $0x2000  }
0x1c7: {  	[sflag:s12] =	ssyncset.done $0x0  }
0x1c8: {  	[sflag:s12] =	ssyncadd.s32 $0xFFFFE000  }
0x1c9: {  	_ =	swait.ge [sflag:s20], $0x2000  }
0x1ca: {  	s4 =	sand.u32 $0x70, s2;
	s2 =	sand.u32 $0x1E00, s2;
	[sflag:s20] =	ssyncset.done $0x0  }
0x1cb: {  	s29 =	sor.u32 s4, s2;
	[sflag:s20] =	ssyncadd.s32 $0xFFFFE000  }
0x1cc: {  	v4 =	vld [tilespmem:s29+$0x10100]  }
0x1cd: {  	v5 =	vld [tilespmem:s29+$0x10080]  }
0x1ce: {  	v3 =	vld [tilespmem:s29+$0x8100]  }
0x1cf: {  	v7 =	vld [tilespmem:s29+$0x10000]  }
0x1d0: {  	v8 =	vld [tilespmem:s29+$0x8000]  }
0x1d1: {  	s16 =	simm.s32 $0x10;
	s31 =	simm.s32 $0x40;
	v9 =	vld [tilespmem:s29+$0x8180]  }
0x1d2: {  	s0 =	sand.u32 $0x70, s16;
	s2 =	sand.u32 $0x1E00, s31;
	v10 =	vld [tilespmem:s29+$0x10180]  }
0x1d3: {  	s28 =	sor.u32 s0, s2;
	v11 =	vld [tilespmem:s29+$0x8080]  }
0x1d4: {  	v6 =	vld [tilespmem:s28+$0x10100]  }
0x1d5: {  	v2 =	vld [tilespmem:s28+$0x10080];
	v7 =	vmul.f32 $1.878956560e-01, v7;
	v12 =	vmul.f32 $8.121043440e-01, v3  }
0x1d6: {  	v3 =	vld [tilespmem:s28+$0x8100];
	v8 =	vmul.f32 $8.121043440e-01, v8;
	v13 =	vmul.f32 $1.878956560e-01, v4  }
0x1d7: {  	v4 =	vld [tilespmem:s28+$0x10000];
	v14 =	vmul.f32 $8.121043440e-01, v9;
	v10 =	vmul.f32 $1.878956560e-01, v10  }
0x1d8: {  	v9 =	vmul.f32 $1.878956560e-01, v5;
	v5 =	vld [tilespmem:s28+$0x8000];
	v7 =	vadd.f32 v7, v8  }
0x1d9: {  	s30 =	simm.s32 $0x80;
	s4 =	simm.s32 $0x20;
	v11 =	vmul.f32 $8.121043440e-01, v11;
	v12 =	vadd.f32 v13, v12;
	v8 =	vld [tilespmem:s28+$0x8180];
	v10 =	vadd.f32 v10, v14  }
.LBB2_15:
0x1da: {  	s16 =	smov.u32 s4  }
0x1db: {  	s0 =	sand.u32 $0x70, s4;
	s2 =	sand.u32 $0x1E00, s30;
	v13 =	vld [tilespmem:s28+$0x10180];
	v11 =	vadd.f32 v9, v11;
	[tilespmem:s29+$0x18100] =	vst v12;
	s16 =	sadd.s32 $0x10, s4  }
0x1dc: {  	p0 =	sne.s32 s4, $0x7F0;
	s0 =	sor.u32 s0, s2;
	v12 =	vld [tilespmem:s28+$0x8080];
	[tilespmem:s29+$0x18180] =	vst v10  }
0x1dd: {  	v9 =	vmul.f32 $1.878956560e-01, v2;
	v15 =	vmul.f32 $8.121043440e-01, v3;
	v14 =	vld [tilespmem:s0+$0x10100];
	[tilespmem:s29+$0x18080] =	vst v11  }
.Ltmp6:
0x1de: {  	v10 =	vmul.f32 $1.878956560e-01, v4;
	v2 =	vld [tilespmem:s0+$0x10080];
	[tilespmem:s29+$0x18000] =	vst v7;
	(pc) =	sbr.rel @p0 .LBB2_15-.Ltmp6, $4  }
0x1df: {  	v17 =	vmul.f32 $1.878956560e-01, v6;
	v7 =	vmul.f32 $8.121043440e-01, v5;
	s29 =	smov.u32 s28;
	s28 =	smov.u32 s0;
	v3 =	vld [tilespmem:s0+$0x8100]  }
0x1e0: {  	v16 =	vmul.f32 $8.121043440e-01, v8;
	v13 =	vmul.f32 $1.878956560e-01, v13;
	v4 =	vld [tilespmem:s28+$0x10000]  }
0x1e1: {  	v7 =	vadd.f32 v10, v7;
	v5 =	vld [tilespmem:s28+$0x8000];
	v11 =	vmul.f32 $8.121043440e-01, v12;
	v12 =	vadd.f32 v17, v15  }
0x1e2: {  	s30 =	sadd.s32 $0x40, s30;
	s4 =	smov.u32 s16;
	v10 =	vadd.f32 v13, v16;
	v8 =	vld [tilespmem:s28+$0x8180];
	v6 =	vmov v14  }
0x1e3: {  	v13 =	vld [tilespmem:s28+$0x10180];
	[tilespmem:s29+$0x18100] =	vst v12  }
0x1e4: {  	v12 =	vld [tilespmem:s28+$0x8080]  }
0x1e5: {  	v6 =	vmul.f32 $1.878956560e-01, v6;
	v3 =	vmul.f32 $8.121043440e-01, v3  }
0x1e6: {  	v9 =	vadd.f32 v9, v11  }
0x1e7: {  	[tilespmem:s29+$0x18180] =	vst v10;
	v4 =	vmul.f32 $1.878956560e-01, v4;
	v3 =	vadd.f32 v6, v3;
	v5 =	vmul.f32 $8.121043440e-01, v5  }
0x1e8: {  	[tilespmem:s29+$0x18080] =	vst v9;
	v8 =	vmul.f32 $8.121043440e-01, v8;
	v10 =	vmul.f32 $1.878956560e-01, v13  }
0x1e9: {  	v2 =	vmul.f32 $1.878956560e-01, v2;
	[tilespmem:s28+$0x18100] =	vst v3;
	v3 =	vadd.f32 v4, v5;
	v9 =	vmul.f32 $8.121043440e-01, v12  }
0x1ea: {  	[tilespmem:s29+$0x18000] =	vst v7;
	v6 =	vadd.f32 v10, v8  }
0x1eb: {  	s29 =	sadd.s32 $0x6, s24;
	[tilespmem:s28+$0x18000] =	vst v3;
	v2 =	vadd.f32 v2, v9  }
0x1ec: {  	s0 =	sadd.s32 s25, s15;
	s2 =	sshll.u32 s29, $0x7;
	[tilespmem:s28+$0x18180] =	vst v6  }
0x1ed: {  	s0 =	sadd.s32 $0x800, s0;
	s2 =	sand.u32 $0x3FFFFF80, s2;
	[tilespmem:s28+$0x18080] =	vst v2  }
0x1ee: {  	[hbm4b:s0+s13] =	stream.strided.scatter [tilespmem:s18], [sflag:$0x3], $0x2000, s14, s13, $0x38;
	[tilespmem:$0x1C000] =	vst v63  }
0x1ef: {  	v2 =	vld.msk [tilespmem:s2+$0x0], $0xf;
	_ =	sdelay $0x4  }
0x1f0: {  	v3 =	vshll.u32 v2, $0x4  }
0x1f1: {  	v2 =	vand.u32 $0x7, v2;
	v3 =	vand.u32 $0xFFFFFF80, v3  }
0x1f2: {  	v2 =	vor.u32 v2, v3  }
0x1f3: {  	v2 =	vperm.xlane v2, v0;
	_ =	sdelay $0x1  }
0x1f4: {  	v2 =	vadd.s32 v1, v2;
	_ =	sdelay $0x3  }
0x1f5: {  	s30 =	simm.s32 $0x0;
	s4 =	simm.s32 $0x10000  }
0x1f6: {  	[tilespmem:s4], [sflag:$0x1] =	stream.indirect_vreg.gather [hbm4b:s1+s30], $0x80, v2, vm0, $0xb8;
	[tilespmem:$0x1C000] =	vst v63  }
0x1f7: {  	s31 =	simm.s32 $0x10800  }
0x1f8: {  	[tilespmem:s31], [sflag:$0x1] =	stream.indirect_vreg.gather [hbm4b:s7+s30], $0x80, v2, vm0, $0xb8;
	[tilespmem:$0x1C000] =	vst v63  }
0x1f9: {  	s16 =	simm.s32 $0x11000  }
0x1fa: {  	[tilespmem:s16], [sflag:$0x1] =	stream.indirect_vreg.gather [hbm4b:s8+s30], $0x80, v2, vm0, $0xb8;
	[tilespmem:$0x1C000] =	vst v63  }
0x1fb: {  	s24 =	simm.s32 $0x11800;
	s0 =	sshll.u32 s29, $0xA  }
0x1fc: {  	[tilespmem:s24], [sflag:$0x1] =	stream.indirect_vreg.gather [hbm4b:s9+s30], $0x80, v2, vm0, $0xb8;
	[tilespmem:$0x1C000] =	vst v63  }
0x1fd: {  	s25 =	simm.s32 $0x8000;
	s0 =	sadd.s32 s0, s10  }
0x1fe: {  	[tilespmem:s25], [sflag:$0x2] =	stream.strided.gather [hbm4b:s0+s13], $0x2000, s14, s13, $0x38;
	[tilespmem:$0x1C000] =	vst v63  }
0x1ff: {  	_ =	swait.ge [sflag:s6], $0x2000  }
0x200: {  	[sflag:s6] =	ssyncset.done $0x0  }
0x201: {  	[sflag:s6] =	ssyncadd.s32 $0xFFFFE000  }
0x202: {  	_ =	swait.ge [sflag:s12], $0x2000  }
0x203: {  	[sflag:s12] =	ssyncset.done $0x0  }
0x204: {  	[sflag:s12] =	ssyncadd.s32 $0xFFFFE000  }
0x205: {  	_ =	swait.ge [sflag:s20], $0x2000  }
0x206: {  	s29 =	sand.u32 $0x70, s30;
	s2 =	sand.u32 $0x1E00, s30;
	[sflag:s20] =	ssyncset.done $0x0  }
0x207: {  	s25 =	sor.u32 s29, s2;
	[sflag:s20] =	ssyncadd.s32 $0xFFFFE000  }
0x208: {  	v4 =	vld [tilespmem:s25+$0x12100]  }
0x209: {  	v5 =	vld [tilespmem:s25+$0x12080]  }
0x20a: {  	v3 =	vld [tilespmem:s25+$0xA100]  }
0x20b: {  	v7 =	vld [tilespmem:s25+$0x12000]  }
0x20c: {  	v8 =	vld [tilespmem:s25+$0xA000]  }
0x20d: {  	s31 =	simm.s32 $0x40;
	s30 =	simm.s32 $0x10;
	v9 =	vld [tilespmem:s25+$0xA180]  }
0x20e: {  	s0 =	sand.u32 $0x70, s30;
	s2 =	sand.u32 $0x1E00, s31;
	v10 =	vld [tilespmem:s25+$0x12180]  }
0x20f: {  	s24 =	sor.u32 s0, s2;
	v11 =	vld [tilespmem:s25+$0xA080]  }
0x210: {  	v6 =	vld [tilespmem:s24+$0x12100]  }
0x211: {  	v2 =	vld [tilespmem:s24+$0x12080];
	v7 =	vmul.f32 $1.878956560e-01, v7;
	v12 =	vmul.f32 $8.121043440e-01, v3  }
0x212: {  	v3 =	vld [tilespmem:s24+$0xA100];
	v8 =	vmul.f32 $8.121043440e-01, v8;
	v13 =	vmul.f32 $1.878956560e-01, v4  }
0x213: {  	v4 =	vld [tilespmem:s24+$0x12000];
	v14 =	vmul.f32 $8.121043440e-01, v9;
	v10 =	vmul.f32 $1.878956560e-01, v10  }
0x214: {  	v9 =	vmul.f32 $1.878956560e-01, v5;
	v5 =	vld [tilespmem:s24+$0xA000];
	v7 =	vadd.f32 v7, v8  }
0x215: {  	s28 =	simm.s32 $0x80;
	s4 =	simm.s32 $0x20;
	v11 =	vmul.f32 $8.121043440e-01, v11;
	v12 =	vadd.f32 v13, v12;
	v8 =	vld [tilespmem:s24+$0xA180];
	v10 =	vadd.f32 v10, v14  }
.LBB2_17:
0x216: {  	s16 =	smov.u32 s4  }
0x217: {  	s0 =	sand.u32 $0x70, s4;
	s2 =	sand.u32 $0x1E00, s28;
	v13 =	vld [tilespmem:s24+$0x12180];
	v11 =	vadd.f32 v9, v11;
	[tilespmem:s25+$0x1A100] =	vst v12;
	s16 =	sadd.s32 $0x10, s4  }
0x218: {  	p0 =	sne.s32 s4, $0x7F0;
	s0 =	sor.u32 s0, s2;
	v12 =	vld [tilespmem:s24+$0xA080];
	[tilespmem:s25+$0x1A180] =	vst v10  }
0x219: {  	v9 =	vmul.f32 $1.878956560e-01, v2;
	v15 =	vmul.f32 $8.121043440e-01, v3;
	v14 =	vld [tilespmem:s0+$0x12100];
	[tilespmem:s25+$0x1A080] =	vst v11  }
.Ltmp7:
0x21a: {  	v10 =	vmul.f32 $1.878956560e-01, v4;
	v2 =	vld [tilespmem:s0+$0x12080];
	[tilespmem:s25+$0x1A000] =	vst v7;
	(pc) =	sbr.rel @p0 .LBB2_17-.Ltmp7, $4  }
0x21b: {  	v17 =	vmul.f32 $1.878956560e-01, v6;
	v7 =	vmul.f32 $8.121043440e-01, v5;
	s25 =	smov.u32 s24;
	s24 =	smov.u32 s0;
	v3 =	vld [tilespmem:s0+$0xA100]  }
0x21c: {  	v16 =	vmul.f32 $8.121043440e-01, v8;
	v13 =	vmul.f32 $1.878956560e-01, v13;
	v4 =	vld [tilespmem:s24+$0x12000]  }
0x21d: {  	v7 =	vadd.f32 v10, v7;
	v5 =	vld [tilespmem:s24+$0xA000];
	v11 =	vmul.f32 $8.121043440e-01, v12;
	v12 =	vadd.f32 v17, v15  }
0x21e: {  	s28 =	sadd.s32 $0x40, s28;
	s4 =	smov.u32 s16;
	v10 =	vadd.f32 v13, v16;
	v8 =	vld [tilespmem:s24+$0xA180];
	v6 =	vmov v14  }
0x21f: {  	v13 =	vld [tilespmem:s24+$0x12180];
	[tilespmem:s25+$0x1A100] =	vst v12  }
0x220: {  	v12 =	vld [tilespmem:s24+$0xA080]  }
0x221: {  	v6 =	vmul.f32 $1.878956560e-01, v6;
	v3 =	vmul.f32 $8.121043440e-01, v3;
	_ =	sdelay $0x1  }
0x222: {  	[tilespmem:s25+$0x1A180] =	vst v10;
	v4 =	vmul.f32 $1.878956560e-01, v4;
	v3 =	vadd.f32 v6, v3;
	v5 =	vmul.f32 $8.121043440e-01, v5  }
0x223: {  	v9 =	vadd.f32 v9, v11;
	s21 =	sadd.s32 $0x1, s21;
	[tilespmem:s25+$0x1A000] =	vst v7;
	v8 =	vmul.f32 $8.121043440e-01, v8;
	v61 =	vmul.f32 $1.878956560e-01, v13  }
0x224: {  	v2 =	vmul.f32 $1.878956560e-01, v2;
	p0 =	sne.s32 s21, $0x1F;
	[tilespmem:s24+$0x1A100] =	vst v3;
	v3 =	vadd.f32 v4, v5;
	v62 =	vmul.f32 $8.121043440e-01, v12  }
.Ltmp8:
0x225: {  	[tilespmem:s25+$0x1A080] =	vst v9;
	v63 =	vadd.f32 v61, v8;
	(pc) =	sbr.rel @p0 .LBB2_10-.Ltmp8, $4  }
0x226: {  	[tilespmem:s24+$0x1A000] =	vst v3;
	v2 =	vadd.f32 v2, v62  }
0x227: {  	[tilespmem:s24+$0x1A180] =	vst v63  }
0x228: {  	s0 =	sadd.s32 s3, s23;
	[tilespmem:s24+$0x1A080] =	vst v2  }
0x229: {  	[hbm4b:s0+s13] =	stream.strided.scatter [tilespmem:s19], [sflag:$0x3], $0x2000, s14, s13, $0x38;
	[tilespmem:$0x1C000] =	vst v63  }
0x22a: {  	v2 =	vld.msk [tilespmem:$0x3F80], $0xf;
	_ =	sdelay $0x4  }
0x22b: {  	v3 =	vshll.u32 v2, $0x4  }
0x22c: {  	v2 =	vand.u32 $0x7, v2;
	v3 =	vand.u32 $0xFFFFFF80, v3  }
0x22d: {  	v2 =	vor.u32 v2, v3  }
0x22e: {  	v2 =	vperm.xlane v2, v0;
	_ =	sdelay $0x1  }
0x22f: {  	v2 =	vadd.s32 v1, v2;
	_ =	sdelay $0x3  }
0x230: {  	s0 =	simm.s32 $0x0;
	s2 =	simm.s32 $0x12000  }
0x231: {  	[tilespmem:s2], [sflag:$0x1] =	stream.indirect_vreg.gather [hbm4b:s1+s0], $0x80, v2, vm0, $0xb8;
	[tilespmem:$0x1C000] =	vst v63  }
0x232: {  	s23 =	simm.s32 $0x12800  }
0x233: {  	[tilespmem:s23], [sflag:$0x1] =	stream.indirect_vreg.gather [hbm4b:s7+s0], $0x80, v2, vm0, $0xb8;
	[tilespmem:$0x1C000] =	vst v63  }
0x234: {  	s24 =	simm.s32 $0x13000  }
0x235: {  	[tilespmem:s24], [sflag:$0x1] =	stream.indirect_vreg.gather [hbm4b:s8+s0], $0x80, v2, vm0, $0xb8;
	[tilespmem:$0x1C000] =	vst v63  }
0x236: {  	s25 =	simm.s32 $0x13800  }
0x237: {  	[tilespmem:s25], [sflag:$0x1] =	stream.indirect_vreg.gather [hbm4b:s9+s0], $0x80, v2, vm0, $0xb8;
	[tilespmem:$0x1C000] =	vst v63  }
0x238: {  	s28 =	rddreg [dreg:$0xe];
	s4 =	simm.s32 $0xA000  }
0x239: {  	[tilespmem:s4], [sflag:$0x2] =	stream.strided.gather [hbm4b:s28+s13], $0x2000, s14, s13, $0x38;
	[tilespmem:$0x1C000] =	vst v63  }
0x23a: {  	_ =	swait.ge [sflag:s6], $0x2000  }
0x23b: {  	[sflag:s6] =	ssyncset.done $0x0  }
0x23c: {  	[sflag:s6] =	ssyncadd.s32 $0xFFFFE000  }
0x23d: {  	_ =	swait.ge [sflag:s12], $0x2000  }
0x23e: {  	[sflag:s12] =	ssyncset.done $0x0  }
0x23f: {  	[sflag:s12] =	ssyncadd.s32 $0xFFFFE000  }
0x240: {  	_ =	swait.ge [sflag:s20], $0x2000  }
0x241: {  	s29 =	sand.u32 $0x70, s0;
	s0 =	sand.u32 $0x1E00, s0;
	[sflag:s20] =	ssyncset.done $0x0  }
0x242: {  	s23 =	sor.u32 s29, s0;
	[sflag:s20] =	ssyncadd.s32 $0xFFFFE000  }
0x243: {  	v4 =	vld [tilespmem:s23+$0xC100]  }
0x244: {  	v5 =	vld [tilespmem:s23+$0xC080]  }
0x245: {  	v3 =	vld [tilespmem:s23+$0x4100]  }
0x246: {  	v7 =	vld [tilespmem:s23+$0xC000]  }
0x247: {  	v8 =	vld [tilespmem:s23+$0x4000]  }
0x248: {  	s30 =	simm.s32 $0x10;
	s31 =	simm.s32 $0x40;
	v9 =	vld [tilespmem:s23+$0x4180]  }
0x249: {  	s2 =	sand.u32 $0x1E00, s31;
	s0 =	sand.u32 $0x70, s30;
	v10 =	vld [tilespmem:s23+$0xC180]  }
0x24a: {  	s21 =	sor.u32 s0, s2;
	v11 =	vld [tilespmem:s23+$0x4080]  }
0x24b: {  	v6 =	vld [tilespmem:s21+$0xC100]  }
0x24c: {  	v2 =	vld [tilespmem:s21+$0xC080];
	v7 =	vmul.f32 $1.878956560e-01, v7;
	v12 =	vmul.f32 $8.121043440e-01, v3  }
0x24d: {  	v3 =	vld [tilespmem:s21+$0x4100];
	v8 =	vmul.f32 $8.121043440e-01, v8;
	v13 =	vmul.f32 $1.878956560e-01, v4  }
0x24e: {  	v4 =	vld [tilespmem:s21+$0xC000];
	v14 =	vmul.f32 $8.121043440e-01, v9;
	v10 =	vmul.f32 $1.878956560e-01, v10  }
0x24f: {  	v9 =	vmul.f32 $1.878956560e-01, v5;
	v5 =	vld [tilespmem:s21+$0x4000];
	v7 =	vadd.f32 v7, v8  }
0x250: {  	s24 =	simm.s32 $0x80;
	s4 =	simm.s32 $0x20;
	v11 =	vmul.f32 $8.121043440e-01, v11;
	v12 =	vadd.f32 v13, v12;
	v8 =	vld [tilespmem:s21+$0x4180];
	v10 =	vadd.f32 v10, v14  }
.LBB2_20:
0x251: {  	s16 =	smov.u32 s4  }
0x252: {  	s0 =	sand.u32 $0x70, s4;
	s2 =	sand.u32 $0x1E00, s24;
	v13 =	vld [tilespmem:s21+$0xC180];
	v11 =	vadd.f32 v9, v11;
	[tilespmem:s23+$0x14100] =	vst v12;
	s16 =	sadd.s32 $0x10, s4  }
0x253: {  	p0 =	sne.s32 s4, $0x7F0;
	s0 =	sor.u32 s0, s2;
	v12 =	vld [tilespmem:s21+$0x4080];
	[tilespmem:s23+$0x14180] =	vst v10  }
0x254: {  	v9 =	vmul.f32 $1.878956560e-01, v2;
	v15 =	vmul.f32 $8.121043440e-01, v3;
	v14 =	vld [tilespmem:s0+$0xC100];
	[tilespmem:s23+$0x14080] =	vst v11  }
.Ltmp9:
0x255: {  	v10 =	vmul.f32 $1.878956560e-01, v4;
	v2 =	vld [tilespmem:s0+$0xC080];
	[tilespmem:s23+$0x14000] =	vst v7;
	(pc) =	sbr.rel @p0 .LBB2_20-.Ltmp9, $4  }
0x256: {  	v17 =	vmul.f32 $1.878956560e-01, v6;
	v7 =	vmul.f32 $8.121043440e-01, v5;
	s23 =	smov.u32 s21;
	s21 =	smov.u32 s0;
	v3 =	vld [tilespmem:s0+$0x4100]  }
0x257: {  	v16 =	vmul.f32 $8.121043440e-01, v8;
	v13 =	vmul.f32 $1.878956560e-01, v13;
	v4 =	vld [tilespmem:s21+$0xC000]  }
0x258: {  	v7 =	vadd.f32 v10, v7;
	v5 =	vld [tilespmem:s21+$0x4000];
	v11 =	vmul.f32 $8.121043440e-01, v12;
	v12 =	vadd.f32 v17, v15  }
0x259: {  	s24 =	sadd.s32 $0x40, s24;
	s4 =	smov.u32 s16;
	v10 =	vadd.f32 v13, v16;
	v8 =	vld [tilespmem:s21+$0x4180];
	v6 =	vmov v14  }
0x25a: {  	v13 =	vld [tilespmem:s21+$0xC180];
	[tilespmem:s23+$0x14100] =	vst v12  }
0x25b: {  	v12 =	vld [tilespmem:s21+$0x4080]  }
0x25c: {  	v6 =	vmul.f32 $1.878956560e-01, v6;
	v3 =	vmul.f32 $8.121043440e-01, v3  }
0x25d: {  	v9 =	vadd.f32 v9, v11  }
0x25e: {  	[tilespmem:s23+$0x14180] =	vst v10;
	v4 =	vmul.f32 $1.878956560e-01, v4;
	v3 =	vadd.f32 v6, v3;
	v5 =	vmul.f32 $8.121043440e-01, v5  }
0x25f: {  	[tilespmem:s23+$0x14080] =	vst v9;
	v8 =	vmul.f32 $8.121043440e-01, v8;
	v10 =	vmul.f32 $1.878956560e-01, v13  }
0x260: {  	v2 =	vmul.f32 $1.878956560e-01, v2;
	[tilespmem:s21+$0x14100] =	vst v3;
	v3 =	vadd.f32 v4, v5;
	v9 =	vmul.f32 $8.121043440e-01, v12  }
0x261: {  	[tilespmem:s23+$0x14000] =	vst v7;
	v6 =	vadd.f32 v10, v8  }
0x262: {  	[tilespmem:s21+$0x14000] =	vst v3;
	v2 =	vadd.f32 v2, v9  }
0x263: {  	[tilespmem:s21+$0x14180] =	vst v6  }
0x264: {  	s0 =	rddreg [dreg:$0x11];
	s2 =	simm.s32 $0x14000;
	[tilespmem:s21+$0x14080] =	vst v2  }
0x265: {  	[hbm4b:s0+s13] =	stream.strided.scatter [tilespmem:s2], [sflag:$0x3], $0x2000, s14, s13, $0x38;
	[tilespmem:$0x1C000] =	vst v63  }
0x266: {  	_ =	swait.ge [sflag:s6], $0x2000  }
0x267: {  	[sflag:s6] =	ssyncset.done $0x0  }
0x268: {  	[sflag:s6] =	ssyncadd.s32 $0xFFFFE000  }
0x269: {  	_ =	swait.ge [sflag:s12], $0x2000  }
0x26a: {  	[sflag:s12] =	ssyncset.done $0x0  }
0x26b: {  	[sflag:s12] =	ssyncadd.s32 $0xFFFFE000  }
0x26c: {  	s28 =	simm.s32 $0x0;
	_ =	swait.ge [sflag:s20], $0x2000  }
0x26d: {  	s29 =	sand.u32 $0x70, s28;
	s0 =	sand.u32 $0x1E00, s28;
	[sflag:s20] =	ssyncset.done $0x0  }
0x26e: {  	s23 =	sor.u32 s29, s0;
	[sflag:s20] =	ssyncadd.s32 $0xFFFFE000  }
0x26f: {  	v4 =	vld [tilespmem:s23+$0xE100]  }
0x270: {  	v5 =	vld [tilespmem:s23+$0xE080]  }
0x271: {  	v3 =	vld [tilespmem:s23+$0x6100]  }
0x272: {  	v7 =	vld [tilespmem:s23+$0xE000]  }
0x273: {  	v8 =	vld [tilespmem:s23+$0x6000]  }
0x274: {  	s30 =	simm.s32 $0x10;
	s31 =	simm.s32 $0x40;
	v9 =	vld [tilespmem:s23+$0x6180]  }
0x275: {  	s2 =	sand.u32 $0x1E00, s31;
	s0 =	sand.u32 $0x70, s30;
	v10 =	vld [tilespmem:s23+$0xE180]  }
0x276: {  	s21 =	sor.u32 s0, s2;
	v11 =	vld [tilespmem:s23+$0x6080]  }
0x277: {  	v6 =	vld [tilespmem:s21+$0xE100]  }
0x278: {  	v2 =	vld [tilespmem:s21+$0xE080];
	v7 =	vmul.f32 $1.878956560e-01, v7;
	v12 =	vmul.f32 $8.121043440e-01, v3  }
0x279: {  	v3 =	vld [tilespmem:s21+$0x6100];
	v8 =	vmul.f32 $8.121043440e-01, v8;
	v13 =	vmul.f32 $1.878956560e-01, v4  }
0x27a: {  	v4 =	vld [tilespmem:s21+$0xE000];
	v14 =	vmul.f32 $8.121043440e-01, v9;
	v10 =	vmul.f32 $1.878956560e-01, v10  }
0x27b: {  	v9 =	vmul.f32 $1.878956560e-01, v5;
	v5 =	vld [tilespmem:s21+$0x6000];
	v7 =	vadd.f32 v7, v8  }
0x27c: {  	s4 =	simm.s32 $0x20;
	s24 =	simm.s32 $0x80;
	v11 =	vmul.f32 $8.121043440e-01, v11;
	v12 =	vadd.f32 v13, v12;
	v8 =	vld [tilespmem:s21+$0x6180];
	v10 =	vadd.f32 v10, v14  }
.LBB2_22:
0x27d: {  	s16 =	smov.u32 s4  }
0x27e: {  	s0 =	sand.u32 $0x70, s4;
	s2 =	sand.u32 $0x1E00, s24;
	v13 =	vld [tilespmem:s21+$0xE180];
	v11 =	vadd.f32 v9, v11;
	[tilespmem:s23+$0x16100] =	vst v12;
	s16 =	sadd.s32 $0x10, s4  }
0x27f: {  	p0 =	sne.s32 s4, $0x7F0;
	s0 =	sor.u32 s0, s2;
	v12 =	vld [tilespmem:s21+$0x6080];
	[tilespmem:s23+$0x16180] =	vst v10  }
0x280: {  	v9 =	vmul.f32 $1.878956560e-01, v2;
	v15 =	vmul.f32 $8.121043440e-01, v3;
	v14 =	vld [tilespmem:s0+$0xE100];
	[tilespmem:s23+$0x16080] =	vst v11  }
.Ltmp10:
0x281: {  	v10 =	vmul.f32 $1.878956560e-01, v4;
	v2 =	vld [tilespmem:s0+$0xE080];
	[tilespmem:s23+$0x16000] =	vst v7;
	(pc) =	sbr.rel @p0 .LBB2_22-.Ltmp10, $4  }
0x282: {  	v17 =	vmul.f32 $1.878956560e-01, v6;
	v7 =	vmul.f32 $8.121043440e-01, v5;
	s23 =	smov.u32 s21;
	s21 =	smov.u32 s0;
	v3 =	vld [tilespmem:s0+$0x6100]  }
0x283: {  	v16 =	vmul.f32 $8.121043440e-01, v8;
	v13 =	vmul.f32 $1.878956560e-01, v13;
	v4 =	vld [tilespmem:s21+$0xE000]  }
0x284: {  	v7 =	vadd.f32 v10, v7;
	v5 =	vld [tilespmem:s21+$0x6000];
	v11 =	vmul.f32 $8.121043440e-01, v12;
	v12 =	vadd.f32 v17, v15  }
0x285: {  	s24 =	sadd.s32 $0x40, s24;
	s4 =	smov.u32 s16;
	v10 =	vadd.f32 v13, v16;
	v8 =	vld [tilespmem:s21+$0x6180];
	v6 =	vmov v14  }
0x286: {  	v13 =	vld [tilespmem:s21+$0xE180];
	[tilespmem:s23+$0x16100] =	vst v12  }
0x287: {  	v12 =	vld [tilespmem:s21+$0x6080]  }
0x288: {  	v6 =	vmul.f32 $1.878956560e-01, v6;
	v3 =	vmul.f32 $8.121043440e-01, v3  }
0x289: {  	v9 =	vadd.f32 v9, v11  }
0x28a: {  	[tilespmem:s23+$0x16180] =	vst v10;
	v4 =	vmul.f32 $1.878956560e-01, v4;
	v3 =	vadd.f32 v6, v3;
	v5 =	vmul.f32 $8.121043440e-01, v5  }
0x28b: {  	[tilespmem:s23+$0x16080] =	vst v9;
	v8 =	vmul.f32 $8.121043440e-01, v8;
	v10 =	vmul.f32 $1.878956560e-01, v13  }
0x28c: {  	v2 =	vmul.f32 $1.878956560e-01, v2;
	[tilespmem:s21+$0x16100] =	vst v3;
	v3 =	vadd.f32 v4, v5;
	v9 =	vmul.f32 $8.121043440e-01, v12  }
0x28d: {  	[tilespmem:s23+$0x16000] =	vst v7;
	v6 =	vadd.f32 v10, v8  }
0x28e: {  	[tilespmem:s21+$0x16000] =	vst v3;
	v2 =	vadd.f32 v2, v9  }
0x28f: {  	[tilespmem:s21+$0x16180] =	vst v6  }
0x290: {  	s0 =	rddreg [dreg:$0x12];
	[tilespmem:s21+$0x16080] =	vst v2  }
0x291: {  	[hbm4b:s0+s13] =	stream.strided.scatter [tilespmem:s17], [sflag:$0x3], $0x2000, s14, s13, $0x38;
	[tilespmem:$0x1C000] =	vst v63  }
0x292: {  	_ =	swait.ge [sflag:s6], $0x2000  }
0x293: {  	[sflag:s6] =	ssyncset.done $0x0  }
0x294: {  	[sflag:s6] =	ssyncadd.s32 $0xFFFFE000  }
0x295: {  	_ =	swait.ge [sflag:s12], $0x2000  }
0x296: {  	[sflag:s12] =	ssyncset.done $0x0  }
0x297: {  	[sflag:s12] =	ssyncadd.s32 $0xFFFFE000  }
0x298: {  	s29 =	simm.s32 $0x0;
	_ =	swait.ge [sflag:s20], $0x2000  }
0x299: {  	s2 =	sand.u32 $0x70, s29;
	s0 =	sand.u32 $0x1E00, s29;
	[sflag:s20] =	ssyncset.done $0x0  }
0x29a: {  	s23 =	sor.u32 s2, s0;
	[sflag:s20] =	ssyncadd.s32 $0xFFFFE000  }
0x29b: {  	v4 =	vld [tilespmem:s23+$0x10100]  }
0x29c: {  	v5 =	vld [tilespmem:s23+$0x10080]  }
0x29d: {  	v3 =	vld [tilespmem:s23+$0x8100]  }
0x29e: {  	v7 =	vld [tilespmem:s23+$0x10000]  }
0x29f: {  	v8 =	vld [tilespmem:s23+$0x8000]  }
0x2a0: {  	s30 =	simm.s32 $0x10;
	s31 =	simm.s32 $0x40;
	v9 =	vld [tilespmem:s23+$0x8180]  }
0x2a1: {  	s0 =	sand.u32 $0x70, s30;
	s2 =	sand.u32 $0x1E00, s31;
	v10 =	vld [tilespmem:s23+$0x10180]  }
0x2a2: {  	s21 =	sor.u32 s0, s2;
	v11 =	vld [tilespmem:s23+$0x8080]  }
0x2a3: {  	v6 =	vld [tilespmem:s21+$0x10100]  }
0x2a4: {  	v2 =	vld [tilespmem:s21+$0x10080];
	v7 =	vmul.f32 $1.878956560e-01, v7;
	v12 =	vmul.f32 $8.121043440e-01, v3  }
0x2a5: {  	v3 =	vld [tilespmem:s21+$0x8100];
	v8 =	vmul.f32 $8.121043440e-01, v8;
	v13 =	vmul.f32 $1.878956560e-01, v4  }
0x2a6: {  	v4 =	vld [tilespmem:s21+$0x10000];
	v14 =	vmul.f32 $8.121043440e-01, v9;
	v10 =	vmul.f32 $1.878956560e-01, v10  }
0x2a7: {  	v9 =	vmul.f32 $1.878956560e-01, v5;
	v5 =	vld [tilespmem:s21+$0x8000];
	v7 =	vadd.f32 v7, v8  }
0x2a8: {  	s4 =	simm.s32 $0x20;
	s24 =	simm.s32 $0x80;
	v11 =	vmul.f32 $8.121043440e-01, v11;
	v12 =	vadd.f32 v13, v12;
	v8 =	vld [tilespmem:s21+$0x8180];
	v10 =	vadd.f32 v10, v14  }
.LBB2_24:
0x2a9: {  	s16 =	smov.u32 s4  }
0x2aa: {  	s0 =	sand.u32 $0x70, s4;
	s2 =	sand.u32 $0x1E00, s24;
	v13 =	vld [tilespmem:s21+$0x10180];
	v11 =	vadd.f32 v9, v11;
	[tilespmem:s23+$0x18100] =	vst v12;
	s16 =	sadd.s32 $0x10, s4  }
0x2ab: {  	p0 =	sne.s32 s4, $0x7F0;
	s0 =	sor.u32 s0, s2;
	v12 =	vld [tilespmem:s21+$0x8080];
	[tilespmem:s23+$0x18180] =	vst v10  }
0x2ac: {  	v9 =	vmul.f32 $1.878956560e-01, v2;
	v15 =	vmul.f32 $8.121043440e-01, v3;
	v14 =	vld [tilespmem:s0+$0x10100];
	[tilespmem:s23+$0x18080] =	vst v11  }
.Ltmp11:
0x2ad: {  	v10 =	vmul.f32 $1.878956560e-01, v4;
	v2 =	vld [tilespmem:s0+$0x10080];
	[tilespmem:s23+$0x18000] =	vst v7;
	(pc) =	sbr.rel @p0 .LBB2_24-.Ltmp11, $4  }
0x2ae: {  	v17 =	vmul.f32 $1.878956560e-01, v6;
	v7 =	vmul.f32 $8.121043440e-01, v5;
	s23 =	smov.u32 s21;
	s21 =	smov.u32 s0;
	v3 =	vld [tilespmem:s0+$0x8100]  }
0x2af: {  	v16 =	vmul.f32 $8.121043440e-01, v8;
	v13 =	vmul.f32 $1.878956560e-01, v13;
	v4 =	vld [tilespmem:s21+$0x10000]  }
0x2b0: {  	v7 =	vadd.f32 v10, v7;
	v5 =	vld [tilespmem:s21+$0x8000];
	v11 =	vmul.f32 $8.121043440e-01, v12;
	v12 =	vadd.f32 v17, v15  }
0x2b1: {  	s24 =	sadd.s32 $0x40, s24;
	s4 =	smov.u32 s16;
	v10 =	vadd.f32 v13, v16;
	v8 =	vld [tilespmem:s21+$0x8180];
	v6 =	vmov v14  }
0x2b2: {  	v13 =	vld [tilespmem:s21+$0x10180];
	[tilespmem:s23+$0x18100] =	vst v12  }
0x2b3: {  	v12 =	vld [tilespmem:s21+$0x8080]  }
0x2b4: {  	v6 =	vmul.f32 $1.878956560e-01, v6;
	v3 =	vmul.f32 $8.121043440e-01, v3  }
0x2b5: {  	v9 =	vadd.f32 v9, v11  }
0x2b6: {  	[tilespmem:s23+$0x18180] =	vst v10;
	v4 =	vmul.f32 $1.878956560e-01, v4;
	v3 =	vadd.f32 v6, v3;
	v5 =	vmul.f32 $8.121043440e-01, v5  }
0x2b7: {  	[tilespmem:s23+$0x18080] =	vst v9;
	v8 =	vmul.f32 $8.121043440e-01, v8;
	v10 =	vmul.f32 $1.878956560e-01, v13  }
0x2b8: {  	v2 =	vmul.f32 $1.878956560e-01, v2;
	[tilespmem:s21+$0x18100] =	vst v3;
	v3 =	vadd.f32 v4, v5;
	v9 =	vmul.f32 $8.121043440e-01, v12  }
0x2b9: {  	[tilespmem:s23+$0x18000] =	vst v7;
	v6 =	vadd.f32 v10, v8  }
0x2ba: {  	[tilespmem:s21+$0x18000] =	vst v3;
	v2 =	vadd.f32 v2, v9  }
0x2bb: {  	[tilespmem:s21+$0x18180] =	vst v6  }
0x2bc: {  	s0 =	rddreg [dreg:$0x13];
	[tilespmem:s21+$0x18080] =	vst v2  }
0x2bd: {  	[hbm4b:s0+s13] =	stream.strided.scatter [tilespmem:s18], [sflag:$0x3], $0x2000, s14, s13, $0x38;
	[tilespmem:$0x1C000] =	vst v63  }
0x2be: {  	_ =	swait.ge [sflag:s6], $0x2000  }
0x2bf: {  	[sflag:s6] =	ssyncset.done $0x0  }
0x2c0: {  	[sflag:s6] =	ssyncadd.s32 $0xFFFFE000  }
0x2c1: {  	_ =	swait.ge [sflag:s12], $0x2000  }
0x2c2: {  	[sflag:s12] =	ssyncset.done $0x0  }
0x2c3: {  	[sflag:s12] =	ssyncadd.s32 $0xFFFFE000  }
0x2c4: {  	s29 =	simm.s32 $0x0;
	_ =	swait.ge [sflag:s20], $0x2000  }
0x2c5: {  	s2 =	sand.u32 $0x70, s29;
	s0 =	sand.u32 $0x1E00, s29;
	[sflag:s20] =	ssyncset.done $0x0  }
0x2c6: {  	s23 =	sor.u32 s2, s0;
	[sflag:s20] =	ssyncadd.s32 $0xFFFFE000  }
0x2c7: {  	v4 =	vld [tilespmem:s23+$0x12100]  }
0x2c8: {  	v5 =	vld [tilespmem:s23+$0x12080]  }
0x2c9: {  	v3 =	vld [tilespmem:s23+$0xA100]  }
0x2ca: {  	v7 =	vld [tilespmem:s23+$0x12000]  }
0x2cb: {  	v8 =	vld [tilespmem:s23+$0xA000]  }
0x2cc: {  	s30 =	simm.s32 $0x10;
	s31 =	simm.s32 $0x40;
	v9 =	vld [tilespmem:s23+$0xA180]  }
0x2cd: {  	s0 =	sand.u32 $0x70, s30;
	s2 =	sand.u32 $0x1E00, s31;
	v10 =	vld [tilespmem:s23+$0x12180]  }
0x2ce: {  	s21 =	sor.u32 s0, s2;
	v11 =	vld [tilespmem:s23+$0xA080]  }
0x2cf: {  	v6 =	vld [tilespmem:s21+$0x12100]  }
0x2d0: {  	v2 =	vld [tilespmem:s21+$0x12080];
	v7 =	vmul.f32 $1.878956560e-01, v7;
	v12 =	vmul.f32 $8.121043440e-01, v3  }
0x2d1: {  	v3 =	vld [tilespmem:s21+$0xA100];
	v8 =	vmul.f32 $8.121043440e-01, v8;
	v13 =	vmul.f32 $1.878956560e-01, v4  }
0x2d2: {  	v4 =	vld [tilespmem:s21+$0x12000];
	v14 =	vmul.f32 $8.121043440e-01, v9;
	v10 =	vmul.f32 $1.878956560e-01, v10  }
0x2d3: {  	v9 =	vmul.f32 $1.878956560e-01, v5;
	v5 =	vld [tilespmem:s21+$0xA000];
	v7 =	vadd.f32 v7, v8  }
0x2d4: {  	s4 =	simm.s32 $0x20;
	s24 =	simm.s32 $0x80;
	v11 =	vmul.f32 $8.121043440e-01, v11;
	v12 =	vadd.f32 v13, v12;
	v8 =	vld [tilespmem:s21+$0xA180];
	v10 =	vadd.f32 v10, v14  }
.LBB2_26:
0x2d5: {  	s16 =	smov.u32 s4  }
0x2d6: {  	s0 =	sand.u32 $0x70, s4;
	s2 =	sand.u32 $0x1E00, s24;
	v13 =	vld [tilespmem:s21+$0x12180];
	v11 =	vadd.f32 v9, v11;
	[tilespmem:s23+$0x1A100] =	vst v12;
	s16 =	sadd.s32 $0x10, s4  }
0x2d7: {  	p0 =	sne.s32 s4, $0x7F0;
	s0 =	sor.u32 s0, s2;
	v12 =	vld [tilespmem:s21+$0xA080];
	[tilespmem:s23+$0x1A180] =	vst v10  }
0x2d8: {  	v9 =	vmul.f32 $1.878956560e-01, v2;
	v15 =	vmul.f32 $8.121043440e-01, v3;
	v14 =	vld [tilespmem:s0+$0x12100];
	[tilespmem:s23+$0x1A080] =	vst v11  }
.Ltmp12:
0x2d9: {  	v10 =	vmul.f32 $1.878956560e-01, v4;
	v2 =	vld [tilespmem:s0+$0x12080];
	[tilespmem:s23+$0x1A000] =	vst v7;
	(pc) =	sbr.rel @p0 .LBB2_26-.Ltmp12, $4  }
0x2da: {  	v17 =	vmul.f32 $1.878956560e-01, v6;
	v7 =	vmul.f32 $8.121043440e-01, v5;
	s23 =	smov.u32 s21;
	s21 =	smov.u32 s0;
	v3 =	vld [tilespmem:s0+$0xA100]  }
0x2db: {  	v16 =	vmul.f32 $8.121043440e-01, v8;
	v13 =	vmul.f32 $1.878956560e-01, v13;
	v4 =	vld [tilespmem:s21+$0x12000]  }
0x2dc: {  	v7 =	vadd.f32 v10, v7;
	v5 =	vld [tilespmem:s21+$0xA000];
	v11 =	vmul.f32 $8.121043440e-01, v12;
	v12 =	vadd.f32 v17, v15  }
0x2dd: {  	s24 =	sadd.s32 $0x40, s24;
	s4 =	smov.u32 s16;
	v10 =	vadd.f32 v13, v16;
	v8 =	vld [tilespmem:s21+$0xA180];
	v6 =	vmov v14  }
0x2de: {  	v13 =	vld [tilespmem:s21+$0x12180];
	[tilespmem:s23+$0x1A100] =	vst v12  }
0x2df: {  	v12 =	vld [tilespmem:s21+$0xA080]  }
0x2e0: {  	v6 =	vmul.f32 $1.878956560e-01, v6;
	v3 =	vmul.f32 $8.121043440e-01, v3;
	_ =	sdelay $0x1  }
0x2e1: {  	[tilespmem:s23+$0x1A180] =	vst v10;
	v4 =	vmul.f32 $1.878956560e-01, v4;
	v3 =	vadd.f32 v6, v3;
	v5 =	vmul.f32 $8.121043440e-01, v5  }
0x2e2: {  	v9 =	vadd.f32 v9, v11;
	[tilespmem:s23+$0x1A000] =	vst v7;
	v8 =	vmul.f32 $8.121043440e-01, v8;
	v61 =	vmul.f32 $1.878956560e-01, v13  }
0x2e3: {  	v2 =	vmul.f32 $1.878956560e-01, v2;
	[tilespmem:s21+$0x1A100] =	vst v3;
	v3 =	vadd.f32 v4, v5;
	v62 =	vmul.f32 $8.121043440e-01, v12  }
0x2e4: {  	[tilespmem:s23+$0x1A080] =	vst v9;
	v63 =	vadd.f32 v61, v8  }
0x2e5: {  	[tilespmem:s21+$0x1A000] =	vst v3;
	v2 =	vadd.f32 v2, v62  }
0x2e6: {  	[tilespmem:s21+$0x1A180] =	vst v63  }
0x2e7: {  	s0 =	rddreg [dreg:$0xf];
	[tilespmem:s21+$0x1A080] =	vst v2  }
0x2e8: {  	[hbm4b:s0+s13] =	stream.strided.scatter [tilespmem:s19], [sflag:$0x3], $0x2000, s14, s13, $0x38;
	[tilespmem:$0x1C000] =	vst v63  }
0x2e9: {  	_ =	swait.ge [sflag:s20], $0x2000  }
0x2ea: {  	[sflag:s20] =	ssyncset.done $0x0  }
0x2eb: {  	[sflag:s20] =	ssyncadd.s32 $0xFFFFE000  }
0x2ec: {  	_ =	swait.ge [sflag:s20], $0x2000  }
0x2ed: {  	[sflag:s20] =	ssyncset.done $0x0  }
0x2ee: {  	[sflag:s20] =	ssyncadd.s32 $0xFFFFE000  }
0x2ef: {  	_ =	swait.ge [sflag:s20], $0x2000  }
0x2f0: {  	[sflag:s20] =	ssyncset.done $0x0  }
0x2f1: {  	[sflag:s20] =	ssyncadd.s32 $0xFFFFE000  }
0x2f2: {  	_ =	swait.ge [sflag:s20], $0x2000  }
0x2f3: {  	s2 =	rddreg [dreg:$0x14]  }
0x2f4: {  	s31 =	rddreg [dreg:$0x10];
	s2 =	sadd.s32 $0x1, s2  }
0x2f5: {  	p0 =	sne.s32 s2, s31  }
.Ltmp13:
0x2f6: {  	_ = 	snop;
	(pc) =	sbr.rel @p0 .LBB2_1-.Ltmp13, $3  }
0x2f7: {  	_ =	sdelay $0x1  }
0x2f8: {  	[sflag:s20] =	ssyncset.done $0x0  }
0x2f9: {  	[sflag:s20] =	ssyncadd.s32 $0xFFFFE000  }
0x2fa: {  	_ =	sfence.sel $0x180000  }
0x2fb: {  	[bflag:$0x0] =	sbarrier.arrive $0xFFFF  }
0x2fc: {  	_ =	strace $0x90000047  }
0x2fd: {  	s0 =	stileid.u32;
	[bflag:$0x2] =	sbarrier.arrive $0xFFFF  }
0x2fe: {  	p0 =	sne.s32 s0, $0x0;
	s0 =	rddreg [dreg:$0x3]  }
0x2ff: {  	s0 =	sadd.s32 @!p0 $0x100000, s0  }
0x300: {  	[sflag:s0] =	ssyncadd.tile.s32 @!p0 $0x1;
	_ =	shalt  }
.Lfunc_end2:
_tile_overlayer_lowered:
.L_overlay_start_2:
0x301: {  	(tag) =	ssettag $0x2  }
0x302: {  	s0 =	rddreg [dreg:$0x0];
	s2 =	stileid.u32  }
0x303: {  	s1 =	rddreg [dreg:$0x1];
	p0 =	sne.s32 s2, $0x0  }
0x304: {  	s3 =	rddreg [dreg:$0x2];
	[bflag:$0x3] =	sbarrier.arrive $0xFFFF;
	s2 =	simm.s32 @!p0 $0x1C04  }
0x305: {  	[timem:s3], [sflag:s2] =	dma.local @!p0 [hbm:s0], s1  }
0x306: {  	s0 =	simm.s32 @!p0 $0x4  }
0x307: {  	_ =	swait.ge @!p0 [sflag:s0], s1  }
0x308: {  	s1 =	ssub.s32 @!p0 $0x0, s1;
	[sflag:s0] =	ssyncset.done @!p0 $0x0  }
0x309: {  	[sflag:s0] =	ssyncadd.s32 @!p0 s1  }
0x30a: {  	[bflag:$0x3] =	sbarrier.arrive $0xFFFF  }
0x30b: {  	_ =	shalt  }

</sc_bundles>
